<compile_context>
chip_gen: v7x
topology: tpu7x:2x2x1
jax: 0.10.2.dev20260603
libtpu: 0.0.44.dev20260713+nightly
codegen_flags: <defaults>
</compile_context>

<pallas_src>
import functools

import jax
import jax.numpy as jnp
from jax import lax
from jax.experimental import pallas as pl
from jax.experimental.pallas import tpu as pltpu
from jax.experimental.pallas import tpu_sc as plsc

_V = 1000
_D = 1000
_NSMP = 4096
_T = 20
_NC, _NS = 2, 16
_NW = _NC * _NS
_NDB = 8
_NBB = 4
_BB = _NSMP // _NBB
_BH = _BB // 2
_RC = 32
_DPS = 1025


def _sigmoid_body(x_ref, o_ref):
    x = x_ref[...]
    o_ref[...] = 1.0 / (1.0 + jnp.exp(-x))


def _sigmoid_table(logits_padded):
    return pl.pallas_call(
        _sigmoid_body,
        out_shape=jax.ShapeDtypeStruct(logits_padded.shape, jnp.float32),
    )(logits_padded)


_mesh = plsc.VectorSubcoreMesh(core_axis_name="c", subcore_axis_name="s")


@functools.partial(
    pl.kernel,
    out_type=jax.ShapeDtypeStruct((_T, _D, _NSMP), jnp.float32),
    mesh=_mesh,
    scratch_types=[
        pltpu.VMEM((_RC * _DPS,), jnp.float32),
        pltpu.VMEM((_T, _BB), jnp.int32),
        pltpu.VMEM((_RC, _BH), jnp.float32),
        pltpu.VMEM((_RC, _BH), jnp.float32),
        pltpu.SemaphoreType.DMA,
        pltpu.SemaphoreType.DMA,
    ],
    compiler_params=pltpu.CompilerParams(needs_layout_passes=False),
)
def _tgather_kernel(tt_hbm, idxt_hbm, out_hbm, ttbuf, idxbuf, ob0, ob1,
                    os0, os1):
    wid = lax.axis_index("s") * _NC + lax.axis_index("c")
    dblk = wid // _NBB
    dbase = dblk * 128
    b0 = (wid % _NBB) * _BB

    pltpu.sync_copy(idxt_hbm.at[:, pl.ds(b0, _BB)], idxbuf)

    obufs = (ob0, ob1)
    osems = (os0, os1)

    def out_wait(h, rows):
        pltpu.make_async_copy(
            obufs[h].at[pl.ds(0, rows)],
            out_hbm.at[0, pl.ds(0, rows), pl.ds(0, _BH)],
            osems[h],
        ).wait()

    def do_chunk(d0, rows):
        pltpu.sync_copy(
            tt_hbm.at[pl.ds(d0 * _DPS, rows * _DPS)],
            ttbuf.at[pl.ds(0, rows * _DPS)],
        )

        @pl.loop(0, 2 * _T, step=2)
        def _(k0):
            for h in range(2):
                k = k0 + h
                t = k // 2
                bh = b0 + (k % 2) * _BH
                ob = obufs[h]

                @pl.when(k0 >= 2)
                def _():
                    out_wait(h, rows)

                @pl.loop(0, _BH // 16, unroll=2)
                def _(g):
                    iv = idxbuf[t, pl.ds((k % 2) * _BH + g * 16, 16)]
                    for db in range(0, rows, 16):
                        w = min(16, rows - db)
                        vals = [
                            plsc.load_gather(ttbuf, [iv + (db + j) * _DPS])
                            for j in range(w)
                        ]
                        for j in range(w):
                            ob[db + j, pl.ds(g * 16, 16)] = vals[j]

                pltpu.make_async_copy(
                    ob.at[pl.ds(0, rows)],
                    out_hbm.at[t, pl.ds(d0, rows), pl.ds(bh, _BH)],
                    osems[h],
                ).start()

        out_wait(0, rows)
        out_wait(1, rows)

    @pl.loop(0, 3)
    def _(c):
        do_chunk(dbase + c * _RC, _RC)

    @pl.when(dblk < _NDB - 1)
    def _():
        do_chunk(dbase + 3 * _RC, _RC)

    @pl.when(dblk == _NDB - 1)
    def _():
        do_chunk(dbase + 3 * _RC, 8)


def kernel(idx, morphisms_logits):
    table = _sigmoid_table(morphisms_logits)
    tt_flat = jnp.pad(jnp.transpose(table), ((0, 0), (0, _DPS - _V))).reshape(-1)
    idxt = jnp.transpose(idx.astype(jnp.int32))
    out_t = _tgather_kernel(tt_flat, idxt)
    return jnp.transpose(out_t, (2, 0, 1))

# --- scband reference (transcript-rebuilt; emitter-appended) ---
"""Pipeline reference for scband-yoneda-embedding-9921374454409 (READ-ONLY COPY).

The authoritative reference and input builder live on the scoring server;
editing this copy changes nothing except your own understanding.
"""

import jax, jax.numpy as jnp
import numpy as np

VOCAB = 1000

def setup_inputs(seed: int = 0) -> dict:
    key = jax.random.key(seed)
    k1, k2 = jax.random.split(key)
    idx = jax.random.randint(k1, (4096, 20), 0, VOCAB, dtype=jnp.int64)
    morphisms_logits = jax.random.normal(k2, (VOCAB, VOCAB), dtype=jnp.float32)
    return {"idx": idx, "morphisms_logits": morphisms_logits}

def reference(idx, morphisms_logits):
    # YonedaEmbedding.forward: R = sigmoid(logits); F.embedding(idx, R)
    R = jax.nn.sigmoid(morphisms_logits)
    return jnp.take(R, idx, axis=0)

if __name__ == "__main__":
    import jax
    _d = setup_inputs()
    print(jax.jit(kernel)(*tuple(_d.values())))

</pallas_src>

<mosaic_0001>
#map = affine_map<(d0, d1) -> (0)>
#map1 = affine_map<(d0, d1) -> (0, 0)>
#map2 = affine_map<(d0, d1) -> (0, 0, 0)>
module attributes {stable_mosaic.version = 14 : i64} {
  func.func @_tgather_kernel(%arg0: i32, %arg1: i32, %arg2: memref<1025000xf32, #tpu.memory_space<hbm>>, %arg3: memref<20x4096xi32, #tpu.memory_space<hbm>>, %arg4: memref<20x1000x4096xf32, #tpu.memory_space<hbm>>, %arg5: memref<32800xf32, #tpu.memory_space<vmem>>, %arg6: memref<20x1024xi32, #tpu.memory_space<vmem>>, %arg7: memref<32x512xf32, #tpu.memory_space<vmem>>, %arg8: memref<32x512xf32, #tpu.memory_space<vmem>>, %arg9: memref<!tpu.dma_semaphore, #tpu.memory_space<semaphore_mem>>, %arg10: memref<!tpu.dma_semaphore, #tpu.memory_space<semaphore_mem>>) attributes {dimension_semantics = [#tpu.dimension_semantics<core_parallel>, #tpu.dimension_semantics<subcore_parallel>], iteration_bounds = array<i64: 2, 16>, scalar_prefetch = 0 : i64, scratch_operands = 6 : i64, tpu.core_type = #tpu.core_type<sc_vector_subcore>, window_params = [{transform_indices = #map}, {transform_indices = #map1}, {transform_indices = #map2}]} {
    %mul3A = arith.constant 2 : i32
    %mul3A_0 = arith.muli %arg1, %mul3A : i32
    %add3A = arith.addi %mul3A_0, %arg0 : i32
    %jit3A = arith.constant 4 : i32
    %div3A = arith.divsi %add3A, %jit3A : i32
    %sign3A = arith.constant 0 : i32
    %sign3A_1 = arith.cmpi sgt, %add3A, %sign3A : i32
    %sign3A_2 = arith.extui %sign3A_1 : i1 to i32
    %sign3A_3 = arith.constant 0 : i32
    %sign3A_4 = arith.cmpi slt, %add3A, %sign3A_3 : i32
    %sign3A_5 = arith.extui %sign3A_4 : i1 to i32
    %sign3A_6 = arith.subi %sign3A_2, %sign3A_5 : i32
    %sign3A_7 = arith.constant 0 : i32
    %sign3A_8 = arith.cmpi sgt, %jit3A, %sign3A_7 : i32
    %sign3A_9 = arith.extui %sign3A_8 : i1 to i32
    %sign3A_10 = arith.constant 0 : i32
    %sign3A_11 = arith.cmpi slt, %jit3A, %sign3A_10 : i32
    %sign3A_12 = arith.extui %sign3A_11 : i1 to i32
    %sign3A_13 = arith.subi %sign3A_9, %sign3A_12 : i32
    %ne3A = arith.cmpi ne, %sign3A_6, %sign3A_13 : i32
    %rem3A = arith.remsi %add3A, %jit3A : i32
    %ne3A_14 = arith.constant 0 : i32
    %ne3A_15 = arith.cmpi ne, %rem3A, %ne3A_14 : i32
    %and3A = arith.andi %ne3A, %ne3A_15 : i1
    %sub3A = arith.constant 1 : i32
    %sub3A_16 = arith.subi %div3A, %sub3A : i32
    %select_n3A = arith.select %and3A, %sub3A_16, %div3A : i32
    %mul3A_17 = arith.constant 128 : i32
    %mul3A_18 = arith.muli %select_n3A, %mul3A_17 : i32
    %jit3A_19 = arith.constant 4 : i32
    %eq3A = arith.constant 0 : i32
    %eq3A_20 = arith.cmpi eq, %jit3A_19, %eq3A : i32
    %jit3A_21 = arith.constant 1 : i32
    %select_n3A_22 = arith.select %eq3A_20, %jit3A_21, %jit3A_19 : i32
    %rem3A_23 = arith.remsi %add3A, %select_n3A_22 : i32
    %ne3A_24 = arith.constant 0 : i32
    %ne3A_25 = arith.cmpi ne, %rem3A_23, %ne3A_24 : i32
    %lt3A = arith.constant 0 : i32
    %lt3A_26 = arith.cmpi slt, %rem3A_23, %lt3A : i32
    %lt3A_27 = arith.constant 0 : i32
    %lt3A_28 = arith.cmpi slt, %select_n3A_22, %lt3A_27 : i32
    %ne3A_29 = arith.xori %lt3A_26, %lt3A_28 : i1
    %and3A_30 = arith.andi %ne3A_29, %ne3A_25 : i1
    %add3A_31 = arith.addi %rem3A_23, %select_n3A_22 : i32
    %select_n3A_32 = arith.select %and3A_30, %add3A_31, %rem3A_23 : i32
    %mul3A_33 = arith.constant 1024 : i32
    %mul3A_34 = arith.muli %select_n3A_32, %mul3A_33 : i32
    "tpu.region"() ({
      %run_scoped3A = tpu.sem_alloc : memref<!tpu.dma_semaphore, #tpu.memory_space<semaphore_mem>>
      %dma_start3A = arith.constant 0 : i32
      %dma_start3A_47 = tpu.memref_slice %arg3[%dma_start3A, %mul3A_34] : memref<20x4096xi32, #tpu.memory_space<hbm>> -> memref<20x1024xi32, #tpu.memory_space<hbm>>
      %dma_start3A_48 = arith.constant 0 : i32
      %dma_start3A_49 = tpu.memref_slice %arg3[%dma_start3A_48, %mul3A_34] : memref<20x4096xi32, #tpu.memory_space<hbm>> -> memref<20x1024xi32, #tpu.memory_space<hbm>>
      tpu.enqueue_dma source(%dma_start3A_49 : memref<20x1024xi32, #tpu.memory_space<hbm>>) target(%arg6 : memref<20x1024xi32, #tpu.memory_space<vmem>>) target_semaphore(%run_scoped3A : memref<!tpu.dma_semaphore, #tpu.memory_space<semaphore_mem>>)
      %dma_wait3A = arith.constant 0 : i32
      %dma_wait3A_50 = tpu.memref_slice %arg3[%dma_wait3A, %mul3A_34] : memref<20x4096xi32, #tpu.memory_space<hbm>> -> memref<20x1024xi32, #tpu.memory_space<hbm>>
      %dma_wait3A_51 = arith.constant 0 : i32
      %dma_wait3A_52 = tpu.memref_slice %arg3[%dma_wait3A_51, %mul3A_34] : memref<20x4096xi32, #tpu.memory_space<hbm>> -> memref<20x1024xi32, #tpu.memory_space<hbm>>
      tpu.wait_dma2 semaphore(%run_scoped3A : memref<!tpu.dma_semaphore, #tpu.memory_space<semaphore_mem>>) src(%dma_wait3A_52 : memref<20x1024xi32, #tpu.memory_space<hbm>>) dst(%arg6 : memref<20x1024xi32, #tpu.memory_space<vmem>>)
      tpu.yield
    }) : () -> ()
    %scan3A = arith.constant 0 : i32
    %scan3A_35 = arith.constant 3 : i32
    %scan3A_36 = arith.addi %scan3A, %scan3A_35 : i32
    %scan3A_37 = arith.constant 1 : i32
    scf.for %scan3A_47 = %scan3A to %scan3A_36 step %scan3A_37  : i32 {
      %mul3A_48 = arith.constant 1 : i32
      %mul3A_49 = arith.muli %scan3A_47, %mul3A_48 : i32
      %add3A_50 = arith.constant 0 : i32
      %add3A_51 = arith.addi %add3A_50, %mul3A_49 : i32
      %mul3A_52 = arith.constant 32 : i32
      %mul3A_53 = arith.muli %add3A_51, %mul3A_52 : i32
      %add3A_54 = arith.addi %mul3A_18, %mul3A_53 : i32
      %mul3A_55 = arith.constant 1025 : i32
      %mul3A_56 = arith.muli %add3A_54, %mul3A_55 : i32
      "tpu.region"() ({
        %run_scoped3A = tpu.sem_alloc : memref<!tpu.dma_semaphore, #tpu.memory_space<semaphore_mem>>
        %dma_start3A = arith.constant 0 : i32
        %dma_start3A_91 = tpu.memref_slice %arg5[%dma_start3A] : memref<32800xf32, #tpu.memory_space<vmem>> -> memref<32800xf32, #tpu.memory_space<vmem>>
        %dma_start3A_92 = tpu.memref_slice %arg2[%mul3A_56] : memref<1025000xf32, #tpu.memory_space<hbm>> -> memref<32800xf32, #tpu.memory_space<hbm>>
        %dma_start3A_93 = arith.constant 0 : i32
        %dma_start3A_94 = tpu.memref_slice %arg5[%dma_start3A_93] : memref<32800xf32, #tpu.memory_space<vmem>> -> memref<32800xf32, #tpu.memory_space<vmem>>
        %dma_start3A_95 = tpu.memref_slice %arg2[%mul3A_56] : memref<1025000xf32, #tpu.memory_space<hbm>> -> memref<32800xf32, #tpu.memory_space<hbm>>
        tpu.enqueue_dma source(%dma_start3A_95 : memref<32800xf32, #tpu.memory_space<hbm>>) target(%dma_start3A_94 : memref<32800xf32, #tpu.memory_space<vmem>>) target_semaphore(%run_scoped3A : memref<!tpu.dma_semaphore, #tpu.memory_space<semaphore_mem>>)
        %dma_wait3A_96 = arith.constant 0 : i32
        %dma_wait3A_97 = tpu.memref_slice %arg5[%dma_wait3A_96] : memref<32800xf32, #tpu.memory_space<vmem>> -> memref<32800xf32, #tpu.memory_space<vmem>>
        %dma_wait3A_98 = tpu.memref_slice %arg2[%mul3A_56] : memref<1025000xf32, #tpu.memory_space<hbm>> -> memref<32800xf32, #tpu.memory_space<hbm>>
        %dma_wait3A_99 = arith.constant 0 : i32
        %dma_wait3A_100 = tpu.memref_slice %arg5[%dma_wait3A_99] : memref<32800xf32, #tpu.memory_space<vmem>> -> memref<32800xf32, #tpu.memory_space<vmem>>
        %dma_wait3A_101 = tpu.memref_slice %arg2[%mul3A_56] : memref<1025000xf32, #tpu.memory_space<hbm>> -> memref<32800xf32, #tpu.memory_space<hbm>>
        tpu.wait_dma2 semaphore(%run_scoped3A : memref<!tpu.dma_semaphore, #tpu.memory_space<semaphore_mem>>) src(%dma_wait3A_101 : memref<32800xf32, #tpu.memory_space<hbm>>) dst(%dma_wait3A_100 : memref<32800xf32, #tpu.memory_space<vmem>>)
        tpu.yield
      }) : () -> ()
      %scan3A_57 = arith.constant 0 : i32
      %scan3A_58 = arith.constant 20 : i32
      %scan3A_59 = arith.addi %scan3A_57, %scan3A_58 : i32
      %scan3A_60 = arith.constant 1 : i32
      scf.for %scan3A_91 = %scan3A_57 to %scan3A_59 step %scan3A_60  : i32 {
        %mul3A_92 = arith.constant 2 : i32
        %mul3A_93 = arith.muli %scan3A_91, %mul3A_92 : i32
        %add3A_94 = arith.constant 0 : i32
        %add3A_95 = arith.addi %add3A_94, %mul3A_93 : i32
        %add3A_96 = arith.constant 0 : i32
        %add3A_97 = arith.addi %add3A_95, %add3A_96 : i32
        %jit3A_98 = arith.constant 2 : i32
        %div3A_99 = arith.divsi %add3A_97, %jit3A_98 : i32
        %sign3A_100 = arith.constant 0 : i32
        %sign3A_101 = arith.cmpi sgt, %add3A_97, %sign3A_100 : i32
        %sign3A_102 = arith.extui %sign3A_101 : i1 to i32
        %sign3A_103 = arith.constant 0 : i32
        %sign3A_104 = arith.cmpi slt, %add3A_97, %sign3A_103 : i32
        %sign3A_105 = arith.extui %sign3A_104 : i1 to i32
        %sign3A_106 = arith.subi %sign3A_102, %sign3A_105 : i32
        %sign3A_107 = arith.constant 0 : i32
        %sign3A_108 = arith.cmpi sgt, %jit3A_98, %sign3A_107 : i32
        %sign3A_109 = arith.extui %sign3A_108 : i1 to i32
        %sign3A_110 = arith.constant 0 : i32
        %sign3A_111 = arith.cmpi slt, %jit3A_98, %sign3A_110 : i32
        %sign3A_112 = arith.extui %sign3A_111 : i1 to i32
        %sign3A_113 = arith.subi %sign3A_109, %sign3A_112 : i32
        %ne3A_114 = arith.cmpi ne, %sign3A_106, %sign3A_113 : i32
        %rem3A_115 = arith.remsi %add3A_97, %jit3A_98 : i32
        %ne3A_116 = arith.constant 0 : i32
        %ne3A_117 = arith.cmpi ne, %rem3A_115, %ne3A_116 : i32
        %and3A_118 = arith.andi %ne3A_114, %ne3A_117 : i1
        %sub3A_119 = arith.constant 1 : i32
        %sub3A_120 = arith.subi %div3A_99, %sub3A_119 : i32
        %select_n3A_121 = arith.select %and3A_118, %sub3A_120, %div3A_99 : i32
        %jit3A_122 = arith.constant 2 : i32
        %eq3A_123 = arith.constant 0 : i32
        %eq3A_124 = arith.cmpi eq, %jit3A_122, %eq3A_123 : i32
        %jit3A_125 = arith.constant 1 : i32
        %select_n3A_126 = arith.select %eq3A_124, %jit3A_125, %jit3A_122 : i32
        %rem3A_127 = arith.remsi %add3A_97, %select_n3A_126 : i32
        %ne3A_128 = arith.constant 0 : i32
        %ne3A_129 = arith.cmpi ne, %rem3A_127, %ne3A_128 : i32
        %lt3A_130 = arith.constant 0 : i32
        %lt3A_131 = arith.cmpi slt, %rem3A_127, %lt3A_130 : i32
        %lt3A_132 = arith.constant 0 : i32
        %lt3A_133 = arith.cmpi slt, %select_n3A_126, %lt3A_132 : i32
        %ne3A_134 = arith.xori %lt3A_131, %lt3A_133 : i1
        %and3A_135 = arith.andi %ne3A_134, %ne3A_129 : i1
        %add3A_136 = arith.addi %rem3A_127, %select_n3A_126 : i32
        %select_n3A_137 = arith.select %and3A_135, %add3A_136, %rem3A_127 : i32
        %mul3A_138 = arith.constant 512 : i32
        %mul3A_139 = arith.muli %select_n3A_137, %mul3A_138 : i32
        %add3A_140 = arith.addi %mul3A_34, %mul3A_139 : i32
        %ge3A = arith.constant 2 : i32
        %ge3A_141 = arith.cmpi sge, %add3A_95, %ge3A : i32
        %convert_element_type3A_142 = arith.extui %ge3A_141 : i1 to i32
        %cond3A_143 = arith.constant 0 : i32
        %cond3A_144 = arith.cmpi ne, %convert_element_type3A_142, %cond3A_143 : i32
        scf.if %cond3A_144 {
          %dma_wait3A_224 = arith.constant 0 : i32
          %dma_wait3A_225 = arith.constant 0 : i32
          %dma_wait3A_226 = arith.constant 0 : i32
          %dma_wait3A_227 = tpu.memref_slice %arg7[%dma_wait3A_225, %dma_wait3A_226] : memref<32x512xf32, #tpu.memory_space<vmem>> -> memref<32x512xf32, #tpu.memory_space<vmem>>
          %dma_wait3A_228 = arith.constant 0 : i32
          %dma_wait3A_229 = arith.constant 0 : i32
          %dma_wait3A_230 = tpu.memref_slice %arg4[%dma_wait3A_224, %dma_wait3A_228, %dma_wait3A_229] : memref<20x1000x4096xf32, #tpu.memory_space<hbm>> -> memref<1x32x512xf32, #tpu.memory_space<hbm>>
          %dma_wait3A_231 = tpu.memref_squeeze %dma_wait3A_230 : memref<1x32x512xf32, #tpu.memory_space<hbm>> -> memref<32x512xf32, #tpu.memory_space<hbm>>
          %dma_wait3A_232 = arith.constant 0 : i32
          %dma_wait3A_233 = arith.constant 0 : i32
          %dma_wait3A_234 = tpu.memref_slice %arg4[%dma_wait3A_224, %dma_wait3A_232, %dma_wait3A_233] : memref<20x1000x4096xf32, #tpu.memory_space<hbm>> -> memref<1x32x512xf32, #tpu.memory_space<hbm>>
          %dma_wait3A_235 = tpu.memref_squeeze %dma_wait3A_234 : memref<1x32x512xf32, #tpu.memory_space<hbm>> -> memref<32x512xf32, #tpu.memory_space<hbm>>
          %dma_wait3A_236 = arith.constant 0 : i32
          %dma_wait3A_237 = arith.constant 0 : i32
          %dma_wait3A_238 = tpu.memref_slice %arg7[%dma_wait3A_236, %dma_wait3A_237] : memref<32x512xf32, #tpu.memory_space<vmem>> -> memref<32x512xf32, #tpu.memory_space<vmem>>
          tpu.wait_dma2 semaphore(%arg9 : memref<!tpu.dma_semaphore, #tpu.memory_space<semaphore_mem>>) src(%dma_wait3A_238 : memref<32x512xf32, #tpu.memory_space<vmem>>) dst(%dma_wait3A_235 : memref<32x512xf32, #tpu.memory_space<hbm>>)
        } else {
        }
        %scan3A_145 = arith.constant 0 : i32
        %scan3A_146 = arith.constant 32 : i32
        %scan3A_147 = arith.addi %scan3A_145, %scan3A_146 : i32
        %scan3A_148 = arith.constant 2 : i32
        scf.for %scan3A_224 = %scan3A_145 to %scan3A_147 step %scan3A_148  : i32 {
          %mul3A_225 = arith.constant 1 : i32
          %mul3A_226 = arith.muli %scan3A_224, %mul3A_225 : i32
          %add3A_227 = arith.constant 0 : i32
          %add3A_228 = arith.addi %add3A_227, %mul3A_226 : i32
          %jit3A_229 = arith.constant 2 : i32
          %eq3A_230 = arith.constant 0 : i32
          %eq3A_231 = arith.cmpi eq, %jit3A_229, %eq3A_230 : i32
          %jit3A_232 = arith.constant 1 : i32
          %select_n3A_233 = arith.select %eq3A_231, %jit3A_232, %jit3A_229 : i32
          %rem3A_234 = arith.remsi %add3A_97, %select_n3A_233 : i32
          %ne3A_235 = arith.constant 0 : i32
          %ne3A_236 = arith.cmpi ne, %rem3A_234, %ne3A_235 : i32
          %lt3A_237 = arith.constant 0 : i32
          %lt3A_238 = arith.cmpi slt, %rem3A_234, %lt3A_237 : i32
          %lt3A_239 = arith.constant 0 : i32
          %lt3A_240 = arith.cmpi slt, %select_n3A_233, %lt3A_239 : i32
          %ne3A_241 = arith.xori %lt3A_238, %lt3A_240 : i1
          %and3A_242 = arith.andi %ne3A_241, %ne3A_236 : i1
          %add3A_243 = arith.addi %rem3A_234, %select_n3A_233 : i32
          %select_n3A_244 = arith.select %and3A_242, %add3A_243, %rem3A_234 : i32
          %mul3A_245 = arith.constant 512 : i32
          %mul3A_246 = arith.muli %select_n3A_244, %mul3A_245 : i32
          %mul3A_247 = arith.constant 16 : i32
          %mul3A_248 = arith.muli %add3A_228, %mul3A_247 : i32
          %add3A_249 = arith.addi %mul3A_246, %mul3A_248 : i32
          %get3A = arith.index_cast %select_n3A_121 : i32 to index
          %get3A_250 = arith.index_cast %add3A_249 : i32 to index
          %get3A_251 = tpu.vector_load %arg6[%get3A, %get3A_250] {strides = array<i32>} : memref<20x1024xi32, #tpu.memory_space<vmem>>, vector<16xi32>,
          %add3A_252 = arith.constant 0 : i32
          %add3A_253 = vector.broadcast %add3A_252 : i32 to vector<16xi32>
          %add3A_254 = arith.addi %get3A_251, %add3A_253 : vector<16xi32>
          %gather3A = tpu.vector_load_idx %arg5[%add3A_254] : memref<32800xf32, #tpu.memory_space<vmem>>[vector<16xi32>], vector<16xf32>,
          %add3A_255 = arith.constant 1025 : i32
          %add3A_256 = vector.broadcast %add3A_255 : i32 to vector<16xi32>
          %add3A_257 = arith.addi %get3A_251, %add3A_256 : vector<16xi32>
          %gather3A_258 = tpu.vector_load_idx %arg5[%add3A_257] : memref<32800xf32, #tpu.memory_space<vmem>>[vector<16xi32>], vector<16xf32>,
          %add3A_259 = arith.constant 2050 : i32
          %add3A_260 = vector.broadcast %add3A_259 : i32 to vector<16xi32>
          %add3A_261 = arith.addi %get3A_251, %add3A_260 : vector<16xi32>
          %gather3A_262 = tpu.vector_load_idx %arg5[%add3A_261] : memref<32800xf32, #tpu.memory_space<vmem>>[vector<16xi32>], vector<16xf32>,
          %add3A_263 = arith.constant 3075 : i32
          %add3A_264 = vector.broadcast %add3A_263 : i32 to vector<16xi32>
          %add3A_265 = arith.addi %get3A_251, %add3A_264 : vector<16xi32>
          %gather3A_266 = tpu.vector_load_idx %arg5[%add3A_265] : memref<32800xf32, #tpu.memory_space<vmem>>[vector<16xi32>], vector<16xf32>,
          %add3A_267 = arith.constant 4100 : i32
          %add3A_268 = vector.broadcast %add3A_267 : i32 to vector<16xi32>
          %add3A_269 = arith.addi %get3A_251, %add3A_268 : vector<16xi32>
          %gather3A_270 = tpu.vector_load_idx %arg5[%add3A_269] : memref<32800xf32, #tpu.memory_space<vmem>>[vector<16xi32>], vector<16xf32>,
          %add3A_271 = arith.constant 5125 : i32
          %add3A_272 = vector.broadcast %add3A_271 : i32 to vector<16xi32>
          %add3A_273 = arith.addi %get3A_251, %add3A_272 : vector<16xi32>
          %gather3A_274 = tpu.vector_load_idx %arg5[%add3A_273] : memref<32800xf32, #tpu.memory_space<vmem>>[vector<16xi32>], vector<16xf32>,
          %add3A_275 = arith.constant 6150 : i32
          %add3A_276 = vector.broadcast %add3A_275 : i32 to vector<16xi32>
          %add3A_277 = arith.addi %get3A_251, %add3A_276 : vector<16xi32>
          %gather3A_278 = tpu.vector_load_idx %arg5[%add3A_277] : memref<32800xf32, #tpu.memory_space<vmem>>[vector<16xi32>], vector<16xf32>,
          %add3A_279 = arith.constant 7175 : i32
          %add3A_280 = vector.broadcast %add3A_279 : i32 to vector<16xi32>
          %add3A_281 = arith.addi %get3A_251, %add3A_280 : vector<16xi32>
          %gather3A_282 = tpu.vector_load_idx %arg5[%add3A_281] : memref<32800xf32, #tpu.memory_space<vmem>>[vector<16xi32>], vector<16xf32>,
          %add3A_283 = arith.constant 8200 : i32
          %add3A_284 = vector.broadcast %add3A_283 : i32 to vector<16xi32>
          %add3A_285 = arith.addi %get3A_251, %add3A_284 : vector<16xi32>
          %gather3A_286 = tpu.vector_load_idx %arg5[%add3A_285] : memref<32800xf32, #tpu.memory_space<vmem>>[vector<16xi32>], vector<16xf32>,
          %add3A_287 = arith.constant 9225 : i32
          %add3A_288 = vector.broadcast %add3A_287 : i32 to vector<16xi32>
          %add3A_289 = arith.addi %get3A_251, %add3A_288 : vector<16xi32>
          %gather3A_290 = tpu.vector_load_idx %arg5[%add3A_289] : memref<32800xf32, #tpu.memory_space<vmem>>[vector<16xi32>], vector<16xf32>,
          %add3A_291 = arith.constant 10250 : i32
          %add3A_292 = vector.broadcast %add3A_291 : i32 to vector<16xi32>
          %add3A_293 = arith.addi %get3A_251, %add3A_292 : vector<16xi32>
          %gather3A_294 = tpu.vector_load_idx %arg5[%add3A_293] : memref<32800xf32, #tpu.memory_space<vmem>>[vector<16xi32>], vector<16xf32>,
          %add3A_295 = arith.constant 11275 : i32
          %add3A_296 = vector.broadcast %add3A_295 : i32 to vector<16xi32>
          %add3A_297 = arith.addi %get3A_251, %add3A_296 : vector<16xi32>
          %gather3A_298 = tpu.vector_load_idx %arg5[%add3A_297] : memref<32800xf32, #tpu.memory_space<vmem>>[vector<16xi32>], vector<16xf32>,
          %add3A_299 = arith.constant 12300 : i32
          %add3A_300 = vector.broadcast %add3A_299 : i32 to vector<16xi32>
          %add3A_301 = arith.addi %get3A_251, %add3A_300 : vector<16xi32>
          %gather3A_302 = tpu.vector_load_idx %arg5[%add3A_301] : memref<32800xf32, #tpu.memory_space<vmem>>[vector<16xi32>], vector<16xf32>,
          %add3A_303 = arith.constant 13325 : i32
          %add3A_304 = vector.broadcast %add3A_303 : i32 to vector<16xi32>
          %add3A_305 = arith.addi %get3A_251, %add3A_304 : vector<16xi32>
          %gather3A_306 = tpu.vector_load_idx %arg5[%add3A_305] : memref<32800xf32, #tpu.memory_space<vmem>>[vector<16xi32>], vector<16xf32>,
          %add3A_307 = arith.constant 14350 : i32
          %add3A_308 = vector.broadcast %add3A_307 : i32 to vector<16xi32>
          %add3A_309 = arith.addi %get3A_251, %add3A_308 : vector<16xi32>
          %gather3A_310 = tpu.vector_load_idx %arg5[%add3A_309] : memref<32800xf32, #tpu.memory_space<vmem>>[vector<16xi32>], vector<16xf32>,
          %add3A_311 = arith.constant 15375 : i32
          %add3A_312 = vector.broadcast %add3A_311 : i32 to vector<16xi32>
          %add3A_313 = arith.addi %get3A_251, %add3A_312 : vector<16xi32>
          %gather3A_314 = tpu.vector_load_idx %arg5[%add3A_313] : memref<32800xf32, #tpu.memory_space<vmem>>[vector<16xi32>], vector<16xf32>,
          %mul3A_315 = arith.constant 16 : i32
          %mul3A_316 = arith.muli %add3A_228, %mul3A_315 : i32
          %swap3A = arith.constant 0 : i32
          %swap3A_317 = arith.index_cast %swap3A : i32 to index
          %swap3A_318 = arith.index_cast %mul3A_316 : i32 to index
          %swap3A_319 = tpu.vector_load %arg7[%swap3A_317, %swap3A_318] {strides = array<i32>} : memref<32x512xf32, #tpu.memory_space<vmem>>, vector<16xf32>,
          tpu.vector_store %arg7[%swap3A_317, %swap3A_318], %gather3A {strides = array<i32>} : memref<32x512xf32, #tpu.memory_space<vmem>>, vector<16xf32>,
          %mul3A_320 = arith.constant 16 : i32
          %mul3A_321 = arith.muli %add3A_228, %mul3A_320 : i32
          %swap3A_322 = arith.constant 1 : i32
          %swap3A_323 = arith.index_cast %swap3A_322 : i32 to index
          %swap3A_324 = arith.index_cast %mul3A_321 : i32 to index
          %swap3A_325 = tpu.vector_load %arg7[%swap3A_323, %swap3A_324] {strides = array<i32>} : memref<32x512xf32, #tpu.memory_space<vmem>>, vector<16xf32>,
          tpu.vector_store %arg7[%swap3A_323, %swap3A_324], %gather3A_258 {strides = array<i32>} : memref<32x512xf32, #tpu.memory_space<vmem>>, vector<16xf32>,
          %mul3A_326 = arith.constant 16 : i32
          %mul3A_327 = arith.muli %add3A_228, %mul3A_326 : i32
          %swap3A_328 = arith.constant 2 : i32
          %swap3A_329 = arith.index_cast %swap3A_328 : i32 to index
          %swap3A_330 = arith.index_cast %mul3A_327 : i32 to index
          %swap3A_331 = tpu.vector_load %arg7[%swap3A_329, %swap3A_330] {strides = array<i32>} : memref<32x512xf32, #tpu.memory_space<vmem>>, vector<16xf32>,
          tpu.vector_store %arg7[%swap3A_329, %swap3A_330], %gather3A_262 {strides = array<i32>} : memref<32x512xf32, #tpu.memory_space<vmem>>, vector<16xf32>,
          %mul3A_332 = arith.constant 16 : i32
          %mul3A_333 = arith.muli %add3A_228, %mul3A_332 : i32
          %swap3A_334 = arith.constant 3 : i32
          %swap3A_335 = arith.index_cast %swap3A_334 : i32 to index
          %swap3A_336 = arith.index_cast %mul3A_333 : i32 to index
          %swap3A_337 = tpu.vector_load %arg7[%swap3A_335, %swap3A_336] {strides = array<i32>} : memref<32x512xf32, #tpu.memory_space<vmem>>, vector<16xf32>,
          tpu.vector_store %arg7[%swap3A_335, %swap3A_336], %gather3A_266 {strides = array<i32>} : memref<32x512xf32, #tpu.memory_space<vmem>>, vector<16xf32>,
          %mul3A_338 = arith.constant 16 : i32
          %mul3A_339 = arith.muli %add3A_228, %mul3A_338 : i32
          %swap3A_340 = arith.constant 4 : i32
          %swap3A_341 = arith.index_cast %swap3A_340 : i32 to index
          %swap3A_342 = arith.index_cast %mul3A_339 : i32 to index
          %swap3A_343 = tpu.vector_load %arg7[%swap3A_341, %swap3A_342] {strides = array<i32>} : memref<32x512xf32, #tpu.memory_space<vmem>>, vector<16xf32>,
          tpu.vector_store %arg7[%swap3A_341, %swap3A_342], %gather3A_270 {strides = array<i32>} : memref<32x512xf32, #tpu.memory_space<vmem>>, vector<16xf32>,
          %mul3A_344 = arith.constant 16 : i32
          %mul3A_345 = arith.muli %add3A_228, %mul3A_344 : i32
          %swap3A_346 = arith.constant 5 : i32
          %swap3A_347 = arith.index_cast %swap3A_346 : i32 to index
          %swap3A_348 = arith.index_cast %mul3A_345 : i32 to index
          %swap3A_349 = tpu.vector_load %arg7[%swap3A_347, %swap3A_348] {strides = array<i32>} : memref<32x512xf32, #tpu.memory_space<vmem>>, vector<16xf32>,
          tpu.vector_store %arg7[%swap3A_347, %swap3A_348], %gather3A_274 {strides = array<i32>} : memref<32x512xf32, #tpu.memory_space<vmem>>, vector<16xf32>,
          %mul3A_350 = arith.constant 16 : i32
          %mul3A_351 = arith.muli %add3A_228, %mul3A_350 : i32
          %swap3A_352 = arith.constant 6 : i32
          %swap3A_353 = arith.index_cast %swap3A_352 : i32 to index
          %swap3A_354 = arith.index_cast %mul3A_351 : i32 to index
          %swap3A_355 = tpu.vector_load %arg7[%swap3A_353, %swap3A_354] {strides = array<i32>} : memref<32x512xf32, #tpu.memory_space<vmem>>, vector<16xf32>,
          tpu.vector_store %arg7[%swap3A_353, %swap3A_354], %gather3A_278 {strides = array<i32>} : memref<32x512xf32, #tpu.memory_space<vmem>>, vector<16xf32>,
          %mul3A_356 = arith.constant 16 : i32
          %mul3A_357 = arith.muli %add3A_228, %mul3A_356 : i32
          %swap3A_358 = arith.constant 7 : i32
          %swap3A_359 = arith.index_cast %swap3A_358 : i32 to index
          %swap3A_360 = arith.index_cast %mul3A_357 : i32 to index
          %swap3A_361 = tpu.vector_load %arg7[%swap3A_359, %swap3A_360] {strides = array<i32>} : memref<32x512xf32, #tpu.memory_space<vmem>>, vector<16xf32>,
          tpu.vector_store %arg7[%swap3A_359, %swap3A_360], %gather3A_282 {strides = array<i32>} : memref<32x512xf32, #tpu.memory_space<vmem>>, vector<16xf32>,
          %mul3A_362 = arith.constant 16 : i32
          %mul3A_363 = arith.muli %add3A_228, %mul3A_362 : i32
          %swap3A_364 = arith.constant 8 : i32
          %swap3A_365 = arith.index_cast %swap3A_364 : i32 to index
          %swap3A_366 = arith.index_cast %mul3A_363 : i32 to index
          %swap3A_367 = tpu.vector_load %arg7[%swap3A_365, %swap3A_366] {strides = array<i32>} : memref<32x512xf32, #tpu.memory_space<vmem>>, vector<16xf32>,
          tpu.vector_store %arg7[%swap3A_365, %swap3A_366], %gather3A_286 {strides = array<i32>} : memref<32x512xf32, #tpu.memory_space<vmem>>, vector<16xf32>,
          %mul3A_368 = arith.constant 16 : i32
          %mul3A_369 = arith.muli %add3A_228, %mul3A_368 : i32
          %swap3A_370 = arith.constant 9 : i32
          %swap3A_371 = arith.index_cast %swap3A_370 : i32 to index
          %swap3A_372 = arith.index_cast %mul3A_369 : i32 to index
          %swap3A_373 = tpu.vector_load %arg7[%swap3A_371, %swap3A_372] {strides = array<i32>} : memref<32x512xf32, #tpu.memory_space<vmem>>, vector<16xf32>,
          tpu.vector_store %arg7[%swap3A_371, %swap3A_372], %gather3A_290 {strides = array<i32>} : memref<32x512xf32, #tpu.memory_space<vmem>>, vector<16xf32>,
          %mul3A_374 = arith.constant 16 : i32
          %mul3A_375 = arith.muli %add3A_228, %mul3A_374 : i32
          %swap3A_376 = arith.constant 10 : i32
          %swap3A_377 = arith.index_cast %swap3A_376 : i32 to index
          %swap3A_378 = arith.index_cast %mul3A_375 : i32 to index
          %swap3A_379 = tpu.vector_load %arg7[%swap3A_377, %swap3A_378] {strides = array<i32>} : memref<32x512xf32, #tpu.memory_space<vmem>>, vector<16xf32>,
          tpu.vector_store %arg7[%swap3A_377, %swap3A_378], %gather3A_294 {strides = array<i32>} : memref<32x512xf32, #tpu.memory_space<vmem>>, vector<16xf32>,
          %mul3A_380 = arith.constant 16 : i32
          %mul3A_381 = arith.muli %add3A_228, %mul3A_380 : i32
          %swap3A_382 = arith.constant 11 : i32
          %swap3A_383 = arith.index_cast %swap3A_382 : i32 to index
          %swap3A_384 = arith.index_cast %mul3A_381 : i32 to index
          %swap3A_385 = tpu.vector_load %arg7[%swap3A_383, %swap3A_384] {strides = array<i32>} : memref<32x512xf32, #tpu.memory_space<vmem>>, vector<16xf32>,
          tpu.vector_store %arg7[%swap3A_383, %swap3A_384], %gather3A_298 {strides = array<i32>} : memref<32x512xf32, #tpu.memory_space<vmem>>, vector<16xf32>,
          %mul3A_386 = arith.constant 16 : i32
          %mul3A_387 = arith.muli %add3A_228, %mul3A_386 : i32
          %swap3A_388 = arith.constant 12 : i32
          %swap3A_389 = arith.index_cast %swap3A_388 : i32 to index
          %swap3A_390 = arith.index_cast %mul3A_387 : i32 to index
          %swap3A_391 = tpu.vector_load %arg7[%swap3A_389, %swap3A_390] {strides = array<i32>} : memref<32x512xf32, #tpu.memory_space<vmem>>, vector<16xf32>,
          tpu.vector_store %arg7[%swap3A_389, %swap3A_390], %gather3A_302 {strides = array<i32>} : memref<32x512xf32, #tpu.memory_space<vmem>>, vector<16xf32>,
          %mul3A_392 = arith.constant 16 : i32
          %mul3A_393 = arith.muli %add3A_228, %mul3A_392 : i32
          %swap3A_394 = arith.constant 13 : i32
          %swap3A_395 = arith.index_cast %swap3A_394 : i32 to index
          %swap3A_396 = arith.index_cast %mul3A_393 : i32 to index
          %swap3A_397 = tpu.vector_load %arg7[%swap3A_395, %swap3A_396] {strides = array<i32>} : memref<32x512xf32, #tpu.memory_space<vmem>>, vector<16xf32>,
          tpu.vector_store %arg7[%swap3A_395, %swap3A_396], %gather3A_306 {strides = array<i32>} : memref<32x512xf32, #tpu.memory_space<vmem>>, vector<16xf32>,
          %mul3A_398 = arith.constant 16 : i32
          %mul3A_399 = arith.muli %add3A_228, %mul3A_398 : i32
          %swap3A_400 = arith.constant 14 : i32
          %swap3A_401 = arith.index_cast %swap3A_400 : i32 to index
          %swap3A_402 = arith.index_cast %mul3A_399 : i32 to index
          %swap3A_403 = tpu.vector_load %arg7[%swap3A_401, %swap3A_402] {strides = array<i32>} : memref<32x512xf32, #tpu.memory_space<vmem>>, vector<16xf32>,
          tpu.vector_store %arg7[%swap3A_401, %swap3A_402], %gather3A_310 {strides = array<i32>} : memref<32x512xf32, #tpu.memory_space<vmem>>, vector<16xf32>,
          %mul3A_404 = arith.constant 16 : i32
          %mul3A_405 = arith.muli %add3A_228, %mul3A_404 : i32
          %swap3A_406 = arith.constant 15 : i32
          %swap3A_407 = arith.index_cast %swap3A_406 : i32 to index
          %swap3A_408 = arith.index_cast %mul3A_405 : i32 to index
          %swap3A_409 = tpu.vector_load %arg7[%swap3A_407, %swap3A_408] {strides = array<i32>} : memref<32x512xf32, #tpu.memory_space<vmem>>, vector<16xf32>,
          tpu.vector_store %arg7[%swap3A_407, %swap3A_408], %gather3A_314 {strides = array<i32>} : memref<32x512xf32, #tpu.memory_space<vmem>>, vector<16xf32>,
          %add3A_410 = arith.constant 16400 : i32
          %add3A_411 = vector.broadcast %add3A_410 : i32 to vector<16xi32>
          %add3A_412 = arith.addi %get3A_251, %add3A_411 : vector<16xi32>
          %gather3A_413 = tpu.vector_load_idx %arg5[%add3A_412] : memref<32800xf32, #tpu.memory_space<vmem>>[vector<16xi32>], vector<16xf32>,
          %add3A_414 = arith.constant 17425 : i32
          %add3A_415 = vector.broadcast %add3A_414 : i32 to vector<16xi32>
          %add3A_416 = arith.addi %get3A_251, %add3A_415 : vector<16xi32>
          %gather3A_417 = tpu.vector_load_idx %arg5[%add3A_416] : memref<32800xf32, #tpu.memory_space<vmem>>[vector<16xi32>], vector<16xf32>,
          %add3A_418 = arith.constant 18450 : i32
          %add3A_419 = vector.broadcast %add3A_418 : i32 to vector<16xi32>
          %add3A_420 = arith.addi %get3A_251, %add3A_419 : vector<16xi32>
          %gather3A_421 = tpu.vector_load_idx %arg5[%add3A_420] : memref<32800xf32, #tpu.memory_space<vmem>>[vector<16xi32>], vector<16xf32>,
          %add3A_422 = arith.constant 19475 : i32
          %add3A_423 = vector.broadcast %add3A_422 : i32 to vector<16xi32>
          %add3A_424 = arith.addi %get3A_251, %add3A_423 : vector<16xi32>
          %gather3A_425 = tpu.vector_load_idx %arg5[%add3A_424] : memref<32800xf32, #tpu.memory_space<vmem>>[vector<16xi32>], vector<16xf32>,
          %add3A_426 = arith.constant 20500 : i32
          %add3A_427 = vector.broadcast %add3A_426 : i32 to vector<16xi32>
          %add3A_428 = arith.addi %get3A_251, %add3A_427 : vector<16xi32>
          %gather3A_429 = tpu.vector_load_idx %arg5[%add3A_428] : memref<32800xf32, #tpu.memory_space<vmem>>[vector<16xi32>], vector<16xf32>,
          %add3A_430 = arith.constant 21525 : i32
          %add3A_431 = vector.broadcast %add3A_430 : i32 to vector<16xi32>
          %add3A_432 = arith.addi %get3A_251, %add3A_431 : vector<16xi32>
          %gather3A_433 = tpu.vector_load_idx %arg5[%add3A_432] : memref<32800xf32, #tpu.memory_space<vmem>>[vector<16xi32>], vector<16xf32>,
          %add3A_434 = arith.constant 22550 : i32
          %add3A_435 = vector.broadcast %add3A_434 : i32 to vector<16xi32>
          %add3A_436 = arith.addi %get3A_251, %add3A_435 : vector<16xi32>
          %gather3A_437 = tpu.vector_load_idx %arg5[%add3A_436] : memref<32800xf32, #tpu.memory_space<vmem>>[vector<16xi32>], vector<16xf32>,
          %add3A_438 = arith.constant 23575 : i32
          %add3A_439 = vector.broadcast %add3A_438 : i32 to vector<16xi32>
          %add3A_440 = arith.addi %get3A_251, %add3A_439 : vector<16xi32>
          %gather3A_441 = tpu.vector_load_idx %arg5[%add3A_440] : memref<32800xf32, #tpu.memory_space<vmem>>[vector<16xi32>], vector<16xf32>,
          %add3A_442 = arith.constant 24600 : i32
          %add3A_443 = vector.broadcast %add3A_442 : i32 to vector<16xi32>
          %add3A_444 = arith.addi %get3A_251, %add3A_443 : vector<16xi32>
          %gather3A_445 = tpu.vector_load_idx %arg5[%add3A_444] : memref<32800xf32, #tpu.memory_space<vmem>>[vector<16xi32>], vector<16xf32>,
          %add3A_446 = arith.constant 25625 : i32
          %add3A_447 = vector.broadcast %add3A_446 : i32 to vector<16xi32>
          %add3A_448 = arith.addi %get3A_251, %add3A_447 : vector<16xi32>
          %gather3A_449 = tpu.vector_load_idx %arg5[%add3A_448] : memref<32800xf32, #tpu.memory_space<vmem>>[vector<16xi32>], vector<16xf32>,
          %add3A_450 = arith.constant 26650 : i32
          %add3A_451 = vector.broadcast %add3A_450 : i32 to vector<16xi32>
          %add3A_452 = arith.addi %get3A_251, %add3A_451 : vector<16xi32>
          %gather3A_453 = tpu.vector_load_idx %arg5[%add3A_452] : memref<32800xf32, #tpu.memory_space<vmem>>[vector<16xi32>], vector<16xf32>,
          %add3A_454 = arith.constant 27675 : i32
          %add3A_455 = vector.broadcast %add3A_454 : i32 to vector<16xi32>
          %add3A_456 = arith.addi %get3A_251, %add3A_455 : vector<16xi32>
          %gather3A_457 = tpu.vector_load_idx %arg5[%add3A_456] : memref<32800xf32, #tpu.memory_space<vmem>>[vector<16xi32>], vector<16xf32>,
          %add3A_458 = arith.constant 28700 : i32
          %add3A_459 = vector.broadcast %add3A_458 : i32 to vector<16xi32>
          %add3A_460 = arith.addi %get3A_251, %add3A_459 : vector<16xi32>
          %gather3A_461 = tpu.vector_load_idx %arg5[%add3A_460] : memref<32800xf32, #tpu.memory_space<vmem>>[vector<16xi32>], vector<16xf32>,
          %add3A_462 = arith.constant 29725 : i32
          %add3A_463 = vector.broadcast %add3A_462 : i32 to vector<16xi32>
          %add3A_464 = arith.addi %get3A_251, %add3A_463 : vector<16xi32>
          %gather3A_465 = tpu.vector_load_idx %arg5[%add3A_464] : memref<32800xf32, #tpu.memory_space<vmem>>[vector<16xi32>], vector<16xf32>,
          %add3A_466 = arith.constant 30750 : i32
          %add3A_467 = vector.broadcast %add3A_466 : i32 to vector<16xi32>
          %add3A_468 = arith.addi %get3A_251, %add3A_467 : vector<16xi32>
          %gather3A_469 = tpu.vector_load_idx %arg5[%add3A_468] : memref<32800xf32, #tpu.memory_space<vmem>>[vector<16xi32>], vector<16xf32>,
          %add3A_470 = arith.constant 31775 : i32
          %add3A_471 = vector.broadcast %add3A_470 : i32 to vector<16xi32>
          %add3A_472 = arith.addi %get3A_251, %add3A_471 : vector<16xi32>
          %gather3A_473 = tpu.vector_load_idx %arg5[%add3A_472] : memref<32800xf32, #tpu.memory_space<vmem>>[vector<16xi32>], vector<16xf32>,
          %mul3A_474 = arith.constant 16 : i32
          %mul3A_475 = arith.muli %add3A_228, %mul3A_474 : i32
          %swap3A_476 = arith.constant 16 : i32
          %swap3A_477 = arith.index_cast %swap3A_476 : i32 to index
          %swap3A_478 = arith.index_cast %mul3A_475 : i32 to index
          %swap3A_479 = tpu.vector_load %arg7[%swap3A_477, %swap3A_478] {strides = array<i32>} : memref<32x512xf32, #tpu.memory_space<vmem>>, vector<16xf32>,
          tpu.vector_store %arg7[%swap3A_477, %swap3A_478], %gather3A_413 {strides = array<i32>} : memref<32x512xf32, #tpu.memory_space<vmem>>, vector<16xf32>,
          %mul3A_480 = arith.constant 16 : i32
          %mul3A_481 = arith.muli %add3A_228, %mul3A_480 : i32
          %swap3A_482 = arith.constant 17 : i32
          %swap3A_483 = arith.index_cast %swap3A_482 : i32 to index
          %swap3A_484 = arith.index_cast %mul3A_481 : i32 to index
          %swap3A_485 = tpu.vector_load %arg7[%swap3A_483, %swap3A_484] {strides = array<i32>} : memref<32x512xf32, #tpu.memory_space<vmem>>, vector<16xf32>,
          tpu.vector_store %arg7[%swap3A_483, %swap3A_484], %gather3A_417 {strides = array<i32>} : memref<32x512xf32, #tpu.memory_space<vmem>>, vector<16xf32>,
          %mul3A_486 = arith.constant 16 : i32
          %mul3A_487 = arith.muli %add3A_228, %mul3A_486 : i32
          %swap3A_488 = arith.constant 18 : i32
          %swap3A_489 = arith.index_cast %swap3A_488 : i32 to index
          %swap3A_490 = arith.index_cast %mul3A_487 : i32 to index
          %swap3A_491 = tpu.vector_load %arg7[%swap3A_489, %swap3A_490] {strides = array<i32>} : memref<32x512xf32, #tpu.memory_space<vmem>>, vector<16xf32>,
          tpu.vector_store %arg7[%swap3A_489, %swap3A_490], %gather3A_421 {strides = array<i32>} : memref<32x512xf32, #tpu.memory_space<vmem>>, vector<16xf32>,
          %mul3A_492 = arith.constant 16 : i32
          %mul3A_493 = arith.muli %add3A_228, %mul3A_492 : i32
          %swap3A_494 = arith.constant 19 : i32
          %swap3A_495 = arith.index_cast %swap3A_494 : i32 to index
          %swap3A_496 = arith.index_cast %mul3A_493 : i32 to index
          %swap3A_497 = tpu.vector_load %arg7[%swap3A_495, %swap3A_496] {strides = array<i32>} : memref<32x512xf32, #tpu.memory_space<vmem>>, vector<16xf32>,
          tpu.vector_store %arg7[%swap3A_495, %swap3A_496], %gather3A_425 {strides = array<i32>} : memref<32x512xf32, #tpu.memory_space<vmem>>, vector<16xf32>,
          %mul3A_498 = arith.constant 16 : i32
          %mul3A_499 = arith.muli %add3A_228, %mul3A_498 : i32
          %swap3A_500 = arith.constant 20 : i32
          %swap3A_501 = arith.index_cast %swap3A_500 : i32 to index
          %swap3A_502 = arith.index_cast %mul3A_499 : i32 to index
          %swap3A_503 = tpu.vector_load %arg7[%swap3A_501, %swap3A_502] {strides = array<i32>} : memref<32x512xf32, #tpu.memory_space<vmem>>, vector<16xf32>,
          tpu.vector_store %arg7[%swap3A_501, %swap3A_502], %gather3A_429 {strides = array<i32>} : memref<32x512xf32, #tpu.memory_space<vmem>>, vector<16xf32>,
          %mul3A_504 = arith.constant 16 : i32
          %mul3A_505 = arith.muli %add3A_228, %mul3A_504 : i32
          %swap3A_506 = arith.constant 21 : i32
          %swap3A_507 = arith.index_cast %swap3A_506 : i32 to index
          %swap3A_508 = arith.index_cast %mul3A_505 : i32 to index
          %swap3A_509 = tpu.vector_load %arg7[%swap3A_507, %swap3A_508] {strides = array<i32>} : memref<32x512xf32, #tpu.memory_space<vmem>>, vector<16xf32>,
          tpu.vector_store %arg7[%swap3A_507, %swap3A_508], %gather3A_433 {strides = array<i32>} : memref<32x512xf32, #tpu.memory_space<vmem>>, vector<16xf32>,
          %mul3A_510 = arith.constant 16 : i32
          %mul3A_511 = arith.muli %add3A_228, %mul3A_510 : i32
          %swap3A_512 = arith.constant 22 : i32
          %swap3A_513 = arith.index_cast %swap3A_512 : i32 to index
          %swap3A_514 = arith.index_cast %mul3A_511 : i32 to index
          %swap3A_515 = tpu.vector_load %arg7[%swap3A_513, %swap3A_514] {strides = array<i32>} : memref<32x512xf32, #tpu.memory_space<vmem>>, vector<16xf32>,
          tpu.vector_store %arg7[%swap3A_513, %swap3A_514], %gather3A_437 {strides = array<i32>} : memref<32x512xf32, #tpu.memory_space<vmem>>, vector<16xf32>,
          %mul3A_516 = arith.constant 16 : i32
          %mul3A_517 = arith.muli %add3A_228, %mul3A_516 : i32
          %swap3A_518 = arith.constant 23 : i32
          %swap3A_519 = arith.index_cast %swap3A_518 : i32 to index
          %swap3A_520 = arith.index_cast %mul3A_517 : i32 to index
          %swap3A_521 = tpu.vector_load %arg7[%swap3A_519, %swap3A_520] {strides = array<i32>} : memref<32x512xf32, #tpu.memory_space<vmem>>, vector<16xf32>,
          tpu.vector_store %arg7[%swap3A_519, %swap3A_520], %gather3A_441 {strides = array<i32>} : memref<32x512xf32, #tpu.memory_space<vmem>>, vector<16xf32>,
          %mul3A_522 = arith.constant 16 : i32
          %mul3A_523 = arith.muli %add3A_228, %mul3A_522 : i32
          %swap3A_524 = arith.constant 24 : i32
          %swap3A_525 = arith.index_cast %swap3A_524 : i32 to index
          %swap3A_526 = arith.index_cast %mul3A_523 : i32 to index
          %swap3A_527 = tpu.vector_load %arg7[%swap3A_525, %swap3A_526] {strides = array<i32>} : memref<32x512xf32, #tpu.memory_space<vmem>>, vector<16xf32>,
          tpu.vector_store %arg7[%swap3A_525, %swap3A_526], %gather3A_445 {strides = array<i32>} : memref<32x512xf32, #tpu.memory_space<vmem>>, vector<16xf32>,
          %mul3A_528 = arith.constant 16 : i32
          %mul3A_529 = arith.muli %add3A_228, %mul3A_528 : i32
          %swap3A_530 = arith.constant 25 : i32
          %swap3A_531 = arith.index_cast %swap3A_530 : i32 to index
          %swap3A_532 = arith.index_cast %mul3A_529 : i32 to index
          %swap3A_533 = tpu.vector_load %arg7[%swap3A_531, %swap3A_532] {strides = array<i32>} : memref<32x512xf32, #tpu.memory_space<vmem>>, vector<16xf32>,
          tpu.vector_store %arg7[%swap3A_531, %swap3A_532], %gather3A_449 {strides = array<i32>} : memref<32x512xf32, #tpu.memory_space<vmem>>, vector<16xf32>,
          %mul3A_534 = arith.constant 16 : i32
          %mul3A_535 = arith.muli %add3A_228, %mul3A_534 : i32
          %swap3A_536 = arith.constant 26 : i32
          %swap3A_537 = arith.index_cast %swap3A_536 : i32 to index
          %swap3A_538 = arith.index_cast %mul3A_535 : i32 to index
          %swap3A_539 = tpu.vector_load %arg7[%swap3A_537, %swap3A_538] {strides = array<i32>} : memref<32x512xf32, #tpu.memory_space<vmem>>, vector<16xf32>,
          tpu.vector_store %arg7[%swap3A_537, %swap3A_538], %gather3A_453 {strides = array<i32>} : memref<32x512xf32, #tpu.memory_space<vmem>>, vector<16xf32>,
          %mul3A_540 = arith.constant 16 : i32
          %mul3A_541 = arith.muli %add3A_228, %mul3A_540 : i32
          %swap3A_542 = arith.constant 27 : i32
          %swap3A_543 = arith.index_cast %swap3A_542 : i32 to index
          %swap3A_544 = arith.index_cast %mul3A_541 : i32 to index
          %swap3A_545 = tpu.vector_load %arg7[%swap3A_543, %swap3A_544] {strides = array<i32>} : memref<32x512xf32, #tpu.memory_space<vmem>>, vector<16xf32>,
          tpu.vector_store %arg7[%swap3A_543, %swap3A_544], %gather3A_457 {strides = array<i32>} : memref<32x512xf32, #tpu.memory_space<vmem>>, vector<16xf32>,
          %mul3A_546 = arith.constant 16 : i32
          %mul3A_547 = arith.muli %add3A_228, %mul3A_546 : i32
          %swap3A_548 = arith.constant 28 : i32
          %swap3A_549 = arith.index_cast %swap3A_548 : i32 to index
          %swap3A_550 = arith.index_cast %mul3A_547 : i32 to index
          %swap3A_551 = tpu.vector_load %arg7[%swap3A_549, %swap3A_550] {strides = array<i32>} : memref<32x512xf32, #tpu.memory_space<vmem>>, vector<16xf32>,
          tpu.vector_store %arg7[%swap3A_549, %swap3A_550], %gather3A_461 {strides = array<i32>} : memref<32x512xf32, #tpu.memory_space<vmem>>, vector<16xf32>,
          %mul3A_552 = arith.constant 16 : i32
          %mul3A_553 = arith.muli %add3A_228, %mul3A_552 : i32
          %swap3A_554 = arith.constant 29 : i32
          %swap3A_555 = arith.index_cast %swap3A_554 : i32 to index
          %swap3A_556 = arith.index_cast %mul3A_553 : i32 to index
          %swap3A_557 = tpu.vector_load %arg7[%swap3A_555, %swap3A_556] {strides = array<i32>} : memref<32x512xf32, #tpu.memory_space<vmem>>, vector<16xf32>,
          tpu.vector_store %arg7[%swap3A_555, %swap3A_556], %gather3A_465 {strides = array<i32>} : memref<32x512xf32, #tpu.memory_space<vmem>>, vector<16xf32>,
          %mul3A_558 = arith.constant 16 : i32
          %mul3A_559 = arith.muli %add3A_228, %mul3A_558 : i32
          %swap3A_560 = arith.constant 30 : i32
          %swap3A_561 = arith.index_cast %swap3A_560 : i32 to index
          %swap3A_562 = arith.index_cast %mul3A_559 : i32 to index
          %swap3A_563 = tpu.vector_load %arg7[%swap3A_561, %swap3A_562] {strides = array<i32>} : memref<32x512xf32, #tpu.memory_space<vmem>>, vector<16xf32>,
          tpu.vector_store %arg7[%swap3A_561, %swap3A_562], %gather3A_469 {strides = array<i32>} : memref<32x512xf32, #tpu.memory_space<vmem>>, vector<16xf32>,
          %mul3A_564 = arith.constant 16 : i32
          %mul3A_565 = arith.muli %add3A_228, %mul3A_564 : i32
          %swap3A_566 = arith.constant 31 : i32
          %swap3A_567 = arith.index_cast %swap3A_566 : i32 to index
          %swap3A_568 = arith.index_cast %mul3A_565 : i32 to index
          %swap3A_569 = tpu.vector_load %arg7[%swap3A_567, %swap3A_568] {strides = array<i32>} : memref<32x512xf32, #tpu.memory_space<vmem>>, vector<16xf32>,
          tpu.vector_store %arg7[%swap3A_567, %swap3A_568], %gather3A_473 {strides = array<i32>} : memref<32x512xf32, #tpu.memory_space<vmem>>, vector<16xf32>,
          %scan3A_570 = arith.constant 1 : i32
          %scan3A_571 = arith.addi %scan3A_224, %scan3A_570 : i32
          %mul3A_572 = arith.constant 1 : i32
          %mul3A_573 = arith.muli %scan3A_571, %mul3A_572 : i32
          %add3A_574 = arith.constant 0 : i32
          %add3A_575 = arith.addi %add3A_574, %mul3A_573 : i32
          %jit3A_576 = arith.constant 2 : i32
          %eq3A_577 = arith.constant 0 : i32
          %eq3A_578 = arith.cmpi eq, %jit3A_576, %eq3A_577 : i32
          %jit3A_579 = arith.constant 1 : i32
          %select_n3A_580 = arith.select %eq3A_578, %jit3A_579, %jit3A_576 : i32
          %rem3A_581 = arith.remsi %add3A_97, %select_n3A_580 : i32
          %ne3A_582 = arith.constant 0 : i32
          %ne3A_583 = arith.cmpi ne, %rem3A_581, %ne3A_582 : i32
          %lt3A_584 = arith.constant 0 : i32
          %lt3A_585 = arith.cmpi slt, %rem3A_581, %lt3A_584 : i32
          %lt3A_586 = arith.constant 0 : i32
          %lt3A_587 = arith.cmpi slt, %select_n3A_580, %lt3A_586 : i32
          %ne3A_588 = arith.xori %lt3A_585, %lt3A_587 : i1
          %and3A_589 = arith.andi %ne3A_588, %ne3A_583 : i1
          %add3A_590 = arith.addi %rem3A_581, %select_n3A_580 : i32
          %select_n3A_591 = arith.select %and3A_589, %add3A_590, %rem3A_581 : i32
          %mul3A_592 = arith.constant 512 : i32
          %mul3A_593 = arith.muli %select_n3A_591, %mul3A_592 : i32
          %mul3A_594 = arith.constant 16 : i32
          %mul3A_595 = arith.muli %add3A_575, %mul3A_594 : i32
          %add3A_596 = arith.addi %mul3A_593, %mul3A_595 : i32
          %get3A_597 = arith.index_cast %select_n3A_121 : i32 to index
          %get3A_598 = arith.index_cast %add3A_596 : i32 to index
          %get3A_599 = tpu.vector_load %arg6[%get3A_597, %get3A_598] {strides = array<i32>} : memref<20x1024xi32, #tpu.memory_space<vmem>>, vector<16xi32>,
          %add3A_600 = arith.constant 0 : i32
          %add3A_601 = vector.broadcast %add3A_600 : i32 to vector<16xi32>
          %add3A_602 = arith.addi %get3A_599, %add3A_601 : vector<16xi32>
          %gather3A_603 = tpu.vector_load_idx %arg5[%add3A_602] : memref<32800xf32, #tpu.memory_space<vmem>>[vector<16xi32>], vector<16xf32>,
          %add3A_604 = arith.constant 1025 : i32
          %add3A_605 = vector.broadcast %add3A_604 : i32 to vector<16xi32>
          %add3A_606 = arith.addi %get3A_599, %add3A_605 : vector<16xi32>
          %gather3A_607 = tpu.vector_load_idx %arg5[%add3A_606] : memref<32800xf32, #tpu.memory_space<vmem>>[vector<16xi32>], vector<16xf32>,
          %add3A_608 = arith.constant 2050 : i32
          %add3A_609 = vector.broadcast %add3A_608 : i32 to vector<16xi32>
          %add3A_610 = arith.addi %get3A_599, %add3A_609 : vector<16xi32>
          %gather3A_611 = tpu.vector_load_idx %arg5[%add3A_610] : memref<32800xf32, #tpu.memory_space<vmem>>[vector<16xi32>], vector<16xf32>,
          %add3A_612 = arith.constant 3075 : i32
          %add3A_613 = vector.broadcast %add3A_612 : i32 to vector<16xi32>
          %add3A_614 = arith.addi %get3A_599, %add3A_613 : vector<16xi32>
          %gather3A_615 = tpu.vector_load_idx %arg5[%add3A_614] : memref<32800xf32, #tpu.memory_space<vmem>>[vector<16xi32>], vector<16xf32>,
          %add3A_616 = arith.constant 4100 : i32
          %add3A_617 = vector.broadcast %add3A_616 : i32 to vector<16xi32>
          %add3A_618 = arith.addi %get3A_599, %add3A_617 : vector<16xi32>
          %gather3A_619 = tpu.vector_load_idx %arg5[%add3A_618] : memref<32800xf32, #tpu.memory_space<vmem>>[vector<16xi32>], vector<16xf32>,
          %add3A_620 = arith.constant 5125 : i32
          %add3A_621 = vector.broadcast %add3A_620 : i32 to vector<16xi32>
          %add3A_622 = arith.addi %get3A_599, %add3A_621 : vector<16xi32>
          %gather3A_623 = tpu.vector_load_idx %arg5[%add3A_622] : memref<32800xf32, #tpu.memory_space<vmem>>[vector<16xi32>], vector<16xf32>,
          %add3A_624 = arith.constant 6150 : i32
          %add3A_625 = vector.broadcast %add3A_624 : i32 to vector<16xi32>
          %add3A_626 = arith.addi %get3A_599, %add3A_625 : vector<16xi32>
          %gather3A_627 = tpu.vector_load_idx %arg5[%add3A_626] : memref<32800xf32, #tpu.memory_space<vmem>>[vector<16xi32>], vector<16xf32>,
          %add3A_628 = arith.constant 7175 : i32
          %add3A_629 = vector.broadcast %add3A_628 : i32 to vector<16xi32>
          %add3A_630 = arith.addi %get3A_599, %add3A_629 : vector<16xi32>
          %gather3A_631 = tpu.vector_load_idx %arg5[%add3A_630] : memref<32800xf32, #tpu.memory_space<vmem>>[vector<16xi32>], vector<16xf32>,
          %add3A_632 = arith.constant 8200 : i32
          %add3A_633 = vector.broadcast %add3A_632 : i32 to vector<16xi32>
          %add3A_634 = arith.addi %get3A_599, %add3A_633 : vector<16xi32>
          %gather3A_635 = tpu.vector_load_idx %arg5[%add3A_634] : memref<32800xf32, #tpu.memory_space<vmem>>[vector<16xi32>], vector<16xf32>,
          %add3A_636 = arith.constant 9225 : i32
          %add3A_637 = vector.broadcast %add3A_636 : i32 to vector<16xi32>
          %add3A_638 = arith.addi %get3A_599, %add3A_637 : vector<16xi32>
          %gather3A_639 = tpu.vector_load_idx %arg5[%add3A_638] : memref<32800xf32, #tpu.memory_space<vmem>>[vector<16xi32>], vector<16xf32>,
          %add3A_640 = arith.constant 10250 : i32
          %add3A_641 = vector.broadcast %add3A_640 : i32 to vector<16xi32>
          %add3A_642 = arith.addi %get3A_599, %add3A_641 : vector<16xi32>
          %gather3A_643 = tpu.vector_load_idx %arg5[%add3A_642] : memref<32800xf32, #tpu.memory_space<vmem>>[vector<16xi32>], vector<16xf32>,
          %add3A_644 = arith.constant 11275 : i32
          %add3A_645 = vector.broadcast %add3A_644 : i32 to vector<16xi32>
          %add3A_646 = arith.addi %get3A_599, %add3A_645 : vector<16xi32>
          %gather3A_647 = tpu.vector_load_idx %arg5[%add3A_646] : memref<32800xf32, #tpu.memory_space<vmem>>[vector<16xi32>], vector<16xf32>,
          %add3A_648 = arith.constant 12300 : i32
          %add3A_649 = vector.broadcast %add3A_648 : i32 to vector<16xi32>
          %add3A_650 = arith.addi %get3A_599, %add3A_649 : vector<16xi32>
          %gather3A_651 = tpu.vector_load_idx %arg5[%add3A_650] : memref<32800xf32, #tpu.memory_space<vmem>>[vector<16xi32>], vector<16xf32>,
          %add3A_652 = arith.constant 13325 : i32
          %add3A_653 = vector.broadcast %add3A_652 : i32 to vector<16xi32>
          %add3A_654 = arith.addi %get3A_599, %add3A_653 : vector<16xi32>
          %gather3A_655 = tpu.vector_load_idx %arg5[%add3A_654] : memref<32800xf32, #tpu.memory_space<vmem>>[vector<16xi32>], vector<16xf32>,
          %add3A_656 = arith.constant 14350 : i32
          %add3A_657 = vector.broadcast %add3A_656 : i32 to vector<16xi32>
          %add3A_658 = arith.addi %get3A_599, %add3A_657 : vector<16xi32>
          %gather3A_659 = tpu.vector_load_idx %arg5[%add3A_658] : memref<32800xf32, #tpu.memory_space<vmem>>[vector<16xi32>], vector<16xf32>,
          %add3A_660 = arith.constant 15375 : i32
          %add3A_661 = vector.broadcast %add3A_660 : i32 to vector<16xi32>
          %add3A_662 = arith.addi %get3A_599, %add3A_661 : vector<16xi32>
          %gather3A_663 = tpu.vector_load_idx %arg5[%add3A_662] : memref<32800xf32, #tpu.memory_space<vmem>>[vector<16xi32>], vector<16xf32>,
          %mul3A_664 = arith.constant 16 : i32
          %mul3A_665 = arith.muli %add3A_575, %mul3A_664 : i32
          %swap3A_666 = arith.constant 0 : i32
          %swap3A_667 = arith.index_cast %swap3A_666 : i32 to index
          %swap3A_668 = arith.index_cast %mul3A_665 : i32 to index
          %swap3A_669 = tpu.vector_load %arg7[%swap3A_667, %swap3A_668] {strides = array<i32>} : memref<32x512xf32, #tpu.memory_space<vmem>>, vector<16xf32>,
          tpu.vector_store %arg7[%swap3A_667, %swap3A_668], %gather3A_603 {strides = array<i32>} : memref<32x512xf32, #tpu.memory_space<vmem>>, vector<16xf32>,
          %mul3A_670 = arith.constant 16 : i32
          %mul3A_671 = arith.muli %add3A_575, %mul3A_670 : i32
          %swap3A_672 = arith.constant 1 : i32
          %swap3A_673 = arith.index_cast %swap3A_672 : i32 to index
          %swap3A_674 = arith.index_cast %mul3A_671 : i32 to index
          %swap3A_675 = tpu.vector_load %arg7[%swap3A_673, %swap3A_674] {strides = array<i32>} : memref<32x512xf32, #tpu.memory_space<vmem>>, vector<16xf32>,
          tpu.vector_store %arg7[%swap3A_673, %swap3A_674], %gather3A_607 {strides = array<i32>} : memref<32x512xf32, #tpu.memory_space<vmem>>, vector<16xf32>,
          %mul3A_676 = arith.constant 16 : i32
          %mul3A_677 = arith.muli %add3A_575, %mul3A_676 : i32
          %swap3A_678 = arith.constant 2 : i32
          %swap3A_679 = arith.index_cast %swap3A_678 : i32 to index
          %swap3A_680 = arith.index_cast %mul3A_677 : i32 to index
          %swap3A_681 = tpu.vector_load %arg7[%swap3A_679, %swap3A_680] {strides = array<i32>} : memref<32x512xf32, #tpu.memory_space<vmem>>, vector<16xf32>,
          tpu.vector_store %arg7[%swap3A_679, %swap3A_680], %gather3A_611 {strides = array<i32>} : memref<32x512xf32, #tpu.memory_space<vmem>>, vector<16xf32>,
          %mul3A_682 = arith.constant 16 : i32
          %mul3A_683 = arith.muli %add3A_575, %mul3A_682 : i32
          %swap3A_684 = arith.constant 3 : i32
          %swap3A_685 = arith.index_cast %swap3A_684 : i32 to index
          %swap3A_686 = arith.index_cast %mul3A_683 : i32 to index
          %swap3A_687 = tpu.vector_load %arg7[%swap3A_685, %swap3A_686] {strides = array<i32>} : memref<32x512xf32, #tpu.memory_space<vmem>>, vector<16xf32>,
          tpu.vector_store %arg7[%swap3A_685, %swap3A_686], %gather3A_615 {strides = array<i32>} : memref<32x512xf32, #tpu.memory_space<vmem>>, vector<16xf32>,
          %mul3A_688 = arith.constant 16 : i32
          %mul3A_689 = arith.muli %add3A_575, %mul3A_688 : i32
          %swap3A_690 = arith.constant 4 : i32
          %swap3A_691 = arith.index_cast %swap3A_690 : i32 to index
          %swap3A_692 = arith.index_cast %mul3A_689 : i32 to index
          %swap3A_693 = tpu.vector_load %arg7[%swap3A_691, %swap3A_692] {strides = array<i32>} : memref<32x512xf32, #tpu.memory_space<vmem>>, vector<16xf32>,
          tpu.vector_store %arg7[%swap3A_691, %swap3A_692], %gather3A_619 {strides = array<i32>} : memref<32x512xf32, #tpu.memory_space<vmem>>, vector<16xf32>,
          %mul3A_694 = arith.constant 16 : i32
          %mul3A_695 = arith.muli %add3A_575, %mul3A_694 : i32
          %swap3A_696 = arith.constant 5 : i32
          %swap3A_697 = arith.index_cast %swap3A_696 : i32 to index
          %swap3A_698 = arith.index_cast %mul3A_695 : i32 to index
          %swap3A_699 = tpu.vector_load %arg7[%swap3A_697, %swap3A_698] {strides = array<i32>} : memref<32x512xf32, #tpu.memory_space<vmem>>, vector<16xf32>,
          tpu.vector_store %arg7[%swap3A_697, %swap3A_698], %gather3A_623 {strides = array<i32>} : memref<32x512xf32, #tpu.memory_space<vmem>>, vector<16xf32>,
          %mul3A_700 = arith.constant 16 : i32
          %mul3A_701 = arith.muli %add3A_575, %mul3A_700 : i32
          %swap3A_702 = arith.constant 6 : i32
          %swap3A_703 = arith.index_cast %swap3A_702 : i32 to index
          %swap3A_704 = arith.index_cast %mul3A_701 : i32 to index
          %swap3A_705 = tpu.vector_load %arg7[%swap3A_703, %swap3A_704] {strides = array<i32>} : memref<32x512xf32, #tpu.memory_space<vmem>>, vector<16xf32>,
          tpu.vector_store %arg7[%swap3A_703, %swap3A_704], %gather3A_627 {strides = array<i32>} : memref<32x512xf32, #tpu.memory_space<vmem>>, vector<16xf32>,
          %mul3A_706 = arith.constant 16 : i32
          %mul3A_707 = arith.muli %add3A_575, %mul3A_706 : i32
          %swap3A_708 = arith.constant 7 : i32
          %swap3A_709 = arith.index_cast %swap3A_708 : i32 to index
          %swap3A_710 = arith.index_cast %mul3A_707 : i32 to index
          %swap3A_711 = tpu.vector_load %arg7[%swap3A_709, %swap3A_710] {strides = array<i32>} : memref<32x512xf32, #tpu.memory_space<vmem>>, vector<16xf32>,
          tpu.vector_store %arg7[%swap3A_709, %swap3A_710], %gather3A_631 {strides = array<i32>} : memref<32x512xf32, #tpu.memory_space<vmem>>, vector<16xf32>,
          %mul3A_712 = arith.constant 16 : i32
          %mul3A_713 = arith.muli %add3A_575, %mul3A_712 : i32
          %swap3A_714 = arith.constant 8 : i32
          %swap3A_715 = arith.index_cast %swap3A_714 : i32 to index
          %swap3A_716 = arith.index_cast %mul3A_713 : i32 to index
          %swap3A_717 = tpu.vector_load %arg7[%swap3A_715, %swap3A_716] {strides = array<i32>} : memref<32x512xf32, #tpu.memory_space<vmem>>, vector<16xf32>,
          tpu.vector_store %arg7[%swap3A_715, %swap3A_716], %gather3A_635 {strides = array<i32>} : memref<32x512xf32, #tpu.memory_space<vmem>>, vector<16xf32>,
          %mul3A_718 = arith.constant 16 : i32
          %mul3A_719 = arith.muli %add3A_575, %mul3A_718 : i32
          %swap3A_720 = arith.constant 9 : i32
          %swap3A_721 = arith.index_cast %swap3A_720 : i32 to index
          %swap3A_722 = arith.index_cast %mul3A_719 : i32 to index
          %swap3A_723 = tpu.vector_load %arg7[%swap3A_721, %swap3A_722] {strides = array<i32>} : memref<32x512xf32, #tpu.memory_space<vmem>>, vector<16xf32>,
          tpu.vector_store %arg7[%swap3A_721, %swap3A_722], %gather3A_639 {strides = array<i32>} : memref<32x512xf32, #tpu.memory_space<vmem>>, vector<16xf32>,
          %mul3A_724 = arith.constant 16 : i32
          %mul3A_725 = arith.muli %add3A_575, %mul3A_724 : i32
          %swap3A_726 = arith.constant 10 : i32
          %swap3A_727 = arith.index_cast %swap3A_726 : i32 to index
          %swap3A_728 = arith.index_cast %mul3A_725 : i32 to index
          %swap3A_729 = tpu.vector_load %arg7[%swap3A_727, %swap3A_728] {strides = array<i32>} : memref<32x512xf32, #tpu.memory_space<vmem>>, vector<16xf32>,
          tpu.vector_store %arg7[%swap3A_727, %swap3A_728], %gather3A_643 {strides = array<i32>} : memref<32x512xf32, #tpu.memory_space<vmem>>, vector<16xf32>,
          %mul3A_730 = arith.constant 16 : i32
          %mul3A_731 = arith.muli %add3A_575, %mul3A_730 : i32
          %swap3A_732 = arith.constant 11 : i32
          %swap3A_733 = arith.index_cast %swap3A_732 : i32 to index
          %swap3A_734 = arith.index_cast %mul3A_731 : i32 to index
          %swap3A_735 = tpu.vector_load %arg7[%swap3A_733, %swap3A_734] {strides = array<i32>} : memref<32x512xf32, #tpu.memory_space<vmem>>, vector<16xf32>,
          tpu.vector_store %arg7[%swap3A_733, %swap3A_734], %gather3A_647 {strides = array<i32>} : memref<32x512xf32, #tpu.memory_space<vmem>>, vector<16xf32>,
          %mul3A_736 = arith.constant 16 : i32
          %mul3A_737 = arith.muli %add3A_575, %mul3A_736 : i32
          %swap3A_738 = arith.constant 12 : i32
          %swap3A_739 = arith.index_cast %swap3A_738 : i32 to index
          %swap3A_740 = arith.index_cast %mul3A_737 : i32 to index
          %swap3A_741 = tpu.vector_load %arg7[%swap3A_739, %swap3A_740] {strides = array<i32>} : memref<32x512xf32, #tpu.memory_space<vmem>>, vector<16xf32>,
          tpu.vector_store %arg7[%swap3A_739, %swap3A_740], %gather3A_651 {strides = array<i32>} : memref<32x512xf32, #tpu.memory_space<vmem>>, vector<16xf32>,
          %mul3A_742 = arith.constant 16 : i32
          %mul3A_743 = arith.muli %add3A_575, %mul3A_742 : i32
          %swap3A_744 = arith.constant 13 : i32
          %swap3A_745 = arith.index_cast %swap3A_744 : i32 to index
          %swap3A_746 = arith.index_cast %mul3A_743 : i32 to index
          %swap3A_747 = tpu.vector_load %arg7[%swap3A_745, %swap3A_746] {strides = array<i32>} : memref<32x512xf32, #tpu.memory_space<vmem>>, vector<16xf32>,
          tpu.vector_store %arg7[%swap3A_745, %swap3A_746], %gather3A_655 {strides = array<i32>} : memref<32x512xf32, #tpu.memory_space<vmem>>, vector<16xf32>,
          %mul3A_748 = arith.constant 16 : i32
          %mul3A_749 = arith.muli %add3A_575, %mul3A_748 : i32
          %swap3A_750 = arith.constant 14 : i32
          %swap3A_751 = arith.index_cast %swap3A_750 : i32 to index
          %swap3A_752 = arith.index_cast %mul3A_749 : i32 to index
          %swap3A_753 = tpu.vector_load %arg7[%swap3A_751, %swap3A_752] {strides = array<i32>} : memref<32x512xf32, #tpu.memory_space<vmem>>, vector<16xf32>,
          tpu.vector_store %arg7[%swap3A_751, %swap3A_752], %gather3A_659 {strides = array<i32>} : memref<32x512xf32, #tpu.memory_space<vmem>>, vector<16xf32>,
          %mul3A_754 = arith.constant 16 : i32
          %mul3A_755 = arith.muli %add3A_575, %mul3A_754 : i32
          %swap3A_756 = arith.constant 15 : i32
          %swap3A_757 = arith.index_cast %swap3A_756 : i32 to index
          %swap3A_758 = arith.index_cast %mul3A_755 : i32 to index
          %swap3A_759 = tpu.vector_load %arg7[%swap3A_757, %swap3A_758] {strides = array<i32>} : memref<32x512xf32, #tpu.memory_space<vmem>>, vector<16xf32>,
          tpu.vector_store %arg7[%swap3A_757, %swap3A_758], %gather3A_663 {strides = array<i32>} : memref<32x512xf32, #tpu.memory_space<vmem>>, vector<16xf32>,
          %add3A_760 = arith.constant 16400 : i32
          %add3A_761 = vector.broadcast %add3A_760 : i32 to vector<16xi32>
          %add3A_762 = arith.addi %get3A_599, %add3A_761 : vector<16xi32>
          %gather3A_763 = tpu.vector_load_idx %arg5[%add3A_762] : memref<32800xf32, #tpu.memory_space<vmem>>[vector<16xi32>], vector<16xf32>,
          %add3A_764 = arith.constant 17425 : i32
          %add3A_765 = vector.broadcast %add3A_764 : i32 to vector<16xi32>
          %add3A_766 = arith.addi %get3A_599, %add3A_765 : vector<16xi32>
          %gather3A_767 = tpu.vector_load_idx %arg5[%add3A_766] : memref<32800xf32, #tpu.memory_space<vmem>>[vector<16xi32>], vector<16xf32>,
          %add3A_768 = arith.constant 18450 : i32
          %add3A_769 = vector.broadcast %add3A_768 : i32 to vector<16xi32>
          %add3A_770 = arith.addi %get3A_599, %add3A_769 : vector<16xi32>
          %gather3A_771 = tpu.vector_load_idx %arg5[%add3A_770] : memref<32800xf32, #tpu.memory_space<vmem>>[vector<16xi32>], vector<16xf32>,
          %add3A_772 = arith.constant 19475 : i32
          %add3A_773 = vector.broadcast %add3A_772 : i32 to vector<16xi32>
          %add3A_774 = arith.addi %get3A_599, %add3A_773 : vector<16xi32>
          %gather3A_775 = tpu.vector_load_idx %arg5[%add3A_774] : memref<32800xf32, #tpu.memory_space<vmem>>[vector<16xi32>], vector<16xf32>,
          %add3A_776 = arith.constant 20500 : i32
          %add3A_777 = vector.broadcast %add3A_776 : i32 to vector<16xi32>
          %add3A_778 = arith.addi %get3A_599, %add3A_777 : vector<16xi32>
          %gather3A_779 = tpu.vector_load_idx %arg5[%add3A_778] : memref<32800xf32, #tpu.memory_space<vmem>>[vector<16xi32>], vector<16xf32>,
          %add3A_780 = arith.constant 21525 : i32
          %add3A_781 = vector.broadcast %add3A_780 : i32 to vector<16xi32>
          %add3A_782 = arith.addi %get3A_599, %add3A_781 : vector<16xi32>
          %gather3A_783 = tpu.vector_load_idx %arg5[%add3A_782] : memref<32800xf32, #tpu.memory_space<vmem>>[vector<16xi32>], vector<16xf32>,
          %add3A_784 = arith.constant 22550 : i32
          %add3A_785 = vector.broadcast %add3A_784 : i32 to vector<16xi32>
          %add3A_786 = arith.addi %get3A_599, %add3A_785 : vector<16xi32>
          %gather3A_787 = tpu.vector_load_idx %arg5[%add3A_786] : memref<32800xf32, #tpu.memory_space<vmem>>[vector<16xi32>], vector<16xf32>,
          %add3A_788 = arith.constant 23575 : i32
          %add3A_789 = vector.broadcast %add3A_788 : i32 to vector<16xi32>
          %add3A_790 = arith.addi %get3A_599, %add3A_789 : vector<16xi32>
          %gather3A_791 = tpu.vector_load_idx %arg5[%add3A_790] : memref<32800xf32, #tpu.memory_space<vmem>>[vector<16xi32>], vector<16xf32>,
          %add3A_792 = arith.constant 24600 : i32
          %add3A_793 = vector.broadcast %add3A_792 : i32 to vector<16xi32>
          %add3A_794 = arith.addi %get3A_599, %add3A_793 : vector<16xi32>
          %gather3A_795 = tpu.vector_load_idx %arg5[%add3A_794] : memref<32800xf32, #tpu.memory_space<vmem>>[vector<16xi32>], vector<16xf32>,
          %add3A_796 = arith.constant 25625 : i32
          %add3A_797 = vector.broadcast %add3A_796 : i32 to vector<16xi32>
          %add3A_798 = arith.addi %get3A_599, %add3A_797 : vector<16xi32>
          %gather3A_799 = tpu.vector_load_idx %arg5[%add3A_798] : memref<32800xf32, #tpu.memory_space<vmem>>[vector<16xi32>], vector<16xf32>,
          %add3A_800 = arith.constant 26650 : i32
          %add3A_801 = vector.broadcast %add3A_800 : i32 to vector<16xi32>
          %add3A_802 = arith.addi %get3A_599, %add3A_801 : vector<16xi32>
          %gather3A_803 = tpu.vector_load_idx %arg5[%add3A_802] : memref<32800xf32, #tpu.memory_space<vmem>>[vector<16xi32>], vector<16xf32>,
          %add3A_804 = arith.constant 27675 : i32
          %add3A_805 = vector.broadcast %add3A_804 : i32 to vector<16xi32>
          %add3A_806 = arith.addi %get3A_599, %add3A_805 : vector<16xi32>
          %gather3A_807 = tpu.vector_load_idx %arg5[%add3A_806] : memref<32800xf32, #tpu.memory_space<vmem>>[vector<16xi32>], vector<16xf32>,
          %add3A_808 = arith.constant 28700 : i32
          %add3A_809 = vector.broadcast %add3A_808 : i32 to vector<16xi32>
          %add3A_810 = arith.addi %get3A_599, %add3A_809 : vector<16xi32>
          %gather3A_811 = tpu.vector_load_idx %arg5[%add3A_810] : memref<32800xf32, #tpu.memory_space<vmem>>[vector<16xi32>], vector<16xf32>,
          %add3A_812 = arith.constant 29725 : i32
          %add3A_813 = vector.broadcast %add3A_812 : i32 to vector<16xi32>
          %add3A_814 = arith.addi %get3A_599, %add3A_813 : vector<16xi32>
          %gather3A_815 = tpu.vector_load_idx %arg5[%add3A_814] : memref<32800xf32, #tpu.memory_space<vmem>>[vector<16xi32>], vector<16xf32>,
          %add3A_816 = arith.constant 30750 : i32
          %add3A_817 = vector.broadcast %add3A_816 : i32 to vector<16xi32>
          %add3A_818 = arith.addi %get3A_599, %add3A_817 : vector<16xi32>
          %gather3A_819 = tpu.vector_load_idx %arg5[%add3A_818] : memref<32800xf32, #tpu.memory_space<vmem>>[vector<16xi32>], vector<16xf32>,
          %add3A_820 = arith.constant 31775 : i32
          %add3A_821 = vector.broadcast %add3A_820 : i32 to vector<16xi32>
          %add3A_822 = arith.addi %get3A_599, %add3A_821 : vector<16xi32>
          %gather3A_823 = tpu.vector_load_idx %arg5[%add3A_822] : memref<32800xf32, #tpu.memory_space<vmem>>[vector<16xi32>], vector<16xf32>,
          %mul3A_824 = arith.constant 16 : i32
          %mul3A_825 = arith.muli %add3A_575, %mul3A_824 : i32
          %swap3A_826 = arith.constant 16 : i32
          %swap3A_827 = arith.index_cast %swap3A_826 : i32 to index
          %swap3A_828 = arith.index_cast %mul3A_825 : i32 to index
          %swap3A_829 = tpu.vector_load %arg7[%swap3A_827, %swap3A_828] {strides = array<i32>} : memref<32x512xf32, #tpu.memory_space<vmem>>, vector<16xf32>,
          tpu.vector_store %arg7[%swap3A_827, %swap3A_828], %gather3A_763 {strides = array<i32>} : memref<32x512xf32, #tpu.memory_space<vmem>>, vector<16xf32>,
          %mul3A_830 = arith.constant 16 : i32
          %mul3A_831 = arith.muli %add3A_575, %mul3A_830 : i32
          %swap3A_832 = arith.constant 17 : i32
          %swap3A_833 = arith.index_cast %swap3A_832 : i32 to index
          %swap3A_834 = arith.index_cast %mul3A_831 : i32 to index
          %swap3A_835 = tpu.vector_load %arg7[%swap3A_833, %swap3A_834] {strides = array<i32>} : memref<32x512xf32, #tpu.memory_space<vmem>>, vector<16xf32>,
          tpu.vector_store %arg7[%swap3A_833, %swap3A_834], %gather3A_767 {strides = array<i32>} : memref<32x512xf32, #tpu.memory_space<vmem>>, vector<16xf32>,
          %mul3A_836 = arith.constant 16 : i32
          %mul3A_837 = arith.muli %add3A_575, %mul3A_836 : i32
          %swap3A_838 = arith.constant 18 : i32
          %swap3A_839 = arith.index_cast %swap3A_838 : i32 to index
          %swap3A_840 = arith.index_cast %mul3A_837 : i32 to index
          %swap3A_841 = tpu.vector_load %arg7[%swap3A_839, %swap3A_840] {strides = array<i32>} : memref<32x512xf32, #tpu.memory_space<vmem>>, vector<16xf32>,
          tpu.vector_store %arg7[%swap3A_839, %swap3A_840], %gather3A_771 {strides = array<i32>} : memref<32x512xf32, #tpu.memory_space<vmem>>, vector<16xf32>,
          %mul3A_842 = arith.constant 16 : i32
          %mul3A_843 = arith.muli %add3A_575, %mul3A_842 : i32
          %swap3A_844 = arith.constant 19 : i32
          %swap3A_845 = arith.index_cast %swap3A_844 : i32 to index
          %swap3A_846 = arith.index_cast %mul3A_843 : i32 to index
          %swap3A_847 = tpu.vector_load %arg7[%swap3A_845, %swap3A_846] {strides = array<i32>} : memref<32x512xf32, #tpu.memory_space<vmem>>, vector<16xf32>,
          tpu.vector_store %arg7[%swap3A_845, %swap3A_846], %gather3A_775 {strides = array<i32>} : memref<32x512xf32, #tpu.memory_space<vmem>>, vector<16xf32>,
          %mul3A_848 = arith.constant 16 : i32
          %mul3A_849 = arith.muli %add3A_575, %mul3A_848 : i32
          %swap3A_850 = arith.constant 20 : i32
          %swap3A_851 = arith.index_cast %swap3A_850 : i32 to index
          %swap3A_852 = arith.index_cast %mul3A_849 : i32 to index
          %swap3A_853 = tpu.vector_load %arg7[%swap3A_851, %swap3A_852] {strides = array<i32>} : memref<32x512xf32, #tpu.memory_space<vmem>>, vector<16xf32>,
          tpu.vector_store %arg7[%swap3A_851, %swap3A_852], %gather3A_779 {strides = array<i32>} : memref<32x512xf32, #tpu.memory_space<vmem>>, vector<16xf32>,
          %mul3A_854 = arith.constant 16 : i32
          %mul3A_855 = arith.muli %add3A_575, %mul3A_854 : i32
          %swap3A_856 = arith.constant 21 : i32
          %swap3A_857 = arith.index_cast %swap3A_856 : i32 to index
          %swap3A_858 = arith.index_cast %mul3A_855 : i32 to index
          %swap3A_859 = tpu.vector_load %arg7[%swap3A_857, %swap3A_858] {strides = array<i32>} : memref<32x512xf32, #tpu.memory_space<vmem>>, vector<16xf32>,
          tpu.vector_store %arg7[%swap3A_857, %swap3A_858], %gather3A_783 {strides = array<i32>} : memref<32x512xf32, #tpu.memory_space<vmem>>, vector<16xf32>,
          %mul3A_860 = arith.constant 16 : i32
          %mul3A_861 = arith.muli %add3A_575, %mul3A_860 : i32
          %swap3A_862 = arith.constant 22 : i32
          %swap3A_863 = arith.index_cast %swap3A_862 : i32 to index
          %swap3A_864 = arith.index_cast %mul3A_861 : i32 to index
          %swap3A_865 = tpu.vector_load %arg7[%swap3A_863, %swap3A_864] {strides = array<i32>} : memref<32x512xf32, #tpu.memory_space<vmem>>, vector<16xf32>,
          tpu.vector_store %arg7[%swap3A_863, %swap3A_864], %gather3A_787 {strides = array<i32>} : memref<32x512xf32, #tpu.memory_space<vmem>>, vector<16xf32>,
          %mul3A_866 = arith.constant 16 : i32
          %mul3A_867 = arith.muli %add3A_575, %mul3A_866 : i32
          %swap3A_868 = arith.constant 23 : i32
          %swap3A_869 = arith.index_cast %swap3A_868 : i32 to index
          %swap3A_870 = arith.index_cast %mul3A_867 : i32 to index
          %swap3A_871 = tpu.vector_load %arg7[%swap3A_869, %swap3A_870] {strides = array<i32>} : memref<32x512xf32, #tpu.memory_space<vmem>>, vector<16xf32>,
          tpu.vector_store %arg7[%swap3A_869, %swap3A_870], %gather3A_791 {strides = array<i32>} : memref<32x512xf32, #tpu.memory_space<vmem>>, vector<16xf32>,
          %mul3A_872 = arith.constant 16 : i32
          %mul3A_873 = arith.muli %add3A_575, %mul3A_872 : i32
          %swap3A_874 = arith.constant 24 : i32
          %swap3A_875 = arith.index_cast %swap3A_874 : i32 to index
          %swap3A_876 = arith.index_cast %mul3A_873 : i32 to index
          %swap3A_877 = tpu.vector_load %arg7[%swap3A_875, %swap3A_876] {strides = array<i32>} : memref<32x512xf32, #tpu.memory_space<vmem>>, vector<16xf32>,
          tpu.vector_store %arg7[%swap3A_875, %swap3A_876], %gather3A_795 {strides = array<i32>} : memref<32x512xf32, #tpu.memory_space<vmem>>, vector<16xf32>,
          %mul3A_878 = arith.constant 16 : i32
          %mul3A_879 = arith.muli %add3A_575, %mul3A_878 : i32
          %swap3A_880 = arith.constant 25 : i32
          %swap3A_881 = arith.index_cast %swap3A_880 : i32 to index
          %swap3A_882 = arith.index_cast %mul3A_879 : i32 to index
          %swap3A_883 = tpu.vector_load %arg7[%swap3A_881, %swap3A_882] {strides = array<i32>} : memref<32x512xf32, #tpu.memory_space<vmem>>, vector<16xf32>,
          tpu.vector_store %arg7[%swap3A_881, %swap3A_882], %gather3A_799 {strides = array<i32>} : memref<32x512xf32, #tpu.memory_space<vmem>>, vector<16xf32>,
          %mul3A_884 = arith.constant 16 : i32
          %mul3A_885 = arith.muli %add3A_575, %mul3A_884 : i32
          %swap3A_886 = arith.constant 26 : i32
          %swap3A_887 = arith.index_cast %swap3A_886 : i32 to index
          %swap3A_888 = arith.index_cast %mul3A_885 : i32 to index
          %swap3A_889 = tpu.vector_load %arg7[%swap3A_887, %swap3A_888] {strides = array<i32>} : memref<32x512xf32, #tpu.memory_space<vmem>>, vector<16xf32>,
          tpu.vector_store %arg7[%swap3A_887, %swap3A_888], %gather3A_803 {strides = array<i32>} : memref<32x512xf32, #tpu.memory_space<vmem>>, vector<16xf32>,
          %mul3A_890 = arith.constant 16 : i32
          %mul3A_891 = arith.muli %add3A_575, %mul3A_890 : i32
          %swap3A_892 = arith.constant 27 : i32
          %swap3A_893 = arith.index_cast %swap3A_892 : i32 to index
          %swap3A_894 = arith.index_cast %mul3A_891 : i32 to index
          %swap3A_895 = tpu.vector_load %arg7[%swap3A_893, %swap3A_894] {strides = array<i32>} : memref<32x512xf32, #tpu.memory_space<vmem>>, vector<16xf32>,
          tpu.vector_store %arg7[%swap3A_893, %swap3A_894], %gather3A_807 {strides = array<i32>} : memref<32x512xf32, #tpu.memory_space<vmem>>, vector<16xf32>,
          %mul3A_896 = arith.constant 16 : i32
          %mul3A_897 = arith.muli %add3A_575, %mul3A_896 : i32
          %swap3A_898 = arith.constant 28 : i32
          %swap3A_899 = arith.index_cast %swap3A_898 : i32 to index
          %swap3A_900 = arith.index_cast %mul3A_897 : i32 to index
          %swap3A_901 = tpu.vector_load %arg7[%swap3A_899, %swap3A_900] {strides = array<i32>} : memref<32x512xf32, #tpu.memory_space<vmem>>, vector<16xf32>,
          tpu.vector_store %arg7[%swap3A_899, %swap3A_900], %gather3A_811 {strides = array<i32>} : memref<32x512xf32, #tpu.memory_space<vmem>>, vector<16xf32>,
          %mul3A_902 = arith.constant 16 : i32
          %mul3A_903 = arith.muli %add3A_575, %mul3A_902 : i32
          %swap3A_904 = arith.constant 29 : i32
          %swap3A_905 = arith.index_cast %swap3A_904 : i32 to index
          %swap3A_906 = arith.index_cast %mul3A_903 : i32 to index
          %swap3A_907 = tpu.vector_load %arg7[%swap3A_905, %swap3A_906] {strides = array<i32>} : memref<32x512xf32, #tpu.memory_space<vmem>>, vector<16xf32>,
          tpu.vector_store %arg7[%swap3A_905, %swap3A_906], %gather3A_815 {strides = array<i32>} : memref<32x512xf32, #tpu.memory_space<vmem>>, vector<16xf32>,
          %mul3A_908 = arith.constant 16 : i32
          %mul3A_909 = arith.muli %add3A_575, %mul3A_908 : i32
          %swap3A_910 = arith.constant 30 : i32
          %swap3A_911 = arith.index_cast %swap3A_910 : i32 to index
          %swap3A_912 = arith.index_cast %mul3A_909 : i32 to index
          %swap3A_913 = tpu.vector_load %arg7[%swap3A_911, %swap3A_912] {strides = array<i32>} : memref<32x512xf32, #tpu.memory_space<vmem>>, vector<16xf32>,
          tpu.vector_store %arg7[%swap3A_911, %swap3A_912], %gather3A_819 {strides = array<i32>} : memref<32x512xf32, #tpu.memory_space<vmem>>, vector<16xf32>,
          %mul3A_914 = arith.constant 16 : i32
          %mul3A_915 = arith.muli %add3A_575, %mul3A_914 : i32
          %swap3A_916 = arith.constant 31 : i32
          %swap3A_917 = arith.index_cast %swap3A_916 : i32 to index
          %swap3A_918 = arith.index_cast %mul3A_915 : i32 to index
          %swap3A_919 = tpu.vector_load %arg7[%swap3A_917, %swap3A_918] {strides = array<i32>} : memref<32x512xf32, #tpu.memory_space<vmem>>, vector<16xf32>,
          tpu.vector_store %arg7[%swap3A_917, %swap3A_918], %gather3A_823 {strides = array<i32>} : memref<32x512xf32, #tpu.memory_space<vmem>>, vector<16xf32>,
        }
        %scan3A_149 = arith.constant 32 : i32
        %dma_start3A = arith.constant 0 : i32
        %dma_start3A_150 = arith.constant 0 : i32
        %dma_start3A_151 = tpu.memref_slice %arg7[%dma_start3A, %dma_start3A_150] : memref<32x512xf32, #tpu.memory_space<vmem>> -> memref<32x512xf32, #tpu.memory_space<vmem>>
        %dma_start3A_152 = tpu.memref_slice %arg4[%select_n3A_121, %add3A_54, %add3A_140] : memref<20x1000x4096xf32, #tpu.memory_space<hbm>> -> memref<1x32x512xf32, #tpu.memory_space<hbm>>
        %dma_start3A_153 = tpu.memref_squeeze %dma_start3A_152 : memref<1x32x512xf32, #tpu.memory_space<hbm>> -> memref<32x512xf32, #tpu.memory_space<hbm>>
        %dma_start3A_154 = tpu.memref_slice %arg4[%select_n3A_121, %add3A_54, %add3A_140] : memref<20x1000x4096xf32, #tpu.memory_space<hbm>> -> memref<1x32x512xf32, #tpu.memory_space<hbm>>
        %dma_start3A_155 = tpu.memref_squeeze %dma_start3A_154 : memref<1x32x512xf32, #tpu.memory_space<hbm>> -> memref<32x512xf32, #tpu.memory_space<hbm>>
        %dma_start3A_156 = arith.constant 0 : i32
        %dma_start3A_157 = arith.constant 0 : i32
        %dma_start3A_158 = tpu.memref_slice %arg7[%dma_start3A_156, %dma_start3A_157] : memref<32x512xf32, #tpu.memory_space<vmem>> -> memref<32x512xf32, #tpu.memory_space<vmem>>
        tpu.enqueue_dma source(%dma_start3A_158 : memref<32x512xf32, #tpu.memory_space<vmem>>) target(%dma_start3A_155 : memref<32x512xf32, #tpu.memory_space<hbm>>) target_semaphore(%arg9 : memref<!tpu.dma_semaphore, #tpu.memory_space<semaphore_mem>>)
        %add3A_159 = arith.constant 1 : i32
        %add3A_160 = arith.addi %add3A_95, %add3A_159 : i32
        %jit3A_161 = arith.constant 2 : i32
        %div3A_162 = arith.divsi %add3A_160, %jit3A_161 : i32
        %sign3A_163 = arith.constant 0 : i32
        %sign3A_164 = arith.cmpi sgt, %add3A_160, %sign3A_163 : i32
        %sign3A_165 = arith.extui %sign3A_164 : i1 to i32
        %sign3A_166 = arith.constant 0 : i32
        %sign3A_167 = arith.cmpi slt, %add3A_160, %sign3A_166 : i32
        %sign3A_168 = arith.extui %sign3A_167 : i1 to i32
        %sign3A_169 = arith.subi %sign3A_165, %sign3A_168 : i32
        %sign3A_170 = arith.constant 0 : i32
        %sign3A_171 = arith.cmpi sgt, %jit3A_161, %sign3A_170 : i32
        %sign3A_172 = arith.extui %sign3A_171 : i1 to i32
        %sign3A_173 = arith.constant 0 : i32
        %sign3A_174 = arith.cmpi slt, %jit3A_161, %sign3A_173 : i32
        %sign3A_175 = arith.extui %sign3A_174 : i1 to i32
        %sign3A_176 = arith.subi %sign3A_172, %sign3A_175 : i32
        %ne3A_177 = arith.cmpi ne, %sign3A_169, %sign3A_176 : i32
        %rem3A_178 = arith.remsi %add3A_160, %jit3A_161 : i32
        %ne3A_179 = arith.constant 0 : i32
        %ne3A_180 = arith.cmpi ne, %rem3A_178, %ne3A_179 : i32
        %and3A_181 = arith.andi %ne3A_177, %ne3A_180 : i1
        %sub3A_182 = arith.constant 1 : i32
        %sub3A_183 = arith.subi %div3A_162, %sub3A_182 : i32
        %select_n3A_184 = arith.select %and3A_181, %sub3A_183, %div3A_162 : i32
        %jit3A_185 = arith.constant 2 : i32
        %eq3A_186 = arith.constant 0 : i32
        %eq3A_187 = arith.cmpi eq, %jit3A_185, %eq3A_186 : i32
        %jit3A_188 = arith.constant 1 : i32
        %select_n3A_189 = arith.select %eq3A_187, %jit3A_188, %jit3A_185 : i32
        %rem3A_190 = arith.remsi %add3A_160, %select_n3A_189 : i32
        %ne3A_191 = arith.constant 0 : i32
        %ne3A_192 = arith.cmpi ne, %rem3A_190, %ne3A_191 : i32
        %lt3A_193 = arith.constant 0 : i32
        %lt3A_194 = arith.cmpi slt, %rem3A_190, %lt3A_193 : i32
        %lt3A_195 = arith.constant 0 : i32
        %lt3A_196 = arith.cmpi slt, %select_n3A_189, %lt3A_195 : i32
        %ne3A_197 = arith.xori %lt3A_194, %lt3A_196 : i1
        %and3A_198 = arith.andi %ne3A_197, %ne3A_192 : i1
        %add3A_199 = arith.addi %rem3A_190, %select_n3A_189 : i32
        %select_n3A_200 = arith.select %and3A_198, %add3A_199, %rem3A_190 : i32
        %mul3A_201 = arith.constant 512 : i32
        %mul3A_202 = arith.muli %select_n3A_200, %mul3A_201 : i32
        %add3A_203 = arith.addi %mul3A_34, %mul3A_202 : i32
        %ge3A_204 = arith.constant 2 : i32
        %ge3A_205 = arith.cmpi sge, %add3A_95, %ge3A_204 : i32
        %convert_element_type3A_206 = arith.extui %ge3A_205 : i1 to i32
        %cond3A_207 = arith.constant 0 : i32
        %cond3A_208 = arith.cmpi ne, %convert_element_type3A_206, %cond3A_207 : i32
        scf.if %cond3A_208 {
          %dma_wait3A_224 = arith.constant 0 : i32
          %dma_wait3A_225 = arith.constant 0 : i32
          %dma_wait3A_226 = arith.constant 0 : i32
          %dma_wait3A_227 = tpu.memref_slice %arg8[%dma_wait3A_225, %dma_wait3A_226] : memref<32x512xf32, #tpu.memory_space<vmem>> -> memref<32x512xf32, #tpu.memory_space<vmem>>
          %dma_wait3A_228 = arith.constant 0 : i32
          %dma_wait3A_229 = arith.constant 0 : i32
          %dma_wait3A_230 = tpu.memref_slice %arg4[%dma_wait3A_224, %dma_wait3A_228, %dma_wait3A_229] : memref<20x1000x4096xf32, #tpu.memory_space<hbm>> -> memref<1x32x512xf32, #tpu.memory_space<hbm>>
          %dma_wait3A_231 = tpu.memref_squeeze %dma_wait3A_230 : memref<1x32x512xf32, #tpu.memory_space<hbm>> -> memref<32x512xf32, #tpu.memory_space<hbm>>
          %dma_wait3A_232 = arith.constant 0 : i32
          %dma_wait3A_233 = arith.constant 0 : i32
          %dma_wait3A_234 = tpu.memref_slice %arg4[%dma_wait3A_224, %dma_wait3A_232, %dma_wait3A_233] : memref<20x1000x4096xf32, #tpu.memory_space<hbm>> -> memref<1x32x512xf32, #tpu.memory_space<hbm>>
          %dma_wait3A_235 = tpu.memref_squeeze %dma_wait3A_234 : memref<1x32x512xf32, #tpu.memory_space<hbm>> -> memref<32x512xf32, #tpu.memory_space<hbm>>
          %dma_wait3A_236 = arith.constant 0 : i32
          %dma_wait3A_237 = arith.constant 0 : i32
          %dma_wait3A_238 = tpu.memref_slice %arg8[%dma_wait3A_236, %dma_wait3A_237] : memref<32x512xf32, #tpu.memory_space<vmem>> -> memref<32x512xf32, #tpu.memory_space<vmem>>
          tpu.wait_dma2 semaphore(%arg10 : memref<!tpu.dma_semaphore, #tpu.memory_space<semaphore_mem>>) src(%dma_wait3A_238 : memref<32x512xf32, #tpu.memory_space<vmem>>) dst(%dma_wait3A_235 : memref<32x512xf32, #tpu.memory_space<hbm>>)
        } else {
        }
        %scan3A_209 = arith.constant 0 : i32
        %scan3A_210 = arith.constant 32 : i32
        %scan3A_211 = arith.addi %scan3A_209, %scan3A_210 : i32
        %scan3A_212 = arith.constant 2 : i32
        scf.for %scan3A_224 = %scan3A_209 to %scan3A_211 step %scan3A_212  : i32 {
          %mul3A_225 = arith.constant 1 : i32
          %mul3A_226 = arith.muli %scan3A_224, %mul3A_225 : i32
          %add3A_227 = arith.constant 0 : i32
          %add3A_228 = arith.addi %add3A_227, %mul3A_226 : i32
          %jit3A_229 = arith.constant 2 : i32
          %eq3A_230 = arith.constant 0 : i32
          %eq3A_231 = arith.cmpi eq, %jit3A_229, %eq3A_230 : i32
          %jit3A_232 = arith.constant 1 : i32
          %select_n3A_233 = arith.select %eq3A_231, %jit3A_232, %jit3A_229 : i32
          %rem3A_234 = arith.remsi %add3A_160, %select_n3A_233 : i32
          %ne3A_235 = arith.constant 0 : i32
          %ne3A_236 = arith.cmpi ne, %rem3A_234, %ne3A_235 : i32
          %lt3A_237 = arith.constant 0 : i32
          %lt3A_238 = arith.cmpi slt, %rem3A_234, %lt3A_237 : i32
          %lt3A_239 = arith.constant 0 : i32
          %lt3A_240 = arith.cmpi slt, %select_n3A_233, %lt3A_239 : i32
          %ne3A_241 = arith.xori %lt3A_238, %lt3A_240 : i1
          %and3A_242 = arith.andi %ne3A_241, %ne3A_236 : i1
          %add3A_243 = arith.addi %rem3A_234, %select_n3A_233 : i32
          %select_n3A_244 = arith.select %and3A_242, %add3A_243, %rem3A_234 : i32
          %mul3A_245 = arith.constant 512 : i32
          %mul3A_246 = arith.muli %select_n3A_244, %mul3A_245 : i32
          %mul3A_247 = arith.constant 16 : i32
          %mul3A_248 = arith.muli %add3A_228, %mul3A_247 : i32
          %add3A_249 = arith.addi %mul3A_246, %mul3A_248 : i32
          %get3A = arith.index_cast %select_n3A_184 : i32 to index
          %get3A_250 = arith.index_cast %add3A_249 : i32 to index
          %get3A_251 = tpu.vector_load %arg6[%get3A, %get3A_250] {strides = array<i32>} : memref<20x1024xi32, #tpu.memory_space<vmem>>, vector<16xi32>,
          %add3A_252 = arith.constant 0 : i32
          %add3A_253 = vector.broadcast %add3A_252 : i32 to vector<16xi32>
          %add3A_254 = arith.addi %get3A_251, %add3A_253 : vector<16xi32>
          %gather3A = tpu.vector_load_idx %arg5[%add3A_254] : memref<32800xf32, #tpu.memory_space<vmem>>[vector<16xi32>], vector<16xf32>,
          %add3A_255 = arith.constant 1025 : i32
          %add3A_256 = vector.broadcast %add3A_255 : i32 to vector<16xi32>
          %add3A_257 = arith.addi %get3A_251, %add3A_256 : vector<16xi32>
          %gather3A_258 = tpu.vector_load_idx %arg5[%add3A_257] : memref<32800xf32, #tpu.memory_space<vmem>>[vector<16xi32>], vector<16xf32>,
          %add3A_259 = arith.constant 2050 : i32
          %add3A_260 = vector.broadcast %add3A_259 : i32 to vector<16xi32>
          %add3A_261 = arith.addi %get3A_251, %add3A_260 : vector<16xi32>
          %gather3A_262 = tpu.vector_load_idx %arg5[%add3A_261] : memref<32800xf32, #tpu.memory_space<vmem>>[vector<16xi32>], vector<16xf32>,
          %add3A_263 = arith.constant 3075 : i32
          %add3A_264 = vector.broadcast %add3A_263 : i32 to vector<16xi32>
          %add3A_265 = arith.addi %get3A_251, %add3A_264 : vector<16xi32>
          %gather3A_266 = tpu.vector_load_idx %arg5[%add3A_265] : memref<32800xf32, #tpu.memory_space<vmem>>[vector<16xi32>], vector<16xf32>,
          %add3A_267 = arith.constant 4100 : i32
          %add3A_268 = vector.broadcast %add3A_267 : i32 to vector<16xi32>
          %add3A_269 = arith.addi %get3A_251, %add3A_268 : vector<16xi32>
          %gather3A_270 = tpu.vector_load_idx %arg5[%add3A_269] : memref<32800xf32, #tpu.memory_space<vmem>>[vector<16xi32>], vector<16xf32>,
          %add3A_271 = arith.constant 5125 : i32
          %add3A_272 = vector.broadcast %add3A_271 : i32 to vector<16xi32>
          %add3A_273 = arith.addi %get3A_251, %add3A_272 : vector<16xi32>
          %gather3A_274 = tpu.vector_load_idx %arg5[%add3A_273] : memref<32800xf32, #tpu.memory_space<vmem>>[vector<16xi32>], vector<16xf32>,
          %add3A_275 = arith.constant 6150 : i32
          %add3A_276 = vector.broadcast %add3A_275 : i32 to vector<16xi32>
          %add3A_277 = arith.addi %get3A_251, %add3A_276 : vector<16xi32>
          %gather3A_278 = tpu.vector_load_idx %arg5[%add3A_277] : memref<32800xf32, #tpu.memory_space<vmem>>[vector<16xi32>], vector<16xf32>,
          %add3A_279 = arith.constant 7175 : i32
          %add3A_280 = vector.broadcast %add3A_279 : i32 to vector<16xi32>
          %add3A_281 = arith.addi %get3A_251, %add3A_280 : vector<16xi32>
          %gather3A_282 = tpu.vector_load_idx %arg5[%add3A_281] : memref<32800xf32, #tpu.memory_space<vmem>>[vector<16xi32>], vector<16xf32>,
          %add3A_283 = arith.constant 8200 : i32
          %add3A_284 = vector.broadcast %add3A_283 : i32 to vector<16xi32>
          %add3A_285 = arith.addi %get3A_251, %add3A_284 : vector<16xi32>
          %gather3A_286 = tpu.vector_load_idx %arg5[%add3A_285] : memref<32800xf32, #tpu.memory_space<vmem>>[vector<16xi32>], vector<16xf32>,
          %add3A_287 = arith.constant 9225 : i32
          %add3A_288 = vector.broadcast %add3A_287 : i32 to vector<16xi32>
          %add3A_289 = arith.addi %get3A_251, %add3A_288 : vector<16xi32>
          %gather3A_290 = tpu.vector_load_idx %arg5[%add3A_289] : memref<32800xf32, #tpu.memory_space<vmem>>[vector<16xi32>], vector<16xf32>,
          %add3A_291 = arith.constant 10250 : i32
          %add3A_292 = vector.broadcast %add3A_291 : i32 to vector<16xi32>
          %add3A_293 = arith.addi %get3A_251, %add3A_292 : vector<16xi32>
          %gather3A_294 = tpu.vector_load_idx %arg5[%add3A_293] : memref<32800xf32, #tpu.memory_space<vmem>>[vector<16xi32>], vector<16xf32>,
          %add3A_295 = arith.constant 11275 : i32
          %add3A_296 = vector.broadcast %add3A_295 : i32 to vector<16xi32>
          %add3A_297 = arith.addi %get3A_251, %add3A_296 : vector<16xi32>
          %gather3A_298 = tpu.vector_load_idx %arg5[%add3A_297] : memref<32800xf32, #tpu.memory_space<vmem>>[vector<16xi32>], vector<16xf32>,
          %add3A_299 = arith.constant 12300 : i32
          %add3A_300 = vector.broadcast %add3A_299 : i32 to vector<16xi32>
          %add3A_301 = arith.addi %get3A_251, %add3A_300 : vector<16xi32>
          %gather3A_302 = tpu.vector_load_idx %arg5[%add3A_301] : memref<32800xf32, #tpu.memory_space<vmem>>[vector<16xi32>], vector<16xf32>,
          %add3A_303 = arith.constant 13325 : i32
          %add3A_304 = vector.broadcast %add3A_303 : i32 to vector<16xi32>
          %add3A_305 = arith.addi %get3A_251, %add3A_304 : vector<16xi32>
          %gather3A_306 = tpu.vector_load_idx %arg5[%add3A_305] : memref<32800xf32, #tpu.memory_space<vmem>>[vector<16xi32>], vector<16xf32>,
          %add3A_307 = arith.constant 14350 : i32
          %add3A_308 = vector.broadcast %add3A_307 : i32 to vector<16xi32>
          %add3A_309 = arith.addi %get3A_251, %add3A_308 : vector<16xi32>
          %gather3A_310 = tpu.vector_load_idx %arg5[%add3A_309] : memref<32800xf32, #tpu.memory_space<vmem>>[vector<16xi32>], vector<16xf32>,
          %add3A_311 = arith.constant 15375 : i32
          %add3A_312 = vector.broadcast %add3A_311 : i32 to vector<16xi32>
          %add3A_313 = arith.addi %get3A_251, %add3A_312 : vector<16xi32>
          %gather3A_314 = tpu.vector_load_idx %arg5[%add3A_313] : memref<32800xf32, #tpu.memory_space<vmem>>[vector<16xi32>], vector<16xf32>,
          %mul3A_315 = arith.constant 16 : i32
          %mul3A_316 = arith.muli %add3A_228, %mul3A_315 : i32
          %swap3A = arith.constant 0 : i32
          %swap3A_317 = arith.index_cast %swap3A : i32 to index
          %swap3A_318 = arith.index_cast %mul3A_316 : i32 to index
          %swap3A_319 = tpu.vector_load %arg8[%swap3A_317, %swap3A_318] {strides = array<i32>} : memref<32x512xf32, #tpu.memory_space<vmem>>, vector<16xf32>,
          tpu.vector_store %arg8[%swap3A_317, %swap3A_318], %gather3A {strides = array<i32>} : memref<32x512xf32, #tpu.memory_space<vmem>>, vector<16xf32>,
          %mul3A_320 = arith.constant 16 : i32
          %mul3A_321 = arith.muli %add3A_228, %mul3A_320 : i32
          %swap3A_322 = arith.constant 1 : i32
          %swap3A_323 = arith.index_cast %swap3A_322 : i32 to index
          %swap3A_324 = arith.index_cast %mul3A_321 : i32 to index
          %swap3A_325 = tpu.vector_load %arg8[%swap3A_323, %swap3A_324] {strides = array<i32>} : memref<32x512xf32, #tpu.memory_space<vmem>>, vector<16xf32>,
          tpu.vector_store %arg8[%swap3A_323, %swap3A_324], %gather3A_258 {strides = array<i32>} : memref<32x512xf32, #tpu.memory_space<vmem>>, vector<16xf32>,
          %mul3A_326 = arith.constant 16 : i32
          %mul3A_327 = arith.muli %add3A_228, %mul3A_326 : i32
          %swap3A_328 = arith.constant 2 : i32
          %swap3A_329 = arith.index_cast %swap3A_328 : i32 to index
          %swap3A_330 = arith.index_cast %mul3A_327 : i32 to index
          %swap3A_331 = tpu.vector_load %arg8[%swap3A_329, %swap3A_330] {strides = array<i32>} : memref<32x512xf32, #tpu.memory_space<vmem>>, vector<16xf32>,
          tpu.vector_store %arg8[%swap3A_329, %swap3A_330], %gather3A_262 {strides = array<i32>} : memref<32x512xf32, #tpu.memory_space<vmem>>, vector<16xf32>,
          %mul3A_332 = arith.constant 16 : i32
          %mul3A_333 = arith.muli %add3A_228, %mul3A_332 : i32
          %swap3A_334 = arith.constant 3 : i32
          %swap3A_335 = arith.index_cast %swap3A_334 : i32 to index
          %swap3A_336 = arith.index_cast %mul3A_333 : i32 to index
          %swap3A_337 = tpu.vector_load %arg8[%swap3A_335, %swap3A_336] {strides = array<i32>} : memref<32x512xf32, #tpu.memory_space<vmem>>, vector<16xf32>,
          tpu.vector_store %arg8[%swap3A_335, %swap3A_336], %gather3A_266 {strides = array<i32>} : memref<32x512xf32, #tpu.memory_space<vmem>>, vector<16xf32>,
          %mul3A_338 = arith.constant 16 : i32
          %mul3A_339 = arith.muli %add3A_228, %mul3A_338 : i32
          %swap3A_340 = arith.constant 4 : i32
          %swap3A_341 = arith.index_cast %swap3A_340 : i32 to index
          %swap3A_342 = arith.index_cast %mul3A_339 : i32 to index
          %swap3A_343 = tpu.vector_load %arg8[%swap3A_341, %swap3A_342] {strides = array<i32>} : memref<32x512xf32, #tpu.memory_space<vmem>>, vector<16xf32>,
          tpu.vector_store %arg8[%swap3A_341, %swap3A_342], %gather3A_270 {strides = array<i32>} : memref<32x512xf32, #tpu.memory_space<vmem>>, vector<16xf32>,
          %mul3A_344 = arith.constant 16 : i32
          %mul3A_345 = arith.muli %add3A_228, %mul3A_344 : i32
          %swap3A_346 = arith.constant 5 : i32
          %swap3A_347 = arith.index_cast %swap3A_346 : i32 to index
          %swap3A_348 = arith.index_cast %mul3A_345 : i32 to index
          %swap3A_349 = tpu.vector_load %arg8[%swap3A_347, %swap3A_348] {strides = array<i32>} : memref<32x512xf32, #tpu.memory_space<vmem>>, vector<16xf32>,
          tpu.vector_store %arg8[%swap3A_347, %swap3A_348], %gather3A_274 {strides = array<i32>} : memref<32x512xf32, #tpu.memory_space<vmem>>, vector<16xf32>,
          %mul3A_350 = arith.constant 16 : i32
          %mul3A_351 = arith.muli %add3A_228, %mul3A_350 : i32
          %swap3A_352 = arith.constant 6 : i32
          %swap3A_353 = arith.index_cast %swap3A_352 : i32 to index
          %swap3A_354 = arith.index_cast %mul3A_351 : i32 to index
          %swap3A_355 = tpu.vector_load %arg8[%swap3A_353, %swap3A_354] {strides = array<i32>} : memref<32x512xf32, #tpu.memory_space<vmem>>, vector<16xf32>,
          tpu.vector_store %arg8[%swap3A_353, %swap3A_354], %gather3A_278 {strides = array<i32>} : memref<32x512xf32, #tpu.memory_space<vmem>>, vector<16xf32>,
          %mul3A_356 = arith.constant 16 : i32
          %mul3A_357 = arith.muli %add3A_228, %mul3A_356 : i32
          %swap3A_358 = arith.constant 7 : i32
          %swap3A_359 = arith.index_cast %swap3A_358 : i32 to index
          %swap3A_360 = arith.index_cast %mul3A_357 : i32 to index
          %swap3A_361 = tpu.vector_load %arg8[%swap3A_359, %swap3A_360] {strides = array<i32>} : memref<32x512xf32, #tpu.memory_space<vmem>>, vector<16xf32>,
          tpu.vector_store %arg8[%swap3A_359, %swap3A_360], %gather3A_282 {strides = array<i32>} : memref<32x512xf32, #tpu.memory_space<vmem>>, vector<16xf32>,
          %mul3A_362 = arith.constant 16 : i32
          %mul3A_363 = arith.muli %add3A_228, %mul3A_362 : i32
          %swap3A_364 = arith.constant 8 : i32
          %swap3A_365 = arith.index_cast %swap3A_364 : i32 to index
          %swap3A_366 = arith.index_cast %mul3A_363 : i32 to index
          %swap3A_367 = tpu.vector_load %arg8[%swap3A_365, %swap3A_366] {strides = array<i32>} : memref<32x512xf32, #tpu.memory_space<vmem>>, vector<16xf32>,
          tpu.vector_store %arg8[%swap3A_365, %swap3A_366], %gather3A_286 {strides = array<i32>} : memref<32x512xf32, #tpu.memory_space<vmem>>, vector<16xf32>,
          %mul3A_368 = arith.constant 16 : i32
          %mul3A_369 = arith.muli %add3A_228, %mul3A_368 : i32
          %swap3A_370 = arith.constant 9 : i32
          %swap3A_371 = arith.index_cast %swap3A_370 : i32 to index
          %swap3A_372 = arith.index_cast %mul3A_369 : i32 to index
          %swap3A_373 = tpu.vector_load %arg8[%swap3A_371, %swap3A_372] {strides = array<i32>} : memref<32x512xf32, #tpu.memory_space<vmem>>, vector<16xf32>,
          tpu.vector_store %arg8[%swap3A_371, %swap3A_372], %gather3A_290 {strides = array<i32>} : memref<32x512xf32, #tpu.memory_space<vmem>>, vector<16xf32>,
          %mul3A_374 = arith.constant 16 : i32
          %mul3A_375 = arith.muli %add3A_228, %mul3A_374 : i32
          %swap3A_376 = arith.constant 10 : i32
          %swap3A_377 = arith.index_cast %swap3A_376 : i32 to index
          %swap3A_378 = arith.index_cast %mul3A_375 : i32 to index
          %swap3A_379 = tpu.vector_load %arg8[%swap3A_377, %swap3A_378] {strides = array<i32>} : memref<32x512xf32, #tpu.memory_space<vmem>>, vector<16xf32>,
          tpu.vector_store %arg8[%swap3A_377, %swap3A_378], %gather3A_294 {strides = array<i32>} : memref<32x512xf32, #tpu.memory_space<vmem>>, vector<16xf32>,
          %mul3A_380 = arith.constant 16 : i32
          %mul3A_381 = arith.muli %add3A_228, %mul3A_380 : i32
          %swap3A_382 = arith.constant 11 : i32
          %swap3A_383 = arith.index_cast %swap3A_382 : i32 to index
          %swap3A_384 = arith.index_cast %mul3A_381 : i32 to index
          %swap3A_385 = tpu.vector_load %arg8[%swap3A_383, %swap3A_384] {strides = array<i32>} : memref<32x512xf32, #tpu.memory_space<vmem>>, vector<16xf32>,
          tpu.vector_store %arg8[%swap3A_383, %swap3A_384], %gather3A_298 {strides = array<i32>} : memref<32x512xf32, #tpu.memory_space<vmem>>, vector<16xf32>,
          %mul3A_386 = arith.constant 16 : i32
          %mul3A_387 = arith.muli %add3A_228, %mul3A_386 : i32
          %swap3A_388 = arith.constant 12 : i32
          %swap3A_389 = arith.index_cast %swap3A_388 : i32 to index
          %swap3A_390 = arith.index_cast %mul3A_387 : i32 to index
          %swap3A_391 = tpu.vector_load %arg8[%swap3A_389, %swap3A_390] {strides = array<i32>} : memref<32x512xf32, #tpu.memory_space<vmem>>, vector<16xf32>,
          tpu.vector_store %arg8[%swap3A_389, %swap3A_390], %gather3A_302 {strides = array<i32>} : memref<32x512xf32, #tpu.memory_space<vmem>>, vector<16xf32>,
          %mul3A_392 = arith.constant 16 : i32
          %mul3A_393 = arith.muli %add3A_228, %mul3A_392 : i32
          %swap3A_394 = arith.constant 13 : i32
          %swap3A_395 = arith.index_cast %swap3A_394 : i32 to index
          %swap3A_396 = arith.index_cast %mul3A_393 : i32 to index
          %swap3A_397 = tpu.vector_load %arg8[%swap3A_395, %swap3A_396] {strides = array<i32>} : memref<32x512xf32, #tpu.memory_space<vmem>>, vector<16xf32>,
          tpu.vector_store %arg8[%swap3A_395, %swap3A_396], %gather3A_306 {strides = array<i32>} : memref<32x512xf32, #tpu.memory_space<vmem>>, vector<16xf32>,
          %mul3A_398 = arith.constant 16 : i32
          %mul3A_399 = arith.muli %add3A_228, %mul3A_398 : i32
          %swap3A_400 = arith.constant 14 : i32
          %swap3A_401 = arith.index_cast %swap3A_400 : i32 to index
          %swap3A_402 = arith.index_cast %mul3A_399 : i32 to index
          %swap3A_403 = tpu.vector_load %arg8[%swap3A_401, %swap3A_402] {strides = array<i32>} : memref<32x512xf32, #tpu.memory_space<vmem>>, vector<16xf32>,
          tpu.vector_store %arg8[%swap3A_401, %swap3A_402], %gather3A_310 {strides = array<i32>} : memref<32x512xf32, #tpu.memory_space<vmem>>, vector<16xf32>,
          %mul3A_404 = arith.constant 16 : i32
          %mul3A_405 = arith.muli %add3A_228, %mul3A_404 : i32
          %swap3A_406 = arith.constant 15 : i32
          %swap3A_407 = arith.index_cast %swap3A_406 : i32 to index
          %swap3A_408 = arith.index_cast %mul3A_405 : i32 to index
          %swap3A_409 = tpu.vector_load %arg8[%swap3A_407, %swap3A_408] {strides = array<i32>} : memref<32x512xf32, #tpu.memory_space<vmem>>, vector<16xf32>,
          tpu.vector_store %arg8[%swap3A_407, %swap3A_408], %gather3A_314 {strides = array<i32>} : memref<32x512xf32, #tpu.memory_space<vmem>>, vector<16xf32>,
          %add3A_410 = arith.constant 16400 : i32
          %add3A_411 = vector.broadcast %add3A_410 : i32 to vector<16xi32>
          %add3A_412 = arith.addi %get3A_251, %add3A_411 : vector<16xi32>
          %gather3A_413 = tpu.vector_load_idx %arg5[%add3A_412] : memref<32800xf32, #tpu.memory_space<vmem>>[vector<16xi32>], vector<16xf32>,
          %add3A_414 = arith.constant 17425 : i32
          %add3A_415 = vector.broadcast %add3A_414 : i32 to vector<16xi32>
          %add3A_416 = arith.addi %get3A_251, %add3A_415 : vector<16xi32>
          %gather3A_417 = tpu.vector_load_idx %arg5[%add3A_416] : memref<32800xf32, #tpu.memory_space<vmem>>[vector<16xi32>], vector<16xf32>,
          %add3A_418 = arith.constant 18450 : i32
          %add3A_419 = vector.broadcast %add3A_418 : i32 to vector<16xi32>
          %add3A_420 = arith.addi %get3A_251, %add3A_419 : vector<16xi32>
          %gather3A_421 = tpu.vector_load_idx %arg5[%add3A_420] : memref<32800xf32, #tpu.memory_space<vmem>>[vector<16xi32>], vector<16xf32>,
          %add3A_422 = arith.constant 19475 : i32
          %add3A_423 = vector.broadcast %add3A_422 : i32 to vector<16xi32>
          %add3A_424 = arith.addi %get3A_251, %add3A_423 : vector<16xi32>
          %gather3A_425 = tpu.vector_load_idx %arg5[%add3A_424] : memref<32800xf32, #tpu.memory_space<vmem>>[vector<16xi32>], vector<16xf32>,
          %add3A_426 = arith.constant 20500 : i32
          %add3A_427 = vector.broadcast %add3A_426 : i32 to vector<16xi32>
          %add3A_428 = arith.addi %get3A_251, %add3A_427 : vector<16xi32>
          %gather3A_429 = tpu.vector_load_idx %arg5[%add3A_428] : memref<32800xf32, #tpu.memory_space<vmem>>[vector<16xi32>], vector<16xf32>,
          %add3A_430 = arith.constant 21525 : i32
          %add3A_431 = vector.broadcast %add3A_430 : i32 to vector<16xi32>
          %add3A_432 = arith.addi %get3A_251, %add3A_431 : vector<16xi32>
          %gather3A_433 = tpu.vector_load_idx %arg5[%add3A_432] : memref<32800xf32, #tpu.memory_space<vmem>>[vector<16xi32>], vector<16xf32>,
          %add3A_434 = arith.constant 22550 : i32
          %add3A_435 = vector.broadcast %add3A_434 : i32 to vector<16xi32>
          %add3A_436 = arith.addi %get3A_251, %add3A_435 : vector<16xi32>
          %gather3A_437 = tpu.vector_load_idx %arg5[%add3A_436] : memref<32800xf32, #tpu.memory_space<vmem>>[vector<16xi32>], vector<16xf32>,
          %add3A_438 = arith.constant 23575 : i32
          %add3A_439 = vector.broadcast %add3A_438 : i32 to vector<16xi32>
          %add3A_440 = arith.addi %get3A_251, %add3A_439 : vector<16xi32>
          %gather3A_441 = tpu.vector_load_idx %arg5[%add3A_440] : memref<32800xf32, #tpu.memory_space<vmem>>[vector<16xi32>], vector<16xf32>,
          %add3A_442 = arith.constant 24600 : i32
          %add3A_443 = vector.broadcast %add3A_442 : i32 to vector<16xi32>
          %add3A_444 = arith.addi %get3A_251, %add3A_443 : vector<16xi32>
          %gather3A_445 = tpu.vector_load_idx %arg5[%add3A_444] : memref<32800xf32, #tpu.memory_space<vmem>>[vector<16xi32>], vector<16xf32>,
          %add3A_446 = arith.constant 25625 : i32
          %add3A_447 = vector.broadcast %add3A_446 : i32 to vector<16xi32>
          %add3A_448 = arith.addi %get3A_251, %add3A_447 : vector<16xi32>
          %gather3A_449 = tpu.vector_load_idx %arg5[%add3A_448] : memref<32800xf32, #tpu.memory_space<vmem>>[vector<16xi32>], vector<16xf32>,
          %add3A_450 = arith.constant 26650 : i32
          %add3A_451 = vector.broadcast %add3A_450 : i32 to vector<16xi32>
          %add3A_452 = arith.addi %get3A_251, %add3A_451 : vector<16xi32>
          %gather3A_453 = tpu.vector_load_idx %arg5[%add3A_452] : memref<32800xf32, #tpu.memory_space<vmem>>[vector<16xi32>], vector<16xf32>,
          %add3A_454 = arith.constant 27675 : i32
          %add3A_455 = vector.broadcast %add3A_454 : i32 to vector<16xi32>
          %add3A_456 = arith.addi %get3A_251, %add3A_455 : vector<16xi32>
          %gather3A_457 = tpu.vector_load_idx %arg5[%add3A_456] : memref<32800xf32, #tpu.memory_space<vmem>>[vector<16xi32>], vector<16xf32>,
          %add3A_458 = arith.constant 28700 : i32
          %add3A_459 = vector.broadcast %add3A_458 : i32 to vector<16xi32>
          %add3A_460 = arith.addi %get3A_251, %add3A_459 : vector<16xi32>
          %gather3A_461 = tpu.vector_load_idx %arg5[%add3A_460] : memref<32800xf32, #tpu.memory_space<vmem>>[vector<16xi32>], vector<16xf32>,
          %add3A_462 = arith.constant 29725 : i32
          %add3A_463 = vector.broadcast %add3A_462 : i32 to vector<16xi32>
          %add3A_464 = arith.addi %get3A_251, %add3A_463 : vector<16xi32>
          %gather3A_465 = tpu.vector_load_idx %arg5[%add3A_464] : memref<32800xf32, #tpu.memory_space<vmem>>[vector<16xi32>], vector<16xf32>,
          %add3A_466 = arith.constant 30750 : i32
          %add3A_467 = vector.broadcast %add3A_466 : i32 to vector<16xi32>
          %add3A_468 = arith.addi %get3A_251, %add3A_467 : vector<16xi32>
          %gather3A_469 = tpu.vector_load_idx %arg5[%add3A_468] : memref<32800xf32, #tpu.memory_space<vmem>>[vector<16xi32>], vector<16xf32>,
          %add3A_470 = arith.constant 31775 : i32
          %add3A_471 = vector.broadcast %add3A_470 : i32 to vector<16xi32>
          %add3A_472 = arith.addi %get3A_251, %add3A_471 : vector<16xi32>
          %gather3A_473 = tpu.vector_load_idx %arg5[%add3A_472] : memref<32800xf32, #tpu.memory_space<vmem>>[vector<16xi32>], vector<16xf32>,
          %mul3A_474 = arith.constant 16 : i32
          %mul3A_475 = arith.muli %add3A_228, %mul3A_474 : i32
          %swap3A_476 = arith.constant 16 : i32
          %swap3A_477 = arith.index_cast %swap3A_476 : i32 to index
          %swap3A_478 = arith.index_cast %mul3A_475 : i32 to index
          %swap3A_479 = tpu.vector_load %arg8[%swap3A_477, %swap3A_478] {strides = array<i32>} : memref<32x512xf32, #tpu.memory_space<vmem>>, vector<16xf32>,
          tpu.vector_store %arg8[%swap3A_477, %swap3A_478], %gather3A_413 {strides = array<i32>} : memref<32x512xf32, #tpu.memory_space<vmem>>, vector<16xf32>,
          %mul3A_480 = arith.constant 16 : i32
          %mul3A_481 = arith.muli %add3A_228, %mul3A_480 : i32
          %swap3A_482 = arith.constant 17 : i32
          %swap3A_483 = arith.index_cast %swap3A_482 : i32 to index
          %swap3A_484 = arith.index_cast %mul3A_481 : i32 to index
          %swap3A_485 = tpu.vector_load %arg8[%swap3A_483, %swap3A_484] {strides = array<i32>} : memref<32x512xf32, #tpu.memory_space<vmem>>, vector<16xf32>,
          tpu.vector_store %arg8[%swap3A_483, %swap3A_484], %gather3A_417 {strides = array<i32>} : memref<32x512xf32, #tpu.memory_space<vmem>>, vector<16xf32>,
          %mul3A_486 = arith.constant 16 : i32
          %mul3A_487 = arith.muli %add3A_228, %mul3A_486 : i32
          %swap3A_488 = arith.constant 18 : i32
          %swap3A_489 = arith.index_cast %swap3A_488 : i32 to index
          %swap3A_490 = arith.index_cast %mul3A_487 : i32 to index
          %swap3A_491 = tpu.vector_load %arg8[%swap3A_489, %swap3A_490] {strides = array<i32>} : memref<32x512xf32, #tpu.memory_space<vmem>>, vector<16xf32>,
          tpu.vector_store %arg8[%swap3A_489, %swap3A_490], %gather3A_421 {strides = array<i32>} : memref<32x512xf32, #tpu.memory_space<vmem>>, vector<16xf32>,
          %mul3A_492 = arith.constant 16 : i32
          %mul3A_493 = arith.muli %add3A_228, %mul3A_492 : i32
          %swap3A_494 = arith.constant 19 : i32
          %swap3A_495 = arith.index_cast %swap3A_494 : i32 to index
          %swap3A_496 = arith.index_cast %mul3A_493 : i32 to index
          %swap3A_497 = tpu.vector_load %arg8[%swap3A_495, %swap3A_496] {strides = array<i32>} : memref<32x512xf32, #tpu.memory_space<vmem>>, vector<16xf32>,
          tpu.vector_store %arg8[%swap3A_495, %swap3A_496], %gather3A_425 {strides = array<i32>} : memref<32x512xf32, #tpu.memory_space<vmem>>, vector<16xf32>,
          %mul3A_498 = arith.constant 16 : i32
          %mul3A_499 = arith.muli %add3A_228, %mul3A_498 : i32
          %swap3A_500 = arith.constant 20 : i32
          %swap3A_501 = arith.index_cast %swap3A_500 : i32 to index
          %swap3A_502 = arith.index_cast %mul3A_499 : i32 to index
          %swap3A_503 = tpu.vector_load %arg8[%swap3A_501, %swap3A_502] {strides = array<i32>} : memref<32x512xf32, #tpu.memory_space<vmem>>, vector<16xf32>,
          tpu.vector_store %arg8[%swap3A_501, %swap3A_502], %gather3A_429 {strides = array<i32>} : memref<32x512xf32, #tpu.memory_space<vmem>>, vector<16xf32>,
          %mul3A_504 = arith.constant 16 : i32
          %mul3A_505 = arith.muli %add3A_228, %mul3A_504 : i32
          %swap3A_506 = arith.constant 21 : i32
          %swap3A_507 = arith.index_cast %swap3A_506 : i32 to index
          %swap3A_508 = arith.index_cast %mul3A_505 : i32 to index
          %swap3A_509 = tpu.vector_load %arg8[%swap3A_507, %swap3A_508] {strides = array<i32>} : memref<32x512xf32, #tpu.memory_space<vmem>>, vector<16xf32>,
          tpu.vector_store %arg8[%swap3A_507, %swap3A_508], %gather3A_433 {strides = array<i32>} : memref<32x512xf32, #tpu.memory_space<vmem>>, vector<16xf32>,
          %mul3A_510 = arith.constant 16 : i32
          %mul3A_511 = arith.muli %add3A_228, %mul3A_510 : i32
          %swap3A_512 = arith.constant 22 : i32
          %swap3A_513 = arith.index_cast %swap3A_512 : i32 to index
          %swap3A_514 = arith.index_cast %mul3A_511 : i32 to index
          %swap3A_515 = tpu.vector_load %arg8[%swap3A_513, %swap3A_514] {strides = array<i32>} : memref<32x512xf32, #tpu.memory_space<vmem>>, vector<16xf32>,
          tpu.vector_store %arg8[%swap3A_513, %swap3A_514], %gather3A_437 {strides = array<i32>} : memref<32x512xf32, #tpu.memory_space<vmem>>, vector<16xf32>,
          %mul3A_516 = arith.constant 16 : i32
          %mul3A_517 = arith.muli %add3A_228, %mul3A_516 : i32
          %swap3A_518 = arith.constant 23 : i32
          %swap3A_519 = arith.index_cast %swap3A_518 : i32 to index
          %swap3A_520 = arith.index_cast %mul3A_517 : i32 to index
          %swap3A_521 = tpu.vector_load %arg8[%swap3A_519, %swap3A_520] {strides = array<i32>} : memref<32x512xf32, #tpu.memory_space<vmem>>, vector<16xf32>,
          tpu.vector_store %arg8[%swap3A_519, %swap3A_520], %gather3A_441 {strides = array<i32>} : memref<32x512xf32, #tpu.memory_space<vmem>>, vector<16xf32>,
          %mul3A_522 = arith.constant 16 : i32
          %mul3A_523 = arith.muli %add3A_228, %mul3A_522 : i32
          %swap3A_524 = arith.constant 24 : i32
          %swap3A_525 = arith.index_cast %swap3A_524 : i32 to index
          %swap3A_526 = arith.index_cast %mul3A_523 : i32 to index
          %swap3A_527 = tpu.vector_load %arg8[%swap3A_525, %swap3A_526] {strides = array<i32>} : memref<32x512xf32, #tpu.memory_space<vmem>>, vector<16xf32>,
          tpu.vector_store %arg8[%swap3A_525, %swap3A_526], %gather3A_445 {strides = array<i32>} : memref<32x512xf32, #tpu.memory_space<vmem>>, vector<16xf32>,
          %mul3A_528 = arith.constant 16 : i32
          %mul3A_529 = arith.muli %add3A_228, %mul3A_528 : i32
          %swap3A_530 = arith.constant 25 : i32
          %swap3A_531 = arith.index_cast %swap3A_530 : i32 to index
          %swap3A_532 = arith.index_cast %mul3A_529 : i32 to index
          %swap3A_533 = tpu.vector_load %arg8[%swap3A_531, %swap3A_532] {strides = array<i32>} : memref<32x512xf32, #tpu.memory_space<vmem>>, vector<16xf32>,
          tpu.vector_store %arg8[%swap3A_531, %swap3A_532], %gather3A_449 {strides = array<i32>} : memref<32x512xf32, #tpu.memory_space<vmem>>, vector<16xf32>,
          %mul3A_534 = arith.constant 16 : i32
          %mul3A_535 = arith.muli %add3A_228, %mul3A_534 : i32
          %swap3A_536 = arith.constant 26 : i32
          %swap3A_537 = arith.index_cast %swap3A_536 : i32 to index
          %swap3A_538 = arith.index_cast %mul3A_535 : i32 to index
          %swap3A_539 = tpu.vector_load %arg8[%swap3A_537, %swap3A_538] {strides = array<i32>} : memref<32x512xf32, #tpu.memory_space<vmem>>, vector<16xf32>,
          tpu.vector_store %arg8[%swap3A_537, %swap3A_538], %gather3A_453 {strides = array<i32>} : memref<32x512xf32, #tpu.memory_space<vmem>>, vector<16xf32>,
          %mul3A_540 = arith.constant 16 : i32
          %mul3A_541 = arith.muli %add3A_228, %mul3A_540 : i32
          %swap3A_542 = arith.constant 27 : i32
          %swap3A_543 = arith.index_cast %swap3A_542 : i32 to index
          %swap3A_544 = arith.index_cast %mul3A_541 : i32 to index
          %swap3A_545 = tpu.vector_load %arg8[%swap3A_543, %swap3A_544] {strides = array<i32>} : memref<32x512xf32, #tpu.memory_space<vmem>>, vector<16xf32>,
          tpu.vector_store %arg8[%swap3A_543, %swap3A_544], %gather3A_457 {strides = array<i32>} : memref<32x512xf32, #tpu.memory_space<vmem>>, vector<16xf32>,
          %mul3A_546 = arith.constant 16 : i32
          %mul3A_547 = arith.muli %add3A_228, %mul3A_546 : i32
          %swap3A_548 = arith.constant 28 : i32
          %swap3A_549 = arith.index_cast %swap3A_548 : i32 to index
          %swap3A_550 = arith.index_cast %mul3A_547 : i32 to index
          %swap3A_551 = tpu.vector_load %arg8[%swap3A_549, %swap3A_550] {strides = array<i32>} : memref<32x512xf32, #tpu.memory_space<vmem>>, vector<16xf32>,
          tpu.vector_store %arg8[%swap3A_549, %swap3A_550], %gather3A_461 {strides = array<i32>} : memref<32x512xf32, #tpu.memory_space<vmem>>, vector<16xf32>,
          %mul3A_552 = arith.constant 16 : i32
          %mul3A_553 = arith.muli %add3A_228, %mul3A_552 : i32
          %swap3A_554 = arith.constant 29 : i32
          %swap3A_555 = arith.index_cast %swap3A_554 : i32 to index
          %swap3A_556 = arith.index_cast %mul3A_553 : i32 to index
          %swap3A_557 = tpu.vector_load %arg8[%swap3A_555, %swap3A_556] {strides = array<i32>} : memref<32x512xf32, #tpu.memory_space<vmem>>, vector<16xf32>,
          tpu.vector_store %arg8[%swap3A_555, %swap3A_556], %gather3A_465 {strides = array<i32>} : memref<32x512xf32, #tpu.memory_space<vmem>>, vector<16xf32>,
          %mul3A_558 = arith.constant 16 : i32
          %mul3A_559 = arith.muli %add3A_228, %mul3A_558 : i32
          %swap3A_560 = arith.constant 30 : i32
          %swap3A_561 = arith.index_cast %swap3A_560 : i32 to index
          %swap3A_562 = arith.index_cast %mul3A_559 : i32 to index
          %swap3A_563 = tpu.vector_load %arg8[%swap3A_561, %swap3A_562] {strides = array<i32>} : memref<32x512xf32, #tpu.memory_space<vmem>>, vector<16xf32>,
          tpu.vector_store %arg8[%swap3A_561, %swap3A_562], %gather3A_469 {strides = array<i32>} : memref<32x512xf32, #tpu.memory_space<vmem>>, vector<16xf32>,
          %mul3A_564 = arith.constant 16 : i32
          %mul3A_565 = arith.muli %add3A_228, %mul3A_564 : i32
          %swap3A_566 = arith.constant 31 : i32
          %swap3A_567 = arith.index_cast %swap3A_566 : i32 to index
          %swap3A_568 = arith.index_cast %mul3A_565 : i32 to index
          %swap3A_569 = tpu.vector_load %arg8[%swap3A_567, %swap3A_568] {strides = array<i32>} : memref<32x512xf32, #tpu.memory_space<vmem>>, vector<16xf32>,
          tpu.vector_store %arg8[%swap3A_567, %swap3A_568], %gather3A_473 {strides = array<i32>} : memref<32x512xf32, #tpu.memory_space<vmem>>, vector<16xf32>,
          %scan3A_570 = arith.constant 1 : i32
          %scan3A_571 = arith.addi %scan3A_224, %scan3A_570 : i32
          %mul3A_572 = arith.constant 1 : i32
          %mul3A_573 = arith.muli %scan3A_571, %mul3A_572 : i32
          %add3A_574 = arith.constant 0 : i32
          %add3A_575 = arith.addi %add3A_574, %mul3A_573 : i32
          %jit3A_576 = arith.constant 2 : i32
          %eq3A_577 = arith.constant 0 : i32
          %eq3A_578 = arith.cmpi eq, %jit3A_576, %eq3A_577 : i32
          %jit3A_579 = arith.constant 1 : i32
          %select_n3A_580 = arith.select %eq3A_578, %jit3A_579, %jit3A_576 : i32
          %rem3A_581 = arith.remsi %add3A_160, %select_n3A_580 : i32
          %ne3A_582 = arith.constant 0 : i32
          %ne3A_583 = arith.cmpi ne, %rem3A_581, %ne3A_582 : i32
          %lt3A_584 = arith.constant 0 : i32
          %lt3A_585 = arith.cmpi slt, %rem3A_581, %lt3A_584 : i32
          %lt3A_586 = arith.constant 0 : i32
          %lt3A_587 = arith.cmpi slt, %select_n3A_580, %lt3A_586 : i32
          %ne3A_588 = arith.xori %lt3A_585, %lt3A_587 : i1
          %and3A_589 = arith.andi %ne3A_588, %ne3A_583 : i1
          %add3A_590 = arith.addi %rem3A_581, %select_n3A_580 : i32
          %select_n3A_591 = arith.select %and3A_589, %add3A_590, %rem3A_581 : i32
          %mul3A_592 = arith.constant 512 : i32
          %mul3A_593 = arith.muli %select_n3A_591, %mul3A_592 : i32
          %mul3A_594 = arith.constant 16 : i32
          %mul3A_595 = arith.muli %add3A_575, %mul3A_594 : i32
          %add3A_596 = arith.addi %mul3A_593, %mul3A_595 : i32
          %get3A_597 = arith.index_cast %select_n3A_184 : i32 to index
          %get3A_598 = arith.index_cast %add3A_596 : i32 to index
          %get3A_599 = tpu.vector_load %arg6[%get3A_597, %get3A_598] {strides = array<i32>} : memref<20x1024xi32, #tpu.memory_space<vmem>>, vector<16xi32>,
          %add3A_600 = arith.constant 0 : i32
          %add3A_601 = vector.broadcast %add3A_600 : i32 to vector<16xi32>
          %add3A_602 = arith.addi %get3A_599, %add3A_601 : vector<16xi32>
          %gather3A_603 = tpu.vector_load_idx %arg5[%add3A_602] : memref<32800xf32, #tpu.memory_space<vmem>>[vector<16xi32>], vector<16xf32>,
          %add3A_604 = arith.constant 1025 : i32
          %add3A_605 = vector.broadcast %add3A_604 : i32 to vector<16xi32>
          %add3A_606 = arith.addi %get3A_599, %add3A_605 : vector<16xi32>
          %gather3A_607 = tpu.vector_load_idx %arg5[%add3A_606] : memref<32800xf32, #tpu.memory_space<vmem>>[vector<16xi32>], vector<16xf32>,
          %add3A_608 = arith.constant 2050 : i32
          %add3A_609 = vector.broadcast %add3A_608 : i32 to vector<16xi32>
          %add3A_610 = arith.addi %get3A_599, %add3A_609 : vector<16xi32>
          %gather3A_611 = tpu.vector_load_idx %arg5[%add3A_610] : memref<32800xf32, #tpu.memory_space<vmem>>[vector<16xi32>], vector<16xf32>,
          %add3A_612 = arith.constant 3075 : i32
          %add3A_613 = vector.broadcast %add3A_612 : i32 to vector<16xi32>
          %add3A_614 = arith.addi %get3A_599, %add3A_613 : vector<16xi32>
          %gather3A_615 = tpu.vector_load_idx %arg5[%add3A_614] : memref<32800xf32, #tpu.memory_space<vmem>>[vector<16xi32>], vector<16xf32>,
          %add3A_616 = arith.constant 4100 : i32
          %add3A_617 = vector.broadcast %add3A_616 : i32 to vector<16xi32>
          %add3A_618 = arith.addi %get3A_599, %add3A_617 : vector<16xi32>
          %gather3A_619 = tpu.vector_load_idx %arg5[%add3A_618] : memref<32800xf32, #tpu.memory_space<vmem>>[vector<16xi32>], vector<16xf32>,
          %add3A_620 = arith.constant 5125 : i32
          %add3A_621 = vector.broadcast %add3A_620 : i32 to vector<16xi32>
          %add3A_622 = arith.addi %get3A_599, %add3A_621 : vector<16xi32>
          %gather3A_623 = tpu.vector_load_idx %arg5[%add3A_622] : memref<32800xf32, #tpu.memory_space<vmem>>[vector<16xi32>], vector<16xf32>,
          %add3A_624 = arith.constant 6150 : i32
          %add3A_625 = vector.broadcast %add3A_624 : i32 to vector<16xi32>
          %add3A_626 = arith.addi %get3A_599, %add3A_625 : vector<16xi32>
          %gather3A_627 = tpu.vector_load_idx %arg5[%add3A_626] : memref<32800xf32, #tpu.memory_space<vmem>>[vector<16xi32>], vector<16xf32>,
          %add3A_628 = arith.constant 7175 : i32
          %add3A_629 = vector.broadcast %add3A_628 : i32 to vector<16xi32>
          %add3A_630 = arith.addi %get3A_599, %add3A_629 : vector<16xi32>
          %gather3A_631 = tpu.vector_load_idx %arg5[%add3A_630] : memref<32800xf32, #tpu.memory_space<vmem>>[vector<16xi32>], vector<16xf32>,
          %add3A_632 = arith.constant 8200 : i32
          %add3A_633 = vector.broadcast %add3A_632 : i32 to vector<16xi32>
          %add3A_634 = arith.addi %get3A_599, %add3A_633 : vector<16xi32>
          %gather3A_635 = tpu.vector_load_idx %arg5[%add3A_634] : memref<32800xf32, #tpu.memory_space<vmem>>[vector<16xi32>], vector<16xf32>,
          %add3A_636 = arith.constant 9225 : i32
          %add3A_637 = vector.broadcast %add3A_636 : i32 to vector<16xi32>
          %add3A_638 = arith.addi %get3A_599, %add3A_637 : vector<16xi32>
          %gather3A_639 = tpu.vector_load_idx %arg5[%add3A_638] : memref<32800xf32, #tpu.memory_space<vmem>>[vector<16xi32>], vector<16xf32>,
          %add3A_640 = arith.constant 10250 : i32
          %add3A_641 = vector.broadcast %add3A_640 : i32 to vector<16xi32>
          %add3A_642 = arith.addi %get3A_599, %add3A_641 : vector<16xi32>
          %gather3A_643 = tpu.vector_load_idx %arg5[%add3A_642] : memref<32800xf32, #tpu.memory_space<vmem>>[vector<16xi32>], vector<16xf32>,
          %add3A_644 = arith.constant 11275 : i32
          %add3A_645 = vector.broadcast %add3A_644 : i32 to vector<16xi32>
          %add3A_646 = arith.addi %get3A_599, %add3A_645 : vector<16xi32>
          %gather3A_647 = tpu.vector_load_idx %arg5[%add3A_646] : memref<32800xf32, #tpu.memory_space<vmem>>[vector<16xi32>], vector<16xf32>,
          %add3A_648 = arith.constant 12300 : i32
          %add3A_649 = vector.broadcast %add3A_648 : i32 to vector<16xi32>
          %add3A_650 = arith.addi %get3A_599, %add3A_649 : vector<16xi32>
          %gather3A_651 = tpu.vector_load_idx %arg5[%add3A_650] : memref<32800xf32, #tpu.memory_space<vmem>>[vector<16xi32>], vector<16xf32>,
          %add3A_652 = arith.constant 13325 : i32
          %add3A_653 = vector.broadcast %add3A_652 : i32 to vector<16xi32>
          %add3A_654 = arith.addi %get3A_599, %add3A_653 : vector<16xi32>
          %gather3A_655 = tpu.vector_load_idx %arg5[%add3A_654] : memref<32800xf32, #tpu.memory_space<vmem>>[vector<16xi32>], vector<16xf32>,
          %add3A_656 = arith.constant 14350 : i32
          %add3A_657 = vector.broadcast %add3A_656 : i32 to vector<16xi32>
          %add3A_658 = arith.addi %get3A_599, %add3A_657 : vector<16xi32>
          %gather3A_659 = tpu.vector_load_idx %arg5[%add3A_658] : memref<32800xf32, #tpu.memory_space<vmem>>[vector<16xi32>], vector<16xf32>,
          %add3A_660 = arith.constant 15375 : i32
          %add3A_661 = vector.broadcast %add3A_660 : i32 to vector<16xi32>
          %add3A_662 = arith.addi %get3A_599, %add3A_661 : vector<16xi32>
          %gather3A_663 = tpu.vector_load_idx %arg5[%add3A_662] : memref<32800xf32, #tpu.memory_space<vmem>>[vector<16xi32>], vector<16xf32>,
          %mul3A_664 = arith.constant 16 : i32
          %mul3A_665 = arith.muli %add3A_575, %mul3A_664 : i32
          %swap3A_666 = arith.constant 0 : i32
          %swap3A_667 = arith.index_cast %swap3A_666 : i32 to index
          %swap3A_668 = arith.index_cast %mul3A_665 : i32 to index
          %swap3A_669 = tpu.vector_load %arg8[%swap3A_667, %swap3A_668] {strides = array<i32>} : memref<32x512xf32, #tpu.memory_space<vmem>>, vector<16xf32>,
          tpu.vector_store %arg8[%swap3A_667, %swap3A_668], %gather3A_603 {strides = array<i32>} : memref<32x512xf32, #tpu.memory_space<vmem>>, vector<16xf32>,
          %mul3A_670 = arith.constant 16 : i32
          %mul3A_671 = arith.muli %add3A_575, %mul3A_670 : i32
          %swap3A_672 = arith.constant 1 : i32
          %swap3A_673 = arith.index_cast %swap3A_672 : i32 to index
          %swap3A_674 = arith.index_cast %mul3A_671 : i32 to index
          %swap3A_675 = tpu.vector_load %arg8[%swap3A_673, %swap3A_674] {strides = array<i32>} : memref<32x512xf32, #tpu.memory_space<vmem>>, vector<16xf32>,
          tpu.vector_store %arg8[%swap3A_673, %swap3A_674], %gather3A_607 {strides = array<i32>} : memref<32x512xf32, #tpu.memory_space<vmem>>, vector<16xf32>,
          %mul3A_676 = arith.constant 16 : i32
          %mul3A_677 = arith.muli %add3A_575, %mul3A_676 : i32
          %swap3A_678 = arith.constant 2 : i32
          %swap3A_679 = arith.index_cast %swap3A_678 : i32 to index
          %swap3A_680 = arith.index_cast %mul3A_677 : i32 to index
          %swap3A_681 = tpu.vector_load %arg8[%swap3A_679, %swap3A_680] {strides = array<i32>} : memref<32x512xf32, #tpu.memory_space<vmem>>, vector<16xf32>,
          tpu.vector_store %arg8[%swap3A_679, %swap3A_680], %gather3A_611 {strides = array<i32>} : memref<32x512xf32, #tpu.memory_space<vmem>>, vector<16xf32>,
          %mul3A_682 = arith.constant 16 : i32
          %mul3A_683 = arith.muli %add3A_575, %mul3A_682 : i32
          %swap3A_684 = arith.constant 3 : i32
          %swap3A_685 = arith.index_cast %swap3A_684 : i32 to index
          %swap3A_686 = arith.index_cast %mul3A_683 : i32 to index
          %swap3A_687 = tpu.vector_load %arg8[%swap3A_685, %swap3A_686] {strides = array<i32>} : memref<32x512xf32, #tpu.memory_space<vmem>>, vector<16xf32>,
          tpu.vector_store %arg8[%swap3A_685, %swap3A_686], %gather3A_615 {strides = array<i32>} : memref<32x512xf32, #tpu.memory_space<vmem>>, vector<16xf32>,
          %mul3A_688 = arith.constant 16 : i32
          %mul3A_689 = arith.muli %add3A_575, %mul3A_688 : i32
          %swap3A_690 = arith.constant 4 : i32
          %swap3A_691 = arith.index_cast %swap3A_690 : i32 to index
          %swap3A_692 = arith.index_cast %mul3A_689 : i32 to index
          %swap3A_693 = tpu.vector_load %arg8[%swap3A_691, %swap3A_692] {strides = array<i32>} : memref<32x512xf32, #tpu.memory_space<vmem>>, vector<16xf32>,
          tpu.vector_store %arg8[%swap3A_691, %swap3A_692], %gather3A_619 {strides = array<i32>} : memref<32x512xf32, #tpu.memory_space<vmem>>, vector<16xf32>,
          %mul3A_694 = arith.constant 16 : i32
          %mul3A_695 = arith.muli %add3A_575, %mul3A_694 : i32
          %swap3A_696 = arith.constant 5 : i32
          %swap3A_697 = arith.index_cast %swap3A_696 : i32 to index
          %swap3A_698 = arith.index_cast %mul3A_695 : i32 to index
          %swap3A_699 = tpu.vector_load %arg8[%swap3A_697, %swap3A_698] {strides = array<i32>} : memref<32x512xf32, #tpu.memory_space<vmem>>, vector<16xf32>,
          tpu.vector_store %arg8[%swap3A_697, %swap3A_698], %gather3A_623 {strides = array<i32>} : memref<32x512xf32, #tpu.memory_space<vmem>>, vector<16xf32>,
          %mul3A_700 = arith.constant 16 : i32
          %mul3A_701 = arith.muli %add3A_575, %mul3A_700 : i32
          %swap3A_702 = arith.constant 6 : i32
          %swap3A_703 = arith.index_cast %swap3A_702 : i32 to index
          %swap3A_704 = arith.index_cast %mul3A_701 : i32 to index
          %swap3A_705 = tpu.vector_load %arg8[%swap3A_703, %swap3A_704] {strides = array<i32>} : memref<32x512xf32, #tpu.memory_space<vmem>>, vector<16xf32>,
          tpu.vector_store %arg8[%swap3A_703, %swap3A_704], %gather3A_627 {strides = array<i32>} : memref<32x512xf32, #tpu.memory_space<vmem>>, vector<16xf32>,
          %mul3A_706 = arith.constant 16 : i32
          %mul3A_707 = arith.muli %add3A_575, %mul3A_706 : i32
          %swap3A_708 = arith.constant 7 : i32
          %swap3A_709 = arith.index_cast %swap3A_708 : i32 to index
          %swap3A_710 = arith.index_cast %mul3A_707 : i32 to index
          %swap3A_711 = tpu.vector_load %arg8[%swap3A_709, %swap3A_710] {strides = array<i32>} : memref<32x512xf32, #tpu.memory_space<vmem>>, vector<16xf32>,
          tpu.vector_store %arg8[%swap3A_709, %swap3A_710], %gather3A_631 {strides = array<i32>} : memref<32x512xf32, #tpu.memory_space<vmem>>, vector<16xf32>,
          %mul3A_712 = arith.constant 16 : i32
          %mul3A_713 = arith.muli %add3A_575, %mul3A_712 : i32
          %swap3A_714 = arith.constant 8 : i32
          %swap3A_715 = arith.index_cast %swap3A_714 : i32 to index
          %swap3A_716 = arith.index_cast %mul3A_713 : i32 to index
          %swap3A_717 = tpu.vector_load %arg8[%swap3A_715, %swap3A_716] {strides = array<i32>} : memref<32x512xf32, #tpu.memory_space<vmem>>, vector<16xf32>,
          tpu.vector_store %arg8[%swap3A_715, %swap3A_716], %gather3A_635 {strides = array<i32>} : memref<32x512xf32, #tpu.memory_space<vmem>>, vector<16xf32>,
          %mul3A_718 = arith.constant 16 : i32
          %mul3A_719 = arith.muli %add3A_575, %mul3A_718 : i32
          %swap3A_720 = arith.constant 9 : i32
          %swap3A_721 = arith.index_cast %swap3A_720 : i32 to index
          %swap3A_722 = arith.index_cast %mul3A_719 : i32 to index
          %swap3A_723 = tpu.vector_load %arg8[%swap3A_721, %swap3A_722] {strides = array<i32>} : memref<32x512xf32, #tpu.memory_space<vmem>>, vector<16xf32>,
          tpu.vector_store %arg8[%swap3A_721, %swap3A_722], %gather3A_639 {strides = array<i32>} : memref<32x512xf32, #tpu.memory_space<vmem>>, vector<16xf32>,
          %mul3A_724 = arith.constant 16 : i32
          %mul3A_725 = arith.muli %add3A_575, %mul3A_724 : i32
          %swap3A_726 = arith.constant 10 : i32
          %swap3A_727 = arith.index_cast %swap3A_726 : i32 to index
          %swap3A_728 = arith.index_cast %mul3A_725 : i32 to index
          %swap3A_729 = tpu.vector_load %arg8[%swap3A_727, %swap3A_728] {strides = array<i32>} : memref<32x512xf32, #tpu.memory_space<vmem>>, vector<16xf32>,
          tpu.vector_store %arg8[%swap3A_727, %swap3A_728], %gather3A_643 {strides = array<i32>} : memref<32x512xf32, #tpu.memory_space<vmem>>, vector<16xf32>,
          %mul3A_730 = arith.constant 16 : i32
          %mul3A_731 = arith.muli %add3A_575, %mul3A_730 : i32
          %swap3A_732 = arith.constant 11 : i32
          %swap3A_733 = arith.index_cast %swap3A_732 : i32 to index
          %swap3A_734 = arith.index_cast %mul3A_731 : i32 to index
          %swap3A_735 = tpu.vector_load %arg8[%swap3A_733, %swap3A_734] {strides = array<i32>} : memref<32x512xf32, #tpu.memory_space<vmem>>, vector<16xf32>,
          tpu.vector_store %arg8[%swap3A_733, %swap3A_734], %gather3A_647 {strides = array<i32>} : memref<32x512xf32, #tpu.memory_space<vmem>>, vector<16xf32>,
          %mul3A_736 = arith.constant 16 : i32
          %mul3A_737 = arith.muli %add3A_575, %mul3A_736 : i32
          %swap3A_738 = arith.constant 12 : i32
          %swap3A_739 = arith.index_cast %swap3A_738 : i32 to index
          %swap3A_740 = arith.index_cast %mul3A_737 : i32 to index
          %swap3A_741 = tpu.vector_load %arg8[%swap3A_739, %swap3A_740] {strides = array<i32>} : memref<32x512xf32, #tpu.memory_space<vmem>>, vector<16xf32>,
          tpu.vector_store %arg8[%swap3A_739, %swap3A_740], %gather3A_651 {strides = array<i32>} : memref<32x512xf32, #tpu.memory_space<vmem>>, vector<16xf32>,
          %mul3A_742 = arith.constant 16 : i32
          %mul3A_743 = arith.muli %add3A_575, %mul3A_742 : i32
          %swap3A_744 = arith.constant 13 : i32
          %swap3A_745 = arith.index_cast %swap3A_744 : i32 to index
          %swap3A_746 = arith.index_cast %mul3A_743 : i32 to index
          %swap3A_747 = tpu.vector_load %arg8[%swap3A_745, %swap3A_746] {strides = array<i32>} : memref<32x512xf32, #tpu.memory_space<vmem>>, vector<16xf32>,
          tpu.vector_store %arg8[%swap3A_745, %swap3A_746], %gather3A_655 {strides = array<i32>} : memref<32x512xf32, #tpu.memory_space<vmem>>, vector<16xf32>,
          %mul3A_748 = arith.constant 16 : i32
          %mul3A_749 = arith.muli %add3A_575, %mul3A_748 : i32
          %swap3A_750 = arith.constant 14 : i32
          %swap3A_751 = arith.index_cast %swap3A_750 : i32 to index
          %swap3A_752 = arith.index_cast %mul3A_749 : i32 to index
          %swap3A_753 = tpu.vector_load %arg8[%swap3A_751, %swap3A_752] {strides = array<i32>} : memref<32x512xf32, #tpu.memory_space<vmem>>, vector<16xf32>,
          tpu.vector_store %arg8[%swap3A_751, %swap3A_752], %gather3A_659 {strides = array<i32>} : memref<32x512xf32, #tpu.memory_space<vmem>>, vector<16xf32>,
          %mul3A_754 = arith.constant 16 : i32
          %mul3A_755 = arith.muli %add3A_575, %mul3A_754 : i32
          %swap3A_756 = arith.constant 15 : i32
          %swap3A_757 = arith.index_cast %swap3A_756 : i32 to index
          %swap3A_758 = arith.index_cast %mul3A_755 : i32 to index
          %swap3A_759 = tpu.vector_load %arg8[%swap3A_757, %swap3A_758] {strides = array<i32>} : memref<32x512xf32, #tpu.memory_space<vmem>>, vector<16xf32>,
          tpu.vector_store %arg8[%swap3A_757, %swap3A_758], %gather3A_663 {strides = array<i32>} : memref<32x512xf32, #tpu.memory_space<vmem>>, vector<16xf32>,
          %add3A_760 = arith.constant 16400 : i32
          %add3A_761 = vector.broadcast %add3A_760 : i32 to vector<16xi32>
          %add3A_762 = arith.addi %get3A_599, %add3A_761 : vector<16xi32>
          %gather3A_763 = tpu.vector_load_idx %arg5[%add3A_762] : memref<32800xf32, #tpu.memory_space<vmem>>[vector<16xi32>], vector<16xf32>,
          %add3A_764 = arith.constant 17425 : i32
          %add3A_765 = vector.broadcast %add3A_764 : i32 to vector<16xi32>
          %add3A_766 = arith.addi %get3A_599, %add3A_765 : vector<16xi32>
          %gather3A_767 = tpu.vector_load_idx %arg5[%add3A_766] : memref<32800xf32, #tpu.memory_space<vmem>>[vector<16xi32>], vector<16xf32>,
          %add3A_768 = arith.constant 18450 : i32
          %add3A_769 = vector.broadcast %add3A_768 : i32 to vector<16xi32>
          %add3A_770 = arith.addi %get3A_599, %add3A_769 : vector<16xi32>
          %gather3A_771 = tpu.vector_load_idx %arg5[%add3A_770] : memref<32800xf32, #tpu.memory_space<vmem>>[vector<16xi32>], vector<16xf32>,
          %add3A_772 = arith.constant 19475 : i32
          %add3A_773 = vector.broadcast %add3A_772 : i32 to vector<16xi32>
          %add3A_774 = arith.addi %get3A_599, %add3A_773 : vector<16xi32>
          %gather3A_775 = tpu.vector_load_idx %arg5[%add3A_774] : memref<32800xf32, #tpu.memory_space<vmem>>[vector<16xi32>], vector<16xf32>,
          %add3A_776 = arith.constant 20500 : i32
          %add3A_777 = vector.broadcast %add3A_776 : i32 to vector<16xi32>
          %add3A_778 = arith.addi %get3A_599, %add3A_777 : vector<16xi32>
          %gather3A_779 = tpu.vector_load_idx %arg5[%add3A_778] : memref<32800xf32, #tpu.memory_space<vmem>>[vector<16xi32>], vector<16xf32>,
          %add3A_780 = arith.constant 21525 : i32
          %add3A_781 = vector.broadcast %add3A_780 : i32 to vector<16xi32>
          %add3A_782 = arith.addi %get3A_599, %add3A_781 : vector<16xi32>
          %gather3A_783 = tpu.vector_load_idx %arg5[%add3A_782] : memref<32800xf32, #tpu.memory_space<vmem>>[vector<16xi32>], vector<16xf32>,
          %add3A_784 = arith.constant 22550 : i32
          %add3A_785 = vector.broadcast %add3A_784 : i32 to vector<16xi32>
          %add3A_786 = arith.addi %get3A_599, %add3A_785 : vector<16xi32>
          %gather3A_787 = tpu.vector_load_idx %arg5[%add3A_786] : memref<32800xf32, #tpu.memory_space<vmem>>[vector<16xi32>], vector<16xf32>,
          %add3A_788 = arith.constant 23575 : i32
          %add3A_789 = vector.broadcast %add3A_788 : i32 to vector<16xi32>
          %add3A_790 = arith.addi %get3A_599, %add3A_789 : vector<16xi32>
          %gather3A_791 = tpu.vector_load_idx %arg5[%add3A_790] : memref<32800xf32, #tpu.memory_space<vmem>>[vector<16xi32>], vector<16xf32>,
          %add3A_792 = arith.constant 24600 : i32
          %add3A_793 = vector.broadcast %add3A_792 : i32 to vector<16xi32>
          %add3A_794 = arith.addi %get3A_599, %add3A_793 : vector<16xi32>
          %gather3A_795 = tpu.vector_load_idx %arg5[%add3A_794] : memref<32800xf32, #tpu.memory_space<vmem>>[vector<16xi32>], vector<16xf32>,
          %add3A_796 = arith.constant 25625 : i32
          %add3A_797 = vector.broadcast %add3A_796 : i32 to vector<16xi32>
          %add3A_798 = arith.addi %get3A_599, %add3A_797 : vector<16xi32>
          %gather3A_799 = tpu.vector_load_idx %arg5[%add3A_798] : memref<32800xf32, #tpu.memory_space<vmem>>[vector<16xi32>], vector<16xf32>,
          %add3A_800 = arith.constant 26650 : i32
          %add3A_801 = vector.broadcast %add3A_800 : i32 to vector<16xi32>
          %add3A_802 = arith.addi %get3A_599, %add3A_801 : vector<16xi32>
          %gather3A_803 = tpu.vector_load_idx %arg5[%add3A_802] : memref<32800xf32, #tpu.memory_space<vmem>>[vector<16xi32>], vector<16xf32>,
          %add3A_804 = arith.constant 27675 : i32
          %add3A_805 = vector.broadcast %add3A_804 : i32 to vector<16xi32>
          %add3A_806 = arith.addi %get3A_599, %add3A_805 : vector<16xi32>
          %gather3A_807 = tpu.vector_load_idx %arg5[%add3A_806] : memref<32800xf32, #tpu.memory_space<vmem>>[vector<16xi32>], vector<16xf32>,
          %add3A_808 = arith.constant 28700 : i32
          %add3A_809 = vector.broadcast %add3A_808 : i32 to vector<16xi32>
          %add3A_810 = arith.addi %get3A_599, %add3A_809 : vector<16xi32>
          %gather3A_811 = tpu.vector_load_idx %arg5[%add3A_810] : memref<32800xf32, #tpu.memory_space<vmem>>[vector<16xi32>], vector<16xf32>,
          %add3A_812 = arith.constant 29725 : i32
          %add3A_813 = vector.broadcast %add3A_812 : i32 to vector<16xi32>
          %add3A_814 = arith.addi %get3A_599, %add3A_813 : vector<16xi32>
          %gather3A_815 = tpu.vector_load_idx %arg5[%add3A_814] : memref<32800xf32, #tpu.memory_space<vmem>>[vector<16xi32>], vector<16xf32>,
          %add3A_816 = arith.constant 30750 : i32
          %add3A_817 = vector.broadcast %add3A_816 : i32 to vector<16xi32>
          %add3A_818 = arith.addi %get3A_599, %add3A_817 : vector<16xi32>
          %gather3A_819 = tpu.vector_load_idx %arg5[%add3A_818] : memref<32800xf32, #tpu.memory_space<vmem>>[vector<16xi32>], vector<16xf32>,
          %add3A_820 = arith.constant 31775 : i32
          %add3A_821 = vector.broadcast %add3A_820 : i32 to vector<16xi32>
          %add3A_822 = arith.addi %get3A_599, %add3A_821 : vector<16xi32>
          %gather3A_823 = tpu.vector_load_idx %arg5[%add3A_822] : memref<32800xf32, #tpu.memory_space<vmem>>[vector<16xi32>], vector<16xf32>,
          %mul3A_824 = arith.constant 16 : i32
          %mul3A_825 = arith.muli %add3A_575, %mul3A_824 : i32
          %swap3A_826 = arith.constant 16 : i32
          %swap3A_827 = arith.index_cast %swap3A_826 : i32 to index
          %swap3A_828 = arith.index_cast %mul3A_825 : i32 to index
          %swap3A_829 = tpu.vector_load %arg8[%swap3A_827, %swap3A_828] {strides = array<i32>} : memref<32x512xf32, #tpu.memory_space<vmem>>, vector<16xf32>,
          tpu.vector_store %arg8[%swap3A_827, %swap3A_828], %gather3A_763 {strides = array<i32>} : memref<32x512xf32, #tpu.memory_space<vmem>>, vector<16xf32>,
          %mul3A_830 = arith.constant 16 : i32
          %mul3A_831 = arith.muli %add3A_575, %mul3A_830 : i32
          %swap3A_832 = arith.constant 17 : i32
          %swap3A_833 = arith.index_cast %swap3A_832 : i32 to index
          %swap3A_834 = arith.index_cast %mul3A_831 : i32 to index
          %swap3A_835 = tpu.vector_load %arg8[%swap3A_833, %swap3A_834] {strides = array<i32>} : memref<32x512xf32, #tpu.memory_space<vmem>>, vector<16xf32>,
          tpu.vector_store %arg8[%swap3A_833, %swap3A_834], %gather3A_767 {strides = array<i32>} : memref<32x512xf32, #tpu.memory_space<vmem>>, vector<16xf32>,
          %mul3A_836 = arith.constant 16 : i32
          %mul3A_837 = arith.muli %add3A_575, %mul3A_836 : i32
          %swap3A_838 = arith.constant 18 : i32
          %swap3A_839 = arith.index_cast %swap3A_838 : i32 to index
          %swap3A_840 = arith.index_cast %mul3A_837 : i32 to index
          %swap3A_841 = tpu.vector_load %arg8[%swap3A_839, %swap3A_840] {strides = array<i32>} : memref<32x512xf32, #tpu.memory_space<vmem>>, vector<16xf32>,
          tpu.vector_store %arg8[%swap3A_839, %swap3A_840], %gather3A_771 {strides = array<i32>} : memref<32x512xf32, #tpu.memory_space<vmem>>, vector<16xf32>,
          %mul3A_842 = arith.constant 16 : i32
          %mul3A_843 = arith.muli %add3A_575, %mul3A_842 : i32
          %swap3A_844 = arith.constant 19 : i32
          %swap3A_845 = arith.index_cast %swap3A_844 : i32 to index
          %swap3A_846 = arith.index_cast %mul3A_843 : i32 to index
          %swap3A_847 = tpu.vector_load %arg8[%swap3A_845, %swap3A_846] {strides = array<i32>} : memref<32x512xf32, #tpu.memory_space<vmem>>, vector<16xf32>,
          tpu.vector_store %arg8[%swap3A_845, %swap3A_846], %gather3A_775 {strides = array<i32>} : memref<32x512xf32, #tpu.memory_space<vmem>>, vector<16xf32>,
          %mul3A_848 = arith.constant 16 : i32
          %mul3A_849 = arith.muli %add3A_575, %mul3A_848 : i32
          %swap3A_850 = arith.constant 20 : i32
          %swap3A_851 = arith.index_cast %swap3A_850 : i32 to index
          %swap3A_852 = arith.index_cast %mul3A_849 : i32 to index
          %swap3A_853 = tpu.vector_load %arg8[%swap3A_851, %swap3A_852] {strides = array<i32>} : memref<32x512xf32, #tpu.memory_space<vmem>>, vector<16xf32>,
          tpu.vector_store %arg8[%swap3A_851, %swap3A_852], %gather3A_779 {strides = array<i32>} : memref<32x512xf32, #tpu.memory_space<vmem>>, vector<16xf32>,
          %mul3A_854 = arith.constant 16 : i32
          %mul3A_855 = arith.muli %add3A_575, %mul3A_854 : i32
          %swap3A_856 = arith.constant 21 : i32
          %swap3A_857 = arith.index_cast %swap3A_856 : i32 to index
          %swap3A_858 = arith.index_cast %mul3A_855 : i32 to index
          %swap3A_859 = tpu.vector_load %arg8[%swap3A_857, %swap3A_858] {strides = array<i32>} : memref<32x512xf32, #tpu.memory_space<vmem>>, vector<16xf32>,
          tpu.vector_store %arg8[%swap3A_857, %swap3A_858], %gather3A_783 {strides = array<i32>} : memref<32x512xf32, #tpu.memory_space<vmem>>, vector<16xf32>,
          %mul3A_860 = arith.constant 16 : i32
          %mul3A_861 = arith.muli %add3A_575, %mul3A_860 : i32
          %swap3A_862 = arith.constant 22 : i32
          %swap3A_863 = arith.index_cast %swap3A_862 : i32 to index
          %swap3A_864 = arith.index_cast %mul3A_861 : i32 to index
          %swap3A_865 = tpu.vector_load %arg8[%swap3A_863, %swap3A_864] {strides = array<i32>} : memref<32x512xf32, #tpu.memory_space<vmem>>, vector<16xf32>,
          tpu.vector_store %arg8[%swap3A_863, %swap3A_864], %gather3A_787 {strides = array<i32>} : memref<32x512xf32, #tpu.memory_space<vmem>>, vector<16xf32>,
          %mul3A_866 = arith.constant 16 : i32
          %mul3A_867 = arith.muli %add3A_575, %mul3A_866 : i32
          %swap3A_868 = arith.constant 23 : i32
          %swap3A_869 = arith.index_cast %swap3A_868 : i32 to index
          %swap3A_870 = arith.index_cast %mul3A_867 : i32 to index
          %swap3A_871 = tpu.vector_load %arg8[%swap3A_869, %swap3A_870] {strides = array<i32>} : memref<32x512xf32, #tpu.memory_space<vmem>>, vector<16xf32>,
          tpu.vector_store %arg8[%swap3A_869, %swap3A_870], %gather3A_791 {strides = array<i32>} : memref<32x512xf32, #tpu.memory_space<vmem>>, vector<16xf32>,
          %mul3A_872 = arith.constant 16 : i32
          %mul3A_873 = arith.muli %add3A_575, %mul3A_872 : i32
          %swap3A_874 = arith.constant 24 : i32
          %swap3A_875 = arith.index_cast %swap3A_874 : i32 to index
          %swap3A_876 = arith.index_cast %mul3A_873 : i32 to index
          %swap3A_877 = tpu.vector_load %arg8[%swap3A_875, %swap3A_876] {strides = array<i32>} : memref<32x512xf32, #tpu.memory_space<vmem>>, vector<16xf32>,
          tpu.vector_store %arg8[%swap3A_875, %swap3A_876], %gather3A_795 {strides = array<i32>} : memref<32x512xf32, #tpu.memory_space<vmem>>, vector<16xf32>,
          %mul3A_878 = arith.constant 16 : i32
          %mul3A_879 = arith.muli %add3A_575, %mul3A_878 : i32
          %swap3A_880 = arith.constant 25 : i32
          %swap3A_881 = arith.index_cast %swap3A_880 : i32 to index
          %swap3A_882 = arith.index_cast %mul3A_879 : i32 to index
          %swap3A_883 = tpu.vector_load %arg8[%swap3A_881, %swap3A_882] {strides = array<i32>} : memref<32x512xf32, #tpu.memory_space<vmem>>, vector<16xf32>,
          tpu.vector_store %arg8[%swap3A_881, %swap3A_882], %gather3A_799 {strides = array<i32>} : memref<32x512xf32, #tpu.memory_space<vmem>>, vector<16xf32>,
          %mul3A_884 = arith.constant 16 : i32
          %mul3A_885 = arith.muli %add3A_575, %mul3A_884 : i32
          %swap3A_886 = arith.constant 26 : i32
          %swap3A_887 = arith.index_cast %swap3A_886 : i32 to index
          %swap3A_888 = arith.index_cast %mul3A_885 : i32 to index
          %swap3A_889 = tpu.vector_load %arg8[%swap3A_887, %swap3A_888] {strides = array<i32>} : memref<32x512xf32, #tpu.memory_space<vmem>>, vector<16xf32>,
          tpu.vector_store %arg8[%swap3A_887, %swap3A_888], %gather3A_803 {strides = array<i32>} : memref<32x512xf32, #tpu.memory_space<vmem>>, vector<16xf32>,
          %mul3A_890 = arith.constant 16 : i32
          %mul3A_891 = arith.muli %add3A_575, %mul3A_890 : i32
          %swap3A_892 = arith.constant 27 : i32
          %swap3A_893 = arith.index_cast %swap3A_892 : i32 to index
          %swap3A_894 = arith.index_cast %mul3A_891 : i32 to index
          %swap3A_895 = tpu.vector_load %arg8[%swap3A_893, %swap3A_894] {strides = array<i32>} : memref<32x512xf32, #tpu.memory_space<vmem>>, vector<16xf32>,
          tpu.vector_store %arg8[%swap3A_893, %swap3A_894], %gather3A_807 {strides = array<i32>} : memref<32x512xf32, #tpu.memory_space<vmem>>, vector<16xf32>,
          %mul3A_896 = arith.constant 16 : i32
          %mul3A_897 = arith.muli %add3A_575, %mul3A_896 : i32
          %swap3A_898 = arith.constant 28 : i32
          %swap3A_899 = arith.index_cast %swap3A_898 : i32 to index
          %swap3A_900 = arith.index_cast %mul3A_897 : i32 to index
          %swap3A_901 = tpu.vector_load %arg8[%swap3A_899, %swap3A_900] {strides = array<i32>} : memref<32x512xf32, #tpu.memory_space<vmem>>, vector<16xf32>,
          tpu.vector_store %arg8[%swap3A_899, %swap3A_900], %gather3A_811 {strides = array<i32>} : memref<32x512xf32, #tpu.memory_space<vmem>>, vector<16xf32>,
          %mul3A_902 = arith.constant 16 : i32
          %mul3A_903 = arith.muli %add3A_575, %mul3A_902 : i32
          %swap3A_904 = arith.constant 29 : i32
          %swap3A_905 = arith.index_cast %swap3A_904 : i32 to index
          %swap3A_906 = arith.index_cast %mul3A_903 : i32 to index
          %swap3A_907 = tpu.vector_load %arg8[%swap3A_905, %swap3A_906] {strides = array<i32>} : memref<32x512xf32, #tpu.memory_space<vmem>>, vector<16xf32>,
          tpu.vector_store %arg8[%swap3A_905, %swap3A_906], %gather3A_815 {strides = array<i32>} : memref<32x512xf32, #tpu.memory_space<vmem>>, vector<16xf32>,
          %mul3A_908 = arith.constant 16 : i32
          %mul3A_909 = arith.muli %add3A_575, %mul3A_908 : i32
          %swap3A_910 = arith.constant 30 : i32
          %swap3A_911 = arith.index_cast %swap3A_910 : i32 to index
          %swap3A_912 = arith.index_cast %mul3A_909 : i32 to index
          %swap3A_913 = tpu.vector_load %arg8[%swap3A_911, %swap3A_912] {strides = array<i32>} : memref<32x512xf32, #tpu.memory_space<vmem>>, vector<16xf32>,
          tpu.vector_store %arg8[%swap3A_911, %swap3A_912], %gather3A_819 {strides = array<i32>} : memref<32x512xf32, #tpu.memory_space<vmem>>, vector<16xf32>,
          %mul3A_914 = arith.constant 16 : i32
          %mul3A_915 = arith.muli %add3A_575, %mul3A_914 : i32
          %swap3A_916 = arith.constant 31 : i32
          %swap3A_917 = arith.index_cast %swap3A_916 : i32 to index
          %swap3A_918 = arith.index_cast %mul3A_915 : i32 to index
          %swap3A_919 = tpu.vector_load %arg8[%swap3A_917, %swap3A_918] {strides = array<i32>} : memref<32x512xf32, #tpu.memory_space<vmem>>, vector<16xf32>,
          tpu.vector_store %arg8[%swap3A_917, %swap3A_918], %gather3A_823 {strides = array<i32>} : memref<32x512xf32, #tpu.memory_space<vmem>>, vector<16xf32>,
        }
        %scan3A_213 = arith.constant 32 : i32
        %dma_start3A_214 = arith.constant 0 : i32
        %dma_start3A_215 = arith.constant 0 : i32
        %dma_start3A_216 = tpu.memref_slice %arg8[%dma_start3A_214, %dma_start3A_215] : memref<32x512xf32, #tpu.memory_space<vmem>> -> memref<32x512xf32, #tpu.memory_space<vmem>>
        %dma_start3A_217 = tpu.memref_slice %arg4[%select_n3A_184, %add3A_54, %add3A_203] : memref<20x1000x4096xf32, #tpu.memory_space<hbm>> -> memref<1x32x512xf32, #tpu.memory_space<hbm>>
        %dma_start3A_218 = tpu.memref_squeeze %dma_start3A_217 : memref<1x32x512xf32, #tpu.memory_space<hbm>> -> memref<32x512xf32, #tpu.memory_space<hbm>>
        %dma_start3A_219 = tpu.memref_slice %arg4[%select_n3A_184, %add3A_54, %add3A_203] : memref<20x1000x4096xf32, #tpu.memory_space<hbm>> -> memref<1x32x512xf32, #tpu.memory_space<hbm>>
        %dma_start3A_220 = tpu.memref_squeeze %dma_start3A_219 : memref<1x32x512xf32, #tpu.memory_space<hbm>> -> memref<32x512xf32, #tpu.memory_space<hbm>>
        %dma_start3A_221 = arith.constant 0 : i32
        %dma_start3A_222 = arith.constant 0 : i32
        %dma_start3A_223 = tpu.memref_slice %arg8[%dma_start3A_221, %dma_start3A_222] : memref<32x512xf32, #tpu.memory_space<vmem>> -> memref<32x512xf32, #tpu.memory_space<vmem>>
        tpu.enqueue_dma source(%dma_start3A_223 : memref<32x512xf32, #tpu.memory_space<vmem>>) target(%dma_start3A_220 : memref<32x512xf32, #tpu.memory_space<hbm>>) target_semaphore(%arg10 : memref<!tpu.dma_semaphore, #tpu.memory_space<semaphore_mem>>)
      }
      %scan3A_61 = arith.constant 20 : i32
      %dma_wait3A = arith.constant 0 : i32
      %dma_wait3A_62 = arith.constant 0 : i32
      %dma_wait3A_63 = arith.constant 0 : i32
      %dma_wait3A_64 = tpu.memref_slice %arg7[%dma_wait3A_62, %dma_wait3A_63] : memref<32x512xf32, #tpu.memory_space<vmem>> -> memref<32x512xf32, #tpu.memory_space<vmem>>
      %dma_wait3A_65 = arith.constant 0 : i32
      %dma_wait3A_66 = arith.constant 0 : i32
      %dma_wait3A_67 = tpu.memref_slice %arg4[%dma_wait3A, %dma_wait3A_65, %dma_wait3A_66] : memref<20x1000x4096xf32, #tpu.memory_space<hbm>> -> memref<1x32x512xf32, #tpu.memory_space<hbm>>
      %dma_wait3A_68 = tpu.memref_squeeze %dma_wait3A_67 : memref<1x32x512xf32, #tpu.memory_space<hbm>> -> memref<32x512xf32, #tpu.memory_space<hbm>>
      %dma_wait3A_69 = arith.constant 0 : i32
      %dma_wait3A_70 = arith.constant 0 : i32
      %dma_wait3A_71 = tpu.memref_slice %arg4[%dma_wait3A, %dma_wait3A_69, %dma_wait3A_70] : memref<20x1000x4096xf32, #tpu.memory_space<hbm>> -> memref<1x32x512xf32, #tpu.memory_space<hbm>>
      %dma_wait3A_72 = tpu.memref_squeeze %dma_wait3A_71 : memref<1x32x512xf32, #tpu.memory_space<hbm>> -> memref<32x512xf32, #tpu.memory_space<hbm>>
      %dma_wait3A_73 = arith.constant 0 : i32
      %dma_wait3A_74 = arith.constant 0 : i32
      %dma_wait3A_75 = tpu.memref_slice %arg7[%dma_wait3A_73, %dma_wait3A_74] : memref<32x512xf32, #tpu.memory_space<vmem>> -> memref<32x512xf32, #tpu.memory_space<vmem>>
      tpu.wait_dma2 semaphore(%arg9 : memref<!tpu.dma_semaphore, #tpu.memory_space<semaphore_mem>>) src(%dma_wait3A_75 : memref<32x512xf32, #tpu.memory_space<vmem>>) dst(%dma_wait3A_72 : memref<32x512xf32, #tpu.memory_space<hbm>>)
      %dma_wait3A_76 = arith.constant 0 : i32
      %dma_wait3A_77 = arith.constant 0 : i32
      %dma_wait3A_78 = arith.constant 0 : i32
      %dma_wait3A_79 = tpu.memref_slice %arg8[%dma_wait3A_77, %dma_wait3A_78] : memref<32x512xf32, #tpu.memory_space<vmem>> -> memref<32x512xf32, #tpu.memory_space<vmem>>
      %dma_wait3A_80 = arith.constant 0 : i32
      %dma_wait3A_81 = arith.constant 0 : i32
      %dma_wait3A_82 = tpu.memref_slice %arg4[%dma_wait3A_76, %dma_wait3A_80, %dma_wait3A_81] : memref<20x1000x4096xf32, #tpu.memory_space<hbm>> -> memref<1x32x512xf32, #tpu.memory_space<hbm>>
      %dma_wait3A_83 = tpu.memref_squeeze %dma_wait3A_82 : memref<1x32x512xf32, #tpu.memory_space<hbm>> -> memref<32x512xf32, #tpu.memory_space<hbm>>
      %dma_wait3A_84 = arith.constant 0 : i32
      %dma_wait3A_85 = arith.constant 0 : i32
      %dma_wait3A_86 = tpu.memref_slice %arg4[%dma_wait3A_76, %dma_wait3A_84, %dma_wait3A_85] : memref<20x1000x4096xf32, #tpu.memory_space<hbm>> -> memref<1x32x512xf32, #tpu.memory_space<hbm>>
      %dma_wait3A_87 = tpu.memref_squeeze %dma_wait3A_86 : memref<1x32x512xf32, #tpu.memory_space<hbm>> -> memref<32x512xf32, #tpu.memory_space<hbm>>
      %dma_wait3A_88 = arith.constant 0 : i32
      %dma_wait3A_89 = arith.constant 0 : i32
      %dma_wait3A_90 = tpu.memref_slice %arg8[%dma_wait3A_88, %dma_wait3A_89] : memref<32x512xf32, #tpu.memory_space<vmem>> -> memref<32x512xf32, #tpu.memory_space<vmem>>
      tpu.wait_dma2 semaphore(%arg10 : memref<!tpu.dma_semaphore, #tpu.memory_space<semaphore_mem>>) src(%dma_wait3A_90 : memref<32x512xf32, #tpu.memory_space<vmem>>) dst(%dma_wait3A_87 : memref<32x512xf32, #tpu.memory_space<hbm>>)
    }
    %scan3A_38 = arith.constant 3 : i32
    %lt3A_39 = arith.constant 7 : i32
    %lt3A_40 = arith.cmpi slt, %select_n3A, %lt3A_39 : i32
    %convert_element_type3A = arith.extui %lt3A_40 : i1 to i32
    %cond3A = arith.constant 0 : i32
    %cond3A_41 = arith.cmpi ne, %convert_element_type3A, %cond3A : i32
    scf.if %cond3A_41 {
      %add3A_47 = arith.constant 96 : i32
      %add3A_48 = arith.addi %mul3A_18, %add3A_47 : i32
      %mul3A_49 = arith.constant 1025 : i32
      %mul3A_50 = arith.muli %add3A_48, %mul3A_49 : i32
      "tpu.region"() ({
        %run_scoped3A = tpu.sem_alloc : memref<!tpu.dma_semaphore, #tpu.memory_space<semaphore_mem>>
        %dma_start3A = arith.constant 0 : i32
        %dma_start3A_85 = tpu.memref_slice %arg5[%dma_start3A] : memref<32800xf32, #tpu.memory_space<vmem>> -> memref<32800xf32, #tpu.memory_space<vmem>>
        %dma_start3A_86 = tpu.memref_slice %arg2[%mul3A_50] : memref<1025000xf32, #tpu.memory_space<hbm>> -> memref<32800xf32, #tpu.memory_space<hbm>>
        %dma_start3A_87 = arith.constant 0 : i32
        %dma_start3A_88 = tpu.memref_slice %arg5[%dma_start3A_87] : memref<32800xf32, #tpu.memory_space<vmem>> -> memref<32800xf32, #tpu.memory_space<vmem>>
        %dma_start3A_89 = tpu.memref_slice %arg2[%mul3A_50] : memref<1025000xf32, #tpu.memory_space<hbm>> -> memref<32800xf32, #tpu.memory_space<hbm>>
        tpu.enqueue_dma source(%dma_start3A_89 : memref<32800xf32, #tpu.memory_space<hbm>>) target(%dma_start3A_88 : memref<32800xf32, #tpu.memory_space<vmem>>) target_semaphore(%run_scoped3A : memref<!tpu.dma_semaphore, #tpu.memory_space<semaphore_mem>>)
        %dma_wait3A_90 = arith.constant 0 : i32
        %dma_wait3A_91 = tpu.memref_slice %arg5[%dma_wait3A_90] : memref<32800xf32, #tpu.memory_space<vmem>> -> memref<32800xf32, #tpu.memory_space<vmem>>
        %dma_wait3A_92 = tpu.memref_slice %arg2[%mul3A_50] : memref<1025000xf32, #tpu.memory_space<hbm>> -> memref<32800xf32, #tpu.memory_space<hbm>>
        %dma_wait3A_93 = arith.constant 0 : i32
        %dma_wait3A_94 = tpu.memref_slice %arg5[%dma_wait3A_93] : memref<32800xf32, #tpu.memory_space<vmem>> -> memref<32800xf32, #tpu.memory_space<vmem>>
        %dma_wait3A_95 = tpu.memref_slice %arg2[%mul3A_50] : memref<1025000xf32, #tpu.memory_space<hbm>> -> memref<32800xf32, #tpu.memory_space<hbm>>
        tpu.wait_dma2 semaphore(%run_scoped3A : memref<!tpu.dma_semaphore, #tpu.memory_space<semaphore_mem>>) src(%dma_wait3A_95 : memref<32800xf32, #tpu.memory_space<hbm>>) dst(%dma_wait3A_94 : memref<32800xf32, #tpu.memory_space<vmem>>)
        tpu.yield
      }) : () -> ()
      %scan3A_51 = arith.constant 0 : i32
      %scan3A_52 = arith.constant 20 : i32
      %scan3A_53 = arith.addi %scan3A_51, %scan3A_52 : i32
      %scan3A_54 = arith.constant 1 : i32
      scf.for %scan3A_85 = %scan3A_51 to %scan3A_53 step %scan3A_54  : i32 {
        %mul3A_86 = arith.constant 2 : i32
        %mul3A_87 = arith.muli %scan3A_85, %mul3A_86 : i32
        %add3A_88 = arith.constant 0 : i32
        %add3A_89 = arith.addi %add3A_88, %mul3A_87 : i32
        %add3A_90 = arith.constant 0 : i32
        %add3A_91 = arith.addi %add3A_89, %add3A_90 : i32
        %jit3A_92 = arith.constant 2 : i32
        %div3A_93 = arith.divsi %add3A_91, %jit3A_92 : i32
        %sign3A_94 = arith.constant 0 : i32
        %sign3A_95 = arith.cmpi sgt, %add3A_91, %sign3A_94 : i32
        %sign3A_96 = arith.extui %sign3A_95 : i1 to i32
        %sign3A_97 = arith.constant 0 : i32
        %sign3A_98 = arith.cmpi slt, %add3A_91, %sign3A_97 : i32
        %sign3A_99 = arith.extui %sign3A_98 : i1 to i32
        %sign3A_100 = arith.subi %sign3A_96, %sign3A_99 : i32
        %sign3A_101 = arith.constant 0 : i32
        %sign3A_102 = arith.cmpi sgt, %jit3A_92, %sign3A_101 : i32
        %sign3A_103 = arith.extui %sign3A_102 : i1 to i32
        %sign3A_104 = arith.constant 0 : i32
        %sign3A_105 = arith.cmpi slt, %jit3A_92, %sign3A_104 : i32
        %sign3A_106 = arith.extui %sign3A_105 : i1 to i32
        %sign3A_107 = arith.subi %sign3A_103, %sign3A_106 : i32
        %ne3A_108 = arith.cmpi ne, %sign3A_100, %sign3A_107 : i32
        %rem3A_109 = arith.remsi %add3A_91, %jit3A_92 : i32
        %ne3A_110 = arith.constant 0 : i32
        %ne3A_111 = arith.cmpi ne, %rem3A_109, %ne3A_110 : i32
        %and3A_112 = arith.andi %ne3A_108, %ne3A_111 : i1
        %sub3A_113 = arith.constant 1 : i32
        %sub3A_114 = arith.subi %div3A_93, %sub3A_113 : i32
        %select_n3A_115 = arith.select %and3A_112, %sub3A_114, %div3A_93 : i32
        %jit3A_116 = arith.constant 2 : i32
        %eq3A_117 = arith.constant 0 : i32
        %eq3A_118 = arith.cmpi eq, %jit3A_116, %eq3A_117 : i32
        %jit3A_119 = arith.constant 1 : i32
        %select_n3A_120 = arith.select %eq3A_118, %jit3A_119, %jit3A_116 : i32
        %rem3A_121 = arith.remsi %add3A_91, %select_n3A_120 : i32
        %ne3A_122 = arith.constant 0 : i32
        %ne3A_123 = arith.cmpi ne, %rem3A_121, %ne3A_122 : i32
        %lt3A_124 = arith.constant 0 : i32
        %lt3A_125 = arith.cmpi slt, %rem3A_121, %lt3A_124 : i32
        %lt3A_126 = arith.constant 0 : i32
        %lt3A_127 = arith.cmpi slt, %select_n3A_120, %lt3A_126 : i32
        %ne3A_128 = arith.xori %lt3A_125, %lt3A_127 : i1
        %and3A_129 = arith.andi %ne3A_128, %ne3A_123 : i1
        %add3A_130 = arith.addi %rem3A_121, %select_n3A_120 : i32
        %select_n3A_131 = arith.select %and3A_129, %add3A_130, %rem3A_121 : i32
        %mul3A_132 = arith.constant 512 : i32
        %mul3A_133 = arith.muli %select_n3A_131, %mul3A_132 : i32
        %add3A_134 = arith.addi %mul3A_34, %mul3A_133 : i32
        %ge3A = arith.constant 2 : i32
        %ge3A_135 = arith.cmpi sge, %add3A_89, %ge3A : i32
        %convert_element_type3A_136 = arith.extui %ge3A_135 : i1 to i32
        %cond3A_137 = arith.constant 0 : i32
        %cond3A_138 = arith.cmpi ne, %convert_element_type3A_136, %cond3A_137 : i32
        scf.if %cond3A_138 {
          %dma_wait3A_218 = arith.constant 0 : i32
          %dma_wait3A_219 = arith.constant 0 : i32
          %dma_wait3A_220 = arith.constant 0 : i32
          %dma_wait3A_221 = tpu.memref_slice %arg7[%dma_wait3A_219, %dma_wait3A_220] : memref<32x512xf32, #tpu.memory_space<vmem>> -> memref<32x512xf32, #tpu.memory_space<vmem>>
          %dma_wait3A_222 = arith.constant 0 : i32
          %dma_wait3A_223 = arith.constant 0 : i32
          %dma_wait3A_224 = tpu.memref_slice %arg4[%dma_wait3A_218, %dma_wait3A_222, %dma_wait3A_223] : memref<20x1000x4096xf32, #tpu.memory_space<hbm>> -> memref<1x32x512xf32, #tpu.memory_space<hbm>>
          %dma_wait3A_225 = tpu.memref_squeeze %dma_wait3A_224 : memref<1x32x512xf32, #tpu.memory_space<hbm>> -> memref<32x512xf32, #tpu.memory_space<hbm>>
          %dma_wait3A_226 = arith.constant 0 : i32
          %dma_wait3A_227 = arith.constant 0 : i32
          %dma_wait3A_228 = tpu.memref_slice %arg4[%dma_wait3A_218, %dma_wait3A_226, %dma_wait3A_227] : memref<20x1000x4096xf32, #tpu.memory_space<hbm>> -> memref<1x32x512xf32, #tpu.memory_space<hbm>>
          %dma_wait3A_229 = tpu.memref_squeeze %dma_wait3A_228 : memref<1x32x512xf32, #tpu.memory_space<hbm>> -> memref<32x512xf32, #tpu.memory_space<hbm>>
          %dma_wait3A_230 = arith.constant 0 : i32
          %dma_wait3A_231 = arith.constant 0 : i32
          %dma_wait3A_232 = tpu.memref_slice %arg7[%dma_wait3A_230, %dma_wait3A_231] : memref<32x512xf32, #tpu.memory_space<vmem>> -> memref<32x512xf32, #tpu.memory_space<vmem>>
          tpu.wait_dma2 semaphore(%arg9 : memref<!tpu.dma_semaphore, #tpu.memory_space<semaphore_mem>>) src(%dma_wait3A_232 : memref<32x512xf32, #tpu.memory_space<vmem>>) dst(%dma_wait3A_229 : memref<32x512xf32, #tpu.memory_space<hbm>>)
        } else {
        }
        %scan3A_139 = arith.constant 0 : i32
        %scan3A_140 = arith.constant 32 : i32
        %scan3A_141 = arith.addi %scan3A_139, %scan3A_140 : i32
        %scan3A_142 = arith.constant 2 : i32
        scf.for %scan3A_218 = %scan3A_139 to %scan3A_141 step %scan3A_142  : i32 {
          %mul3A_219 = arith.constant 1 : i32
          %mul3A_220 = arith.muli %scan3A_218, %mul3A_219 : i32
          %add3A_221 = arith.constant 0 : i32
          %add3A_222 = arith.addi %add3A_221, %mul3A_220 : i32
          %jit3A_223 = arith.constant 2 : i32
          %eq3A_224 = arith.constant 0 : i32
          %eq3A_225 = arith.cmpi eq, %jit3A_223, %eq3A_224 : i32
          %jit3A_226 = arith.constant 1 : i32
          %select_n3A_227 = arith.select %eq3A_225, %jit3A_226, %jit3A_223 : i32
          %rem3A_228 = arith.remsi %add3A_91, %select_n3A_227 : i32
          %ne3A_229 = arith.constant 0 : i32
          %ne3A_230 = arith.cmpi ne, %rem3A_228, %ne3A_229 : i32
          %lt3A_231 = arith.constant 0 : i32
          %lt3A_232 = arith.cmpi slt, %rem3A_228, %lt3A_231 : i32
          %lt3A_233 = arith.constant 0 : i32
          %lt3A_234 = arith.cmpi slt, %select_n3A_227, %lt3A_233 : i32
          %ne3A_235 = arith.xori %lt3A_232, %lt3A_234 : i1
          %and3A_236 = arith.andi %ne3A_235, %ne3A_230 : i1
          %add3A_237 = arith.addi %rem3A_228, %select_n3A_227 : i32
          %select_n3A_238 = arith.select %and3A_236, %add3A_237, %rem3A_228 : i32
          %mul3A_239 = arith.constant 512 : i32
          %mul3A_240 = arith.muli %select_n3A_238, %mul3A_239 : i32
          %mul3A_241 = arith.constant 16 : i32
          %mul3A_242 = arith.muli %add3A_222, %mul3A_241 : i32
          %add3A_243 = arith.addi %mul3A_240, %mul3A_242 : i32
          %get3A = arith.index_cast %select_n3A_115 : i32 to index
          %get3A_244 = arith.index_cast %add3A_243 : i32 to index
          %get3A_245 = tpu.vector_load %arg6[%get3A, %get3A_244] {strides = array<i32>} : memref<20x1024xi32, #tpu.memory_space<vmem>>, vector<16xi32>,
          %add3A_246 = arith.constant 0 : i32
          %add3A_247 = vector.broadcast %add3A_246 : i32 to vector<16xi32>
          %add3A_248 = arith.addi %get3A_245, %add3A_247 : vector<16xi32>
          %gather3A = tpu.vector_load_idx %arg5[%add3A_248] : memref<32800xf32, #tpu.memory_space<vmem>>[vector<16xi32>], vector<16xf32>,
          %add3A_249 = arith.constant 1025 : i32
          %add3A_250 = vector.broadcast %add3A_249 : i32 to vector<16xi32>
          %add3A_251 = arith.addi %get3A_245, %add3A_250 : vector<16xi32>
          %gather3A_252 = tpu.vector_load_idx %arg5[%add3A_251] : memref<32800xf32, #tpu.memory_space<vmem>>[vector<16xi32>], vector<16xf32>,
          %add3A_253 = arith.constant 2050 : i32
          %add3A_254 = vector.broadcast %add3A_253 : i32 to vector<16xi32>
          %add3A_255 = arith.addi %get3A_245, %add3A_254 : vector<16xi32>
          %gather3A_256 = tpu.vector_load_idx %arg5[%add3A_255] : memref<32800xf32, #tpu.memory_space<vmem>>[vector<16xi32>], vector<16xf32>,
          %add3A_257 = arith.constant 3075 : i32
          %add3A_258 = vector.broadcast %add3A_257 : i32 to vector<16xi32>
          %add3A_259 = arith.addi %get3A_245, %add3A_258 : vector<16xi32>
          %gather3A_260 = tpu.vector_load_idx %arg5[%add3A_259] : memref<32800xf32, #tpu.memory_space<vmem>>[vector<16xi32>], vector<16xf32>,
          %add3A_261 = arith.constant 4100 : i32
          %add3A_262 = vector.broadcast %add3A_261 : i32 to vector<16xi32>
          %add3A_263 = arith.addi %get3A_245, %add3A_262 : vector<16xi32>
          %gather3A_264 = tpu.vector_load_idx %arg5[%add3A_263] : memref<32800xf32, #tpu.memory_space<vmem>>[vector<16xi32>], vector<16xf32>,
          %add3A_265 = arith.constant 5125 : i32
          %add3A_266 = vector.broadcast %add3A_265 : i32 to vector<16xi32>
          %add3A_267 = arith.addi %get3A_245, %add3A_266 : vector<16xi32>
          %gather3A_268 = tpu.vector_load_idx %arg5[%add3A_267] : memref<32800xf32, #tpu.memory_space<vmem>>[vector<16xi32>], vector<16xf32>,
          %add3A_269 = arith.constant 6150 : i32
          %add3A_270 = vector.broadcast %add3A_269 : i32 to vector<16xi32>
          %add3A_271 = arith.addi %get3A_245, %add3A_270 : vector<16xi32>
          %gather3A_272 = tpu.vector_load_idx %arg5[%add3A_271] : memref<32800xf32, #tpu.memory_space<vmem>>[vector<16xi32>], vector<16xf32>,
          %add3A_273 = arith.constant 7175 : i32
          %add3A_274 = vector.broadcast %add3A_273 : i32 to vector<16xi32>
          %add3A_275 = arith.addi %get3A_245, %add3A_274 : vector<16xi32>
          %gather3A_276 = tpu.vector_load_idx %arg5[%add3A_275] : memref<32800xf32, #tpu.memory_space<vmem>>[vector<16xi32>], vector<16xf32>,
          %add3A_277 = arith.constant 8200 : i32
          %add3A_278 = vector.broadcast %add3A_277 : i32 to vector<16xi32>
          %add3A_279 = arith.addi %get3A_245, %add3A_278 : vector<16xi32>
          %gather3A_280 = tpu.vector_load_idx %arg5[%add3A_279] : memref<32800xf32, #tpu.memory_space<vmem>>[vector<16xi32>], vector<16xf32>,
          %add3A_281 = arith.constant 9225 : i32
          %add3A_282 = vector.broadcast %add3A_281 : i32 to vector<16xi32>
          %add3A_283 = arith.addi %get3A_245, %add3A_282 : vector<16xi32>
          %gather3A_284 = tpu.vector_load_idx %arg5[%add3A_283] : memref<32800xf32, #tpu.memory_space<vmem>>[vector<16xi32>], vector<16xf32>,
          %add3A_285 = arith.constant 10250 : i32
          %add3A_286 = vector.broadcast %add3A_285 : i32 to vector<16xi32>
          %add3A_287 = arith.addi %get3A_245, %add3A_286 : vector<16xi32>
          %gather3A_288 = tpu.vector_load_idx %arg5[%add3A_287] : memref<32800xf32, #tpu.memory_space<vmem>>[vector<16xi32>], vector<16xf32>,
          %add3A_289 = arith.constant 11275 : i32
          %add3A_290 = vector.broadcast %add3A_289 : i32 to vector<16xi32>
          %add3A_291 = arith.addi %get3A_245, %add3A_290 : vector<16xi32>
          %gather3A_292 = tpu.vector_load_idx %arg5[%add3A_291] : memref<32800xf32, #tpu.memory_space<vmem>>[vector<16xi32>], vector<16xf32>,
          %add3A_293 = arith.constant 12300 : i32
          %add3A_294 = vector.broadcast %add3A_293 : i32 to vector<16xi32>
          %add3A_295 = arith.addi %get3A_245, %add3A_294 : vector<16xi32>
          %gather3A_296 = tpu.vector_load_idx %arg5[%add3A_295] : memref<32800xf32, #tpu.memory_space<vmem>>[vector<16xi32>], vector<16xf32>,
          %add3A_297 = arith.constant 13325 : i32
          %add3A_298 = vector.broadcast %add3A_297 : i32 to vector<16xi32>
          %add3A_299 = arith.addi %get3A_245, %add3A_298 : vector<16xi32>
          %gather3A_300 = tpu.vector_load_idx %arg5[%add3A_299] : memref<32800xf32, #tpu.memory_space<vmem>>[vector<16xi32>], vector<16xf32>,
          %add3A_301 = arith.constant 14350 : i32
          %add3A_302 = vector.broadcast %add3A_301 : i32 to vector<16xi32>
          %add3A_303 = arith.addi %get3A_245, %add3A_302 : vector<16xi32>
          %gather3A_304 = tpu.vector_load_idx %arg5[%add3A_303] : memref<32800xf32, #tpu.memory_space<vmem>>[vector<16xi32>], vector<16xf32>,
          %add3A_305 = arith.constant 15375 : i32
          %add3A_306 = vector.broadcast %add3A_305 : i32 to vector<16xi32>
          %add3A_307 = arith.addi %get3A_245, %add3A_306 : vector<16xi32>
          %gather3A_308 = tpu.vector_load_idx %arg5[%add3A_307] : memref<32800xf32, #tpu.memory_space<vmem>>[vector<16xi32>], vector<16xf32>,
          %mul3A_309 = arith.constant 16 : i32
          %mul3A_310 = arith.muli %add3A_222, %mul3A_309 : i32
          %swap3A = arith.constant 0 : i32
          %swap3A_311 = arith.index_cast %swap3A : i32 to index
          %swap3A_312 = arith.index_cast %mul3A_310 : i32 to index
          %swap3A_313 = tpu.vector_load %arg7[%swap3A_311, %swap3A_312] {strides = array<i32>} : memref<32x512xf32, #tpu.memory_space<vmem>>, vector<16xf32>,
          tpu.vector_store %arg7[%swap3A_311, %swap3A_312], %gather3A {strides = array<i32>} : memref<32x512xf32, #tpu.memory_space<vmem>>, vector<16xf32>,
          %mul3A_314 = arith.constant 16 : i32
          %mul3A_315 = arith.muli %add3A_222, %mul3A_314 : i32
          %swap3A_316 = arith.constant 1 : i32
          %swap3A_317 = arith.index_cast %swap3A_316 : i32 to index
          %swap3A_318 = arith.index_cast %mul3A_315 : i32 to index
          %swap3A_319 = tpu.vector_load %arg7[%swap3A_317, %swap3A_318] {strides = array<i32>} : memref<32x512xf32, #tpu.memory_space<vmem>>, vector<16xf32>,
          tpu.vector_store %arg7[%swap3A_317, %swap3A_318], %gather3A_252 {strides = array<i32>} : memref<32x512xf32, #tpu.memory_space<vmem>>, vector<16xf32>,
          %mul3A_320 = arith.constant 16 : i32
          %mul3A_321 = arith.muli %add3A_222, %mul3A_320 : i32
          %swap3A_322 = arith.constant 2 : i32
          %swap3A_323 = arith.index_cast %swap3A_322 : i32 to index
          %swap3A_324 = arith.index_cast %mul3A_321 : i32 to index
          %swap3A_325 = tpu.vector_load %arg7[%swap3A_323, %swap3A_324] {strides = array<i32>} : memref<32x512xf32, #tpu.memory_space<vmem>>, vector<16xf32>,
          tpu.vector_store %arg7[%swap3A_323, %swap3A_324], %gather3A_256 {strides = array<i32>} : memref<32x512xf32, #tpu.memory_space<vmem>>, vector<16xf32>,
          %mul3A_326 = arith.constant 16 : i32
          %mul3A_327 = arith.muli %add3A_222, %mul3A_326 : i32
          %swap3A_328 = arith.constant 3 : i32
          %swap3A_329 = arith.index_cast %swap3A_328 : i32 to index
          %swap3A_330 = arith.index_cast %mul3A_327 : i32 to index
          %swap3A_331 = tpu.vector_load %arg7[%swap3A_329, %swap3A_330] {strides = array<i32>} : memref<32x512xf32, #tpu.memory_space<vmem>>, vector<16xf32>,
          tpu.vector_store %arg7[%swap3A_329, %swap3A_330], %gather3A_260 {strides = array<i32>} : memref<32x512xf32, #tpu.memory_space<vmem>>, vector<16xf32>,
          %mul3A_332 = arith.constant 16 : i32
          %mul3A_333 = arith.muli %add3A_222, %mul3A_332 : i32
          %swap3A_334 = arith.constant 4 : i32
          %swap3A_335 = arith.index_cast %swap3A_334 : i32 to index
          %swap3A_336 = arith.index_cast %mul3A_333 : i32 to index
          %swap3A_337 = tpu.vector_load %arg7[%swap3A_335, %swap3A_336] {strides = array<i32>} : memref<32x512xf32, #tpu.memory_space<vmem>>, vector<16xf32>,
          tpu.vector_store %arg7[%swap3A_335, %swap3A_336], %gather3A_264 {strides = array<i32>} : memref<32x512xf32, #tpu.memory_space<vmem>>, vector<16xf32>,
          %mul3A_338 = arith.constant 16 : i32
          %mul3A_339 = arith.muli %add3A_222, %mul3A_338 : i32
          %swap3A_340 = arith.constant 5 : i32
          %swap3A_341 = arith.index_cast %swap3A_340 : i32 to index
          %swap3A_342 = arith.index_cast %mul3A_339 : i32 to index
          %swap3A_343 = tpu.vector_load %arg7[%swap3A_341, %swap3A_342] {strides = array<i32>} : memref<32x512xf32, #tpu.memory_space<vmem>>, vector<16xf32>,
          tpu.vector_store %arg7[%swap3A_341, %swap3A_342], %gather3A_268 {strides = array<i32>} : memref<32x512xf32, #tpu.memory_space<vmem>>, vector<16xf32>,
          %mul3A_344 = arith.constant 16 : i32
          %mul3A_345 = arith.muli %add3A_222, %mul3A_344 : i32
          %swap3A_346 = arith.constant 6 : i32
          %swap3A_347 = arith.index_cast %swap3A_346 : i32 to index
          %swap3A_348 = arith.index_cast %mul3A_345 : i32 to index
          %swap3A_349 = tpu.vector_load %arg7[%swap3A_347, %swap3A_348] {strides = array<i32>} : memref<32x512xf32, #tpu.memory_space<vmem>>, vector<16xf32>,
          tpu.vector_store %arg7[%swap3A_347, %swap3A_348], %gather3A_272 {strides = array<i32>} : memref<32x512xf32, #tpu.memory_space<vmem>>, vector<16xf32>,
          %mul3A_350 = arith.constant 16 : i32
          %mul3A_351 = arith.muli %add3A_222, %mul3A_350 : i32
          %swap3A_352 = arith.constant 7 : i32
          %swap3A_353 = arith.index_cast %swap3A_352 : i32 to index
          %swap3A_354 = arith.index_cast %mul3A_351 : i32 to index
          %swap3A_355 = tpu.vector_load %arg7[%swap3A_353, %swap3A_354] {strides = array<i32>} : memref<32x512xf32, #tpu.memory_space<vmem>>, vector<16xf32>,
          tpu.vector_store %arg7[%swap3A_353, %swap3A_354], %gather3A_276 {strides = array<i32>} : memref<32x512xf32, #tpu.memory_space<vmem>>, vector<16xf32>,
          %mul3A_356 = arith.constant 16 : i32
          %mul3A_357 = arith.muli %add3A_222, %mul3A_356 : i32
          %swap3A_358 = arith.constant 8 : i32
          %swap3A_359 = arith.index_cast %swap3A_358 : i32 to index
          %swap3A_360 = arith.index_cast %mul3A_357 : i32 to index
          %swap3A_361 = tpu.vector_load %arg7[%swap3A_359, %swap3A_360] {strides = array<i32>} : memref<32x512xf32, #tpu.memory_space<vmem>>, vector<16xf32>,
          tpu.vector_store %arg7[%swap3A_359, %swap3A_360], %gather3A_280 {strides = array<i32>} : memref<32x512xf32, #tpu.memory_space<vmem>>, vector<16xf32>,
          %mul3A_362 = arith.constant 16 : i32
          %mul3A_363 = arith.muli %add3A_222, %mul3A_362 : i32
          %swap3A_364 = arith.constant 9 : i32
          %swap3A_365 = arith.index_cast %swap3A_364 : i32 to index
          %swap3A_366 = arith.index_cast %mul3A_363 : i32 to index
          %swap3A_367 = tpu.vector_load %arg7[%swap3A_365, %swap3A_366] {strides = array<i32>} : memref<32x512xf32, #tpu.memory_space<vmem>>, vector<16xf32>,
          tpu.vector_store %arg7[%swap3A_365, %swap3A_366], %gather3A_284 {strides = array<i32>} : memref<32x512xf32, #tpu.memory_space<vmem>>, vector<16xf32>,
          %mul3A_368 = arith.constant 16 : i32
          %mul3A_369 = arith.muli %add3A_222, %mul3A_368 : i32
          %swap3A_370 = arith.constant 10 : i32
          %swap3A_371 = arith.index_cast %swap3A_370 : i32 to index
          %swap3A_372 = arith.index_cast %mul3A_369 : i32 to index
          %swap3A_373 = tpu.vector_load %arg7[%swap3A_371, %swap3A_372] {strides = array<i32>} : memref<32x512xf32, #tpu.memory_space<vmem>>, vector<16xf32>,
          tpu.vector_store %arg7[%swap3A_371, %swap3A_372], %gather3A_288 {strides = array<i32>} : memref<32x512xf32, #tpu.memory_space<vmem>>, vector<16xf32>,
          %mul3A_374 = arith.constant 16 : i32
          %mul3A_375 = arith.muli %add3A_222, %mul3A_374 : i32
          %swap3A_376 = arith.constant 11 : i32
          %swap3A_377 = arith.index_cast %swap3A_376 : i32 to index
          %swap3A_378 = arith.index_cast %mul3A_375 : i32 to index
          %swap3A_379 = tpu.vector_load %arg7[%swap3A_377, %swap3A_378] {strides = array<i32>} : memref<32x512xf32, #tpu.memory_space<vmem>>, vector<16xf32>,
          tpu.vector_store %arg7[%swap3A_377, %swap3A_378], %gather3A_292 {strides = array<i32>} : memref<32x512xf32, #tpu.memory_space<vmem>>, vector<16xf32>,
          %mul3A_380 = arith.constant 16 : i32
          %mul3A_381 = arith.muli %add3A_222, %mul3A_380 : i32
          %swap3A_382 = arith.constant 12 : i32
          %swap3A_383 = arith.index_cast %swap3A_382 : i32 to index
          %swap3A_384 = arith.index_cast %mul3A_381 : i32 to index
          %swap3A_385 = tpu.vector_load %arg7[%swap3A_383, %swap3A_384] {strides = array<i32>} : memref<32x512xf32, #tpu.memory_space<vmem>>, vector<16xf32>,
          tpu.vector_store %arg7[%swap3A_383, %swap3A_384], %gather3A_296 {strides = array<i32>} : memref<32x512xf32, #tpu.memory_space<vmem>>, vector<16xf32>,
          %mul3A_386 = arith.constant 16 : i32
          %mul3A_387 = arith.muli %add3A_222, %mul3A_386 : i32
          %swap3A_388 = arith.constant 13 : i32
          %swap3A_389 = arith.index_cast %swap3A_388 : i32 to index
          %swap3A_390 = arith.index_cast %mul3A_387 : i32 to index
          %swap3A_391 = tpu.vector_load %arg7[%swap3A_389, %swap3A_390] {strides = array<i32>} : memref<32x512xf32, #tpu.memory_space<vmem>>, vector<16xf32>,
          tpu.vector_store %arg7[%swap3A_389, %swap3A_390], %gather3A_300 {strides = array<i32>} : memref<32x512xf32, #tpu.memory_space<vmem>>, vector<16xf32>,
          %mul3A_392 = arith.constant 16 : i32
          %mul3A_393 = arith.muli %add3A_222, %mul3A_392 : i32
          %swap3A_394 = arith.constant 14 : i32
          %swap3A_395 = arith.index_cast %swap3A_394 : i32 to index
          %swap3A_396 = arith.index_cast %mul3A_393 : i32 to index
          %swap3A_397 = tpu.vector_load %arg7[%swap3A_395, %swap3A_396] {strides = array<i32>} : memref<32x512xf32, #tpu.memory_space<vmem>>, vector<16xf32>,
          tpu.vector_store %arg7[%swap3A_395, %swap3A_396], %gather3A_304 {strides = array<i32>} : memref<32x512xf32, #tpu.memory_space<vmem>>, vector<16xf32>,
          %mul3A_398 = arith.constant 16 : i32
          %mul3A_399 = arith.muli %add3A_222, %mul3A_398 : i32
          %swap3A_400 = arith.constant 15 : i32
          %swap3A_401 = arith.index_cast %swap3A_400 : i32 to index
          %swap3A_402 = arith.index_cast %mul3A_399 : i32 to index
          %swap3A_403 = tpu.vector_load %arg7[%swap3A_401, %swap3A_402] {strides = array<i32>} : memref<32x512xf32, #tpu.memory_space<vmem>>, vector<16xf32>,
          tpu.vector_store %arg7[%swap3A_401, %swap3A_402], %gather3A_308 {strides = array<i32>} : memref<32x512xf32, #tpu.memory_space<vmem>>, vector<16xf32>,
          %add3A_404 = arith.constant 16400 : i32
          %add3A_405 = vector.broadcast %add3A_404 : i32 to vector<16xi32>
          %add3A_406 = arith.addi %get3A_245, %add3A_405 : vector<16xi32>
          %gather3A_407 = tpu.vector_load_idx %arg5[%add3A_406] : memref<32800xf32, #tpu.memory_space<vmem>>[vector<16xi32>], vector<16xf32>,
          %add3A_408 = arith.constant 17425 : i32
          %add3A_409 = vector.broadcast %add3A_408 : i32 to vector<16xi32>
          %add3A_410 = arith.addi %get3A_245, %add3A_409 : vector<16xi32>
          %gather3A_411 = tpu.vector_load_idx %arg5[%add3A_410] : memref<32800xf32, #tpu.memory_space<vmem>>[vector<16xi32>], vector<16xf32>,
          %add3A_412 = arith.constant 18450 : i32
          %add3A_413 = vector.broadcast %add3A_412 : i32 to vector<16xi32>
          %add3A_414 = arith.addi %get3A_245, %add3A_413 : vector<16xi32>
          %gather3A_415 = tpu.vector_load_idx %arg5[%add3A_414] : memref<32800xf32, #tpu.memory_space<vmem>>[vector<16xi32>], vector<16xf32>,
          %add3A_416 = arith.constant 19475 : i32
          %add3A_417 = vector.broadcast %add3A_416 : i32 to vector<16xi32>
          %add3A_418 = arith.addi %get3A_245, %add3A_417 : vector<16xi32>
          %gather3A_419 = tpu.vector_load_idx %arg5[%add3A_418] : memref<32800xf32, #tpu.memory_space<vmem>>[vector<16xi32>], vector<16xf32>,
          %add3A_420 = arith.constant 20500 : i32
          %add3A_421 = vector.broadcast %add3A_420 : i32 to vector<16xi32>
          %add3A_422 = arith.addi %get3A_245, %add3A_421 : vector<16xi32>
          %gather3A_423 = tpu.vector_load_idx %arg5[%add3A_422] : memref<32800xf32, #tpu.memory_space<vmem>>[vector<16xi32>], vector<16xf32>,
          %add3A_424 = arith.constant 21525 : i32
          %add3A_425 = vector.broadcast %add3A_424 : i32 to vector<16xi32>
          %add3A_426 = arith.addi %get3A_245, %add3A_425 : vector<16xi32>
          %gather3A_427 = tpu.vector_load_idx %arg5[%add3A_426] : memref<32800xf32, #tpu.memory_space<vmem>>[vector<16xi32>], vector<16xf32>,
          %add3A_428 = arith.constant 22550 : i32
          %add3A_429 = vector.broadcast %add3A_428 : i32 to vector<16xi32>
          %add3A_430 = arith.addi %get3A_245, %add3A_429 : vector<16xi32>
          %gather3A_431 = tpu.vector_load_idx %arg5[%add3A_430] : memref<32800xf32, #tpu.memory_space<vmem>>[vector<16xi32>], vector<16xf32>,
          %add3A_432 = arith.constant 23575 : i32
          %add3A_433 = vector.broadcast %add3A_432 : i32 to vector<16xi32>
          %add3A_434 = arith.addi %get3A_245, %add3A_433 : vector<16xi32>
          %gather3A_435 = tpu.vector_load_idx %arg5[%add3A_434] : memref<32800xf32, #tpu.memory_space<vmem>>[vector<16xi32>], vector<16xf32>,
          %add3A_436 = arith.constant 24600 : i32
          %add3A_437 = vector.broadcast %add3A_436 : i32 to vector<16xi32>
          %add3A_438 = arith.addi %get3A_245, %add3A_437 : vector<16xi32>
          %gather3A_439 = tpu.vector_load_idx %arg5[%add3A_438] : memref<32800xf32, #tpu.memory_space<vmem>>[vector<16xi32>], vector<16xf32>,
          %add3A_440 = arith.constant 25625 : i32
          %add3A_441 = vector.broadcast %add3A_440 : i32 to vector<16xi32>
          %add3A_442 = arith.addi %get3A_245, %add3A_441 : vector<16xi32>
          %gather3A_443 = tpu.vector_load_idx %arg5[%add3A_442] : memref<32800xf32, #tpu.memory_space<vmem>>[vector<16xi32>], vector<16xf32>,
          %add3A_444 = arith.constant 26650 : i32
          %add3A_445 = vector.broadcast %add3A_444 : i32 to vector<16xi32>
          %add3A_446 = arith.addi %get3A_245, %add3A_445 : vector<16xi32>
          %gather3A_447 = tpu.vector_load_idx %arg5[%add3A_446] : memref<32800xf32, #tpu.memory_space<vmem>>[vector<16xi32>], vector<16xf32>,
          %add3A_448 = arith.constant 27675 : i32
          %add3A_449 = vector.broadcast %add3A_448 : i32 to vector<16xi32>
          %add3A_450 = arith.addi %get3A_245, %add3A_449 : vector<16xi32>
          %gather3A_451 = tpu.vector_load_idx %arg5[%add3A_450] : memref<32800xf32, #tpu.memory_space<vmem>>[vector<16xi32>], vector<16xf32>,
          %add3A_452 = arith.constant 28700 : i32
          %add3A_453 = vector.broadcast %add3A_452 : i32 to vector<16xi32>
          %add3A_454 = arith.addi %get3A_245, %add3A_453 : vector<16xi32>
          %gather3A_455 = tpu.vector_load_idx %arg5[%add3A_454] : memref<32800xf32, #tpu.memory_space<vmem>>[vector<16xi32>], vector<16xf32>,
          %add3A_456 = arith.constant 29725 : i32
          %add3A_457 = vector.broadcast %add3A_456 : i32 to vector<16xi32>
          %add3A_458 = arith.addi %get3A_245, %add3A_457 : vector<16xi32>
          %gather3A_459 = tpu.vector_load_idx %arg5[%add3A_458] : memref<32800xf32, #tpu.memory_space<vmem>>[vector<16xi32>], vector<16xf32>,
          %add3A_460 = arith.constant 30750 : i32
          %add3A_461 = vector.broadcast %add3A_460 : i32 to vector<16xi32>
          %add3A_462 = arith.addi %get3A_245, %add3A_461 : vector<16xi32>
          %gather3A_463 = tpu.vector_load_idx %arg5[%add3A_462] : memref<32800xf32, #tpu.memory_space<vmem>>[vector<16xi32>], vector<16xf32>,
          %add3A_464 = arith.constant 31775 : i32
          %add3A_465 = vector.broadcast %add3A_464 : i32 to vector<16xi32>
          %add3A_466 = arith.addi %get3A_245, %add3A_465 : vector<16xi32>
          %gather3A_467 = tpu.vector_load_idx %arg5[%add3A_466] : memref<32800xf32, #tpu.memory_space<vmem>>[vector<16xi32>], vector<16xf32>,
          %mul3A_468 = arith.constant 16 : i32
          %mul3A_469 = arith.muli %add3A_222, %mul3A_468 : i32
          %swap3A_470 = arith.constant 16 : i32
          %swap3A_471 = arith.index_cast %swap3A_470 : i32 to index
          %swap3A_472 = arith.index_cast %mul3A_469 : i32 to index
          %swap3A_473 = tpu.vector_load %arg7[%swap3A_471, %swap3A_472] {strides = array<i32>} : memref<32x512xf32, #tpu.memory_space<vmem>>, vector<16xf32>,
          tpu.vector_store %arg7[%swap3A_471, %swap3A_472], %gather3A_407 {strides = array<i32>} : memref<32x512xf32, #tpu.memory_space<vmem>>, vector<16xf32>,
          %mul3A_474 = arith.constant 16 : i32
          %mul3A_475 = arith.muli %add3A_222, %mul3A_474 : i32
          %swap3A_476 = arith.constant 17 : i32
          %swap3A_477 = arith.index_cast %swap3A_476 : i32 to index
          %swap3A_478 = arith.index_cast %mul3A_475 : i32 to index
          %swap3A_479 = tpu.vector_load %arg7[%swap3A_477, %swap3A_478] {strides = array<i32>} : memref<32x512xf32, #tpu.memory_space<vmem>>, vector<16xf32>,
          tpu.vector_store %arg7[%swap3A_477, %swap3A_478], %gather3A_411 {strides = array<i32>} : memref<32x512xf32, #tpu.memory_space<vmem>>, vector<16xf32>,
          %mul3A_480 = arith.constant 16 : i32
          %mul3A_481 = arith.muli %add3A_222, %mul3A_480 : i32
          %swap3A_482 = arith.constant 18 : i32
          %swap3A_483 = arith.index_cast %swap3A_482 : i32 to index
          %swap3A_484 = arith.index_cast %mul3A_481 : i32 to index
          %swap3A_485 = tpu.vector_load %arg7[%swap3A_483, %swap3A_484] {strides = array<i32>} : memref<32x512xf32, #tpu.memory_space<vmem>>, vector<16xf32>,
          tpu.vector_store %arg7[%swap3A_483, %swap3A_484], %gather3A_415 {strides = array<i32>} : memref<32x512xf32, #tpu.memory_space<vmem>>, vector<16xf32>,
          %mul3A_486 = arith.constant 16 : i32
          %mul3A_487 = arith.muli %add3A_222, %mul3A_486 : i32
          %swap3A_488 = arith.constant 19 : i32
          %swap3A_489 = arith.index_cast %swap3A_488 : i32 to index
          %swap3A_490 = arith.index_cast %mul3A_487 : i32 to index
          %swap3A_491 = tpu.vector_load %arg7[%swap3A_489, %swap3A_490] {strides = array<i32>} : memref<32x512xf32, #tpu.memory_space<vmem>>, vector<16xf32>,
          tpu.vector_store %arg7[%swap3A_489, %swap3A_490], %gather3A_419 {strides = array<i32>} : memref<32x512xf32, #tpu.memory_space<vmem>>, vector<16xf32>,
          %mul3A_492 = arith.constant 16 : i32
          %mul3A_493 = arith.muli %add3A_222, %mul3A_492 : i32
          %swap3A_494 = arith.constant 20 : i32
          %swap3A_495 = arith.index_cast %swap3A_494 : i32 to index
          %swap3A_496 = arith.index_cast %mul3A_493 : i32 to index
          %swap3A_497 = tpu.vector_load %arg7[%swap3A_495, %swap3A_496] {strides = array<i32>} : memref<32x512xf32, #tpu.memory_space<vmem>>, vector<16xf32>,
          tpu.vector_store %arg7[%swap3A_495, %swap3A_496], %gather3A_423 {strides = array<i32>} : memref<32x512xf32, #tpu.memory_space<vmem>>, vector<16xf32>,
          %mul3A_498 = arith.constant 16 : i32
          %mul3A_499 = arith.muli %add3A_222, %mul3A_498 : i32
          %swap3A_500 = arith.constant 21 : i32
          %swap3A_501 = arith.index_cast %swap3A_500 : i32 to index
          %swap3A_502 = arith.index_cast %mul3A_499 : i32 to index
          %swap3A_503 = tpu.vector_load %arg7[%swap3A_501, %swap3A_502] {strides = array<i32>} : memref<32x512xf32, #tpu.memory_space<vmem>>, vector<16xf32>,
          tpu.vector_store %arg7[%swap3A_501, %swap3A_502], %gather3A_427 {strides = array<i32>} : memref<32x512xf32, #tpu.memory_space<vmem>>, vector<16xf32>,
          %mul3A_504 = arith.constant 16 : i32
          %mul3A_505 = arith.muli %add3A_222, %mul3A_504 : i32
          %swap3A_506 = arith.constant 22 : i32
          %swap3A_507 = arith.index_cast %swap3A_506 : i32 to index
          %swap3A_508 = arith.index_cast %mul3A_505 : i32 to index
          %swap3A_509 = tpu.vector_load %arg7[%swap3A_507, %swap3A_508] {strides = array<i32>} : memref<32x512xf32, #tpu.memory_space<vmem>>, vector<16xf32>,
          tpu.vector_store %arg7[%swap3A_507, %swap3A_508], %gather3A_431 {strides = array<i32>} : memref<32x512xf32, #tpu.memory_space<vmem>>, vector<16xf32>,
          %mul3A_510 = arith.constant 16 : i32
          %mul3A_511 = arith.muli %add3A_222, %mul3A_510 : i32
          %swap3A_512 = arith.constant 23 : i32
          %swap3A_513 = arith.index_cast %swap3A_512 : i32 to index
          %swap3A_514 = arith.index_cast %mul3A_511 : i32 to index
          %swap3A_515 = tpu.vector_load %arg7[%swap3A_513, %swap3A_514] {strides = array<i32>} : memref<32x512xf32, #tpu.memory_space<vmem>>, vector<16xf32>,
          tpu.vector_store %arg7[%swap3A_513, %swap3A_514], %gather3A_435 {strides = array<i32>} : memref<32x512xf32, #tpu.memory_space<vmem>>, vector<16xf32>,
          %mul3A_516 = arith.constant 16 : i32
          %mul3A_517 = arith.muli %add3A_222, %mul3A_516 : i32
          %swap3A_518 = arith.constant 24 : i32
          %swap3A_519 = arith.index_cast %swap3A_518 : i32 to index
          %swap3A_520 = arith.index_cast %mul3A_517 : i32 to index
          %swap3A_521 = tpu.vector_load %arg7[%swap3A_519, %swap3A_520] {strides = array<i32>} : memref<32x512xf32, #tpu.memory_space<vmem>>, vector<16xf32>,
          tpu.vector_store %arg7[%swap3A_519, %swap3A_520], %gather3A_439 {strides = array<i32>} : memref<32x512xf32, #tpu.memory_space<vmem>>, vector<16xf32>,
          %mul3A_522 = arith.constant 16 : i32
          %mul3A_523 = arith.muli %add3A_222, %mul3A_522 : i32
          %swap3A_524 = arith.constant 25 : i32
          %swap3A_525 = arith.index_cast %swap3A_524 : i32 to index
          %swap3A_526 = arith.index_cast %mul3A_523 : i32 to index
          %swap3A_527 = tpu.vector_load %arg7[%swap3A_525, %swap3A_526] {strides = array<i32>} : memref<32x512xf32, #tpu.memory_space<vmem>>, vector<16xf32>,
          tpu.vector_store %arg7[%swap3A_525, %swap3A_526], %gather3A_443 {strides = array<i32>} : memref<32x512xf32, #tpu.memory_space<vmem>>, vector<16xf32>,
          %mul3A_528 = arith.constant 16 : i32
          %mul3A_529 = arith.muli %add3A_222, %mul3A_528 : i32
          %swap3A_530 = arith.constant 26 : i32
          %swap3A_531 = arith.index_cast %swap3A_530 : i32 to index
          %swap3A_532 = arith.index_cast %mul3A_529 : i32 to index
          %swap3A_533 = tpu.vector_load %arg7[%swap3A_531, %swap3A_532] {strides = array<i32>} : memref<32x512xf32, #tpu.memory_space<vmem>>, vector<16xf32>,
          tpu.vector_store %arg7[%swap3A_531, %swap3A_532], %gather3A_447 {strides = array<i32>} : memref<32x512xf32, #tpu.memory_space<vmem>>, vector<16xf32>,
          %mul3A_534 = arith.constant 16 : i32
          %mul3A_535 = arith.muli %add3A_222, %mul3A_534 : i32
          %swap3A_536 = arith.constant 27 : i32
          %swap3A_537 = arith.index_cast %swap3A_536 : i32 to index
          %swap3A_538 = arith.index_cast %mul3A_535 : i32 to index
          %swap3A_539 = tpu.vector_load %arg7[%swap3A_537, %swap3A_538] {strides = array<i32>} : memref<32x512xf32, #tpu.memory_space<vmem>>, vector<16xf32>,
          tpu.vector_store %arg7[%swap3A_537, %swap3A_538], %gather3A_451 {strides = array<i32>} : memref<32x512xf32, #tpu.memory_space<vmem>>, vector<16xf32>,
          %mul3A_540 = arith.constant 16 : i32
          %mul3A_541 = arith.muli %add3A_222, %mul3A_540 : i32
          %swap3A_542 = arith.constant 28 : i32
          %swap3A_543 = arith.index_cast %swap3A_542 : i32 to index
          %swap3A_544 = arith.index_cast %mul3A_541 : i32 to index
          %swap3A_545 = tpu.vector_load %arg7[%swap3A_543, %swap3A_544] {strides = array<i32>} : memref<32x512xf32, #tpu.memory_space<vmem>>, vector<16xf32>,
          tpu.vector_store %arg7[%swap3A_543, %swap3A_544], %gather3A_455 {strides = array<i32>} : memref<32x512xf32, #tpu.memory_space<vmem>>, vector<16xf32>,
          %mul3A_546 = arith.constant 16 : i32
          %mul3A_547 = arith.muli %add3A_222, %mul3A_546 : i32
          %swap3A_548 = arith.constant 29 : i32
          %swap3A_549 = arith.index_cast %swap3A_548 : i32 to index
          %swap3A_550 = arith.index_cast %mul3A_547 : i32 to index
          %swap3A_551 = tpu.vector_load %arg7[%swap3A_549, %swap3A_550] {strides = array<i32>} : memref<32x512xf32, #tpu.memory_space<vmem>>, vector<16xf32>,
          tpu.vector_store %arg7[%swap3A_549, %swap3A_550], %gather3A_459 {strides = array<i32>} : memref<32x512xf32, #tpu.memory_space<vmem>>, vector<16xf32>,
          %mul3A_552 = arith.constant 16 : i32
          %mul3A_553 = arith.muli %add3A_222, %mul3A_552 : i32
          %swap3A_554 = arith.constant 30 : i32
          %swap3A_555 = arith.index_cast %swap3A_554 : i32 to index
          %swap3A_556 = arith.index_cast %mul3A_553 : i32 to index
          %swap3A_557 = tpu.vector_load %arg7[%swap3A_555, %swap3A_556] {strides = array<i32>} : memref<32x512xf32, #tpu.memory_space<vmem>>, vector<16xf32>,
          tpu.vector_store %arg7[%swap3A_555, %swap3A_556], %gather3A_463 {strides = array<i32>} : memref<32x512xf32, #tpu.memory_space<vmem>>, vector<16xf32>,
          %mul3A_558 = arith.constant 16 : i32
          %mul3A_559 = arith.muli %add3A_222, %mul3A_558 : i32
          %swap3A_560 = arith.constant 31 : i32
          %swap3A_561 = arith.index_cast %swap3A_560 : i32 to index
          %swap3A_562 = arith.index_cast %mul3A_559 : i32 to index
          %swap3A_563 = tpu.vector_load %arg7[%swap3A_561, %swap3A_562] {strides = array<i32>} : memref<32x512xf32, #tpu.memory_space<vmem>>, vector<16xf32>,
          tpu.vector_store %arg7[%swap3A_561, %swap3A_562], %gather3A_467 {strides = array<i32>} : memref<32x512xf32, #tpu.memory_space<vmem>>, vector<16xf32>,
          %scan3A_564 = arith.constant 1 : i32
          %scan3A_565 = arith.addi %scan3A_218, %scan3A_564 : i32
          %mul3A_566 = arith.constant 1 : i32
          %mul3A_567 = arith.muli %scan3A_565, %mul3A_566 : i32
          %add3A_568 = arith.constant 0 : i32
          %add3A_569 = arith.addi %add3A_568, %mul3A_567 : i32
          %jit3A_570 = arith.constant 2 : i32
          %eq3A_571 = arith.constant 0 : i32
          %eq3A_572 = arith.cmpi eq, %jit3A_570, %eq3A_571 : i32
          %jit3A_573 = arith.constant 1 : i32
          %select_n3A_574 = arith.select %eq3A_572, %jit3A_573, %jit3A_570 : i32
          %rem3A_575 = arith.remsi %add3A_91, %select_n3A_574 : i32
          %ne3A_576 = arith.constant 0 : i32
          %ne3A_577 = arith.cmpi ne, %rem3A_575, %ne3A_576 : i32
          %lt3A_578 = arith.constant 0 : i32
          %lt3A_579 = arith.cmpi slt, %rem3A_575, %lt3A_578 : i32
          %lt3A_580 = arith.constant 0 : i32
          %lt3A_581 = arith.cmpi slt, %select_n3A_574, %lt3A_580 : i32
          %ne3A_582 = arith.xori %lt3A_579, %lt3A_581 : i1
          %and3A_583 = arith.andi %ne3A_582, %ne3A_577 : i1
          %add3A_584 = arith.addi %rem3A_575, %select_n3A_574 : i32
          %select_n3A_585 = arith.select %and3A_583, %add3A_584, %rem3A_575 : i32
          %mul3A_586 = arith.constant 512 : i32
          %mul3A_587 = arith.muli %select_n3A_585, %mul3A_586 : i32
          %mul3A_588 = arith.constant 16 : i32
          %mul3A_589 = arith.muli %add3A_569, %mul3A_588 : i32
          %add3A_590 = arith.addi %mul3A_587, %mul3A_589 : i32
          %get3A_591 = arith.index_cast %select_n3A_115 : i32 to index
          %get3A_592 = arith.index_cast %add3A_590 : i32 to index
          %get3A_593 = tpu.vector_load %arg6[%get3A_591, %get3A_592] {strides = array<i32>} : memref<20x1024xi32, #tpu.memory_space<vmem>>, vector<16xi32>,
          %add3A_594 = arith.constant 0 : i32
          %add3A_595 = vector.broadcast %add3A_594 : i32 to vector<16xi32>
          %add3A_596 = arith.addi %get3A_593, %add3A_595 : vector<16xi32>
          %gather3A_597 = tpu.vector_load_idx %arg5[%add3A_596] : memref<32800xf32, #tpu.memory_space<vmem>>[vector<16xi32>], vector<16xf32>,
          %add3A_598 = arith.constant 1025 : i32
          %add3A_599 = vector.broadcast %add3A_598 : i32 to vector<16xi32>
          %add3A_600 = arith.addi %get3A_593, %add3A_599 : vector<16xi32>
          %gather3A_601 = tpu.vector_load_idx %arg5[%add3A_600] : memref<32800xf32, #tpu.memory_space<vmem>>[vector<16xi32>], vector<16xf32>,
          %add3A_602 = arith.constant 2050 : i32
          %add3A_603 = vector.broadcast %add3A_602 : i32 to vector<16xi32>
          %add3A_604 = arith.addi %get3A_593, %add3A_603 : vector<16xi32>
          %gather3A_605 = tpu.vector_load_idx %arg5[%add3A_604] : memref<32800xf32, #tpu.memory_space<vmem>>[vector<16xi32>], vector<16xf32>,
          %add3A_606 = arith.constant 3075 : i32
          %add3A_607 = vector.broadcast %add3A_606 : i32 to vector<16xi32>
          %add3A_608 = arith.addi %get3A_593, %add3A_607 : vector<16xi32>
          %gather3A_609 = tpu.vector_load_idx %arg5[%add3A_608] : memref<32800xf32, #tpu.memory_space<vmem>>[vector<16xi32>], vector<16xf32>,
          %add3A_610 = arith.constant 4100 : i32
          %add3A_611 = vector.broadcast %add3A_610 : i32 to vector<16xi32>
          %add3A_612 = arith.addi %get3A_593, %add3A_611 : vector<16xi32>
          %gather3A_613 = tpu.vector_load_idx %arg5[%add3A_612] : memref<32800xf32, #tpu.memory_space<vmem>>[vector<16xi32>], vector<16xf32>,
          %add3A_614 = arith.constant 5125 : i32
          %add3A_615 = vector.broadcast %add3A_614 : i32 to vector<16xi32>
          %add3A_616 = arith.addi %get3A_593, %add3A_615 : vector<16xi32>
          %gather3A_617 = tpu.vector_load_idx %arg5[%add3A_616] : memref<32800xf32, #tpu.memory_space<vmem>>[vector<16xi32>], vector<16xf32>,
          %add3A_618 = arith.constant 6150 : i32
          %add3A_619 = vector.broadcast %add3A_618 : i32 to vector<16xi32>
          %add3A_620 = arith.addi %get3A_593, %add3A_619 : vector<16xi32>
          %gather3A_621 = tpu.vector_load_idx %arg5[%add3A_620] : memref<32800xf32, #tpu.memory_space<vmem>>[vector<16xi32>], vector<16xf32>,
          %add3A_622 = arith.constant 7175 : i32
          %add3A_623 = vector.broadcast %add3A_622 : i32 to vector<16xi32>
          %add3A_624 = arith.addi %get3A_593, %add3A_623 : vector<16xi32>
          %gather3A_625 = tpu.vector_load_idx %arg5[%add3A_624] : memref<32800xf32, #tpu.memory_space<vmem>>[vector<16xi32>], vector<16xf32>,
          %add3A_626 = arith.constant 8200 : i32
          %add3A_627 = vector.broadcast %add3A_626 : i32 to vector<16xi32>
          %add3A_628 = arith.addi %get3A_593, %add3A_627 : vector<16xi32>
          %gather3A_629 = tpu.vector_load_idx %arg5[%add3A_628] : memref<32800xf32, #tpu.memory_space<vmem>>[vector<16xi32>], vector<16xf32>,
          %add3A_630 = arith.constant 9225 : i32
          %add3A_631 = vector.broadcast %add3A_630 : i32 to vector<16xi32>
          %add3A_632 = arith.addi %get3A_593, %add3A_631 : vector<16xi32>
          %gather3A_633 = tpu.vector_load_idx %arg5[%add3A_632] : memref<32800xf32, #tpu.memory_space<vmem>>[vector<16xi32>], vector<16xf32>,
          %add3A_634 = arith.constant 10250 : i32
          %add3A_635 = vector.broadcast %add3A_634 : i32 to vector<16xi32>
          %add3A_636 = arith.addi %get3A_593, %add3A_635 : vector<16xi32>
          %gather3A_637 = tpu.vector_load_idx %arg5[%add3A_636] : memref<32800xf32, #tpu.memory_space<vmem>>[vector<16xi32>], vector<16xf32>,
          %add3A_638 = arith.constant 11275 : i32
          %add3A_639 = vector.broadcast %add3A_638 : i32 to vector<16xi32>
          %add3A_640 = arith.addi %get3A_593, %add3A_639 : vector<16xi32>
          %gather3A_641 = tpu.vector_load_idx %arg5[%add3A_640] : memref<32800xf32, #tpu.memory_space<vmem>>[vector<16xi32>], vector<16xf32>,
          %add3A_642 = arith.constant 12300 : i32
          %add3A_643 = vector.broadcast %add3A_642 : i32 to vector<16xi32>
          %add3A_644 = arith.addi %get3A_593, %add3A_643 : vector<16xi32>
          %gather3A_645 = tpu.vector_load_idx %arg5[%add3A_644] : memref<32800xf32, #tpu.memory_space<vmem>>[vector<16xi32>], vector<16xf32>,
          %add3A_646 = arith.constant 13325 : i32
          %add3A_647 = vector.broadcast %add3A_646 : i32 to vector<16xi32>
          %add3A_648 = arith.addi %get3A_593, %add3A_647 : vector<16xi32>
          %gather3A_649 = tpu.vector_load_idx %arg5[%add3A_648] : memref<32800xf32, #tpu.memory_space<vmem>>[vector<16xi32>], vector<16xf32>,
          %add3A_650 = arith.constant 14350 : i32
          %add3A_651 = vector.broadcast %add3A_650 : i32 to vector<16xi32>
          %add3A_652 = arith.addi %get3A_593, %add3A_651 : vector<16xi32>
          %gather3A_653 = tpu.vector_load_idx %arg5[%add3A_652] : memref<32800xf32, #tpu.memory_space<vmem>>[vector<16xi32>], vector<16xf32>,
          %add3A_654 = arith.constant 15375 : i32
          %add3A_655 = vector.broadcast %add3A_654 : i32 to vector<16xi32>
          %add3A_656 = arith.addi %get3A_593, %add3A_655 : vector<16xi32>
          %gather3A_657 = tpu.vector_load_idx %arg5[%add3A_656] : memref<32800xf32, #tpu.memory_space<vmem>>[vector<16xi32>], vector<16xf32>,
          %mul3A_658 = arith.constant 16 : i32
          %mul3A_659 = arith.muli %add3A_569, %mul3A_658 : i32
          %swap3A_660 = arith.constant 0 : i32
          %swap3A_661 = arith.index_cast %swap3A_660 : i32 to index
          %swap3A_662 = arith.index_cast %mul3A_659 : i32 to index
          %swap3A_663 = tpu.vector_load %arg7[%swap3A_661, %swap3A_662] {strides = array<i32>} : memref<32x512xf32, #tpu.memory_space<vmem>>, vector<16xf32>,
          tpu.vector_store %arg7[%swap3A_661, %swap3A_662], %gather3A_597 {strides = array<i32>} : memref<32x512xf32, #tpu.memory_space<vmem>>, vector<16xf32>,
          %mul3A_664 = arith.constant 16 : i32
          %mul3A_665 = arith.muli %add3A_569, %mul3A_664 : i32
          %swap3A_666 = arith.constant 1 : i32
          %swap3A_667 = arith.index_cast %swap3A_666 : i32 to index
          %swap3A_668 = arith.index_cast %mul3A_665 : i32 to index
          %swap3A_669 = tpu.vector_load %arg7[%swap3A_667, %swap3A_668] {strides = array<i32>} : memref<32x512xf32, #tpu.memory_space<vmem>>, vector<16xf32>,
          tpu.vector_store %arg7[%swap3A_667, %swap3A_668], %gather3A_601 {strides = array<i32>} : memref<32x512xf32, #tpu.memory_space<vmem>>, vector<16xf32>,
          %mul3A_670 = arith.constant 16 : i32
          %mul3A_671 = arith.muli %add3A_569, %mul3A_670 : i32
          %swap3A_672 = arith.constant 2 : i32
          %swap3A_673 = arith.index_cast %swap3A_672 : i32 to index
          %swap3A_674 = arith.index_cast %mul3A_671 : i32 to index
          %swap3A_675 = tpu.vector_load %arg7[%swap3A_673, %swap3A_674] {strides = array<i32>} : memref<32x512xf32, #tpu.memory_space<vmem>>, vector<16xf32>,
          tpu.vector_store %arg7[%swap3A_673, %swap3A_674], %gather3A_605 {strides = array<i32>} : memref<32x512xf32, #tpu.memory_space<vmem>>, vector<16xf32>,
          %mul3A_676 = arith.constant 16 : i32
          %mul3A_677 = arith.muli %add3A_569, %mul3A_676 : i32
          %swap3A_678 = arith.constant 3 : i32
          %swap3A_679 = arith.index_cast %swap3A_678 : i32 to index
          %swap3A_680 = arith.index_cast %mul3A_677 : i32 to index
          %swap3A_681 = tpu.vector_load %arg7[%swap3A_679, %swap3A_680] {strides = array<i32>} : memref<32x512xf32, #tpu.memory_space<vmem>>, vector<16xf32>,
          tpu.vector_store %arg7[%swap3A_679, %swap3A_680], %gather3A_609 {strides = array<i32>} : memref<32x512xf32, #tpu.memory_space<vmem>>, vector<16xf32>,
          %mul3A_682 = arith.constant 16 : i32
          %mul3A_683 = arith.muli %add3A_569, %mul3A_682 : i32
          %swap3A_684 = arith.constant 4 : i32
          %swap3A_685 = arith.index_cast %swap3A_684 : i32 to index
          %swap3A_686 = arith.index_cast %mul3A_683 : i32 to index
          %swap3A_687 = tpu.vector_load %arg7[%swap3A_685, %swap3A_686] {strides = array<i32>} : memref<32x512xf32, #tpu.memory_space<vmem>>, vector<16xf32>,
          tpu.vector_store %arg7[%swap3A_685, %swap3A_686], %gather3A_613 {strides = array<i32>} : memref<32x512xf32, #tpu.memory_space<vmem>>, vector<16xf32>,
          %mul3A_688 = arith.constant 16 : i32
          %mul3A_689 = arith.muli %add3A_569, %mul3A_688 : i32
          %swap3A_690 = arith.constant 5 : i32
          %swap3A_691 = arith.index_cast %swap3A_690 : i32 to index
          %swap3A_692 = arith.index_cast %mul3A_689 : i32 to index
          %swap3A_693 = tpu.vector_load %arg7[%swap3A_691, %swap3A_692] {strides = array<i32>} : memref<32x512xf32, #tpu.memory_space<vmem>>, vector<16xf32>,
          tpu.vector_store %arg7[%swap3A_691, %swap3A_692], %gather3A_617 {strides = array<i32>} : memref<32x512xf32, #tpu.memory_space<vmem>>, vector<16xf32>,
          %mul3A_694 = arith.constant 16 : i32
          %mul3A_695 = arith.muli %add3A_569, %mul3A_694 : i32
          %swap3A_696 = arith.constant 6 : i32
          %swap3A_697 = arith.index_cast %swap3A_696 : i32 to index
          %swap3A_698 = arith.index_cast %mul3A_695 : i32 to index
          %swap3A_699 = tpu.vector_load %arg7[%swap3A_697, %swap3A_698] {strides = array<i32>} : memref<32x512xf32, #tpu.memory_space<vmem>>, vector<16xf32>,
          tpu.vector_store %arg7[%swap3A_697, %swap3A_698], %gather3A_621 {strides = array<i32>} : memref<32x512xf32, #tpu.memory_space<vmem>>, vector<16xf32>,
          %mul3A_700 = arith.constant 16 : i32
          %mul3A_701 = arith.muli %add3A_569, %mul3A_700 : i32
          %swap3A_702 = arith.constant 7 : i32
          %swap3A_703 = arith.index_cast %swap3A_702 : i32 to index
          %swap3A_704 = arith.index_cast %mul3A_701 : i32 to index
          %swap3A_705 = tpu.vector_load %arg7[%swap3A_703, %swap3A_704] {strides = array<i32>} : memref<32x512xf32, #tpu.memory_space<vmem>>, vector<16xf32>,
          tpu.vector_store %arg7[%swap3A_703, %swap3A_704], %gather3A_625 {strides = array<i32>} : memref<32x512xf32, #tpu.memory_space<vmem>>, vector<16xf32>,
          %mul3A_706 = arith.constant 16 : i32
          %mul3A_707 = arith.muli %add3A_569, %mul3A_706 : i32
          %swap3A_708 = arith.constant 8 : i32
          %swap3A_709 = arith.index_cast %swap3A_708 : i32 to index
          %swap3A_710 = arith.index_cast %mul3A_707 : i32 to index
          %swap3A_711 = tpu.vector_load %arg7[%swap3A_709, %swap3A_710] {strides = array<i32>} : memref<32x512xf32, #tpu.memory_space<vmem>>, vector<16xf32>,
          tpu.vector_store %arg7[%swap3A_709, %swap3A_710], %gather3A_629 {strides = array<i32>} : memref<32x512xf32, #tpu.memory_space<vmem>>, vector<16xf32>,
          %mul3A_712 = arith.constant 16 : i32
          %mul3A_713 = arith.muli %add3A_569, %mul3A_712 : i32
          %swap3A_714 = arith.constant 9 : i32
          %swap3A_715 = arith.index_cast %swap3A_714 : i32 to index
          %swap3A_716 = arith.index_cast %mul3A_713 : i32 to index
          %swap3A_717 = tpu.vector_load %arg7[%swap3A_715, %swap3A_716] {strides = array<i32>} : memref<32x512xf32, #tpu.memory_space<vmem>>, vector<16xf32>,
          tpu.vector_store %arg7[%swap3A_715, %swap3A_716], %gather3A_633 {strides = array<i32>} : memref<32x512xf32, #tpu.memory_space<vmem>>, vector<16xf32>,
          %mul3A_718 = arith.constant 16 : i32
          %mul3A_719 = arith.muli %add3A_569, %mul3A_718 : i32
          %swap3A_720 = arith.constant 10 : i32
          %swap3A_721 = arith.index_cast %swap3A_720 : i32 to index
          %swap3A_722 = arith.index_cast %mul3A_719 : i32 to index
          %swap3A_723 = tpu.vector_load %arg7[%swap3A_721, %swap3A_722] {strides = array<i32>} : memref<32x512xf32, #tpu.memory_space<vmem>>, vector<16xf32>,
          tpu.vector_store %arg7[%swap3A_721, %swap3A_722], %gather3A_637 {strides = array<i32>} : memref<32x512xf32, #tpu.memory_space<vmem>>, vector<16xf32>,
          %mul3A_724 = arith.constant 16 : i32
          %mul3A_725 = arith.muli %add3A_569, %mul3A_724 : i32
          %swap3A_726 = arith.constant 11 : i32
          %swap3A_727 = arith.index_cast %swap3A_726 : i32 to index
          %swap3A_728 = arith.index_cast %mul3A_725 : i32 to index
          %swap3A_729 = tpu.vector_load %arg7[%swap3A_727, %swap3A_728] {strides = array<i32>} : memref<32x512xf32, #tpu.memory_space<vmem>>, vector<16xf32>,
          tpu.vector_store %arg7[%swap3A_727, %swap3A_728], %gather3A_641 {strides = array<i32>} : memref<32x512xf32, #tpu.memory_space<vmem>>, vector<16xf32>,
          %mul3A_730 = arith.constant 16 : i32
          %mul3A_731 = arith.muli %add3A_569, %mul3A_730 : i32
          %swap3A_732 = arith.constant 12 : i32
          %swap3A_733 = arith.index_cast %swap3A_732 : i32 to index
          %swap3A_734 = arith.index_cast %mul3A_731 : i32 to index
          %swap3A_735 = tpu.vector_load %arg7[%swap3A_733, %swap3A_734] {strides = array<i32>} : memref<32x512xf32, #tpu.memory_space<vmem>>, vector<16xf32>,
          tpu.vector_store %arg7[%swap3A_733, %swap3A_734], %gather3A_645 {strides = array<i32>} : memref<32x512xf32, #tpu.memory_space<vmem>>, vector<16xf32>,
          %mul3A_736 = arith.constant 16 : i32
          %mul3A_737 = arith.muli %add3A_569, %mul3A_736 : i32
          %swap3A_738 = arith.constant 13 : i32
          %swap3A_739 = arith.index_cast %swap3A_738 : i32 to index
          %swap3A_740 = arith.index_cast %mul3A_737 : i32 to index
          %swap3A_741 = tpu.vector_load %arg7[%swap3A_739, %swap3A_740] {strides = array<i32>} : memref<32x512xf32, #tpu.memory_space<vmem>>, vector<16xf32>,
          tpu.vector_store %arg7[%swap3A_739, %swap3A_740], %gather3A_649 {strides = array<i32>} : memref<32x512xf32, #tpu.memory_space<vmem>>, vector<16xf32>,
          %mul3A_742 = arith.constant 16 : i32
          %mul3A_743 = arith.muli %add3A_569, %mul3A_742 : i32
          %swap3A_744 = arith.constant 14 : i32
          %swap3A_745 = arith.index_cast %swap3A_744 : i32 to index
          %swap3A_746 = arith.index_cast %mul3A_743 : i32 to index
          %swap3A_747 = tpu.vector_load %arg7[%swap3A_745, %swap3A_746] {strides = array<i32>} : memref<32x512xf32, #tpu.memory_space<vmem>>, vector<16xf32>,
          tpu.vector_store %arg7[%swap3A_745, %swap3A_746], %gather3A_653 {strides = array<i32>} : memref<32x512xf32, #tpu.memory_space<vmem>>, vector<16xf32>,
          %mul3A_748 = arith.constant 16 : i32
          %mul3A_749 = arith.muli %add3A_569, %mul3A_748 : i32
          %swap3A_750 = arith.constant 15 : i32
          %swap3A_751 = arith.index_cast %swap3A_750 : i32 to index
          %swap3A_752 = arith.index_cast %mul3A_749 : i32 to index
          %swap3A_753 = tpu.vector_load %arg7[%swap3A_751, %swap3A_752] {strides = array<i32>} : memref<32x512xf32, #tpu.memory_space<vmem>>, vector<16xf32>,
          tpu.vector_store %arg7[%swap3A_751, %swap3A_752], %gather3A_657 {strides = array<i32>} : memref<32x512xf32, #tpu.memory_space<vmem>>, vector<16xf32>,
          %add3A_754 = arith.constant 16400 : i32
          %add3A_755 = vector.broadcast %add3A_754 : i32 to vector<16xi32>
          %add3A_756 = arith.addi %get3A_593, %add3A_755 : vector<16xi32>
          %gather3A_757 = tpu.vector_load_idx %arg5[%add3A_756] : memref<32800xf32, #tpu.memory_space<vmem>>[vector<16xi32>], vector<16xf32>,
          %add3A_758 = arith.constant 17425 : i32
          %add3A_759 = vector.broadcast %add3A_758 : i32 to vector<16xi32>
          %add3A_760 = arith.addi %get3A_593, %add3A_759 : vector<16xi32>
          %gather3A_761 = tpu.vector_load_idx %arg5[%add3A_760] : memref<32800xf32, #tpu.memory_space<vmem>>[vector<16xi32>], vector<16xf32>,
          %add3A_762 = arith.constant 18450 : i32
          %add3A_763 = vector.broadcast %add3A_762 : i32 to vector<16xi32>
          %add3A_764 = arith.addi %get3A_593, %add3A_763 : vector<16xi32>
          %gather3A_765 = tpu.vector_load_idx %arg5[%add3A_764] : memref<32800xf32, #tpu.memory_space<vmem>>[vector<16xi32>], vector<16xf32>,
          %add3A_766 = arith.constant 19475 : i32
          %add3A_767 = vector.broadcast %add3A_766 : i32 to vector<16xi32>
          %add3A_768 = arith.addi %get3A_593, %add3A_767 : vector<16xi32>
          %gather3A_769 = tpu.vector_load_idx %arg5[%add3A_768] : memref<32800xf32, #tpu.memory_space<vmem>>[vector<16xi32>], vector<16xf32>,
          %add3A_770 = arith.constant 20500 : i32
          %add3A_771 = vector.broadcast %add3A_770 : i32 to vector<16xi32>
          %add3A_772 = arith.addi %get3A_593, %add3A_771 : vector<16xi32>
          %gather3A_773 = tpu.vector_load_idx %arg5[%add3A_772] : memref<32800xf32, #tpu.memory_space<vmem>>[vector<16xi32>], vector<16xf32>,
          %add3A_774 = arith.constant 21525 : i32
          %add3A_775 = vector.broadcast %add3A_774 : i32 to vector<16xi32>
          %add3A_776 = arith.addi %get3A_593, %add3A_775 : vector<16xi32>
          %gather3A_777 = tpu.vector_load_idx %arg5[%add3A_776] : memref<32800xf32, #tpu.memory_space<vmem>>[vector<16xi32>], vector<16xf32>,
          %add3A_778 = arith.constant 22550 : i32
          %add3A_779 = vector.broadcast %add3A_778 : i32 to vector<16xi32>
          %add3A_780 = arith.addi %get3A_593, %add3A_779 : vector<16xi32>
          %gather3A_781 = tpu.vector_load_idx %arg5[%add3A_780] : memref<32800xf32, #tpu.memory_space<vmem>>[vector<16xi32>], vector<16xf32>,
          %add3A_782 = arith.constant 23575 : i32
          %add3A_783 = vector.broadcast %add3A_782 : i32 to vector<16xi32>
          %add3A_784 = arith.addi %get3A_593, %add3A_783 : vector<16xi32>
          %gather3A_785 = tpu.vector_load_idx %arg5[%add3A_784] : memref<32800xf32, #tpu.memory_space<vmem>>[vector<16xi32>], vector<16xf32>,
          %add3A_786 = arith.constant 24600 : i32
          %add3A_787 = vector.broadcast %add3A_786 : i32 to vector<16xi32>
          %add3A_788 = arith.addi %get3A_593, %add3A_787 : vector<16xi32>
          %gather3A_789 = tpu.vector_load_idx %arg5[%add3A_788] : memref<32800xf32, #tpu.memory_space<vmem>>[vector<16xi32>], vector<16xf32>,
          %add3A_790 = arith.constant 25625 : i32
          %add3A_791 = vector.broadcast %add3A_790 : i32 to vector<16xi32>
          %add3A_792 = arith.addi %get3A_593, %add3A_791 : vector<16xi32>
          %gather3A_793 = tpu.vector_load_idx %arg5[%add3A_792] : memref<32800xf32, #tpu.memory_space<vmem>>[vector<16xi32>], vector<16xf32>,
          %add3A_794 = arith.constant 26650 : i32
          %add3A_795 = vector.broadcast %add3A_794 : i32 to vector<16xi32>
          %add3A_796 = arith.addi %get3A_593, %add3A_795 : vector<16xi32>
          %gather3A_797 = tpu.vector_load_idx %arg5[%add3A_796] : memref<32800xf32, #tpu.memory_space<vmem>>[vector<16xi32>], vector<16xf32>,
          %add3A_798 = arith.constant 27675 : i32
          %add3A_799 = vector.broadcast %add3A_798 : i32 to vector<16xi32>
          %add3A_800 = arith.addi %get3A_593, %add3A_799 : vector<16xi32>
          %gather3A_801 = tpu.vector_load_idx %arg5[%add3A_800] : memref<32800xf32, #tpu.memory_space<vmem>>[vector<16xi32>], vector<16xf32>,
          %add3A_802 = arith.constant 28700 : i32
          %add3A_803 = vector.broadcast %add3A_802 : i32 to vector<16xi32>
          %add3A_804 = arith.addi %get3A_593, %add3A_803 : vector<16xi32>
          %gather3A_805 = tpu.vector_load_idx %arg5[%add3A_804] : memref<32800xf32, #tpu.memory_space<vmem>>[vector<16xi32>], vector<16xf32>,
          %add3A_806 = arith.constant 29725 : i32
          %add3A_807 = vector.broadcast %add3A_806 : i32 to vector<16xi32>
          %add3A_808 = arith.addi %get3A_593, %add3A_807 : vector<16xi32>
          %gather3A_809 = tpu.vector_load_idx %arg5[%add3A_808] : memref<32800xf32, #tpu.memory_space<vmem>>[vector<16xi32>], vector<16xf32>,
          %add3A_810 = arith.constant 30750 : i32
          %add3A_811 = vector.broadcast %add3A_810 : i32 to vector<16xi32>
          %add3A_812 = arith.addi %get3A_593, %add3A_811 : vector<16xi32>
          %gather3A_813 = tpu.vector_load_idx %arg5[%add3A_812] : memref<32800xf32, #tpu.memory_space<vmem>>[vector<16xi32>], vector<16xf32>,
          %add3A_814 = arith.constant 31775 : i32
          %add3A_815 = vector.broadcast %add3A_814 : i32 to vector<16xi32>
          %add3A_816 = arith.addi %get3A_593, %add3A_815 : vector<16xi32>
          %gather3A_817 = tpu.vector_load_idx %arg5[%add3A_816] : memref<32800xf32, #tpu.memory_space<vmem>>[vector<16xi32>], vector<16xf32>,
          %mul3A_818 = arith.constant 16 : i32
          %mul3A_819 = arith.muli %add3A_569, %mul3A_818 : i32
          %swap3A_820 = arith.constant 16 : i32
          %swap3A_821 = arith.index_cast %swap3A_820 : i32 to index
          %swap3A_822 = arith.index_cast %mul3A_819 : i32 to index
          %swap3A_823 = tpu.vector_load %arg7[%swap3A_821, %swap3A_822] {strides = array<i32>} : memref<32x512xf32, #tpu.memory_space<vmem>>, vector<16xf32>,
          tpu.vector_store %arg7[%swap3A_821, %swap3A_822], %gather3A_757 {strides = array<i32>} : memref<32x512xf32, #tpu.memory_space<vmem>>, vector<16xf32>,
          %mul3A_824 = arith.constant 16 : i32
          %mul3A_825 = arith.muli %add3A_569, %mul3A_824 : i32
          %swap3A_826 = arith.constant 17 : i32
          %swap3A_827 = arith.index_cast %swap3A_826 : i32 to index
          %swap3A_828 = arith.index_cast %mul3A_825 : i32 to index
          %swap3A_829 = tpu.vector_load %arg7[%swap3A_827, %swap3A_828] {strides = array<i32>} : memref<32x512xf32, #tpu.memory_space<vmem>>, vector<16xf32>,
          tpu.vector_store %arg7[%swap3A_827, %swap3A_828], %gather3A_761 {strides = array<i32>} : memref<32x512xf32, #tpu.memory_space<vmem>>, vector<16xf32>,
          %mul3A_830 = arith.constant 16 : i32
          %mul3A_831 = arith.muli %add3A_569, %mul3A_830 : i32
          %swap3A_832 = arith.constant 18 : i32
          %swap3A_833 = arith.index_cast %swap3A_832 : i32 to index
          %swap3A_834 = arith.index_cast %mul3A_831 : i32 to index
          %swap3A_835 = tpu.vector_load %arg7[%swap3A_833, %swap3A_834] {strides = array<i32>} : memref<32x512xf32, #tpu.memory_space<vmem>>, vector<16xf32>,
          tpu.vector_store %arg7[%swap3A_833, %swap3A_834], %gather3A_765 {strides = array<i32>} : memref<32x512xf32, #tpu.memory_space<vmem>>, vector<16xf32>,
          %mul3A_836 = arith.constant 16 : i32
          %mul3A_837 = arith.muli %add3A_569, %mul3A_836 : i32
          %swap3A_838 = arith.constant 19 : i32
          %swap3A_839 = arith.index_cast %swap3A_838 : i32 to index
          %swap3A_840 = arith.index_cast %mul3A_837 : i32 to index
          %swap3A_841 = tpu.vector_load %arg7[%swap3A_839, %swap3A_840] {strides = array<i32>} : memref<32x512xf32, #tpu.memory_space<vmem>>, vector<16xf32>,
          tpu.vector_store %arg7[%swap3A_839, %swap3A_840], %gather3A_769 {strides = array<i32>} : memref<32x512xf32, #tpu.memory_space<vmem>>, vector<16xf32>,
          %mul3A_842 = arith.constant 16 : i32
          %mul3A_843 = arith.muli %add3A_569, %mul3A_842 : i32
          %swap3A_844 = arith.constant 20 : i32
          %swap3A_845 = arith.index_cast %swap3A_844 : i32 to index
          %swap3A_846 = arith.index_cast %mul3A_843 : i32 to index
          %swap3A_847 = tpu.vector_load %arg7[%swap3A_845, %swap3A_846] {strides = array<i32>} : memref<32x512xf32, #tpu.memory_space<vmem>>, vector<16xf32>,
          tpu.vector_store %arg7[%swap3A_845, %swap3A_846], %gather3A_773 {strides = array<i32>} : memref<32x512xf32, #tpu.memory_space<vmem>>, vector<16xf32>,
          %mul3A_848 = arith.constant 16 : i32
          %mul3A_849 = arith.muli %add3A_569, %mul3A_848 : i32
          %swap3A_850 = arith.constant 21 : i32
          %swap3A_851 = arith.index_cast %swap3A_850 : i32 to index
          %swap3A_852 = arith.index_cast %mul3A_849 : i32 to index
          %swap3A_853 = tpu.vector_load %arg7[%swap3A_851, %swap3A_852] {strides = array<i32>} : memref<32x512xf32, #tpu.memory_space<vmem>>, vector<16xf32>,
          tpu.vector_store %arg7[%swap3A_851, %swap3A_852], %gather3A_777 {strides = array<i32>} : memref<32x512xf32, #tpu.memory_space<vmem>>, vector<16xf32>,
          %mul3A_854 = arith.constant 16 : i32
          %mul3A_855 = arith.muli %add3A_569, %mul3A_854 : i32
          %swap3A_856 = arith.constant 22 : i32
          %swap3A_857 = arith.index_cast %swap3A_856 : i32 to index
          %swap3A_858 = arith.index_cast %mul3A_855 : i32 to index
          %swap3A_859 = tpu.vector_load %arg7[%swap3A_857, %swap3A_858] {strides = array<i32>} : memref<32x512xf32, #tpu.memory_space<vmem>>, vector<16xf32>,
          tpu.vector_store %arg7[%swap3A_857, %swap3A_858], %gather3A_781 {strides = array<i32>} : memref<32x512xf32, #tpu.memory_space<vmem>>, vector<16xf32>,
          %mul3A_860 = arith.constant 16 : i32
          %mul3A_861 = arith.muli %add3A_569, %mul3A_860 : i32
          %swap3A_862 = arith.constant 23 : i32
          %swap3A_863 = arith.index_cast %swap3A_862 : i32 to index
          %swap3A_864 = arith.index_cast %mul3A_861 : i32 to index
          %swap3A_865 = tpu.vector_load %arg7[%swap3A_863, %swap3A_864] {strides = array<i32>} : memref<32x512xf32, #tpu.memory_space<vmem>>, vector<16xf32>,
          tpu.vector_store %arg7[%swap3A_863, %swap3A_864], %gather3A_785 {strides = array<i32>} : memref<32x512xf32, #tpu.memory_space<vmem>>, vector<16xf32>,
          %mul3A_866 = arith.constant 16 : i32
          %mul3A_867 = arith.muli %add3A_569, %mul3A_866 : i32
          %swap3A_868 = arith.constant 24 : i32
          %swap3A_869 = arith.index_cast %swap3A_868 : i32 to index
          %swap3A_870 = arith.index_cast %mul3A_867 : i32 to index
          %swap3A_871 = tpu.vector_load %arg7[%swap3A_869, %swap3A_870] {strides = array<i32>} : memref<32x512xf32, #tpu.memory_space<vmem>>, vector<16xf32>,
          tpu.vector_store %arg7[%swap3A_869, %swap3A_870], %gather3A_789 {strides = array<i32>} : memref<32x512xf32, #tpu.memory_space<vmem>>, vector<16xf32>,
          %mul3A_872 = arith.constant 16 : i32
          %mul3A_873 = arith.muli %add3A_569, %mul3A_872 : i32
          %swap3A_874 = arith.constant 25 : i32
          %swap3A_875 = arith.index_cast %swap3A_874 : i32 to index
          %swap3A_876 = arith.index_cast %mul3A_873 : i32 to index
          %swap3A_877 = tpu.vector_load %arg7[%swap3A_875, %swap3A_876] {strides = array<i32>} : memref<32x512xf32, #tpu.memory_space<vmem>>, vector<16xf32>,
          tpu.vector_store %arg7[%swap3A_875, %swap3A_876], %gather3A_793 {strides = array<i32>} : memref<32x512xf32, #tpu.memory_space<vmem>>, vector<16xf32>,
          %mul3A_878 = arith.constant 16 : i32
          %mul3A_879 = arith.muli %add3A_569, %mul3A_878 : i32
          %swap3A_880 = arith.constant 26 : i32
          %swap3A_881 = arith.index_cast %swap3A_880 : i32 to index
          %swap3A_882 = arith.index_cast %mul3A_879 : i32 to index
          %swap3A_883 = tpu.vector_load %arg7[%swap3A_881, %swap3A_882] {strides = array<i32>} : memref<32x512xf32, #tpu.memory_space<vmem>>, vector<16xf32>,
          tpu.vector_store %arg7[%swap3A_881, %swap3A_882], %gather3A_797 {strides = array<i32>} : memref<32x512xf32, #tpu.memory_space<vmem>>, vector<16xf32>,
          %mul3A_884 = arith.constant 16 : i32
          %mul3A_885 = arith.muli %add3A_569, %mul3A_884 : i32
          %swap3A_886 = arith.constant 27 : i32
          %swap3A_887 = arith.index_cast %swap3A_886 : i32 to index
          %swap3A_888 = arith.index_cast %mul3A_885 : i32 to index
          %swap3A_889 = tpu.vector_load %arg7[%swap3A_887, %swap3A_888] {strides = array<i32>} : memref<32x512xf32, #tpu.memory_space<vmem>>, vector<16xf32>,
          tpu.vector_store %arg7[%swap3A_887, %swap3A_888], %gather3A_801 {strides = array<i32>} : memref<32x512xf32, #tpu.memory_space<vmem>>, vector<16xf32>,
          %mul3A_890 = arith.constant 16 : i32
          %mul3A_891 = arith.muli %add3A_569, %mul3A_890 : i32
          %swap3A_892 = arith.constant 28 : i32
          %swap3A_893 = arith.index_cast %swap3A_892 : i32 to index
          %swap3A_894 = arith.index_cast %mul3A_891 : i32 to index
          %swap3A_895 = tpu.vector_load %arg7[%swap3A_893, %swap3A_894] {strides = array<i32>} : memref<32x512xf32, #tpu.memory_space<vmem>>, vector<16xf32>,
          tpu.vector_store %arg7[%swap3A_893, %swap3A_894], %gather3A_805 {strides = array<i32>} : memref<32x512xf32, #tpu.memory_space<vmem>>, vector<16xf32>,
          %mul3A_896 = arith.constant 16 : i32
          %mul3A_897 = arith.muli %add3A_569, %mul3A_896 : i32
          %swap3A_898 = arith.constant 29 : i32
          %swap3A_899 = arith.index_cast %swap3A_898 : i32 to index
          %swap3A_900 = arith.index_cast %mul3A_897 : i32 to index
          %swap3A_901 = tpu.vector_load %arg7[%swap3A_899, %swap3A_900] {strides = array<i32>} : memref<32x512xf32, #tpu.memory_space<vmem>>, vector<16xf32>,
          tpu.vector_store %arg7[%swap3A_899, %swap3A_900], %gather3A_809 {strides = array<i32>} : memref<32x512xf32, #tpu.memory_space<vmem>>, vector<16xf32>,
          %mul3A_902 = arith.constant 16 : i32
          %mul3A_903 = arith.muli %add3A_569, %mul3A_902 : i32
          %swap3A_904 = arith.constant 30 : i32
          %swap3A_905 = arith.index_cast %swap3A_904 : i32 to index
          %swap3A_906 = arith.index_cast %mul3A_903 : i32 to index
          %swap3A_907 = tpu.vector_load %arg7[%swap3A_905, %swap3A_906] {strides = array<i32>} : memref<32x512xf32, #tpu.memory_space<vmem>>, vector<16xf32>,
          tpu.vector_store %arg7[%swap3A_905, %swap3A_906], %gather3A_813 {strides = array<i32>} : memref<32x512xf32, #tpu.memory_space<vmem>>, vector<16xf32>,
          %mul3A_908 = arith.constant 16 : i32
          %mul3A_909 = arith.muli %add3A_569, %mul3A_908 : i32
          %swap3A_910 = arith.constant 31 : i32
          %swap3A_911 = arith.index_cast %swap3A_910 : i32 to index
          %swap3A_912 = arith.index_cast %mul3A_909 : i32 to index
          %swap3A_913 = tpu.vector_load %arg7[%swap3A_911, %swap3A_912] {strides = array<i32>} : memref<32x512xf32, #tpu.memory_space<vmem>>, vector<16xf32>,
          tpu.vector_store %arg7[%swap3A_911, %swap3A_912], %gather3A_817 {strides = array<i32>} : memref<32x512xf32, #tpu.memory_space<vmem>>, vector<16xf32>,
        }
        %scan3A_143 = arith.constant 32 : i32
        %dma_start3A = arith.constant 0 : i32
        %dma_start3A_144 = arith.constant 0 : i32
        %dma_start3A_145 = tpu.memref_slice %arg7[%dma_start3A, %dma_start3A_144] : memref<32x512xf32, #tpu.memory_space<vmem>> -> memref<32x512xf32, #tpu.memory_space<vmem>>
        %dma_start3A_146 = tpu.memref_slice %arg4[%select_n3A_115, %add3A_48, %add3A_134] : memref<20x1000x4096xf32, #tpu.memory_space<hbm>> -> memref<1x32x512xf32, #tpu.memory_space<hbm>>
        %dma_start3A_147 = tpu.memref_squeeze %dma_start3A_146 : memref<1x32x512xf32, #tpu.memory_space<hbm>> -> memref<32x512xf32, #tpu.memory_space<hbm>>
        %dma_start3A_148 = tpu.memref_slice %arg4[%select_n3A_115, %add3A_48, %add3A_134] : memref<20x1000x4096xf32, #tpu.memory_space<hbm>> -> memref<1x32x512xf32, #tpu.memory_space<hbm>>
        %dma_start3A_149 = tpu.memref_squeeze %dma_start3A_148 : memref<1x32x512xf32, #tpu.memory_space<hbm>> -> memref<32x512xf32, #tpu.memory_space<hbm>>
        %dma_start3A_150 = arith.constant 0 : i32
        %dma_start3A_151 = arith.constant 0 : i32
        %dma_start3A_152 = tpu.memref_slice %arg7[%dma_start3A_150, %dma_start3A_151] : memref<32x512xf32, #tpu.memory_space<vmem>> -> memref<32x512xf32, #tpu.memory_space<vmem>>
        tpu.enqueue_dma source(%dma_start3A_152 : memref<32x512xf32, #tpu.memory_space<vmem>>) target(%dma_start3A_149 : memref<32x512xf32, #tpu.memory_space<hbm>>) target_semaphore(%arg9 : memref<!tpu.dma_semaphore, #tpu.memory_space<semaphore_mem>>)
        %add3A_153 = arith.constant 1 : i32
        %add3A_154 = arith.addi %add3A_89, %add3A_153 : i32
        %jit3A_155 = arith.constant 2 : i32
        %div3A_156 = arith.divsi %add3A_154, %jit3A_155 : i32
        %sign3A_157 = arith.constant 0 : i32
        %sign3A_158 = arith.cmpi sgt, %add3A_154, %sign3A_157 : i32
        %sign3A_159 = arith.extui %sign3A_158 : i1 to i32
        %sign3A_160 = arith.constant 0 : i32
        %sign3A_161 = arith.cmpi slt, %add3A_154, %sign3A_160 : i32
        %sign3A_162 = arith.extui %sign3A_161 : i1 to i32
        %sign3A_163 = arith.subi %sign3A_159, %sign3A_162 : i32
        %sign3A_164 = arith.constant 0 : i32
        %sign3A_165 = arith.cmpi sgt, %jit3A_155, %sign3A_164 : i32
        %sign3A_166 = arith.extui %sign3A_165 : i1 to i32
        %sign3A_167 = arith.constant 0 : i32
        %sign3A_168 = arith.cmpi slt, %jit3A_155, %sign3A_167 : i32
        %sign3A_169 = arith.extui %sign3A_168 : i1 to i32
        %sign3A_170 = arith.subi %sign3A_166, %sign3A_169 : i32
        %ne3A_171 = arith.cmpi ne, %sign3A_163, %sign3A_170 : i32
        %rem3A_172 = arith.remsi %add3A_154, %jit3A_155 : i32
        %ne3A_173 = arith.constant 0 : i32
        %ne3A_174 = arith.cmpi ne, %rem3A_172, %ne3A_173 : i32
        %and3A_175 = arith.andi %ne3A_171, %ne3A_174 : i1
        %sub3A_176 = arith.constant 1 : i32
        %sub3A_177 = arith.subi %div3A_156, %sub3A_176 : i32
        %select_n3A_178 = arith.select %and3A_175, %sub3A_177, %div3A_156 : i32
        %jit3A_179 = arith.constant 2 : i32
        %eq3A_180 = arith.constant 0 : i32
        %eq3A_181 = arith.cmpi eq, %jit3A_179, %eq3A_180 : i32
        %jit3A_182 = arith.constant 1 : i32
        %select_n3A_183 = arith.select %eq3A_181, %jit3A_182, %jit3A_179 : i32
        %rem3A_184 = arith.remsi %add3A_154, %select_n3A_183 : i32
        %ne3A_185 = arith.constant 0 : i32
        %ne3A_186 = arith.cmpi ne, %rem3A_184, %ne3A_185 : i32
        %lt3A_187 = arith.constant 0 : i32
        %lt3A_188 = arith.cmpi slt, %rem3A_184, %lt3A_187 : i32
        %lt3A_189 = arith.constant 0 : i32
        %lt3A_190 = arith.cmpi slt, %select_n3A_183, %lt3A_189 : i32
        %ne3A_191 = arith.xori %lt3A_188, %lt3A_190 : i1
        %and3A_192 = arith.andi %ne3A_191, %ne3A_186 : i1
        %add3A_193 = arith.addi %rem3A_184, %select_n3A_183 : i32
        %select_n3A_194 = arith.select %and3A_192, %add3A_193, %rem3A_184 : i32
        %mul3A_195 = arith.constant 512 : i32
        %mul3A_196 = arith.muli %select_n3A_194, %mul3A_195 : i32
        %add3A_197 = arith.addi %mul3A_34, %mul3A_196 : i32
        %ge3A_198 = arith.constant 2 : i32
        %ge3A_199 = arith.cmpi sge, %add3A_89, %ge3A_198 : i32
        %convert_element_type3A_200 = arith.extui %ge3A_199 : i1 to i32
        %cond3A_201 = arith.constant 0 : i32
        %cond3A_202 = arith.cmpi ne, %convert_element_type3A_200, %cond3A_201 : i32
        scf.if %cond3A_202 {
          %dma_wait3A_218 = arith.constant 0 : i32
          %dma_wait3A_219 = arith.constant 0 : i32
          %dma_wait3A_220 = arith.constant 0 : i32
          %dma_wait3A_221 = tpu.memref_slice %arg8[%dma_wait3A_219, %dma_wait3A_220] : memref<32x512xf32, #tpu.memory_space<vmem>> -> memref<32x512xf32, #tpu.memory_space<vmem>>
          %dma_wait3A_222 = arith.constant 0 : i32
          %dma_wait3A_223 = arith.constant 0 : i32
          %dma_wait3A_224 = tpu.memref_slice %arg4[%dma_wait3A_218, %dma_wait3A_222, %dma_wait3A_223] : memref<20x1000x4096xf32, #tpu.memory_space<hbm>> -> memref<1x32x512xf32, #tpu.memory_space<hbm>>
          %dma_wait3A_225 = tpu.memref_squeeze %dma_wait3A_224 : memref<1x32x512xf32, #tpu.memory_space<hbm>> -> memref<32x512xf32, #tpu.memory_space<hbm>>
          %dma_wait3A_226 = arith.constant 0 : i32
          %dma_wait3A_227 = arith.constant 0 : i32
          %dma_wait3A_228 = tpu.memref_slice %arg4[%dma_wait3A_218, %dma_wait3A_226, %dma_wait3A_227] : memref<20x1000x4096xf32, #tpu.memory_space<hbm>> -> memref<1x32x512xf32, #tpu.memory_space<hbm>>
          %dma_wait3A_229 = tpu.memref_squeeze %dma_wait3A_228 : memref<1x32x512xf32, #tpu.memory_space<hbm>> -> memref<32x512xf32, #tpu.memory_space<hbm>>
          %dma_wait3A_230 = arith.constant 0 : i32
          %dma_wait3A_231 = arith.constant 0 : i32
          %dma_wait3A_232 = tpu.memref_slice %arg8[%dma_wait3A_230, %dma_wait3A_231] : memref<32x512xf32, #tpu.memory_space<vmem>> -> memref<32x512xf32, #tpu.memory_space<vmem>>
          tpu.wait_dma2 semaphore(%arg10 : memref<!tpu.dma_semaphore, #tpu.memory_space<semaphore_mem>>) src(%dma_wait3A_232 : memref<32x512xf32, #tpu.memory_space<vmem>>) dst(%dma_wait3A_229 : memref<32x512xf32, #tpu.memory_space<hbm>>)
        } else {
        }
        %scan3A_203 = arith.constant 0 : i32
        %scan3A_204 = arith.constant 32 : i32
        %scan3A_205 = arith.addi %scan3A_203, %scan3A_204 : i32
        %scan3A_206 = arith.constant 2 : i32
        scf.for %scan3A_218 = %scan3A_203 to %scan3A_205 step %scan3A_206  : i32 {
          %mul3A_219 = arith.constant 1 : i32
          %mul3A_220 = arith.muli %scan3A_218, %mul3A_219 : i32
          %add3A_221 = arith.constant 0 : i32
          %add3A_222 = arith.addi %add3A_221, %mul3A_220 : i32
          %jit3A_223 = arith.constant 2 : i32
          %eq3A_224 = arith.constant 0 : i32
          %eq3A_225 = arith.cmpi eq, %jit3A_223, %eq3A_224 : i32
          %jit3A_226 = arith.constant 1 : i32
          %select_n3A_227 = arith.select %eq3A_225, %jit3A_226, %jit3A_223 : i32
          %rem3A_228 = arith.remsi %add3A_154, %select_n3A_227 : i32
          %ne3A_229 = arith.constant 0 : i32
          %ne3A_230 = arith.cmpi ne, %rem3A_228, %ne3A_229 : i32
          %lt3A_231 = arith.constant 0 : i32
          %lt3A_232 = arith.cmpi slt, %rem3A_228, %lt3A_231 : i32
          %lt3A_233 = arith.constant 0 : i32
          %lt3A_234 = arith.cmpi slt, %select_n3A_227, %lt3A_233 : i32
          %ne3A_235 = arith.xori %lt3A_232, %lt3A_234 : i1
          %and3A_236 = arith.andi %ne3A_235, %ne3A_230 : i1
          %add3A_237 = arith.addi %rem3A_228, %select_n3A_227 : i32
          %select_n3A_238 = arith.select %and3A_236, %add3A_237, %rem3A_228 : i32
          %mul3A_239 = arith.constant 512 : i32
          %mul3A_240 = arith.muli %select_n3A_238, %mul3A_239 : i32
          %mul3A_241 = arith.constant 16 : i32
          %mul3A_242 = arith.muli %add3A_222, %mul3A_241 : i32
          %add3A_243 = arith.addi %mul3A_240, %mul3A_242 : i32
          %get3A = arith.index_cast %select_n3A_178 : i32 to index
          %get3A_244 = arith.index_cast %add3A_243 : i32 to index
          %get3A_245 = tpu.vector_load %arg6[%get3A, %get3A_244] {strides = array<i32>} : memref<20x1024xi32, #tpu.memory_space<vmem>>, vector<16xi32>,
          %add3A_246 = arith.constant 0 : i32
          %add3A_247 = vector.broadcast %add3A_246 : i32 to vector<16xi32>
          %add3A_248 = arith.addi %get3A_245, %add3A_247 : vector<16xi32>
          %gather3A = tpu.vector_load_idx %arg5[%add3A_248] : memref<32800xf32, #tpu.memory_space<vmem>>[vector<16xi32>], vector<16xf32>,
          %add3A_249 = arith.constant 1025 : i32
          %add3A_250 = vector.broadcast %add3A_249 : i32 to vector<16xi32>
          %add3A_251 = arith.addi %get3A_245, %add3A_250 : vector<16xi32>
          %gather3A_252 = tpu.vector_load_idx %arg5[%add3A_251] : memref<32800xf32, #tpu.memory_space<vmem>>[vector<16xi32>], vector<16xf32>,
          %add3A_253 = arith.constant 2050 : i32
          %add3A_254 = vector.broadcast %add3A_253 : i32 to vector<16xi32>
          %add3A_255 = arith.addi %get3A_245, %add3A_254 : vector<16xi32>
          %gather3A_256 = tpu.vector_load_idx %arg5[%add3A_255] : memref<32800xf32, #tpu.memory_space<vmem>>[vector<16xi32>], vector<16xf32>,
          %add3A_257 = arith.constant 3075 : i32
          %add3A_258 = vector.broadcast %add3A_257 : i32 to vector<16xi32>
          %add3A_259 = arith.addi %get3A_245, %add3A_258 : vector<16xi32>
          %gather3A_260 = tpu.vector_load_idx %arg5[%add3A_259] : memref<32800xf32, #tpu.memory_space<vmem>>[vector<16xi32>], vector<16xf32>,
          %add3A_261 = arith.constant 4100 : i32
          %add3A_262 = vector.broadcast %add3A_261 : i32 to vector<16xi32>
          %add3A_263 = arith.addi %get3A_245, %add3A_262 : vector<16xi32>
          %gather3A_264 = tpu.vector_load_idx %arg5[%add3A_263] : memref<32800xf32, #tpu.memory_space<vmem>>[vector<16xi32>], vector<16xf32>,
          %add3A_265 = arith.constant 5125 : i32
          %add3A_266 = vector.broadcast %add3A_265 : i32 to vector<16xi32>
          %add3A_267 = arith.addi %get3A_245, %add3A_266 : vector<16xi32>
          %gather3A_268 = tpu.vector_load_idx %arg5[%add3A_267] : memref<32800xf32, #tpu.memory_space<vmem>>[vector<16xi32>], vector<16xf32>,
          %add3A_269 = arith.constant 6150 : i32
          %add3A_270 = vector.broadcast %add3A_269 : i32 to vector<16xi32>
          %add3A_271 = arith.addi %get3A_245, %add3A_270 : vector<16xi32>
          %gather3A_272 = tpu.vector_load_idx %arg5[%add3A_271] : memref<32800xf32, #tpu.memory_space<vmem>>[vector<16xi32>], vector<16xf32>,
          %add3A_273 = arith.constant 7175 : i32
          %add3A_274 = vector.broadcast %add3A_273 : i32 to vector<16xi32>
          %add3A_275 = arith.addi %get3A_245, %add3A_274 : vector<16xi32>
          %gather3A_276 = tpu.vector_load_idx %arg5[%add3A_275] : memref<32800xf32, #tpu.memory_space<vmem>>[vector<16xi32>], vector<16xf32>,
          %add3A_277 = arith.constant 8200 : i32
          %add3A_278 = vector.broadcast %add3A_277 : i32 to vector<16xi32>
          %add3A_279 = arith.addi %get3A_245, %add3A_278 : vector<16xi32>
          %gather3A_280 = tpu.vector_load_idx %arg5[%add3A_279] : memref<32800xf32, #tpu.memory_space<vmem>>[vector<16xi32>], vector<16xf32>,
          %add3A_281 = arith.constant 9225 : i32
          %add3A_282 = vector.broadcast %add3A_281 : i32 to vector<16xi32>
          %add3A_283 = arith.addi %get3A_245, %add3A_282 : vector<16xi32>
          %gather3A_284 = tpu.vector_load_idx %arg5[%add3A_283] : memref<32800xf32, #tpu.memory_space<vmem>>[vector<16xi32>], vector<16xf32>,
          %add3A_285 = arith.constant 10250 : i32
          %add3A_286 = vector.broadcast %add3A_285 : i32 to vector<16xi32>
          %add3A_287 = arith.addi %get3A_245, %add3A_286 : vector<16xi32>
          %gather3A_288 = tpu.vector_load_idx %arg5[%add3A_287] : memref<32800xf32, #tpu.memory_space<vmem>>[vector<16xi32>], vector<16xf32>,
          %add3A_289 = arith.constant 11275 : i32
          %add3A_290 = vector.broadcast %add3A_289 : i32 to vector<16xi32>
          %add3A_291 = arith.addi %get3A_245, %add3A_290 : vector<16xi32>
          %gather3A_292 = tpu.vector_load_idx %arg5[%add3A_291] : memref<32800xf32, #tpu.memory_space<vmem>>[vector<16xi32>], vector<16xf32>,
          %add3A_293 = arith.constant 12300 : i32
          %add3A_294 = vector.broadcast %add3A_293 : i32 to vector<16xi32>
          %add3A_295 = arith.addi %get3A_245, %add3A_294 : vector<16xi32>
          %gather3A_296 = tpu.vector_load_idx %arg5[%add3A_295] : memref<32800xf32, #tpu.memory_space<vmem>>[vector<16xi32>], vector<16xf32>,
          %add3A_297 = arith.constant 13325 : i32
          %add3A_298 = vector.broadcast %add3A_297 : i32 to vector<16xi32>
          %add3A_299 = arith.addi %get3A_245, %add3A_298 : vector<16xi32>
          %gather3A_300 = tpu.vector_load_idx %arg5[%add3A_299] : memref<32800xf32, #tpu.memory_space<vmem>>[vector<16xi32>], vector<16xf32>,
          %add3A_301 = arith.constant 14350 : i32
          %add3A_302 = vector.broadcast %add3A_301 : i32 to vector<16xi32>
          %add3A_303 = arith.addi %get3A_245, %add3A_302 : vector<16xi32>
          %gather3A_304 = tpu.vector_load_idx %arg5[%add3A_303] : memref<32800xf32, #tpu.memory_space<vmem>>[vector<16xi32>], vector<16xf32>,
          %add3A_305 = arith.constant 15375 : i32
          %add3A_306 = vector.broadcast %add3A_305 : i32 to vector<16xi32>
          %add3A_307 = arith.addi %get3A_245, %add3A_306 : vector<16xi32>
          %gather3A_308 = tpu.vector_load_idx %arg5[%add3A_307] : memref<32800xf32, #tpu.memory_space<vmem>>[vector<16xi32>], vector<16xf32>,
          %mul3A_309 = arith.constant 16 : i32
          %mul3A_310 = arith.muli %add3A_222, %mul3A_309 : i32
          %swap3A = arith.constant 0 : i32
          %swap3A_311 = arith.index_cast %swap3A : i32 to index
          %swap3A_312 = arith.index_cast %mul3A_310 : i32 to index
          %swap3A_313 = tpu.vector_load %arg8[%swap3A_311, %swap3A_312] {strides = array<i32>} : memref<32x512xf32, #tpu.memory_space<vmem>>, vector<16xf32>,
          tpu.vector_store %arg8[%swap3A_311, %swap3A_312], %gather3A {strides = array<i32>} : memref<32x512xf32, #tpu.memory_space<vmem>>, vector<16xf32>,
          %mul3A_314 = arith.constant 16 : i32
          %mul3A_315 = arith.muli %add3A_222, %mul3A_314 : i32
          %swap3A_316 = arith.constant 1 : i32
          %swap3A_317 = arith.index_cast %swap3A_316 : i32 to index
          %swap3A_318 = arith.index_cast %mul3A_315 : i32 to index
          %swap3A_319 = tpu.vector_load %arg8[%swap3A_317, %swap3A_318] {strides = array<i32>} : memref<32x512xf32, #tpu.memory_space<vmem>>, vector<16xf32>,
          tpu.vector_store %arg8[%swap3A_317, %swap3A_318], %gather3A_252 {strides = array<i32>} : memref<32x512xf32, #tpu.memory_space<vmem>>, vector<16xf32>,
          %mul3A_320 = arith.constant 16 : i32
          %mul3A_321 = arith.muli %add3A_222, %mul3A_320 : i32
          %swap3A_322 = arith.constant 2 : i32
          %swap3A_323 = arith.index_cast %swap3A_322 : i32 to index
          %swap3A_324 = arith.index_cast %mul3A_321 : i32 to index
          %swap3A_325 = tpu.vector_load %arg8[%swap3A_323, %swap3A_324] {strides = array<i32>} : memref<32x512xf32, #tpu.memory_space<vmem>>, vector<16xf32>,
          tpu.vector_store %arg8[%swap3A_323, %swap3A_324], %gather3A_256 {strides = array<i32>} : memref<32x512xf32, #tpu.memory_space<vmem>>, vector<16xf32>,
          %mul3A_326 = arith.constant 16 : i32
          %mul3A_327 = arith.muli %add3A_222, %mul3A_326 : i32
          %swap3A_328 = arith.constant 3 : i32
          %swap3A_329 = arith.index_cast %swap3A_328 : i32 to index
          %swap3A_330 = arith.index_cast %mul3A_327 : i32 to index
          %swap3A_331 = tpu.vector_load %arg8[%swap3A_329, %swap3A_330] {strides = array<i32>} : memref<32x512xf32, #tpu.memory_space<vmem>>, vector<16xf32>,
          tpu.vector_store %arg8[%swap3A_329, %swap3A_330], %gather3A_260 {strides = array<i32>} : memref<32x512xf32, #tpu.memory_space<vmem>>, vector<16xf32>,
          %mul3A_332 = arith.constant 16 : i32
          %mul3A_333 = arith.muli %add3A_222, %mul3A_332 : i32
          %swap3A_334 = arith.constant 4 : i32
          %swap3A_335 = arith.index_cast %swap3A_334 : i32 to index
          %swap3A_336 = arith.index_cast %mul3A_333 : i32 to index
          %swap3A_337 = tpu.vector_load %arg8[%swap3A_335, %swap3A_336] {strides = array<i32>} : memref<32x512xf32, #tpu.memory_space<vmem>>, vector<16xf32>,
          tpu.vector_store %arg8[%swap3A_335, %swap3A_336], %gather3A_264 {strides = array<i32>} : memref<32x512xf32, #tpu.memory_space<vmem>>, vector<16xf32>,
          %mul3A_338 = arith.constant 16 : i32
          %mul3A_339 = arith.muli %add3A_222, %mul3A_338 : i32
          %swap3A_340 = arith.constant 5 : i32
          %swap3A_341 = arith.index_cast %swap3A_340 : i32 to index
          %swap3A_342 = arith.index_cast %mul3A_339 : i32 to index
          %swap3A_343 = tpu.vector_load %arg8[%swap3A_341, %swap3A_342] {strides = array<i32>} : memref<32x512xf32, #tpu.memory_space<vmem>>, vector<16xf32>,
          tpu.vector_store %arg8[%swap3A_341, %swap3A_342], %gather3A_268 {strides = array<i32>} : memref<32x512xf32, #tpu.memory_space<vmem>>, vector<16xf32>,
          %mul3A_344 = arith.constant 16 : i32
          %mul3A_345 = arith.muli %add3A_222, %mul3A_344 : i32
          %swap3A_346 = arith.constant 6 : i32
          %swap3A_347 = arith.index_cast %swap3A_346 : i32 to index
          %swap3A_348 = arith.index_cast %mul3A_345 : i32 to index
          %swap3A_349 = tpu.vector_load %arg8[%swap3A_347, %swap3A_348] {strides = array<i32>} : memref<32x512xf32, #tpu.memory_space<vmem>>, vector<16xf32>,
          tpu.vector_store %arg8[%swap3A_347, %swap3A_348], %gather3A_272 {strides = array<i32>} : memref<32x512xf32, #tpu.memory_space<vmem>>, vector<16xf32>,
          %mul3A_350 = arith.constant 16 : i32
          %mul3A_351 = arith.muli %add3A_222, %mul3A_350 : i32
          %swap3A_352 = arith.constant 7 : i32
          %swap3A_353 = arith.index_cast %swap3A_352 : i32 to index
          %swap3A_354 = arith.index_cast %mul3A_351 : i32 to index
          %swap3A_355 = tpu.vector_load %arg8[%swap3A_353, %swap3A_354] {strides = array<i32>} : memref<32x512xf32, #tpu.memory_space<vmem>>, vector<16xf32>,
          tpu.vector_store %arg8[%swap3A_353, %swap3A_354], %gather3A_276 {strides = array<i32>} : memref<32x512xf32, #tpu.memory_space<vmem>>, vector<16xf32>,
          %mul3A_356 = arith.constant 16 : i32
          %mul3A_357 = arith.muli %add3A_222, %mul3A_356 : i32
          %swap3A_358 = arith.constant 8 : i32
          %swap3A_359 = arith.index_cast %swap3A_358 : i32 to index
          %swap3A_360 = arith.index_cast %mul3A_357 : i32 to index
          %swap3A_361 = tpu.vector_load %arg8[%swap3A_359, %swap3A_360] {strides = array<i32>} : memref<32x512xf32, #tpu.memory_space<vmem>>, vector<16xf32>,
          tpu.vector_store %arg8[%swap3A_359, %swap3A_360], %gather3A_280 {strides = array<i32>} : memref<32x512xf32, #tpu.memory_space<vmem>>, vector<16xf32>,
          %mul3A_362 = arith.constant 16 : i32
          %mul3A_363 = arith.muli %add3A_222, %mul3A_362 : i32
          %swap3A_364 = arith.constant 9 : i32
          %swap3A_365 = arith.index_cast %swap3A_364 : i32 to index
          %swap3A_366 = arith.index_cast %mul3A_363 : i32 to index
          %swap3A_367 = tpu.vector_load %arg8[%swap3A_365, %swap3A_366] {strides = array<i32>} : memref<32x512xf32, #tpu.memory_space<vmem>>, vector<16xf32>,
          tpu.vector_store %arg8[%swap3A_365, %swap3A_366], %gather3A_284 {strides = array<i32>} : memref<32x512xf32, #tpu.memory_space<vmem>>, vector<16xf32>,
          %mul3A_368 = arith.constant 16 : i32
          %mul3A_369 = arith.muli %add3A_222, %mul3A_368 : i32
          %swap3A_370 = arith.constant 10 : i32
          %swap3A_371 = arith.index_cast %swap3A_370 : i32 to index
          %swap3A_372 = arith.index_cast %mul3A_369 : i32 to index
          %swap3A_373 = tpu.vector_load %arg8[%swap3A_371, %swap3A_372] {strides = array<i32>} : memref<32x512xf32, #tpu.memory_space<vmem>>, vector<16xf32>,
          tpu.vector_store %arg8[%swap3A_371, %swap3A_372], %gather3A_288 {strides = array<i32>} : memref<32x512xf32, #tpu.memory_space<vmem>>, vector<16xf32>,
          %mul3A_374 = arith.constant 16 : i32
          %mul3A_375 = arith.muli %add3A_222, %mul3A_374 : i32
          %swap3A_376 = arith.constant 11 : i32
          %swap3A_377 = arith.index_cast %swap3A_376 : i32 to index
          %swap3A_378 = arith.index_cast %mul3A_375 : i32 to index
          %swap3A_379 = tpu.vector_load %arg8[%swap3A_377, %swap3A_378] {strides = array<i32>} : memref<32x512xf32, #tpu.memory_space<vmem>>, vector<16xf32>,
          tpu.vector_store %arg8[%swap3A_377, %swap3A_378], %gather3A_292 {strides = array<i32>} : memref<32x512xf32, #tpu.memory_space<vmem>>, vector<16xf32>,
          %mul3A_380 = arith.constant 16 : i32
          %mul3A_381 = arith.muli %add3A_222, %mul3A_380 : i32
          %swap3A_382 = arith.constant 12 : i32
          %swap3A_383 = arith.index_cast %swap3A_382 : i32 to index
          %swap3A_384 = arith.index_cast %mul3A_381 : i32 to index
          %swap3A_385 = tpu.vector_load %arg8[%swap3A_383, %swap3A_384] {strides = array<i32>} : memref<32x512xf32, #tpu.memory_space<vmem>>, vector<16xf32>,
          tpu.vector_store %arg8[%swap3A_383, %swap3A_384], %gather3A_296 {strides = array<i32>} : memref<32x512xf32, #tpu.memory_space<vmem>>, vector<16xf32>,
          %mul3A_386 = arith.constant 16 : i32
          %mul3A_387 = arith.muli %add3A_222, %mul3A_386 : i32
          %swap3A_388 = arith.constant 13 : i32
          %swap3A_389 = arith.index_cast %swap3A_388 : i32 to index
          %swap3A_390 = arith.index_cast %mul3A_387 : i32 to index
          %swap3A_391 = tpu.vector_load %arg8[%swap3A_389, %swap3A_390] {strides = array<i32>} : memref<32x512xf32, #tpu.memory_space<vmem>>, vector<16xf32>,
          tpu.vector_store %arg8[%swap3A_389, %swap3A_390], %gather3A_300 {strides = array<i32>} : memref<32x512xf32, #tpu.memory_space<vmem>>, vector<16xf32>,
          %mul3A_392 = arith.constant 16 : i32
          %mul3A_393 = arith.muli %add3A_222, %mul3A_392 : i32
          %swap3A_394 = arith.constant 14 : i32
          %swap3A_395 = arith.index_cast %swap3A_394 : i32 to index
          %swap3A_396 = arith.index_cast %mul3A_393 : i32 to index
          %swap3A_397 = tpu.vector_load %arg8[%swap3A_395, %swap3A_396] {strides = array<i32>} : memref<32x512xf32, #tpu.memory_space<vmem>>, vector<16xf32>,
          tpu.vector_store %arg8[%swap3A_395, %swap3A_396], %gather3A_304 {strides = array<i32>} : memref<32x512xf32, #tpu.memory_space<vmem>>, vector<16xf32>,
          %mul3A_398 = arith.constant 16 : i32
          %mul3A_399 = arith.muli %add3A_222, %mul3A_398 : i32
          %swap3A_400 = arith.constant 15 : i32
          %swap3A_401 = arith.index_cast %swap3A_400 : i32 to index
          %swap3A_402 = arith.index_cast %mul3A_399 : i32 to index
          %swap3A_403 = tpu.vector_load %arg8[%swap3A_401, %swap3A_402] {strides = array<i32>} : memref<32x512xf32, #tpu.memory_space<vmem>>, vector<16xf32>,
          tpu.vector_store %arg8[%swap3A_401, %swap3A_402], %gather3A_308 {strides = array<i32>} : memref<32x512xf32, #tpu.memory_space<vmem>>, vector<16xf32>,
          %add3A_404 = arith.constant 16400 : i32
          %add3A_405 = vector.broadcast %add3A_404 : i32 to vector<16xi32>
          %add3A_406 = arith.addi %get3A_245, %add3A_405 : vector<16xi32>
          %gather3A_407 = tpu.vector_load_idx %arg5[%add3A_406] : memref<32800xf32, #tpu.memory_space<vmem>>[vector<16xi32>], vector<16xf32>,
          %add3A_408 = arith.constant 17425 : i32
          %add3A_409 = vector.broadcast %add3A_408 : i32 to vector<16xi32>
          %add3A_410 = arith.addi %get3A_245, %add3A_409 : vector<16xi32>
          %gather3A_411 = tpu.vector_load_idx %arg5[%add3A_410] : memref<32800xf32, #tpu.memory_space<vmem>>[vector<16xi32>], vector<16xf32>,
          %add3A_412 = arith.constant 18450 : i32
          %add3A_413 = vector.broadcast %add3A_412 : i32 to vector<16xi32>
          %add3A_414 = arith.addi %get3A_245, %add3A_413 : vector<16xi32>
          %gather3A_415 = tpu.vector_load_idx %arg5[%add3A_414] : memref<32800xf32, #tpu.memory_space<vmem>>[vector<16xi32>], vector<16xf32>,
          %add3A_416 = arith.constant 19475 : i32
          %add3A_417 = vector.broadcast %add3A_416 : i32 to vector<16xi32>
          %add3A_418 = arith.addi %get3A_245, %add3A_417 : vector<16xi32>
          %gather3A_419 = tpu.vector_load_idx %arg5[%add3A_418] : memref<32800xf32, #tpu.memory_space<vmem>>[vector<16xi32>], vector<16xf32>,
          %add3A_420 = arith.constant 20500 : i32
          %add3A_421 = vector.broadcast %add3A_420 : i32 to vector<16xi32>
          %add3A_422 = arith.addi %get3A_245, %add3A_421 : vector<16xi32>
          %gather3A_423 = tpu.vector_load_idx %arg5[%add3A_422] : memref<32800xf32, #tpu.memory_space<vmem>>[vector<16xi32>], vector<16xf32>,
          %add3A_424 = arith.constant 21525 : i32
          %add3A_425 = vector.broadcast %add3A_424 : i32 to vector<16xi32>
          %add3A_426 = arith.addi %get3A_245, %add3A_425 : vector<16xi32>
          %gather3A_427 = tpu.vector_load_idx %arg5[%add3A_426] : memref<32800xf32, #tpu.memory_space<vmem>>[vector<16xi32>], vector<16xf32>,
          %add3A_428 = arith.constant 22550 : i32
          %add3A_429 = vector.broadcast %add3A_428 : i32 to vector<16xi32>
          %add3A_430 = arith.addi %get3A_245, %add3A_429 : vector<16xi32>
          %gather3A_431 = tpu.vector_load_idx %arg5[%add3A_430] : memref<32800xf32, #tpu.memory_space<vmem>>[vector<16xi32>], vector<16xf32>,
          %add3A_432 = arith.constant 23575 : i32
          %add3A_433 = vector.broadcast %add3A_432 : i32 to vector<16xi32>
          %add3A_434 = arith.addi %get3A_245, %add3A_433 : vector<16xi32>
          %gather3A_435 = tpu.vector_load_idx %arg5[%add3A_434] : memref<32800xf32, #tpu.memory_space<vmem>>[vector<16xi32>], vector<16xf32>,
          %add3A_436 = arith.constant 24600 : i32
          %add3A_437 = vector.broadcast %add3A_436 : i32 to vector<16xi32>
          %add3A_438 = arith.addi %get3A_245, %add3A_437 : vector<16xi32>
          %gather3A_439 = tpu.vector_load_idx %arg5[%add3A_438] : memref<32800xf32, #tpu.memory_space<vmem>>[vector<16xi32>], vector<16xf32>,
          %add3A_440 = arith.constant 25625 : i32
          %add3A_441 = vector.broadcast %add3A_440 : i32 to vector<16xi32>
          %add3A_442 = arith.addi %get3A_245, %add3A_441 : vector<16xi32>
          %gather3A_443 = tpu.vector_load_idx %arg5[%add3A_442] : memref<32800xf32, #tpu.memory_space<vmem>>[vector<16xi32>], vector<16xf32>,
          %add3A_444 = arith.constant 26650 : i32
          %add3A_445 = vector.broadcast %add3A_444 : i32 to vector<16xi32>
          %add3A_446 = arith.addi %get3A_245, %add3A_445 : vector<16xi32>
          %gather3A_447 = tpu.vector_load_idx %arg5[%add3A_446] : memref<32800xf32, #tpu.memory_space<vmem>>[vector<16xi32>], vector<16xf32>,
          %add3A_448 = arith.constant 27675 : i32
          %add3A_449 = vector.broadcast %add3A_448 : i32 to vector<16xi32>
          %add3A_450 = arith.addi %get3A_245, %add3A_449 : vector<16xi32>
          %gather3A_451 = tpu.vector_load_idx %arg5[%add3A_450] : memref<32800xf32, #tpu.memory_space<vmem>>[vector<16xi32>], vector<16xf32>,
          %add3A_452 = arith.constant 28700 : i32
          %add3A_453 = vector.broadcast %add3A_452 : i32 to vector<16xi32>
          %add3A_454 = arith.addi %get3A_245, %add3A_453 : vector<16xi32>
          %gather3A_455 = tpu.vector_load_idx %arg5[%add3A_454] : memref<32800xf32, #tpu.memory_space<vmem>>[vector<16xi32>], vector<16xf32>,
          %add3A_456 = arith.constant 29725 : i32
          %add3A_457 = vector.broadcast %add3A_456 : i32 to vector<16xi32>
          %add3A_458 = arith.addi %get3A_245, %add3A_457 : vector<16xi32>
          %gather3A_459 = tpu.vector_load_idx %arg5[%add3A_458] : memref<32800xf32, #tpu.memory_space<vmem>>[vector<16xi32>], vector<16xf32>,
          %add3A_460 = arith.constant 30750 : i32
          %add3A_461 = vector.broadcast %add3A_460 : i32 to vector<16xi32>
          %add3A_462 = arith.addi %get3A_245, %add3A_461 : vector<16xi32>
          %gather3A_463 = tpu.vector_load_idx %arg5[%add3A_462] : memref<32800xf32, #tpu.memory_space<vmem>>[vector<16xi32>], vector<16xf32>,
          %add3A_464 = arith.constant 31775 : i32
          %add3A_465 = vector.broadcast %add3A_464 : i32 to vector<16xi32>
          %add3A_466 = arith.addi %get3A_245, %add3A_465 : vector<16xi32>
          %gather3A_467 = tpu.vector_load_idx %arg5[%add3A_466] : memref<32800xf32, #tpu.memory_space<vmem>>[vector<16xi32>], vector<16xf32>,
          %mul3A_468 = arith.constant 16 : i32
          %mul3A_469 = arith.muli %add3A_222, %mul3A_468 : i32
          %swap3A_470 = arith.constant 16 : i32
          %swap3A_471 = arith.index_cast %swap3A_470 : i32 to index
          %swap3A_472 = arith.index_cast %mul3A_469 : i32 to index
          %swap3A_473 = tpu.vector_load %arg8[%swap3A_471, %swap3A_472] {strides = array<i32>} : memref<32x512xf32, #tpu.memory_space<vmem>>, vector<16xf32>,
          tpu.vector_store %arg8[%swap3A_471, %swap3A_472], %gather3A_407 {strides = array<i32>} : memref<32x512xf32, #tpu.memory_space<vmem>>, vector<16xf32>,
          %mul3A_474 = arith.constant 16 : i32
          %mul3A_475 = arith.muli %add3A_222, %mul3A_474 : i32
          %swap3A_476 = arith.constant 17 : i32
          %swap3A_477 = arith.index_cast %swap3A_476 : i32 to index
          %swap3A_478 = arith.index_cast %mul3A_475 : i32 to index
          %swap3A_479 = tpu.vector_load %arg8[%swap3A_477, %swap3A_478] {strides = array<i32>} : memref<32x512xf32, #tpu.memory_space<vmem>>, vector<16xf32>,
          tpu.vector_store %arg8[%swap3A_477, %swap3A_478], %gather3A_411 {strides = array<i32>} : memref<32x512xf32, #tpu.memory_space<vmem>>, vector<16xf32>,
          %mul3A_480 = arith.constant 16 : i32
          %mul3A_481 = arith.muli %add3A_222, %mul3A_480 : i32
          %swap3A_482 = arith.constant 18 : i32
          %swap3A_483 = arith.index_cast %swap3A_482 : i32 to index
          %swap3A_484 = arith.index_cast %mul3A_481 : i32 to index
          %swap3A_485 = tpu.vector_load %arg8[%swap3A_483, %swap3A_484] {strides = array<i32>} : memref<32x512xf32, #tpu.memory_space<vmem>>, vector<16xf32>,
          tpu.vector_store %arg8[%swap3A_483, %swap3A_484], %gather3A_415 {strides = array<i32>} : memref<32x512xf32, #tpu.memory_space<vmem>>, vector<16xf32>,
          %mul3A_486 = arith.constant 16 : i32
          %mul3A_487 = arith.muli %add3A_222, %mul3A_486 : i32
          %swap3A_488 = arith.constant 19 : i32
          %swap3A_489 = arith.index_cast %swap3A_488 : i32 to index
          %swap3A_490 = arith.index_cast %mul3A_487 : i32 to index
          %swap3A_491 = tpu.vector_load %arg8[%swap3A_489, %swap3A_490] {strides = array<i32>} : memref<32x512xf32, #tpu.memory_space<vmem>>, vector<16xf32>,
          tpu.vector_store %arg8[%swap3A_489, %swap3A_490], %gather3A_419 {strides = array<i32>} : memref<32x512xf32, #tpu.memory_space<vmem>>, vector<16xf32>,
          %mul3A_492 = arith.constant 16 : i32
          %mul3A_493 = arith.muli %add3A_222, %mul3A_492 : i32
          %swap3A_494 = arith.constant 20 : i32
          %swap3A_495 = arith.index_cast %swap3A_494 : i32 to index
          %swap3A_496 = arith.index_cast %mul3A_493 : i32 to index
          %swap3A_497 = tpu.vector_load %arg8[%swap3A_495, %swap3A_496] {strides = array<i32>} : memref<32x512xf32, #tpu.memory_space<vmem>>, vector<16xf32>,
          tpu.vector_store %arg8[%swap3A_495, %swap3A_496], %gather3A_423 {strides = array<i32>} : memref<32x512xf32, #tpu.memory_space<vmem>>, vector<16xf32>,
          %mul3A_498 = arith.constant 16 : i32
          %mul3A_499 = arith.muli %add3A_222, %mul3A_498 : i32
          %swap3A_500 = arith.constant 21 : i32
          %swap3A_501 = arith.index_cast %swap3A_500 : i32 to index
          %swap3A_502 = arith.index_cast %mul3A_499 : i32 to index
          %swap3A_503 = tpu.vector_load %arg8[%swap3A_501, %swap3A_502] {strides = array<i32>} : memref<32x512xf32, #tpu.memory_space<vmem>>, vector<16xf32>,
          tpu.vector_store %arg8[%swap3A_501, %swap3A_502], %gather3A_427 {strides = array<i32>} : memref<32x512xf32, #tpu.memory_space<vmem>>, vector<16xf32>,
          %mul3A_504 = arith.constant 16 : i32
          %mul3A_505 = arith.muli %add3A_222, %mul3A_504 : i32
          %swap3A_506 = arith.constant 22 : i32
          %swap3A_507 = arith.index_cast %swap3A_506 : i32 to index
          %swap3A_508 = arith.index_cast %mul3A_505 : i32 to index
          %swap3A_509 = tpu.vector_load %arg8[%swap3A_507, %swap3A_508] {strides = array<i32>} : memref<32x512xf32, #tpu.memory_space<vmem>>, vector<16xf32>,
          tpu.vector_store %arg8[%swap3A_507, %swap3A_508], %gather3A_431 {strides = array<i32>} : memref<32x512xf32, #tpu.memory_space<vmem>>, vector<16xf32>,
          %mul3A_510 = arith.constant 16 : i32
          %mul3A_511 = arith.muli %add3A_222, %mul3A_510 : i32
          %swap3A_512 = arith.constant 23 : i32
          %swap3A_513 = arith.index_cast %swap3A_512 : i32 to index
          %swap3A_514 = arith.index_cast %mul3A_511 : i32 to index
          %swap3A_515 = tpu.vector_load %arg8[%swap3A_513, %swap3A_514] {strides = array<i32>} : memref<32x512xf32, #tpu.memory_space<vmem>>, vector<16xf32>,
          tpu.vector_store %arg8[%swap3A_513, %swap3A_514], %gather3A_435 {strides = array<i32>} : memref<32x512xf32, #tpu.memory_space<vmem>>, vector<16xf32>,
          %mul3A_516 = arith.constant 16 : i32
          %mul3A_517 = arith.muli %add3A_222, %mul3A_516 : i32
          %swap3A_518 = arith.constant 24 : i32
          %swap3A_519 = arith.index_cast %swap3A_518 : i32 to index
          %swap3A_520 = arith.index_cast %mul3A_517 : i32 to index
          %swap3A_521 = tpu.vector_load %arg8[%swap3A_519, %swap3A_520] {strides = array<i32>} : memref<32x512xf32, #tpu.memory_space<vmem>>, vector<16xf32>,
          tpu.vector_store %arg8[%swap3A_519, %swap3A_520], %gather3A_439 {strides = array<i32>} : memref<32x512xf32, #tpu.memory_space<vmem>>, vector<16xf32>,
          %mul3A_522 = arith.constant 16 : i32
          %mul3A_523 = arith.muli %add3A_222, %mul3A_522 : i32
          %swap3A_524 = arith.constant 25 : i32
          %swap3A_525 = arith.index_cast %swap3A_524 : i32 to index
          %swap3A_526 = arith.index_cast %mul3A_523 : i32 to index
          %swap3A_527 = tpu.vector_load %arg8[%swap3A_525, %swap3A_526] {strides = array<i32>} : memref<32x512xf32, #tpu.memory_space<vmem>>, vector<16xf32>,
          tpu.vector_store %arg8[%swap3A_525, %swap3A_526], %gather3A_443 {strides = array<i32>} : memref<32x512xf32, #tpu.memory_space<vmem>>, vector<16xf32>,
          %mul3A_528 = arith.constant 16 : i32
          %mul3A_529 = arith.muli %add3A_222, %mul3A_528 : i32
          %swap3A_530 = arith.constant 26 : i32
          %swap3A_531 = arith.index_cast %swap3A_530 : i32 to index
          %swap3A_532 = arith.index_cast %mul3A_529 : i32 to index
          %swap3A_533 = tpu.vector_load %arg8[%swap3A_531, %swap3A_532] {strides = array<i32>} : memref<32x512xf32, #tpu.memory_space<vmem>>, vector<16xf32>,
          tpu.vector_store %arg8[%swap3A_531, %swap3A_532], %gather3A_447 {strides = array<i32>} : memref<32x512xf32, #tpu.memory_space<vmem>>, vector<16xf32>,
          %mul3A_534 = arith.constant 16 : i32
          %mul3A_535 = arith.muli %add3A_222, %mul3A_534 : i32
          %swap3A_536 = arith.constant 27 : i32
          %swap3A_537 = arith.index_cast %swap3A_536 : i32 to index
          %swap3A_538 = arith.index_cast %mul3A_535 : i32 to index
          %swap3A_539 = tpu.vector_load %arg8[%swap3A_537, %swap3A_538] {strides = array<i32>} : memref<32x512xf32, #tpu.memory_space<vmem>>, vector<16xf32>,
          tpu.vector_store %arg8[%swap3A_537, %swap3A_538], %gather3A_451 {strides = array<i32>} : memref<32x512xf32, #tpu.memory_space<vmem>>, vector<16xf32>,
          %mul3A_540 = arith.constant 16 : i32
          %mul3A_541 = arith.muli %add3A_222, %mul3A_540 : i32
          %swap3A_542 = arith.constant 28 : i32
          %swap3A_543 = arith.index_cast %swap3A_542 : i32 to index
          %swap3A_544 = arith.index_cast %mul3A_541 : i32 to index
          %swap3A_545 = tpu.vector_load %arg8[%swap3A_543, %swap3A_544] {strides = array<i32>} : memref<32x512xf32, #tpu.memory_space<vmem>>, vector<16xf32>,
          tpu.vector_store %arg8[%swap3A_543, %swap3A_544], %gather3A_455 {strides = array<i32>} : memref<32x512xf32, #tpu.memory_space<vmem>>, vector<16xf32>,
          %mul3A_546 = arith.constant 16 : i32
          %mul3A_547 = arith.muli %add3A_222, %mul3A_546 : i32
          %swap3A_548 = arith.constant 29 : i32
          %swap3A_549 = arith.index_cast %swap3A_548 : i32 to index
          %swap3A_550 = arith.index_cast %mul3A_547 : i32 to index
          %swap3A_551 = tpu.vector_load %arg8[%swap3A_549, %swap3A_550] {strides = array<i32>} : memref<32x512xf32, #tpu.memory_space<vmem>>, vector<16xf32>,
          tpu.vector_store %arg8[%swap3A_549, %swap3A_550], %gather3A_459 {strides = array<i32>} : memref<32x512xf32, #tpu.memory_space<vmem>>, vector<16xf32>,
          %mul3A_552 = arith.constant 16 : i32
          %mul3A_553 = arith.muli %add3A_222, %mul3A_552 : i32
          %swap3A_554 = arith.constant 30 : i32
          %swap3A_555 = arith.index_cast %swap3A_554 : i32 to index
          %swap3A_556 = arith.index_cast %mul3A_553 : i32 to index
          %swap3A_557 = tpu.vector_load %arg8[%swap3A_555, %swap3A_556] {strides = array<i32>} : memref<32x512xf32, #tpu.memory_space<vmem>>, vector<16xf32>,
          tpu.vector_store %arg8[%swap3A_555, %swap3A_556], %gather3A_463 {strides = array<i32>} : memref<32x512xf32, #tpu.memory_space<vmem>>, vector<16xf32>,
          %mul3A_558 = arith.constant 16 : i32
          %mul3A_559 = arith.muli %add3A_222, %mul3A_558 : i32
          %swap3A_560 = arith.constant 31 : i32
          %swap3A_561 = arith.index_cast %swap3A_560 : i32 to index
          %swap3A_562 = arith.index_cast %mul3A_559 : i32 to index
          %swap3A_563 = tpu.vector_load %arg8[%swap3A_561, %swap3A_562] {strides = array<i32>} : memref<32x512xf32, #tpu.memory_space<vmem>>, vector<16xf32>,
          tpu.vector_store %arg8[%swap3A_561, %swap3A_562], %gather3A_467 {strides = array<i32>} : memref<32x512xf32, #tpu.memory_space<vmem>>, vector<16xf32>,
          %scan3A_564 = arith.constant 1 : i32
          %scan3A_565 = arith.addi %scan3A_218, %scan3A_564 : i32
          %mul3A_566 = arith.constant 1 : i32
          %mul3A_567 = arith.muli %scan3A_565, %mul3A_566 : i32
          %add3A_568 = arith.constant 0 : i32
          %add3A_569 = arith.addi %add3A_568, %mul3A_567 : i32
          %jit3A_570 = arith.constant 2 : i32
          %eq3A_571 = arith.constant 0 : i32
          %eq3A_572 = arith.cmpi eq, %jit3A_570, %eq3A_571 : i32
          %jit3A_573 = arith.constant 1 : i32
          %select_n3A_574 = arith.select %eq3A_572, %jit3A_573, %jit3A_570 : i32
          %rem3A_575 = arith.remsi %add3A_154, %select_n3A_574 : i32
          %ne3A_576 = arith.constant 0 : i32
          %ne3A_577 = arith.cmpi ne, %rem3A_575, %ne3A_576 : i32
          %lt3A_578 = arith.constant 0 : i32
          %lt3A_579 = arith.cmpi slt, %rem3A_575, %lt3A_578 : i32
          %lt3A_580 = arith.constant 0 : i32
          %lt3A_581 = arith.cmpi slt, %select_n3A_574, %lt3A_580 : i32
          %ne3A_582 = arith.xori %lt3A_579, %lt3A_581 : i1
          %and3A_583 = arith.andi %ne3A_582, %ne3A_577 : i1
          %add3A_584 = arith.addi %rem3A_575, %select_n3A_574 : i32
          %select_n3A_585 = arith.select %and3A_583, %add3A_584, %rem3A_575 : i32
          %mul3A_586 = arith.constant 512 : i32
          %mul3A_587 = arith.muli %select_n3A_585, %mul3A_586 : i32
          %mul3A_588 = arith.constant 16 : i32
          %mul3A_589 = arith.muli %add3A_569, %mul3A_588 : i32
          %add3A_590 = arith.addi %mul3A_587, %mul3A_589 : i32
          %get3A_591 = arith.index_cast %select_n3A_178 : i32 to index
          %get3A_592 = arith.index_cast %add3A_590 : i32 to index
          %get3A_593 = tpu.vector_load %arg6[%get3A_591, %get3A_592] {strides = array<i32>} : memref<20x1024xi32, #tpu.memory_space<vmem>>, vector<16xi32>,
          %add3A_594 = arith.constant 0 : i32
          %add3A_595 = vector.broadcast %add3A_594 : i32 to vector<16xi32>
          %add3A_596 = arith.addi %get3A_593, %add3A_595 : vector<16xi32>
          %gather3A_597 = tpu.vector_load_idx %arg5[%add3A_596] : memref<32800xf32, #tpu.memory_space<vmem>>[vector<16xi32>], vector<16xf32>,
          %add3A_598 = arith.constant 1025 : i32
          %add3A_599 = vector.broadcast %add3A_598 : i32 to vector<16xi32>
          %add3A_600 = arith.addi %get3A_593, %add3A_599 : vector<16xi32>
          %gather3A_601 = tpu.vector_load_idx %arg5[%add3A_600] : memref<32800xf32, #tpu.memory_space<vmem>>[vector<16xi32>], vector<16xf32>,
          %add3A_602 = arith.constant 2050 : i32
          %add3A_603 = vector.broadcast %add3A_602 : i32 to vector<16xi32>
          %add3A_604 = arith.addi %get3A_593, %add3A_603 : vector<16xi32>
          %gather3A_605 = tpu.vector_load_idx %arg5[%add3A_604] : memref<32800xf32, #tpu.memory_space<vmem>>[vector<16xi32>], vector<16xf32>,
          %add3A_606 = arith.constant 3075 : i32
          %add3A_607 = vector.broadcast %add3A_606 : i32 to vector<16xi32>
          %add3A_608 = arith.addi %get3A_593, %add3A_607 : vector<16xi32>
          %gather3A_609 = tpu.vector_load_idx %arg5[%add3A_608] : memref<32800xf32, #tpu.memory_space<vmem>>[vector<16xi32>], vector<16xf32>,
          %add3A_610 = arith.constant 4100 : i32
          %add3A_611 = vector.broadcast %add3A_610 : i32 to vector<16xi32>
          %add3A_612 = arith.addi %get3A_593, %add3A_611 : vector<16xi32>
          %gather3A_613 = tpu.vector_load_idx %arg5[%add3A_612] : memref<32800xf32, #tpu.memory_space<vmem>>[vector<16xi32>], vector<16xf32>,
          %add3A_614 = arith.constant 5125 : i32
          %add3A_615 = vector.broadcast %add3A_614 : i32 to vector<16xi32>
          %add3A_616 = arith.addi %get3A_593, %add3A_615 : vector<16xi32>
          %gather3A_617 = tpu.vector_load_idx %arg5[%add3A_616] : memref<32800xf32, #tpu.memory_space<vmem>>[vector<16xi32>], vector<16xf32>,
          %add3A_618 = arith.constant 6150 : i32
          %add3A_619 = vector.broadcast %add3A_618 : i32 to vector<16xi32>
          %add3A_620 = arith.addi %get3A_593, %add3A_619 : vector<16xi32>
          %gather3A_621 = tpu.vector_load_idx %arg5[%add3A_620] : memref<32800xf32, #tpu.memory_space<vmem>>[vector<16xi32>], vector<16xf32>,
          %add3A_622 = arith.constant 7175 : i32
          %add3A_623 = vector.broadcast %add3A_622 : i32 to vector<16xi32>
          %add3A_624 = arith.addi %get3A_593, %add3A_623 : vector<16xi32>
          %gather3A_625 = tpu.vector_load_idx %arg5[%add3A_624] : memref<32800xf32, #tpu.memory_space<vmem>>[vector<16xi32>], vector<16xf32>,
          %add3A_626 = arith.constant 8200 : i32
          %add3A_627 = vector.broadcast %add3A_626 : i32 to vector<16xi32>
          %add3A_628 = arith.addi %get3A_593, %add3A_627 : vector<16xi32>
          %gather3A_629 = tpu.vector_load_idx %arg5[%add3A_628] : memref<32800xf32, #tpu.memory_space<vmem>>[vector<16xi32>], vector<16xf32>,
          %add3A_630 = arith.constant 9225 : i32
          %add3A_631 = vector.broadcast %add3A_630 : i32 to vector<16xi32>
          %add3A_632 = arith.addi %get3A_593, %add3A_631 : vector<16xi32>
          %gather3A_633 = tpu.vector_load_idx %arg5[%add3A_632] : memref<32800xf32, #tpu.memory_space<vmem>>[vector<16xi32>], vector<16xf32>,
          %add3A_634 = arith.constant 10250 : i32
          %add3A_635 = vector.broadcast %add3A_634 : i32 to vector<16xi32>
          %add3A_636 = arith.addi %get3A_593, %add3A_635 : vector<16xi32>
          %gather3A_637 = tpu.vector_load_idx %arg5[%add3A_636] : memref<32800xf32, #tpu.memory_space<vmem>>[vector<16xi32>], vector<16xf32>,
          %add3A_638 = arith.constant 11275 : i32
          %add3A_639 = vector.broadcast %add3A_638 : i32 to vector<16xi32>
          %add3A_640 = arith.addi %get3A_593, %add3A_639 : vector<16xi32>
          %gather3A_641 = tpu.vector_load_idx %arg5[%add3A_640] : memref<32800xf32, #tpu.memory_space<vmem>>[vector<16xi32>], vector<16xf32>,
          %add3A_642 = arith.constant 12300 : i32
          %add3A_643 = vector.broadcast %add3A_642 : i32 to vector<16xi32>
          %add3A_644 = arith.addi %get3A_593, %add3A_643 : vector<16xi32>
          %gather3A_645 = tpu.vector_load_idx %arg5[%add3A_644] : memref<32800xf32, #tpu.memory_space<vmem>>[vector<16xi32>], vector<16xf32>,
          %add3A_646 = arith.constant 13325 : i32
          %add3A_647 = vector.broadcast %add3A_646 : i32 to vector<16xi32>
          %add3A_648 = arith.addi %get3A_593, %add3A_647 : vector<16xi32>
          %gather3A_649 = tpu.vector_load_idx %arg5[%add3A_648] : memref<32800xf32, #tpu.memory_space<vmem>>[vector<16xi32>], vector<16xf32>,
          %add3A_650 = arith.constant 14350 : i32
          %add3A_651 = vector.broadcast %add3A_650 : i32 to vector<16xi32>
          %add3A_652 = arith.addi %get3A_593, %add3A_651 : vector<16xi32>
          %gather3A_653 = tpu.vector_load_idx %arg5[%add3A_652] : memref<32800xf32, #tpu.memory_space<vmem>>[vector<16xi32>], vector<16xf32>,
          %add3A_654 = arith.constant 15375 : i32
          %add3A_655 = vector.broadcast %add3A_654 : i32 to vector<16xi32>
          %add3A_656 = arith.addi %get3A_593, %add3A_655 : vector<16xi32>
          %gather3A_657 = tpu.vector_load_idx %arg5[%add3A_656] : memref<32800xf32, #tpu.memory_space<vmem>>[vector<16xi32>], vector<16xf32>,
          %mul3A_658 = arith.constant 16 : i32
          %mul3A_659 = arith.muli %add3A_569, %mul3A_658 : i32
          %swap3A_660 = arith.constant 0 : i32
          %swap3A_661 = arith.index_cast %swap3A_660 : i32 to index
          %swap3A_662 = arith.index_cast %mul3A_659 : i32 to index
          %swap3A_663 = tpu.vector_load %arg8[%swap3A_661, %swap3A_662] {strides = array<i32>} : memref<32x512xf32, #tpu.memory_space<vmem>>, vector<16xf32>,
          tpu.vector_store %arg8[%swap3A_661, %swap3A_662], %gather3A_597 {strides = array<i32>} : memref<32x512xf32, #tpu.memory_space<vmem>>, vector<16xf32>,
          %mul3A_664 = arith.constant 16 : i32
          %mul3A_665 = arith.muli %add3A_569, %mul3A_664 : i32
          %swap3A_666 = arith.constant 1 : i32
          %swap3A_667 = arith.index_cast %swap3A_666 : i32 to index
          %swap3A_668 = arith.index_cast %mul3A_665 : i32 to index
          %swap3A_669 = tpu.vector_load %arg8[%swap3A_667, %swap3A_668] {strides = array<i32>} : memref<32x512xf32, #tpu.memory_space<vmem>>, vector<16xf32>,
          tpu.vector_store %arg8[%swap3A_667, %swap3A_668], %gather3A_601 {strides = array<i32>} : memref<32x512xf32, #tpu.memory_space<vmem>>, vector<16xf32>,
          %mul3A_670 = arith.constant 16 : i32
          %mul3A_671 = arith.muli %add3A_569, %mul3A_670 : i32
          %swap3A_672 = arith.constant 2 : i32
          %swap3A_673 = arith.index_cast %swap3A_672 : i32 to index
          %swap3A_674 = arith.index_cast %mul3A_671 : i32 to index
          %swap3A_675 = tpu.vector_load %arg8[%swap3A_673, %swap3A_674] {strides = array<i32>} : memref<32x512xf32, #tpu.memory_space<vmem>>, vector<16xf32>,
          tpu.vector_store %arg8[%swap3A_673, %swap3A_674], %gather3A_605 {strides = array<i32>} : memref<32x512xf32, #tpu.memory_space<vmem>>, vector<16xf32>,
          %mul3A_676 = arith.constant 16 : i32
          %mul3A_677 = arith.muli %add3A_569, %mul3A_676 : i32
          %swap3A_678 = arith.constant 3 : i32
          %swap3A_679 = arith.index_cast %swap3A_678 : i32 to index
          %swap3A_680 = arith.index_cast %mul3A_677 : i32 to index
          %swap3A_681 = tpu.vector_load %arg8[%swap3A_679, %swap3A_680] {strides = array<i32>} : memref<32x512xf32, #tpu.memory_space<vmem>>, vector<16xf32>,
          tpu.vector_store %arg8[%swap3A_679, %swap3A_680], %gather3A_609 {strides = array<i32>} : memref<32x512xf32, #tpu.memory_space<vmem>>, vector<16xf32>,
          %mul3A_682 = arith.constant 16 : i32
          %mul3A_683 = arith.muli %add3A_569, %mul3A_682 : i32
          %swap3A_684 = arith.constant 4 : i32
          %swap3A_685 = arith.index_cast %swap3A_684 : i32 to index
          %swap3A_686 = arith.index_cast %mul3A_683 : i32 to index
          %swap3A_687 = tpu.vector_load %arg8[%swap3A_685, %swap3A_686] {strides = array<i32>} : memref<32x512xf32, #tpu.memory_space<vmem>>, vector<16xf32>,
          tpu.vector_store %arg8[%swap3A_685, %swap3A_686], %gather3A_613 {strides = array<i32>} : memref<32x512xf32, #tpu.memory_space<vmem>>, vector<16xf32>,
          %mul3A_688 = arith.constant 16 : i32
          %mul3A_689 = arith.muli %add3A_569, %mul3A_688 : i32
          %swap3A_690 = arith.constant 5 : i32
          %swap3A_691 = arith.index_cast %swap3A_690 : i32 to index
          %swap3A_692 = arith.index_cast %mul3A_689 : i32 to index
          %swap3A_693 = tpu.vector_load %arg8[%swap3A_691, %swap3A_692] {strides = array<i32>} : memref<32x512xf32, #tpu.memory_space<vmem>>, vector<16xf32>,
          tpu.vector_store %arg8[%swap3A_691, %swap3A_692], %gather3A_617 {strides = array<i32>} : memref<32x512xf32, #tpu.memory_space<vmem>>, vector<16xf32>,
          %mul3A_694 = arith.constant 16 : i32
          %mul3A_695 = arith.muli %add3A_569, %mul3A_694 : i32
          %swap3A_696 = arith.constant 6 : i32
          %swap3A_697 = arith.index_cast %swap3A_696 : i32 to index
          %swap3A_698 = arith.index_cast %mul3A_695 : i32 to index
          %swap3A_699 = tpu.vector_load %arg8[%swap3A_697, %swap3A_698] {strides = array<i32>} : memref<32x512xf32, #tpu.memory_space<vmem>>, vector<16xf32>,
          tpu.vector_store %arg8[%swap3A_697, %swap3A_698], %gather3A_621 {strides = array<i32>} : memref<32x512xf32, #tpu.memory_space<vmem>>, vector<16xf32>,
          %mul3A_700 = arith.constant 16 : i32
          %mul3A_701 = arith.muli %add3A_569, %mul3A_700 : i32
          %swap3A_702 = arith.constant 7 : i32
          %swap3A_703 = arith.index_cast %swap3A_702 : i32 to index
          %swap3A_704 = arith.index_cast %mul3A_701 : i32 to index
          %swap3A_705 = tpu.vector_load %arg8[%swap3A_703, %swap3A_704] {strides = array<i32>} : memref<32x512xf32, #tpu.memory_space<vmem>>, vector<16xf32>,
          tpu.vector_store %arg8[%swap3A_703, %swap3A_704], %gather3A_625 {strides = array<i32>} : memref<32x512xf32, #tpu.memory_space<vmem>>, vector<16xf32>,
          %mul3A_706 = arith.constant 16 : i32
          %mul3A_707 = arith.muli %add3A_569, %mul3A_706 : i32
          %swap3A_708 = arith.constant 8 : i32
          %swap3A_709 = arith.index_cast %swap3A_708 : i32 to index
          %swap3A_710 = arith.index_cast %mul3A_707 : i32 to index
          %swap3A_711 = tpu.vector_load %arg8[%swap3A_709, %swap3A_710] {strides = array<i32>} : memref<32x512xf32, #tpu.memory_space<vmem>>, vector<16xf32>,
          tpu.vector_store %arg8[%swap3A_709, %swap3A_710], %gather3A_629 {strides = array<i32>} : memref<32x512xf32, #tpu.memory_space<vmem>>, vector<16xf32>,
          %mul3A_712 = arith.constant 16 : i32
          %mul3A_713 = arith.muli %add3A_569, %mul3A_712 : i32
          %swap3A_714 = arith.constant 9 : i32
          %swap3A_715 = arith.index_cast %swap3A_714 : i32 to index
          %swap3A_716 = arith.index_cast %mul3A_713 : i32 to index
          %swap3A_717 = tpu.vector_load %arg8[%swap3A_715, %swap3A_716] {strides = array<i32>} : memref<32x512xf32, #tpu.memory_space<vmem>>, vector<16xf32>,
          tpu.vector_store %arg8[%swap3A_715, %swap3A_716], %gather3A_633 {strides = array<i32>} : memref<32x512xf32, #tpu.memory_space<vmem>>, vector<16xf32>,
          %mul3A_718 = arith.constant 16 : i32
          %mul3A_719 = arith.muli %add3A_569, %mul3A_718 : i32
          %swap3A_720 = arith.constant 10 : i32
          %swap3A_721 = arith.index_cast %swap3A_720 : i32 to index
          %swap3A_722 = arith.index_cast %mul3A_719 : i32 to index
          %swap3A_723 = tpu.vector_load %arg8[%swap3A_721, %swap3A_722] {strides = array<i32>} : memref<32x512xf32, #tpu.memory_space<vmem>>, vector<16xf32>,
          tpu.vector_store %arg8[%swap3A_721, %swap3A_722], %gather3A_637 {strides = array<i32>} : memref<32x512xf32, #tpu.memory_space<vmem>>, vector<16xf32>,
          %mul3A_724 = arith.constant 16 : i32
          %mul3A_725 = arith.muli %add3A_569, %mul3A_724 : i32
          %swap3A_726 = arith.constant 11 : i32
          %swap3A_727 = arith.index_cast %swap3A_726 : i32 to index
          %swap3A_728 = arith.index_cast %mul3A_725 : i32 to index
          %swap3A_729 = tpu.vector_load %arg8[%swap3A_727, %swap3A_728] {strides = array<i32>} : memref<32x512xf32, #tpu.memory_space<vmem>>, vector<16xf32>,
          tpu.vector_store %arg8[%swap3A_727, %swap3A_728], %gather3A_641 {strides = array<i32>} : memref<32x512xf32, #tpu.memory_space<vmem>>, vector<16xf32>,
          %mul3A_730 = arith.constant 16 : i32
          %mul3A_731 = arith.muli %add3A_569, %mul3A_730 : i32
          %swap3A_732 = arith.constant 12 : i32
          %swap3A_733 = arith.index_cast %swap3A_732 : i32 to index
          %swap3A_734 = arith.index_cast %mul3A_731 : i32 to index
          %swap3A_735 = tpu.vector_load %arg8[%swap3A_733, %swap3A_734] {strides = array<i32>} : memref<32x512xf32, #tpu.memory_space<vmem>>, vector<16xf32>,
          tpu.vector_store %arg8[%swap3A_733, %swap3A_734], %gather3A_645 {strides = array<i32>} : memref<32x512xf32, #tpu.memory_space<vmem>>, vector<16xf32>,
          %mul3A_736 = arith.constant 16 : i32
          %mul3A_737 = arith.muli %add3A_569, %mul3A_736 : i32
          %swap3A_738 = arith.constant 13 : i32
          %swap3A_739 = arith.index_cast %swap3A_738 : i32 to index
          %swap3A_740 = arith.index_cast %mul3A_737 : i32 to index
          %swap3A_741 = tpu.vector_load %arg8[%swap3A_739, %swap3A_740] {strides = array<i32>} : memref<32x512xf32, #tpu.memory_space<vmem>>, vector<16xf32>,
          tpu.vector_store %arg8[%swap3A_739, %swap3A_740], %gather3A_649 {strides = array<i32>} : memref<32x512xf32, #tpu.memory_space<vmem>>, vector<16xf32>,
          %mul3A_742 = arith.constant 16 : i32
          %mul3A_743 = arith.muli %add3A_569, %mul3A_742 : i32
          %swap3A_744 = arith.constant 14 : i32
          %swap3A_745 = arith.index_cast %swap3A_744 : i32 to index
          %swap3A_746 = arith.index_cast %mul3A_743 : i32 to index
          %swap3A_747 = tpu.vector_load %arg8[%swap3A_745, %swap3A_746] {strides = array<i32>} : memref<32x512xf32, #tpu.memory_space<vmem>>, vector<16xf32>,
          tpu.vector_store %arg8[%swap3A_745, %swap3A_746], %gather3A_653 {strides = array<i32>} : memref<32x512xf32, #tpu.memory_space<vmem>>, vector<16xf32>,
          %mul3A_748 = arith.constant 16 : i32
          %mul3A_749 = arith.muli %add3A_569, %mul3A_748 : i32
          %swap3A_750 = arith.constant 15 : i32
          %swap3A_751 = arith.index_cast %swap3A_750 : i32 to index
          %swap3A_752 = arith.index_cast %mul3A_749 : i32 to index
          %swap3A_753 = tpu.vector_load %arg8[%swap3A_751, %swap3A_752] {strides = array<i32>} : memref<32x512xf32, #tpu.memory_space<vmem>>, vector<16xf32>,
          tpu.vector_store %arg8[%swap3A_751, %swap3A_752], %gather3A_657 {strides = array<i32>} : memref<32x512xf32, #tpu.memory_space<vmem>>, vector<16xf32>,
          %add3A_754 = arith.constant 16400 : i32
          %add3A_755 = vector.broadcast %add3A_754 : i32 to vector<16xi32>
          %add3A_756 = arith.addi %get3A_593, %add3A_755 : vector<16xi32>
          %gather3A_757 = tpu.vector_load_idx %arg5[%add3A_756] : memref<32800xf32, #tpu.memory_space<vmem>>[vector<16xi32>], vector<16xf32>,
          %add3A_758 = arith.constant 17425 : i32
          %add3A_759 = vector.broadcast %add3A_758 : i32 to vector<16xi32>
          %add3A_760 = arith.addi %get3A_593, %add3A_759 : vector<16xi32>
          %gather3A_761 = tpu.vector_load_idx %arg5[%add3A_760] : memref<32800xf32, #tpu.memory_space<vmem>>[vector<16xi32>], vector<16xf32>,
          %add3A_762 = arith.constant 18450 : i32
          %add3A_763 = vector.broadcast %add3A_762 : i32 to vector<16xi32>
          %add3A_764 = arith.addi %get3A_593, %add3A_763 : vector<16xi32>
          %gather3A_765 = tpu.vector_load_idx %arg5[%add3A_764] : memref<32800xf32, #tpu.memory_space<vmem>>[vector<16xi32>], vector<16xf32>,
          %add3A_766 = arith.constant 19475 : i32
          %add3A_767 = vector.broadcast %add3A_766 : i32 to vector<16xi32>
          %add3A_768 = arith.addi %get3A_593, %add3A_767 : vector<16xi32>
          %gather3A_769 = tpu.vector_load_idx %arg5[%add3A_768] : memref<32800xf32, #tpu.memory_space<vmem>>[vector<16xi32>], vector<16xf32>,
          %add3A_770 = arith.constant 20500 : i32
          %add3A_771 = vector.broadcast %add3A_770 : i32 to vector<16xi32>
          %add3A_772 = arith.addi %get3A_593, %add3A_771 : vector<16xi32>
          %gather3A_773 = tpu.vector_load_idx %arg5[%add3A_772] : memref<32800xf32, #tpu.memory_space<vmem>>[vector<16xi32>], vector<16xf32>,
          %add3A_774 = arith.constant 21525 : i32
          %add3A_775 = vector.broadcast %add3A_774 : i32 to vector<16xi32>
          %add3A_776 = arith.addi %get3A_593, %add3A_775 : vector<16xi32>
          %gather3A_777 = tpu.vector_load_idx %arg5[%add3A_776] : memref<32800xf32, #tpu.memory_space<vmem>>[vector<16xi32>], vector<16xf32>,
          %add3A_778 = arith.constant 22550 : i32
          %add3A_779 = vector.broadcast %add3A_778 : i32 to vector<16xi32>
          %add3A_780 = arith.addi %get3A_593, %add3A_779 : vector<16xi32>
          %gather3A_781 = tpu.vector_load_idx %arg5[%add3A_780] : memref<32800xf32, #tpu.memory_space<vmem>>[vector<16xi32>], vector<16xf32>,
          %add3A_782 = arith.constant 23575 : i32
          %add3A_783 = vector.broadcast %add3A_782 : i32 to vector<16xi32>
          %add3A_784 = arith.addi %get3A_593, %add3A_783 : vector<16xi32>
          %gather3A_785 = tpu.vector_load_idx %arg5[%add3A_784] : memref<32800xf32, #tpu.memory_space<vmem>>[vector<16xi32>], vector<16xf32>,
          %add3A_786 = arith.constant 24600 : i32
          %add3A_787 = vector.broadcast %add3A_786 : i32 to vector<16xi32>
          %add3A_788 = arith.addi %get3A_593, %add3A_787 : vector<16xi32>
          %gather3A_789 = tpu.vector_load_idx %arg5[%add3A_788] : memref<32800xf32, #tpu.memory_space<vmem>>[vector<16xi32>], vector<16xf32>,
          %add3A_790 = arith.constant 25625 : i32
          %add3A_791 = vector.broadcast %add3A_790 : i32 to vector<16xi32>
          %add3A_792 = arith.addi %get3A_593, %add3A_791 : vector<16xi32>
          %gather3A_793 = tpu.vector_load_idx %arg5[%add3A_792] : memref<32800xf32, #tpu.memory_space<vmem>>[vector<16xi32>], vector<16xf32>,
          %add3A_794 = arith.constant 26650 : i32
          %add3A_795 = vector.broadcast %add3A_794 : i32 to vector<16xi32>
          %add3A_796 = arith.addi %get3A_593, %add3A_795 : vector<16xi32>
          %gather3A_797 = tpu.vector_load_idx %arg5[%add3A_796] : memref<32800xf32, #tpu.memory_space<vmem>>[vector<16xi32>], vector<16xf32>,
          %add3A_798 = arith.constant 27675 : i32
          %add3A_799 = vector.broadcast %add3A_798 : i32 to vector<16xi32>
          %add3A_800 = arith.addi %get3A_593, %add3A_799 : vector<16xi32>
          %gather3A_801 = tpu.vector_load_idx %arg5[%add3A_800] : memref<32800xf32, #tpu.memory_space<vmem>>[vector<16xi32>], vector<16xf32>,
          %add3A_802 = arith.constant 28700 : i32
          %add3A_803 = vector.broadcast %add3A_802 : i32 to vector<16xi32>
          %add3A_804 = arith.addi %get3A_593, %add3A_803 : vector<16xi32>
          %gather3A_805 = tpu.vector_load_idx %arg5[%add3A_804] : memref<32800xf32, #tpu.memory_space<vmem>>[vector<16xi32>], vector<16xf32>,
          %add3A_806 = arith.constant 29725 : i32
          %add3A_807 = vector.broadcast %add3A_806 : i32 to vector<16xi32>
          %add3A_808 = arith.addi %get3A_593, %add3A_807 : vector<16xi32>
          %gather3A_809 = tpu.vector_load_idx %arg5[%add3A_808] : memref<32800xf32, #tpu.memory_space<vmem>>[vector<16xi32>], vector<16xf32>,
          %add3A_810 = arith.constant 30750 : i32
          %add3A_811 = vector.broadcast %add3A_810 : i32 to vector<16xi32>
          %add3A_812 = arith.addi %get3A_593, %add3A_811 : vector<16xi32>
          %gather3A_813 = tpu.vector_load_idx %arg5[%add3A_812] : memref<32800xf32, #tpu.memory_space<vmem>>[vector<16xi32>], vector<16xf32>,
          %add3A_814 = arith.constant 31775 : i32
          %add3A_815 = vector.broadcast %add3A_814 : i32 to vector<16xi32>
          %add3A_816 = arith.addi %get3A_593, %add3A_815 : vector<16xi32>
          %gather3A_817 = tpu.vector_load_idx %arg5[%add3A_816] : memref<32800xf32, #tpu.memory_space<vmem>>[vector<16xi32>], vector<16xf32>,
          %mul3A_818 = arith.constant 16 : i32
          %mul3A_819 = arith.muli %add3A_569, %mul3A_818 : i32
          %swap3A_820 = arith.constant 16 : i32
          %swap3A_821 = arith.index_cast %swap3A_820 : i32 to index
          %swap3A_822 = arith.index_cast %mul3A_819 : i32 to index
          %swap3A_823 = tpu.vector_load %arg8[%swap3A_821, %swap3A_822] {strides = array<i32>} : memref<32x512xf32, #tpu.memory_space<vmem>>, vector<16xf32>,
          tpu.vector_store %arg8[%swap3A_821, %swap3A_822], %gather3A_757 {strides = array<i32>} : memref<32x512xf32, #tpu.memory_space<vmem>>, vector<16xf32>,
          %mul3A_824 = arith.constant 16 : i32
          %mul3A_825 = arith.muli %add3A_569, %mul3A_824 : i32
          %swap3A_826 = arith.constant 17 : i32
          %swap3A_827 = arith.index_cast %swap3A_826 : i32 to index
          %swap3A_828 = arith.index_cast %mul3A_825 : i32 to index
          %swap3A_829 = tpu.vector_load %arg8[%swap3A_827, %swap3A_828] {strides = array<i32>} : memref<32x512xf32, #tpu.memory_space<vmem>>, vector<16xf32>,
          tpu.vector_store %arg8[%swap3A_827, %swap3A_828], %gather3A_761 {strides = array<i32>} : memref<32x512xf32, #tpu.memory_space<vmem>>, vector<16xf32>,
          %mul3A_830 = arith.constant 16 : i32
          %mul3A_831 = arith.muli %add3A_569, %mul3A_830 : i32
          %swap3A_832 = arith.constant 18 : i32
          %swap3A_833 = arith.index_cast %swap3A_832 : i32 to index
          %swap3A_834 = arith.index_cast %mul3A_831 : i32 to index
          %swap3A_835 = tpu.vector_load %arg8[%swap3A_833, %swap3A_834] {strides = array<i32>} : memref<32x512xf32, #tpu.memory_space<vmem>>, vector<16xf32>,
          tpu.vector_store %arg8[%swap3A_833, %swap3A_834], %gather3A_765 {strides = array<i32>} : memref<32x512xf32, #tpu.memory_space<vmem>>, vector<16xf32>,
          %mul3A_836 = arith.constant 16 : i32
          %mul3A_837 = arith.muli %add3A_569, %mul3A_836 : i32
          %swap3A_838 = arith.constant 19 : i32
          %swap3A_839 = arith.index_cast %swap3A_838 : i32 to index
          %swap3A_840 = arith.index_cast %mul3A_837 : i32 to index
          %swap3A_841 = tpu.vector_load %arg8[%swap3A_839, %swap3A_840] {strides = array<i32>} : memref<32x512xf32, #tpu.memory_space<vmem>>, vector<16xf32>,
          tpu.vector_store %arg8[%swap3A_839, %swap3A_840], %gather3A_769 {strides = array<i32>} : memref<32x512xf32, #tpu.memory_space<vmem>>, vector<16xf32>,
          %mul3A_842 = arith.constant 16 : i32
          %mul3A_843 = arith.muli %add3A_569, %mul3A_842 : i32
          %swap3A_844 = arith.constant 20 : i32
          %swap3A_845 = arith.index_cast %swap3A_844 : i32 to index
          %swap3A_846 = arith.index_cast %mul3A_843 : i32 to index
          %swap3A_847 = tpu.vector_load %arg8[%swap3A_845, %swap3A_846] {strides = array<i32>} : memref<32x512xf32, #tpu.memory_space<vmem>>, vector<16xf32>,
          tpu.vector_store %arg8[%swap3A_845, %swap3A_846], %gather3A_773 {strides = array<i32>} : memref<32x512xf32, #tpu.memory_space<vmem>>, vector<16xf32>,
          %mul3A_848 = arith.constant 16 : i32
          %mul3A_849 = arith.muli %add3A_569, %mul3A_848 : i32
          %swap3A_850 = arith.constant 21 : i32
          %swap3A_851 = arith.index_cast %swap3A_850 : i32 to index
          %swap3A_852 = arith.index_cast %mul3A_849 : i32 to index
          %swap3A_853 = tpu.vector_load %arg8[%swap3A_851, %swap3A_852] {strides = array<i32>} : memref<32x512xf32, #tpu.memory_space<vmem>>, vector<16xf32>,
          tpu.vector_store %arg8[%swap3A_851, %swap3A_852], %gather3A_777 {strides = array<i32>} : memref<32x512xf32, #tpu.memory_space<vmem>>, vector<16xf32>,
          %mul3A_854 = arith.constant 16 : i32
          %mul3A_855 = arith.muli %add3A_569, %mul3A_854 : i32
          %swap3A_856 = arith.constant 22 : i32
          %swap3A_857 = arith.index_cast %swap3A_856 : i32 to index
          %swap3A_858 = arith.index_cast %mul3A_855 : i32 to index
          %swap3A_859 = tpu.vector_load %arg8[%swap3A_857, %swap3A_858] {strides = array<i32>} : memref<32x512xf32, #tpu.memory_space<vmem>>, vector<16xf32>,
          tpu.vector_store %arg8[%swap3A_857, %swap3A_858], %gather3A_781 {strides = array<i32>} : memref<32x512xf32, #tpu.memory_space<vmem>>, vector<16xf32>,
          %mul3A_860 = arith.constant 16 : i32
          %mul3A_861 = arith.muli %add3A_569, %mul3A_860 : i32
          %swap3A_862 = arith.constant 23 : i32
          %swap3A_863 = arith.index_cast %swap3A_862 : i32 to index
          %swap3A_864 = arith.index_cast %mul3A_861 : i32 to index
          %swap3A_865 = tpu.vector_load %arg8[%swap3A_863, %swap3A_864] {strides = array<i32>} : memref<32x512xf32, #tpu.memory_space<vmem>>, vector<16xf32>,
          tpu.vector_store %arg8[%swap3A_863, %swap3A_864], %gather3A_785 {strides = array<i32>} : memref<32x512xf32, #tpu.memory_space<vmem>>, vector<16xf32>,
          %mul3A_866 = arith.constant 16 : i32
          %mul3A_867 = arith.muli %add3A_569, %mul3A_866 : i32
          %swap3A_868 = arith.constant 24 : i32
          %swap3A_869 = arith.index_cast %swap3A_868 : i32 to index
          %swap3A_870 = arith.index_cast %mul3A_867 : i32 to index
          %swap3A_871 = tpu.vector_load %arg8[%swap3A_869, %swap3A_870] {strides = array<i32>} : memref<32x512xf32, #tpu.memory_space<vmem>>, vector<16xf32>,
          tpu.vector_store %arg8[%swap3A_869, %swap3A_870], %gather3A_789 {strides = array<i32>} : memref<32x512xf32, #tpu.memory_space<vmem>>, vector<16xf32>,
          %mul3A_872 = arith.constant 16 : i32
          %mul3A_873 = arith.muli %add3A_569, %mul3A_872 : i32
          %swap3A_874 = arith.constant 25 : i32
          %swap3A_875 = arith.index_cast %swap3A_874 : i32 to index
          %swap3A_876 = arith.index_cast %mul3A_873 : i32 to index
          %swap3A_877 = tpu.vector_load %arg8[%swap3A_875, %swap3A_876] {strides = array<i32>} : memref<32x512xf32, #tpu.memory_space<vmem>>, vector<16xf32>,
          tpu.vector_store %arg8[%swap3A_875, %swap3A_876], %gather3A_793 {strides = array<i32>} : memref<32x512xf32, #tpu.memory_space<vmem>>, vector<16xf32>,
          %mul3A_878 = arith.constant 16 : i32
          %mul3A_879 = arith.muli %add3A_569, %mul3A_878 : i32
          %swap3A_880 = arith.constant 26 : i32
          %swap3A_881 = arith.index_cast %swap3A_880 : i32 to index
          %swap3A_882 = arith.index_cast %mul3A_879 : i32 to index
          %swap3A_883 = tpu.vector_load %arg8[%swap3A_881, %swap3A_882] {strides = array<i32>} : memref<32x512xf32, #tpu.memory_space<vmem>>, vector<16xf32>,
          tpu.vector_store %arg8[%swap3A_881, %swap3A_882], %gather3A_797 {strides = array<i32>} : memref<32x512xf32, #tpu.memory_space<vmem>>, vector<16xf32>,
          %mul3A_884 = arith.constant 16 : i32
          %mul3A_885 = arith.muli %add3A_569, %mul3A_884 : i32
          %swap3A_886 = arith.constant 27 : i32
          %swap3A_887 = arith.index_cast %swap3A_886 : i32 to index
          %swap3A_888 = arith.index_cast %mul3A_885 : i32 to index
          %swap3A_889 = tpu.vector_load %arg8[%swap3A_887, %swap3A_888] {strides = array<i32>} : memref<32x512xf32, #tpu.memory_space<vmem>>, vector<16xf32>,
          tpu.vector_store %arg8[%swap3A_887, %swap3A_888], %gather3A_801 {strides = array<i32>} : memref<32x512xf32, #tpu.memory_space<vmem>>, vector<16xf32>,
          %mul3A_890 = arith.constant 16 : i32
          %mul3A_891 = arith.muli %add3A_569, %mul3A_890 : i32
          %swap3A_892 = arith.constant 28 : i32
          %swap3A_893 = arith.index_cast %swap3A_892 : i32 to index
          %swap3A_894 = arith.index_cast %mul3A_891 : i32 to index
          %swap3A_895 = tpu.vector_load %arg8[%swap3A_893, %swap3A_894] {strides = array<i32>} : memref<32x512xf32, #tpu.memory_space<vmem>>, vector<16xf32>,
          tpu.vector_store %arg8[%swap3A_893, %swap3A_894], %gather3A_805 {strides = array<i32>} : memref<32x512xf32, #tpu.memory_space<vmem>>, vector<16xf32>,
          %mul3A_896 = arith.constant 16 : i32
          %mul3A_897 = arith.muli %add3A_569, %mul3A_896 : i32
          %swap3A_898 = arith.constant 29 : i32
          %swap3A_899 = arith.index_cast %swap3A_898 : i32 to index
          %swap3A_900 = arith.index_cast %mul3A_897 : i32 to index
          %swap3A_901 = tpu.vector_load %arg8[%swap3A_899, %swap3A_900] {strides = array<i32>} : memref<32x512xf32, #tpu.memory_space<vmem>>, vector<16xf32>,
          tpu.vector_store %arg8[%swap3A_899, %swap3A_900], %gather3A_809 {strides = array<i32>} : memref<32x512xf32, #tpu.memory_space<vmem>>, vector<16xf32>,
          %mul3A_902 = arith.constant 16 : i32
          %mul3A_903 = arith.muli %add3A_569, %mul3A_902 : i32
          %swap3A_904 = arith.constant 30 : i32
          %swap3A_905 = arith.index_cast %swap3A_904 : i32 to index
          %swap3A_906 = arith.index_cast %mul3A_903 : i32 to index
          %swap3A_907 = tpu.vector_load %arg8[%swap3A_905, %swap3A_906] {strides = array<i32>} : memref<32x512xf32, #tpu.memory_space<vmem>>, vector<16xf32>,
          tpu.vector_store %arg8[%swap3A_905, %swap3A_906], %gather3A_813 {strides = array<i32>} : memref<32x512xf32, #tpu.memory_space<vmem>>, vector<16xf32>,
          %mul3A_908 = arith.constant 16 : i32
          %mul3A_909 = arith.muli %add3A_569, %mul3A_908 : i32
          %swap3A_910 = arith.constant 31 : i32
          %swap3A_911 = arith.index_cast %swap3A_910 : i32 to index
          %swap3A_912 = arith.index_cast %mul3A_909 : i32 to index
          %swap3A_913 = tpu.vector_load %arg8[%swap3A_911, %swap3A_912] {strides = array<i32>} : memref<32x512xf32, #tpu.memory_space<vmem>>, vector<16xf32>,
          tpu.vector_store %arg8[%swap3A_911, %swap3A_912], %gather3A_817 {strides = array<i32>} : memref<32x512xf32, #tpu.memory_space<vmem>>, vector<16xf32>,
        }
        %scan3A_207 = arith.constant 32 : i32
        %dma_start3A_208 = arith.constant 0 : i32
        %dma_start3A_209 = arith.constant 0 : i32
        %dma_start3A_210 = tpu.memref_slice %arg8[%dma_start3A_208, %dma_start3A_209] : memref<32x512xf32, #tpu.memory_space<vmem>> -> memref<32x512xf32, #tpu.memory_space<vmem>>
        %dma_start3A_211 = tpu.memref_slice %arg4[%select_n3A_178, %add3A_48, %add3A_197] : memref<20x1000x4096xf32, #tpu.memory_space<hbm>> -> memref<1x32x512xf32, #tpu.memory_space<hbm>>
        %dma_start3A_212 = tpu.memref_squeeze %dma_start3A_211 : memref<1x32x512xf32, #tpu.memory_space<hbm>> -> memref<32x512xf32, #tpu.memory_space<hbm>>
        %dma_start3A_213 = tpu.memref_slice %arg4[%select_n3A_178, %add3A_48, %add3A_197] : memref<20x1000x4096xf32, #tpu.memory_space<hbm>> -> memref<1x32x512xf32, #tpu.memory_space<hbm>>
        %dma_start3A_214 = tpu.memref_squeeze %dma_start3A_213 : memref<1x32x512xf32, #tpu.memory_space<hbm>> -> memref<32x512xf32, #tpu.memory_space<hbm>>
        %dma_start3A_215 = arith.constant 0 : i32
        %dma_start3A_216 = arith.constant 0 : i32
        %dma_start3A_217 = tpu.memref_slice %arg8[%dma_start3A_215, %dma_start3A_216] : memref<32x512xf32, #tpu.memory_space<vmem>> -> memref<32x512xf32, #tpu.memory_space<vmem>>
        tpu.enqueue_dma source(%dma_start3A_217 : memref<32x512xf32, #tpu.memory_space<vmem>>) target(%dma_start3A_214 : memref<32x512xf32, #tpu.memory_space<hbm>>) target_semaphore(%arg10 : memref<!tpu.dma_semaphore, #tpu.memory_space<semaphore_mem>>)
      }
      %scan3A_55 = arith.constant 20 : i32
      %dma_wait3A = arith.constant 0 : i32
      %dma_wait3A_56 = arith.constant 0 : i32
      %dma_wait3A_57 = arith.constant 0 : i32
      %dma_wait3A_58 = tpu.memref_slice %arg7[%dma_wait3A_56, %dma_wait3A_57] : memref<32x512xf32, #tpu.memory_space<vmem>> -> memref<32x512xf32, #tpu.memory_space<vmem>>
      %dma_wait3A_59 = arith.constant 0 : i32
      %dma_wait3A_60 = arith.constant 0 : i32
      %dma_wait3A_61 = tpu.memref_slice %arg4[%dma_wait3A, %dma_wait3A_59, %dma_wait3A_60] : memref<20x1000x4096xf32, #tpu.memory_space<hbm>> -> memref<1x32x512xf32, #tpu.memory_space<hbm>>
      %dma_wait3A_62 = tpu.memref_squeeze %dma_wait3A_61 : memref<1x32x512xf32, #tpu.memory_space<hbm>> -> memref<32x512xf32, #tpu.memory_space<hbm>>
      %dma_wait3A_63 = arith.constant 0 : i32
      %dma_wait3A_64 = arith.constant 0 : i32
      %dma_wait3A_65 = tpu.memref_slice %arg4[%dma_wait3A, %dma_wait3A_63, %dma_wait3A_64] : memref<20x1000x4096xf32, #tpu.memory_space<hbm>> -> memref<1x32x512xf32, #tpu.memory_space<hbm>>
      %dma_wait3A_66 = tpu.memref_squeeze %dma_wait3A_65 : memref<1x32x512xf32, #tpu.memory_space<hbm>> -> memref<32x512xf32, #tpu.memory_space<hbm>>
      %dma_wait3A_67 = arith.constant 0 : i32
      %dma_wait3A_68 = arith.constant 0 : i32
      %dma_wait3A_69 = tpu.memref_slice %arg7[%dma_wait3A_67, %dma_wait3A_68] : memref<32x512xf32, #tpu.memory_space<vmem>> -> memref<32x512xf32, #tpu.memory_space<vmem>>
      tpu.wait_dma2 semaphore(%arg9 : memref<!tpu.dma_semaphore, #tpu.memory_space<semaphore_mem>>) src(%dma_wait3A_69 : memref<32x512xf32, #tpu.memory_space<vmem>>) dst(%dma_wait3A_66 : memref<32x512xf32, #tpu.memory_space<hbm>>)
      %dma_wait3A_70 = arith.constant 0 : i32
      %dma_wait3A_71 = arith.constant 0 : i32
      %dma_wait3A_72 = arith.constant 0 : i32
      %dma_wait3A_73 = tpu.memref_slice %arg8[%dma_wait3A_71, %dma_wait3A_72] : memref<32x512xf32, #tpu.memory_space<vmem>> -> memref<32x512xf32, #tpu.memory_space<vmem>>
      %dma_wait3A_74 = arith.constant 0 : i32
      %dma_wait3A_75 = arith.constant 0 : i32
      %dma_wait3A_76 = tpu.memref_slice %arg4[%dma_wait3A_70, %dma_wait3A_74, %dma_wait3A_75] : memref<20x1000x4096xf32, #tpu.memory_space<hbm>> -> memref<1x32x512xf32, #tpu.memory_space<hbm>>
      %dma_wait3A_77 = tpu.memref_squeeze %dma_wait3A_76 : memref<1x32x512xf32, #tpu.memory_space<hbm>> -> memref<32x512xf32, #tpu.memory_space<hbm>>
      %dma_wait3A_78 = arith.constant 0 : i32
      %dma_wait3A_79 = arith.constant 0 : i32
      %dma_wait3A_80 = tpu.memref_slice %arg4[%dma_wait3A_70, %dma_wait3A_78, %dma_wait3A_79] : memref<20x1000x4096xf32, #tpu.memory_space<hbm>> -> memref<1x32x512xf32, #tpu.memory_space<hbm>>
      %dma_wait3A_81 = tpu.memref_squeeze %dma_wait3A_80 : memref<1x32x512xf32, #tpu.memory_space<hbm>> -> memref<32x512xf32, #tpu.memory_space<hbm>>
      %dma_wait3A_82 = arith.constant 0 : i32
      %dma_wait3A_83 = arith.constant 0 : i32
      %dma_wait3A_84 = tpu.memref_slice %arg8[%dma_wait3A_82, %dma_wait3A_83] : memref<32x512xf32, #tpu.memory_space<vmem>> -> memref<32x512xf32, #tpu.memory_space<vmem>>
      tpu.wait_dma2 semaphore(%arg10 : memref<!tpu.dma_semaphore, #tpu.memory_space<semaphore_mem>>) src(%dma_wait3A_84 : memref<32x512xf32, #tpu.memory_space<vmem>>) dst(%dma_wait3A_81 : memref<32x512xf32, #tpu.memory_space<hbm>>)
    } else {
    }
    %eq3A_42 = arith.constant 7 : i32
    %eq3A_43 = arith.cmpi eq, %select_n3A, %eq3A_42 : i32
    %convert_element_type3A_44 = arith.extui %eq3A_43 : i1 to i32
    %cond3A_45 = arith.constant 0 : i32
    %cond3A_46 = arith.cmpi ne, %convert_element_type3A_44, %cond3A_45 : i32
    scf.if %cond3A_46 {
      %add3A_47 = arith.constant 96 : i32
      %add3A_48 = arith.addi %mul3A_18, %add3A_47 : i32
      %mul3A_49 = arith.constant 1025 : i32
      %mul3A_50 = arith.muli %add3A_48, %mul3A_49 : i32
      "tpu.region"() ({
        %run_scoped3A = tpu.sem_alloc : memref<!tpu.dma_semaphore, #tpu.memory_space<semaphore_mem>>
        %dma_start3A = arith.constant 0 : i32
        %dma_start3A_85 = tpu.memref_slice %arg5[%dma_start3A] : memref<32800xf32, #tpu.memory_space<vmem>> -> memref<8200xf32, #tpu.memory_space<vmem>>
        %dma_start3A_86 = tpu.memref_slice %arg2[%mul3A_50] : memref<1025000xf32, #tpu.memory_space<hbm>> -> memref<8200xf32, #tpu.memory_space<hbm>>
        %dma_start3A_87 = arith.constant 0 : i32
        %dma_start3A_88 = tpu.memref_slice %arg5[%dma_start3A_87] : memref<32800xf32, #tpu.memory_space<vmem>> -> memref<8200xf32, #tpu.memory_space<vmem>>
        %dma_start3A_89 = tpu.memref_slice %arg2[%mul3A_50] : memref<1025000xf32, #tpu.memory_space<hbm>> -> memref<8200xf32, #tpu.memory_space<hbm>>
        tpu.enqueue_dma source(%dma_start3A_89 : memref<8200xf32, #tpu.memory_space<hbm>>) target(%dma_start3A_88 : memref<8200xf32, #tpu.memory_space<vmem>>) target_semaphore(%run_scoped3A : memref<!tpu.dma_semaphore, #tpu.memory_space<semaphore_mem>>)
        %dma_wait3A_90 = arith.constant 0 : i32
        %dma_wait3A_91 = tpu.memref_slice %arg5[%dma_wait3A_90] : memref<32800xf32, #tpu.memory_space<vmem>> -> memref<8200xf32, #tpu.memory_space<vmem>>
        %dma_wait3A_92 = tpu.memref_slice %arg2[%mul3A_50] : memref<1025000xf32, #tpu.memory_space<hbm>> -> memref<8200xf32, #tpu.memory_space<hbm>>
        %dma_wait3A_93 = arith.constant 0 : i32
        %dma_wait3A_94 = tpu.memref_slice %arg5[%dma_wait3A_93] : memref<32800xf32, #tpu.memory_space<vmem>> -> memref<8200xf32, #tpu.memory_space<vmem>>
        %dma_wait3A_95 = tpu.memref_slice %arg2[%mul3A_50] : memref<1025000xf32, #tpu.memory_space<hbm>> -> memref<8200xf32, #tpu.memory_space<hbm>>
        tpu.wait_dma2 semaphore(%run_scoped3A : memref<!tpu.dma_semaphore, #tpu.memory_space<semaphore_mem>>) src(%dma_wait3A_95 : memref<8200xf32, #tpu.memory_space<hbm>>) dst(%dma_wait3A_94 : memref<8200xf32, #tpu.memory_space<vmem>>)
        tpu.yield
      }) : () -> ()
      %scan3A_51 = arith.constant 0 : i32
      %scan3A_52 = arith.constant 20 : i32
      %scan3A_53 = arith.addi %scan3A_51, %scan3A_52 : i32
      %scan3A_54 = arith.constant 1 : i32
      scf.for %scan3A_85 = %scan3A_51 to %scan3A_53 step %scan3A_54  : i32 {
        %mul3A_86 = arith.constant 2 : i32
        %mul3A_87 = arith.muli %scan3A_85, %mul3A_86 : i32
        %add3A_88 = arith.constant 0 : i32
        %add3A_89 = arith.addi %add3A_88, %mul3A_87 : i32
        %add3A_90 = arith.constant 0 : i32
        %add3A_91 = arith.addi %add3A_89, %add3A_90 : i32
        %jit3A_92 = arith.constant 2 : i32
        %div3A_93 = arith.divsi %add3A_91, %jit3A_92 : i32
        %sign3A_94 = arith.constant 0 : i32
        %sign3A_95 = arith.cmpi sgt, %add3A_91, %sign3A_94 : i32
        %sign3A_96 = arith.extui %sign3A_95 : i1 to i32
        %sign3A_97 = arith.constant 0 : i32
        %sign3A_98 = arith.cmpi slt, %add3A_91, %sign3A_97 : i32
        %sign3A_99 = arith.extui %sign3A_98 : i1 to i32
        %sign3A_100 = arith.subi %sign3A_96, %sign3A_99 : i32
        %sign3A_101 = arith.constant 0 : i32
        %sign3A_102 = arith.cmpi sgt, %jit3A_92, %sign3A_101 : i32
        %sign3A_103 = arith.extui %sign3A_102 : i1 to i32
        %sign3A_104 = arith.constant 0 : i32
        %sign3A_105 = arith.cmpi slt, %jit3A_92, %sign3A_104 : i32
        %sign3A_106 = arith.extui %sign3A_105 : i1 to i32
        %sign3A_107 = arith.subi %sign3A_103, %sign3A_106 : i32
        %ne3A_108 = arith.cmpi ne, %sign3A_100, %sign3A_107 : i32
        %rem3A_109 = arith.remsi %add3A_91, %jit3A_92 : i32
        %ne3A_110 = arith.constant 0 : i32
        %ne3A_111 = arith.cmpi ne, %rem3A_109, %ne3A_110 : i32
        %and3A_112 = arith.andi %ne3A_108, %ne3A_111 : i1
        %sub3A_113 = arith.constant 1 : i32
        %sub3A_114 = arith.subi %div3A_93, %sub3A_113 : i32
        %select_n3A_115 = arith.select %and3A_112, %sub3A_114, %div3A_93 : i32
        %jit3A_116 = arith.constant 2 : i32
        %eq3A_117 = arith.constant 0 : i32
        %eq3A_118 = arith.cmpi eq, %jit3A_116, %eq3A_117 : i32
        %jit3A_119 = arith.constant 1 : i32
        %select_n3A_120 = arith.select %eq3A_118, %jit3A_119, %jit3A_116 : i32
        %rem3A_121 = arith.remsi %add3A_91, %select_n3A_120 : i32
        %ne3A_122 = arith.constant 0 : i32
        %ne3A_123 = arith.cmpi ne, %rem3A_121, %ne3A_122 : i32
        %lt3A_124 = arith.constant 0 : i32
        %lt3A_125 = arith.cmpi slt, %rem3A_121, %lt3A_124 : i32
        %lt3A_126 = arith.constant 0 : i32
        %lt3A_127 = arith.cmpi slt, %select_n3A_120, %lt3A_126 : i32
        %ne3A_128 = arith.xori %lt3A_125, %lt3A_127 : i1
        %and3A_129 = arith.andi %ne3A_128, %ne3A_123 : i1
        %add3A_130 = arith.addi %rem3A_121, %select_n3A_120 : i32
        %select_n3A_131 = arith.select %and3A_129, %add3A_130, %rem3A_121 : i32
        %mul3A_132 = arith.constant 512 : i32
        %mul3A_133 = arith.muli %select_n3A_131, %mul3A_132 : i32
        %add3A_134 = arith.addi %mul3A_34, %mul3A_133 : i32
        %ge3A = arith.constant 2 : i32
        %ge3A_135 = arith.cmpi sge, %add3A_89, %ge3A : i32
        %convert_element_type3A_136 = arith.extui %ge3A_135 : i1 to i32
        %cond3A_137 = arith.constant 0 : i32
        %cond3A_138 = arith.cmpi ne, %convert_element_type3A_136, %cond3A_137 : i32
        scf.if %cond3A_138 {
          %dma_wait3A_218 = arith.constant 0 : i32
          %dma_wait3A_219 = arith.constant 0 : i32
          %dma_wait3A_220 = arith.constant 0 : i32
          %dma_wait3A_221 = tpu.memref_slice %arg7[%dma_wait3A_219, %dma_wait3A_220] : memref<32x512xf32, #tpu.memory_space<vmem>> -> memref<8x512xf32, #tpu.memory_space<vmem>>
          %dma_wait3A_222 = arith.constant 0 : i32
          %dma_wait3A_223 = arith.constant 0 : i32
          %dma_wait3A_224 = tpu.memref_slice %arg4[%dma_wait3A_218, %dma_wait3A_222, %dma_wait3A_223] : memref<20x1000x4096xf32, #tpu.memory_space<hbm>> -> memref<1x8x512xf32, #tpu.memory_space<hbm>>
          %dma_wait3A_225 = tpu.memref_squeeze %dma_wait3A_224 : memref<1x8x512xf32, #tpu.memory_space<hbm>> -> memref<8x512xf32, #tpu.memory_space<hbm>>
          %dma_wait3A_226 = arith.constant 0 : i32
          %dma_wait3A_227 = arith.constant 0 : i32
          %dma_wait3A_228 = tpu.memref_slice %arg4[%dma_wait3A_218, %dma_wait3A_226, %dma_wait3A_227] : memref<20x1000x4096xf32, #tpu.memory_space<hbm>> -> memref<1x8x512xf32, #tpu.memory_space<hbm>>
          %dma_wait3A_229 = tpu.memref_squeeze %dma_wait3A_228 : memref<1x8x512xf32, #tpu.memory_space<hbm>> -> memref<8x512xf32, #tpu.memory_space<hbm>>
          %dma_wait3A_230 = arith.constant 0 : i32
          %dma_wait3A_231 = arith.constant 0 : i32
          %dma_wait3A_232 = tpu.memref_slice %arg7[%dma_wait3A_230, %dma_wait3A_231] : memref<32x512xf32, #tpu.memory_space<vmem>> -> memref<8x512xf32, #tpu.memory_space<vmem>>
          tpu.wait_dma2 semaphore(%arg9 : memref<!tpu.dma_semaphore, #tpu.memory_space<semaphore_mem>>) src(%dma_wait3A_232 : memref<8x512xf32, #tpu.memory_space<vmem>>) dst(%dma_wait3A_229 : memref<8x512xf32, #tpu.memory_space<hbm>>)
        } else {
        }
        %scan3A_139 = arith.constant 0 : i32
        %scan3A_140 = arith.constant 32 : i32
        %scan3A_141 = arith.addi %scan3A_139, %scan3A_140 : i32
        %scan3A_142 = arith.constant 2 : i32
        scf.for %scan3A_218 = %scan3A_139 to %scan3A_141 step %scan3A_142  : i32 {
          %mul3A_219 = arith.constant 1 : i32
          %mul3A_220 = arith.muli %scan3A_218, %mul3A_219 : i32
          %add3A_221 = arith.constant 0 : i32
          %add3A_222 = arith.addi %add3A_221, %mul3A_220 : i32
          %jit3A_223 = arith.constant 2 : i32
          %eq3A_224 = arith.constant 0 : i32
          %eq3A_225 = arith.cmpi eq, %jit3A_223, %eq3A_224 : i32
          %jit3A_226 = arith.constant 1 : i32
          %select_n3A_227 = arith.select %eq3A_225, %jit3A_226, %jit3A_223 : i32
          %rem3A_228 = arith.remsi %add3A_91, %select_n3A_227 : i32
          %ne3A_229 = arith.constant 0 : i32
          %ne3A_230 = arith.cmpi ne, %rem3A_228, %ne3A_229 : i32
          %lt3A_231 = arith.constant 0 : i32
          %lt3A_232 = arith.cmpi slt, %rem3A_228, %lt3A_231 : i32
          %lt3A_233 = arith.constant 0 : i32
          %lt3A_234 = arith.cmpi slt, %select_n3A_227, %lt3A_233 : i32
          %ne3A_235 = arith.xori %lt3A_232, %lt3A_234 : i1
          %and3A_236 = arith.andi %ne3A_235, %ne3A_230 : i1
          %add3A_237 = arith.addi %rem3A_228, %select_n3A_227 : i32
          %select_n3A_238 = arith.select %and3A_236, %add3A_237, %rem3A_228 : i32
          %mul3A_239 = arith.constant 512 : i32
          %mul3A_240 = arith.muli %select_n3A_238, %mul3A_239 : i32
          %mul3A_241 = arith.constant 16 : i32
          %mul3A_242 = arith.muli %add3A_222, %mul3A_241 : i32
          %add3A_243 = arith.addi %mul3A_240, %mul3A_242 : i32
          %get3A = arith.index_cast %select_n3A_115 : i32 to index
          %get3A_244 = arith.index_cast %add3A_243 : i32 to index
          %get3A_245 = tpu.vector_load %arg6[%get3A, %get3A_244] {strides = array<i32>} : memref<20x1024xi32, #tpu.memory_space<vmem>>, vector<16xi32>,
          %add3A_246 = arith.constant 0 : i32
          %add3A_247 = vector.broadcast %add3A_246 : i32 to vector<16xi32>
          %add3A_248 = arith.addi %get3A_245, %add3A_247 : vector<16xi32>
          %gather3A = tpu.vector_load_idx %arg5[%add3A_248] : memref<32800xf32, #tpu.memory_space<vmem>>[vector<16xi32>], vector<16xf32>,
          %add3A_249 = arith.constant 1025 : i32
          %add3A_250 = vector.broadcast %add3A_249 : i32 to vector<16xi32>
          %add3A_251 = arith.addi %get3A_245, %add3A_250 : vector<16xi32>
          %gather3A_252 = tpu.vector_load_idx %arg5[%add3A_251] : memref<32800xf32, #tpu.memory_space<vmem>>[vector<16xi32>], vector<16xf32>,
          %add3A_253 = arith.constant 2050 : i32
          %add3A_254 = vector.broadcast %add3A_253 : i32 to vector<16xi32>
          %add3A_255 = arith.addi %get3A_245, %add3A_254 : vector<16xi32>
          %gather3A_256 = tpu.vector_load_idx %arg5[%add3A_255] : memref<32800xf32, #tpu.memory_space<vmem>>[vector<16xi32>], vector<16xf32>,
          %add3A_257 = arith.constant 3075 : i32
          %add3A_258 = vector.broadcast %add3A_257 : i32 to vector<16xi32>
          %add3A_259 = arith.addi %get3A_245, %add3A_258 : vector<16xi32>
          %gather3A_260 = tpu.vector_load_idx %arg5[%add3A_259] : memref<32800xf32, #tpu.memory_space<vmem>>[vector<16xi32>], vector<16xf32>,
          %add3A_261 = arith.constant 4100 : i32
          %add3A_262 = vector.broadcast %add3A_261 : i32 to vector<16xi32>
          %add3A_263 = arith.addi %get3A_245, %add3A_262 : vector<16xi32>
          %gather3A_264 = tpu.vector_load_idx %arg5[%add3A_263] : memref<32800xf32, #tpu.memory_space<vmem>>[vector<16xi32>], vector<16xf32>,
          %add3A_265 = arith.constant 5125 : i32
          %add3A_266 = vector.broadcast %add3A_265 : i32 to vector<16xi32>
          %add3A_267 = arith.addi %get3A_245, %add3A_266 : vector<16xi32>
          %gather3A_268 = tpu.vector_load_idx %arg5[%add3A_267] : memref<32800xf32, #tpu.memory_space<vmem>>[vector<16xi32>], vector<16xf32>,
          %add3A_269 = arith.constant 6150 : i32
          %add3A_270 = vector.broadcast %add3A_269 : i32 to vector<16xi32>
          %add3A_271 = arith.addi %get3A_245, %add3A_270 : vector<16xi32>
          %gather3A_272 = tpu.vector_load_idx %arg5[%add3A_271] : memref<32800xf32, #tpu.memory_space<vmem>>[vector<16xi32>], vector<16xf32>,
          %add3A_273 = arith.constant 7175 : i32
          %add3A_274 = vector.broadcast %add3A_273 : i32 to vector<16xi32>
          %add3A_275 = arith.addi %get3A_245, %add3A_274 : vector<16xi32>
          %gather3A_276 = tpu.vector_load_idx %arg5[%add3A_275] : memref<32800xf32, #tpu.memory_space<vmem>>[vector<16xi32>], vector<16xf32>,
          %mul3A_277 = arith.constant 16 : i32
          %mul3A_278 = arith.muli %add3A_222, %mul3A_277 : i32
          %swap3A = arith.constant 0 : i32
          %swap3A_279 = arith.index_cast %swap3A : i32 to index
          %swap3A_280 = arith.index_cast %mul3A_278 : i32 to index
          %swap3A_281 = tpu.vector_load %arg7[%swap3A_279, %swap3A_280] {strides = array<i32>} : memref<32x512xf32, #tpu.memory_space<vmem>>, vector<16xf32>,
          tpu.vector_store %arg7[%swap3A_279, %swap3A_280], %gather3A {strides = array<i32>} : memref<32x512xf32, #tpu.memory_space<vmem>>, vector<16xf32>,
          %mul3A_282 = arith.constant 16 : i32
          %mul3A_283 = arith.muli %add3A_222, %mul3A_282 : i32
          %swap3A_284 = arith.constant 1 : i32
          %swap3A_285 = arith.index_cast %swap3A_284 : i32 to index
          %swap3A_286 = arith.index_cast %mul3A_283 : i32 to index
          %swap3A_287 = tpu.vector_load %arg7[%swap3A_285, %swap3A_286] {strides = array<i32>} : memref<32x512xf32, #tpu.memory_space<vmem>>, vector<16xf32>,
          tpu.vector_store %arg7[%swap3A_285, %swap3A_286], %gather3A_252 {strides = array<i32>} : memref<32x512xf32, #tpu.memory_space<vmem>>, vector<16xf32>,
          %mul3A_288 = arith.constant 16 : i32
          %mul3A_289 = arith.muli %add3A_222, %mul3A_288 : i32
          %swap3A_290 = arith.constant 2 : i32
          %swap3A_291 = arith.index_cast %swap3A_290 : i32 to index
          %swap3A_292 = arith.index_cast %mul3A_289 : i32 to index
          %swap3A_293 = tpu.vector_load %arg7[%swap3A_291, %swap3A_292] {strides = array<i32>} : memref<32x512xf32, #tpu.memory_space<vmem>>, vector<16xf32>,
          tpu.vector_store %arg7[%swap3A_291, %swap3A_292], %gather3A_256 {strides = array<i32>} : memref<32x512xf32, #tpu.memory_space<vmem>>, vector<16xf32>,
          %mul3A_294 = arith.constant 16 : i32
          %mul3A_295 = arith.muli %add3A_222, %mul3A_294 : i32
          %swap3A_296 = arith.constant 3 : i32
          %swap3A_297 = arith.index_cast %swap3A_296 : i32 to index
          %swap3A_298 = arith.index_cast %mul3A_295 : i32 to index
          %swap3A_299 = tpu.vector_load %arg7[%swap3A_297, %swap3A_298] {strides = array<i32>} : memref<32x512xf32, #tpu.memory_space<vmem>>, vector<16xf32>,
          tpu.vector_store %arg7[%swap3A_297, %swap3A_298], %gather3A_260 {strides = array<i32>} : memref<32x512xf32, #tpu.memory_space<vmem>>, vector<16xf32>,
          %mul3A_300 = arith.constant 16 : i32
          %mul3A_301 = arith.muli %add3A_222, %mul3A_300 : i32
          %swap3A_302 = arith.constant 4 : i32
          %swap3A_303 = arith.index_cast %swap3A_302 : i32 to index
          %swap3A_304 = arith.index_cast %mul3A_301 : i32 to index
          %swap3A_305 = tpu.vector_load %arg7[%swap3A_303, %swap3A_304] {strides = array<i32>} : memref<32x512xf32, #tpu.memory_space<vmem>>, vector<16xf32>,
          tpu.vector_store %arg7[%swap3A_303, %swap3A_304], %gather3A_264 {strides = array<i32>} : memref<32x512xf32, #tpu.memory_space<vmem>>, vector<16xf32>,
          %mul3A_306 = arith.constant 16 : i32
          %mul3A_307 = arith.muli %add3A_222, %mul3A_306 : i32
          %swap3A_308 = arith.constant 5 : i32
          %swap3A_309 = arith.index_cast %swap3A_308 : i32 to index
          %swap3A_310 = arith.index_cast %mul3A_307 : i32 to index
          %swap3A_311 = tpu.vector_load %arg7[%swap3A_309, %swap3A_310] {strides = array<i32>} : memref<32x512xf32, #tpu.memory_space<vmem>>, vector<16xf32>,
          tpu.vector_store %arg7[%swap3A_309, %swap3A_310], %gather3A_268 {strides = array<i32>} : memref<32x512xf32, #tpu.memory_space<vmem>>, vector<16xf32>,
          %mul3A_312 = arith.constant 16 : i32
          %mul3A_313 = arith.muli %add3A_222, %mul3A_312 : i32
          %swap3A_314 = arith.constant 6 : i32
          %swap3A_315 = arith.index_cast %swap3A_314 : i32 to index
          %swap3A_316 = arith.index_cast %mul3A_313 : i32 to index
          %swap3A_317 = tpu.vector_load %arg7[%swap3A_315, %swap3A_316] {strides = array<i32>} : memref<32x512xf32, #tpu.memory_space<vmem>>, vector<16xf32>,
          tpu.vector_store %arg7[%swap3A_315, %swap3A_316], %gather3A_272 {strides = array<i32>} : memref<32x512xf32, #tpu.memory_space<vmem>>, vector<16xf32>,
          %mul3A_318 = arith.constant 16 : i32
          %mul3A_319 = arith.muli %add3A_222, %mul3A_318 : i32
          %swap3A_320 = arith.constant 7 : i32
          %swap3A_321 = arith.index_cast %swap3A_320 : i32 to index
          %swap3A_322 = arith.index_cast %mul3A_319 : i32 to index
          %swap3A_323 = tpu.vector_load %arg7[%swap3A_321, %swap3A_322] {strides = array<i32>} : memref<32x512xf32, #tpu.memory_space<vmem>>, vector<16xf32>,
          tpu.vector_store %arg7[%swap3A_321, %swap3A_322], %gather3A_276 {strides = array<i32>} : memref<32x512xf32, #tpu.memory_space<vmem>>, vector<16xf32>,
          %scan3A_324 = arith.constant 1 : i32
          %scan3A_325 = arith.addi %scan3A_218, %scan3A_324 : i32
          %mul3A_326 = arith.constant 1 : i32
          %mul3A_327 = arith.muli %scan3A_325, %mul3A_326 : i32
          %add3A_328 = arith.constant 0 : i32
          %add3A_329 = arith.addi %add3A_328, %mul3A_327 : i32
          %jit3A_330 = arith.constant 2 : i32
          %eq3A_331 = arith.constant 0 : i32
          %eq3A_332 = arith.cmpi eq, %jit3A_330, %eq3A_331 : i32
          %jit3A_333 = arith.constant 1 : i32
          %select_n3A_334 = arith.select %eq3A_332, %jit3A_333, %jit3A_330 : i32
          %rem3A_335 = arith.remsi %add3A_91, %select_n3A_334 : i32
          %ne3A_336 = arith.constant 0 : i32
          %ne3A_337 = arith.cmpi ne, %rem3A_335, %ne3A_336 : i32
          %lt3A_338 = arith.constant 0 : i32
          %lt3A_339 = arith.cmpi slt, %rem3A_335, %lt3A_338 : i32
          %lt3A_340 = arith.constant 0 : i32
          %lt3A_341 = arith.cmpi slt, %select_n3A_334, %lt3A_340 : i32
          %ne3A_342 = arith.xori %lt3A_339, %lt3A_341 : i1
          %and3A_343 = arith.andi %ne3A_342, %ne3A_337 : i1
          %add3A_344 = arith.addi %rem3A_335, %select_n3A_334 : i32
          %select_n3A_345 = arith.select %and3A_343, %add3A_344, %rem3A_335 : i32
          %mul3A_346 = arith.constant 512 : i32
          %mul3A_347 = arith.muli %select_n3A_345, %mul3A_346 : i32
          %mul3A_348 = arith.constant 16 : i32
          %mul3A_349 = arith.muli %add3A_329, %mul3A_348 : i32
          %add3A_350 = arith.addi %mul3A_347, %mul3A_349 : i32
          %get3A_351 = arith.index_cast %select_n3A_115 : i32 to index
          %get3A_352 = arith.index_cast %add3A_350 : i32 to index
          %get3A_353 = tpu.vector_load %arg6[%get3A_351, %get3A_352] {strides = array<i32>} : memref<20x1024xi32, #tpu.memory_space<vmem>>, vector<16xi32>,
          %add3A_354 = arith.constant 0 : i32
          %add3A_355 = vector.broadcast %add3A_354 : i32 to vector<16xi32>
          %add3A_356 = arith.addi %get3A_353, %add3A_355 : vector<16xi32>
          %gather3A_357 = tpu.vector_load_idx %arg5[%add3A_356] : memref<32800xf32, #tpu.memory_space<vmem>>[vector<16xi32>], vector<16xf32>,
          %add3A_358 = arith.constant 1025 : i32
          %add3A_359 = vector.broadcast %add3A_358 : i32 to vector<16xi32>
          %add3A_360 = arith.addi %get3A_353, %add3A_359 : vector<16xi32>
          %gather3A_361 = tpu.vector_load_idx %arg5[%add3A_360] : memref<32800xf32, #tpu.memory_space<vmem>>[vector<16xi32>], vector<16xf32>,
          %add3A_362 = arith.constant 2050 : i32
          %add3A_363 = vector.broadcast %add3A_362 : i32 to vector<16xi32>
          %add3A_364 = arith.addi %get3A_353, %add3A_363 : vector<16xi32>
          %gather3A_365 = tpu.vector_load_idx %arg5[%add3A_364] : memref<32800xf32, #tpu.memory_space<vmem>>[vector<16xi32>], vector<16xf32>,
          %add3A_366 = arith.constant 3075 : i32
          %add3A_367 = vector.broadcast %add3A_366 : i32 to vector<16xi32>
          %add3A_368 = arith.addi %get3A_353, %add3A_367 : vector<16xi32>
          %gather3A_369 = tpu.vector_load_idx %arg5[%add3A_368] : memref<32800xf32, #tpu.memory_space<vmem>>[vector<16xi32>], vector<16xf32>,
          %add3A_370 = arith.constant 4100 : i32
          %add3A_371 = vector.broadcast %add3A_370 : i32 to vector<16xi32>
          %add3A_372 = arith.addi %get3A_353, %add3A_371 : vector<16xi32>
          %gather3A_373 = tpu.vector_load_idx %arg5[%add3A_372] : memref<32800xf32, #tpu.memory_space<vmem>>[vector<16xi32>], vector<16xf32>,
          %add3A_374 = arith.constant 5125 : i32
          %add3A_375 = vector.broadcast %add3A_374 : i32 to vector<16xi32>
          %add3A_376 = arith.addi %get3A_353, %add3A_375 : vector<16xi32>
          %gather3A_377 = tpu.vector_load_idx %arg5[%add3A_376] : memref<32800xf32, #tpu.memory_space<vmem>>[vector<16xi32>], vector<16xf32>,
          %add3A_378 = arith.constant 6150 : i32
          %add3A_379 = vector.broadcast %add3A_378 : i32 to vector<16xi32>
          %add3A_380 = arith.addi %get3A_353, %add3A_379 : vector<16xi32>
          %gather3A_381 = tpu.vector_load_idx %arg5[%add3A_380] : memref<32800xf32, #tpu.memory_space<vmem>>[vector<16xi32>], vector<16xf32>,
          %add3A_382 = arith.constant 7175 : i32
          %add3A_383 = vector.broadcast %add3A_382 : i32 to vector<16xi32>
          %add3A_384 = arith.addi %get3A_353, %add3A_383 : vector<16xi32>
          %gather3A_385 = tpu.vector_load_idx %arg5[%add3A_384] : memref<32800xf32, #tpu.memory_space<vmem>>[vector<16xi32>], vector<16xf32>,
          %mul3A_386 = arith.constant 16 : i32
          %mul3A_387 = arith.muli %add3A_329, %mul3A_386 : i32
          %swap3A_388 = arith.constant 0 : i32
          %swap3A_389 = arith.index_cast %swap3A_388 : i32 to index
          %swap3A_390 = arith.index_cast %mul3A_387 : i32 to index
          %swap3A_391 = tpu.vector_load %arg7[%swap3A_389, %swap3A_390] {strides = array<i32>} : memref<32x512xf32, #tpu.memory_space<vmem>>, vector<16xf32>,
          tpu.vector_store %arg7[%swap3A_389, %swap3A_390], %gather3A_357 {strides = array<i32>} : memref<32x512xf32, #tpu.memory_space<vmem>>, vector<16xf32>,
          %mul3A_392 = arith.constant 16 : i32
          %mul3A_393 = arith.muli %add3A_329, %mul3A_392 : i32
          %swap3A_394 = arith.constant 1 : i32
          %swap3A_395 = arith.index_cast %swap3A_394 : i32 to index
          %swap3A_396 = arith.index_cast %mul3A_393 : i32 to index
          %swap3A_397 = tpu.vector_load %arg7[%swap3A_395, %swap3A_396] {strides = array<i32>} : memref<32x512xf32, #tpu.memory_space<vmem>>, vector<16xf32>,
          tpu.vector_store %arg7[%swap3A_395, %swap3A_396], %gather3A_361 {strides = array<i32>} : memref<32x512xf32, #tpu.memory_space<vmem>>, vector<16xf32>,
          %mul3A_398 = arith.constant 16 : i32
          %mul3A_399 = arith.muli %add3A_329, %mul3A_398 : i32
          %swap3A_400 = arith.constant 2 : i32
          %swap3A_401 = arith.index_cast %swap3A_400 : i32 to index
          %swap3A_402 = arith.index_cast %mul3A_399 : i32 to index
          %swap3A_403 = tpu.vector_load %arg7[%swap3A_401, %swap3A_402] {strides = array<i32>} : memref<32x512xf32, #tpu.memory_space<vmem>>, vector<16xf32>,
          tpu.vector_store %arg7[%swap3A_401, %swap3A_402], %gather3A_365 {strides = array<i32>} : memref<32x512xf32, #tpu.memory_space<vmem>>, vector<16xf32>,
          %mul3A_404 = arith.constant 16 : i32
          %mul3A_405 = arith.muli %add3A_329, %mul3A_404 : i32
          %swap3A_406 = arith.constant 3 : i32
          %swap3A_407 = arith.index_cast %swap3A_406 : i32 to index
          %swap3A_408 = arith.index_cast %mul3A_405 : i32 to index
          %swap3A_409 = tpu.vector_load %arg7[%swap3A_407, %swap3A_408] {strides = array<i32>} : memref<32x512xf32, #tpu.memory_space<vmem>>, vector<16xf32>,
          tpu.vector_store %arg7[%swap3A_407, %swap3A_408], %gather3A_369 {strides = array<i32>} : memref<32x512xf32, #tpu.memory_space<vmem>>, vector<16xf32>,
          %mul3A_410 = arith.constant 16 : i32
          %mul3A_411 = arith.muli %add3A_329, %mul3A_410 : i32
          %swap3A_412 = arith.constant 4 : i32
          %swap3A_413 = arith.index_cast %swap3A_412 : i32 to index
          %swap3A_414 = arith.index_cast %mul3A_411 : i32 to index
          %swap3A_415 = tpu.vector_load %arg7[%swap3A_413, %swap3A_414] {strides = array<i32>} : memref<32x512xf32, #tpu.memory_space<vmem>>, vector<16xf32>,
          tpu.vector_store %arg7[%swap3A_413, %swap3A_414], %gather3A_373 {strides = array<i32>} : memref<32x512xf32, #tpu.memory_space<vmem>>, vector<16xf32>,
          %mul3A_416 = arith.constant 16 : i32
          %mul3A_417 = arith.muli %add3A_329, %mul3A_416 : i32
          %swap3A_418 = arith.constant 5 : i32
          %swap3A_419 = arith.index_cast %swap3A_418 : i32 to index
          %swap3A_420 = arith.index_cast %mul3A_417 : i32 to index
          %swap3A_421 = tpu.vector_load %arg7[%swap3A_419, %swap3A_420] {strides = array<i32>} : memref<32x512xf32, #tpu.memory_space<vmem>>, vector<16xf32>,
          tpu.vector_store %arg7[%swap3A_419, %swap3A_420], %gather3A_377 {strides = array<i32>} : memref<32x512xf32, #tpu.memory_space<vmem>>, vector<16xf32>,
          %mul3A_422 = arith.constant 16 : i32
          %mul3A_423 = arith.muli %add3A_329, %mul3A_422 : i32
          %swap3A_424 = arith.constant 6 : i32
          %swap3A_425 = arith.index_cast %swap3A_424 : i32 to index
          %swap3A_426 = arith.index_cast %mul3A_423 : i32 to index
          %swap3A_427 = tpu.vector_load %arg7[%swap3A_425, %swap3A_426] {strides = array<i32>} : memref<32x512xf32, #tpu.memory_space<vmem>>, vector<16xf32>,
          tpu.vector_store %arg7[%swap3A_425, %swap3A_426], %gather3A_381 {strides = array<i32>} : memref<32x512xf32, #tpu.memory_space<vmem>>, vector<16xf32>,
          %mul3A_428 = arith.constant 16 : i32
          %mul3A_429 = arith.muli %add3A_329, %mul3A_428 : i32
          %swap3A_430 = arith.constant 7 : i32
          %swap3A_431 = arith.index_cast %swap3A_430 : i32 to index
          %swap3A_432 = arith.index_cast %mul3A_429 : i32 to index
          %swap3A_433 = tpu.vector_load %arg7[%swap3A_431, %swap3A_432] {strides = array<i32>} : memref<32x512xf32, #tpu.memory_space<vmem>>, vector<16xf32>,
          tpu.vector_store %arg7[%swap3A_431, %swap3A_432], %gather3A_385 {strides = array<i32>} : memref<32x512xf32, #tpu.memory_space<vmem>>, vector<16xf32>,
        }
        %scan3A_143 = arith.constant 32 : i32
        %dma_start3A = arith.constant 0 : i32
        %dma_start3A_144 = arith.constant 0 : i32
        %dma_start3A_145 = tpu.memref_slice %arg7[%dma_start3A, %dma_start3A_144] : memref<32x512xf32, #tpu.memory_space<vmem>> -> memref<8x512xf32, #tpu.memory_space<vmem>>
        %dma_start3A_146 = tpu.memref_slice %arg4[%select_n3A_115, %add3A_48, %add3A_134] : memref<20x1000x4096xf32, #tpu.memory_space<hbm>> -> memref<1x8x512xf32, #tpu.memory_space<hbm>>
        %dma_start3A_147 = tpu.memref_squeeze %dma_start3A_146 : memref<1x8x512xf32, #tpu.memory_space<hbm>> -> memref<8x512xf32, #tpu.memory_space<hbm>>
        %dma_start3A_148 = tpu.memref_slice %arg4[%select_n3A_115, %add3A_48, %add3A_134] : memref<20x1000x4096xf32, #tpu.memory_space<hbm>> -> memref<1x8x512xf32, #tpu.memory_space<hbm>>
        %dma_start3A_149 = tpu.memref_squeeze %dma_start3A_148 : memref<1x8x512xf32, #tpu.memory_space<hbm>> -> memref<8x512xf32, #tpu.memory_space<hbm>>
        %dma_start3A_150 = arith.constant 0 : i32
        %dma_start3A_151 = arith.constant 0 : i32
        %dma_start3A_152 = tpu.memref_slice %arg7[%dma_start3A_150, %dma_start3A_151] : memref<32x512xf32, #tpu.memory_space<vmem>> -> memref<8x512xf32, #tpu.memory_space<vmem>>
        tpu.enqueue_dma source(%dma_start3A_152 : memref<8x512xf32, #tpu.memory_space<vmem>>) target(%dma_start3A_149 : memref<8x512xf32, #tpu.memory_space<hbm>>) target_semaphore(%arg9 : memref<!tpu.dma_semaphore, #tpu.memory_space<semaphore_mem>>)
        %add3A_153 = arith.constant 1 : i32
        %add3A_154 = arith.addi %add3A_89, %add3A_153 : i32
        %jit3A_155 = arith.constant 2 : i32
        %div3A_156 = arith.divsi %add3A_154, %jit3A_155 : i32
        %sign3A_157 = arith.constant 0 : i32
        %sign3A_158 = arith.cmpi sgt, %add3A_154, %sign3A_157 : i32
        %sign3A_159 = arith.extui %sign3A_158 : i1 to i32
        %sign3A_160 = arith.constant 0 : i32
        %sign3A_161 = arith.cmpi slt, %add3A_154, %sign3A_160 : i32
        %sign3A_162 = arith.extui %sign3A_161 : i1 to i32
        %sign3A_163 = arith.subi %sign3A_159, %sign3A_162 : i32
        %sign3A_164 = arith.constant 0 : i32
        %sign3A_165 = arith.cmpi sgt, %jit3A_155, %sign3A_164 : i32
        %sign3A_166 = arith.extui %sign3A_165 : i1 to i32
        %sign3A_167 = arith.constant 0 : i32
        %sign3A_168 = arith.cmpi slt, %jit3A_155, %sign3A_167 : i32
        %sign3A_169 = arith.extui %sign3A_168 : i1 to i32
        %sign3A_170 = arith.subi %sign3A_166, %sign3A_169 : i32
        %ne3A_171 = arith.cmpi ne, %sign3A_163, %sign3A_170 : i32
        %rem3A_172 = arith.remsi %add3A_154, %jit3A_155 : i32
        %ne3A_173 = arith.constant 0 : i32
        %ne3A_174 = arith.cmpi ne, %rem3A_172, %ne3A_173 : i32
        %and3A_175 = arith.andi %ne3A_171, %ne3A_174 : i1
        %sub3A_176 = arith.constant 1 : i32
        %sub3A_177 = arith.subi %div3A_156, %sub3A_176 : i32
        %select_n3A_178 = arith.select %and3A_175, %sub3A_177, %div3A_156 : i32
        %jit3A_179 = arith.constant 2 : i32
        %eq3A_180 = arith.constant 0 : i32
        %eq3A_181 = arith.cmpi eq, %jit3A_179, %eq3A_180 : i32
        %jit3A_182 = arith.constant 1 : i32
        %select_n3A_183 = arith.select %eq3A_181, %jit3A_182, %jit3A_179 : i32
        %rem3A_184 = arith.remsi %add3A_154, %select_n3A_183 : i32
        %ne3A_185 = arith.constant 0 : i32
        %ne3A_186 = arith.cmpi ne, %rem3A_184, %ne3A_185 : i32
        %lt3A_187 = arith.constant 0 : i32
        %lt3A_188 = arith.cmpi slt, %rem3A_184, %lt3A_187 : i32
        %lt3A_189 = arith.constant 0 : i32
        %lt3A_190 = arith.cmpi slt, %select_n3A_183, %lt3A_189 : i32
        %ne3A_191 = arith.xori %lt3A_188, %lt3A_190 : i1
        %and3A_192 = arith.andi %ne3A_191, %ne3A_186 : i1
        %add3A_193 = arith.addi %rem3A_184, %select_n3A_183 : i32
        %select_n3A_194 = arith.select %and3A_192, %add3A_193, %rem3A_184 : i32
        %mul3A_195 = arith.constant 512 : i32
        %mul3A_196 = arith.muli %select_n3A_194, %mul3A_195 : i32
        %add3A_197 = arith.addi %mul3A_34, %mul3A_196 : i32
        %ge3A_198 = arith.constant 2 : i32
        %ge3A_199 = arith.cmpi sge, %add3A_89, %ge3A_198 : i32
        %convert_element_type3A_200 = arith.extui %ge3A_199 : i1 to i32
        %cond3A_201 = arith.constant 0 : i32
        %cond3A_202 = arith.cmpi ne, %convert_element_type3A_200, %cond3A_201 : i32
        scf.if %cond3A_202 {
          %dma_wait3A_218 = arith.constant 0 : i32
          %dma_wait3A_219 = arith.constant 0 : i32
          %dma_wait3A_220 = arith.constant 0 : i32
          %dma_wait3A_221 = tpu.memref_slice %arg8[%dma_wait3A_219, %dma_wait3A_220] : memref<32x512xf32, #tpu.memory_space<vmem>> -> memref<8x512xf32, #tpu.memory_space<vmem>>
          %dma_wait3A_222 = arith.constant 0 : i32
          %dma_wait3A_223 = arith.constant 0 : i32
          %dma_wait3A_224 = tpu.memref_slice %arg4[%dma_wait3A_218, %dma_wait3A_222, %dma_wait3A_223] : memref<20x1000x4096xf32, #tpu.memory_space<hbm>> -> memref<1x8x512xf32, #tpu.memory_space<hbm>>
          %dma_wait3A_225 = tpu.memref_squeeze %dma_wait3A_224 : memref<1x8x512xf32, #tpu.memory_space<hbm>> -> memref<8x512xf32, #tpu.memory_space<hbm>>
          %dma_wait3A_226 = arith.constant 0 : i32
          %dma_wait3A_227 = arith.constant 0 : i32
          %dma_wait3A_228 = tpu.memref_slice %arg4[%dma_wait3A_218, %dma_wait3A_226, %dma_wait3A_227] : memref<20x1000x4096xf32, #tpu.memory_space<hbm>> -> memref<1x8x512xf32, #tpu.memory_space<hbm>>
          %dma_wait3A_229 = tpu.memref_squeeze %dma_wait3A_228 : memref<1x8x512xf32, #tpu.memory_space<hbm>> -> memref<8x512xf32, #tpu.memory_space<hbm>>
          %dma_wait3A_230 = arith.constant 0 : i32
          %dma_wait3A_231 = arith.constant 0 : i32
          %dma_wait3A_232 = tpu.memref_slice %arg8[%dma_wait3A_230, %dma_wait3A_231] : memref<32x512xf32, #tpu.memory_space<vmem>> -> memref<8x512xf32, #tpu.memory_space<vmem>>
          tpu.wait_dma2 semaphore(%arg10 : memref<!tpu.dma_semaphore, #tpu.memory_space<semaphore_mem>>) src(%dma_wait3A_232 : memref<8x512xf32, #tpu.memory_space<vmem>>) dst(%dma_wait3A_229 : memref<8x512xf32, #tpu.memory_space<hbm>>)
        } else {
        }
        %scan3A_203 = arith.constant 0 : i32
        %scan3A_204 = arith.constant 32 : i32
        %scan3A_205 = arith.addi %scan3A_203, %scan3A_204 : i32
        %scan3A_206 = arith.constant 2 : i32
        scf.for %scan3A_218 = %scan3A_203 to %scan3A_205 step %scan3A_206  : i32 {
          %mul3A_219 = arith.constant 1 : i32
          %mul3A_220 = arith.muli %scan3A_218, %mul3A_219 : i32
          %add3A_221 = arith.constant 0 : i32
          %add3A_222 = arith.addi %add3A_221, %mul3A_220 : i32
          %jit3A_223 = arith.constant 2 : i32
          %eq3A_224 = arith.constant 0 : i32
          %eq3A_225 = arith.cmpi eq, %jit3A_223, %eq3A_224 : i32
          %jit3A_226 = arith.constant 1 : i32
          %select_n3A_227 = arith.select %eq3A_225, %jit3A_226, %jit3A_223 : i32
          %rem3A_228 = arith.remsi %add3A_154, %select_n3A_227 : i32
          %ne3A_229 = arith.constant 0 : i32
          %ne3A_230 = arith.cmpi ne, %rem3A_228, %ne3A_229 : i32
          %lt3A_231 = arith.constant 0 : i32
          %lt3A_232 = arith.cmpi slt, %rem3A_228, %lt3A_231 : i32
          %lt3A_233 = arith.constant 0 : i32
          %lt3A_234 = arith.cmpi slt, %select_n3A_227, %lt3A_233 : i32
          %ne3A_235 = arith.xori %lt3A_232, %lt3A_234 : i1
          %and3A_236 = arith.andi %ne3A_235, %ne3A_230 : i1
          %add3A_237 = arith.addi %rem3A_228, %select_n3A_227 : i32
          %select_n3A_238 = arith.select %and3A_236, %add3A_237, %rem3A_228 : i32
          %mul3A_239 = arith.constant 512 : i32
          %mul3A_240 = arith.muli %select_n3A_238, %mul3A_239 : i32
          %mul3A_241 = arith.constant 16 : i32
          %mul3A_242 = arith.muli %add3A_222, %mul3A_241 : i32
          %add3A_243 = arith.addi %mul3A_240, %mul3A_242 : i32
          %get3A = arith.index_cast %select_n3A_178 : i32 to index
          %get3A_244 = arith.index_cast %add3A_243 : i32 to index
          %get3A_245 = tpu.vector_load %arg6[%get3A, %get3A_244] {strides = array<i32>} : memref<20x1024xi32, #tpu.memory_space<vmem>>, vector<16xi32>,
          %add3A_246 = arith.constant 0 : i32
          %add3A_247 = vector.broadcast %add3A_246 : i32 to vector<16xi32>
          %add3A_248 = arith.addi %get3A_245, %add3A_247 : vector<16xi32>
          %gather3A = tpu.vector_load_idx %arg5[%add3A_248] : memref<32800xf32, #tpu.memory_space<vmem>>[vector<16xi32>], vector<16xf32>,
          %add3A_249 = arith.constant 1025 : i32
          %add3A_250 = vector.broadcast %add3A_249 : i32 to vector<16xi32>
          %add3A_251 = arith.addi %get3A_245, %add3A_250 : vector<16xi32>
          %gather3A_252 = tpu.vector_load_idx %arg5[%add3A_251] : memref<32800xf32, #tpu.memory_space<vmem>>[vector<16xi32>], vector<16xf32>,
          %add3A_253 = arith.constant 2050 : i32
          %add3A_254 = vector.broadcast %add3A_253 : i32 to vector<16xi32>
          %add3A_255 = arith.addi %get3A_245, %add3A_254 : vector<16xi32>
          %gather3A_256 = tpu.vector_load_idx %arg5[%add3A_255] : memref<32800xf32, #tpu.memory_space<vmem>>[vector<16xi32>], vector<16xf32>,
          %add3A_257 = arith.constant 3075 : i32
          %add3A_258 = vector.broadcast %add3A_257 : i32 to vector<16xi32>
          %add3A_259 = arith.addi %get3A_245, %add3A_258 : vector<16xi32>
          %gather3A_260 = tpu.vector_load_idx %arg5[%add3A_259] : memref<32800xf32, #tpu.memory_space<vmem>>[vector<16xi32>], vector<16xf32>,
          %add3A_261 = arith.constant 4100 : i32
          %add3A_262 = vector.broadcast %add3A_261 : i32 to vector<16xi32>
          %add3A_263 = arith.addi %get3A_245, %add3A_262 : vector<16xi32>
          %gather3A_264 = tpu.vector_load_idx %arg5[%add3A_263] : memref<32800xf32, #tpu.memory_space<vmem>>[vector<16xi32>], vector<16xf32>,
          %add3A_265 = arith.constant 5125 : i32
          %add3A_266 = vector.broadcast %add3A_265 : i32 to vector<16xi32>
          %add3A_267 = arith.addi %get3A_245, %add3A_266 : vector<16xi32>
          %gather3A_268 = tpu.vector_load_idx %arg5[%add3A_267] : memref<32800xf32, #tpu.memory_space<vmem>>[vector<16xi32>], vector<16xf32>,
          %add3A_269 = arith.constant 6150 : i32
          %add3A_270 = vector.broadcast %add3A_269 : i32 to vector<16xi32>
          %add3A_271 = arith.addi %get3A_245, %add3A_270 : vector<16xi32>
          %gather3A_272 = tpu.vector_load_idx %arg5[%add3A_271] : memref<32800xf32, #tpu.memory_space<vmem>>[vector<16xi32>], vector<16xf32>,
          %add3A_273 = arith.constant 7175 : i32
          %add3A_274 = vector.broadcast %add3A_273 : i32 to vector<16xi32>
          %add3A_275 = arith.addi %get3A_245, %add3A_274 : vector<16xi32>
          %gather3A_276 = tpu.vector_load_idx %arg5[%add3A_275] : memref<32800xf32, #tpu.memory_space<vmem>>[vector<16xi32>], vector<16xf32>,
          %mul3A_277 = arith.constant 16 : i32
          %mul3A_278 = arith.muli %add3A_222, %mul3A_277 : i32
          %swap3A = arith.constant 0 : i32
          %swap3A_279 = arith.index_cast %swap3A : i32 to index
          %swap3A_280 = arith.index_cast %mul3A_278 : i32 to index
          %swap3A_281 = tpu.vector_load %arg8[%swap3A_279, %swap3A_280] {strides = array<i32>} : memref<32x512xf32, #tpu.memory_space<vmem>>, vector<16xf32>,
          tpu.vector_store %arg8[%swap3A_279, %swap3A_280], %gather3A {strides = array<i32>} : memref<32x512xf32, #tpu.memory_space<vmem>>, vector<16xf32>,
          %mul3A_282 = arith.constant 16 : i32
          %mul3A_283 = arith.muli %add3A_222, %mul3A_282 : i32
          %swap3A_284 = arith.constant 1 : i32
          %swap3A_285 = arith.index_cast %swap3A_284 : i32 to index
          %swap3A_286 = arith.index_cast %mul3A_283 : i32 to index
          %swap3A_287 = tpu.vector_load %arg8[%swap3A_285, %swap3A_286] {strides = array<i32>} : memref<32x512xf32, #tpu.memory_space<vmem>>, vector<16xf32>,
          tpu.vector_store %arg8[%swap3A_285, %swap3A_286], %gather3A_252 {strides = array<i32>} : memref<32x512xf32, #tpu.memory_space<vmem>>, vector<16xf32>,
          %mul3A_288 = arith.constant 16 : i32
          %mul3A_289 = arith.muli %add3A_222, %mul3A_288 : i32
          %swap3A_290 = arith.constant 2 : i32
          %swap3A_291 = arith.index_cast %swap3A_290 : i32 to index
          %swap3A_292 = arith.index_cast %mul3A_289 : i32 to index
          %swap3A_293 = tpu.vector_load %arg8[%swap3A_291, %swap3A_292] {strides = array<i32>} : memref<32x512xf32, #tpu.memory_space<vmem>>, vector<16xf32>,
          tpu.vector_store %arg8[%swap3A_291, %swap3A_292], %gather3A_256 {strides = array<i32>} : memref<32x512xf32, #tpu.memory_space<vmem>>, vector<16xf32>,
          %mul3A_294 = arith.constant 16 : i32
          %mul3A_295 = arith.muli %add3A_222, %mul3A_294 : i32
          %swap3A_296 = arith.constant 3 : i32
          %swap3A_297 = arith.index_cast %swap3A_296 : i32 to index
          %swap3A_298 = arith.index_cast %mul3A_295 : i32 to index
          %swap3A_299 = tpu.vector_load %arg8[%swap3A_297, %swap3A_298] {strides = array<i32>} : memref<32x512xf32, #tpu.memory_space<vmem>>, vector<16xf32>,
          tpu.vector_store %arg8[%swap3A_297, %swap3A_298], %gather3A_260 {strides = array<i32>} : memref<32x512xf32, #tpu.memory_space<vmem>>, vector<16xf32>,
          %mul3A_300 = arith.constant 16 : i32
          %mul3A_301 = arith.muli %add3A_222, %mul3A_300 : i32
          %swap3A_302 = arith.constant 4 : i32
          %swap3A_303 = arith.index_cast %swap3A_302 : i32 to index
          %swap3A_304 = arith.index_cast %mul3A_301 : i32 to index
          %swap3A_305 = tpu.vector_load %arg8[%swap3A_303, %swap3A_304] {strides = array<i32>} : memref<32x512xf32, #tpu.memory_space<vmem>>, vector<16xf32>,
          tpu.vector_store %arg8[%swap3A_303, %swap3A_304], %gather3A_264 {strides = array<i32>} : memref<32x512xf32, #tpu.memory_space<vmem>>, vector<16xf32>,
          %mul3A_306 = arith.constant 16 : i32
          %mul3A_307 = arith.muli %add3A_222, %mul3A_306 : i32
          %swap3A_308 = arith.constant 5 : i32
          %swap3A_309 = arith.index_cast %swap3A_308 : i32 to index
          %swap3A_310 = arith.index_cast %mul3A_307 : i32 to index
          %swap3A_311 = tpu.vector_load %arg8[%swap3A_309, %swap3A_310] {strides = array<i32>} : memref<32x512xf32, #tpu.memory_space<vmem>>, vector<16xf32>,
          tpu.vector_store %arg8[%swap3A_309, %swap3A_310], %gather3A_268 {strides = array<i32>} : memref<32x512xf32, #tpu.memory_space<vmem>>, vector<16xf32>,
          %mul3A_312 = arith.constant 16 : i32
          %mul3A_313 = arith.muli %add3A_222, %mul3A_312 : i32
          %swap3A_314 = arith.constant 6 : i32
          %swap3A_315 = arith.index_cast %swap3A_314 : i32 to index
          %swap3A_316 = arith.index_cast %mul3A_313 : i32 to index
          %swap3A_317 = tpu.vector_load %arg8[%swap3A_315, %swap3A_316] {strides = array<i32>} : memref<32x512xf32, #tpu.memory_space<vmem>>, vector<16xf32>,
          tpu.vector_store %arg8[%swap3A_315, %swap3A_316], %gather3A_272 {strides = array<i32>} : memref<32x512xf32, #tpu.memory_space<vmem>>, vector<16xf32>,
          %mul3A_318 = arith.constant 16 : i32
          %mul3A_319 = arith.muli %add3A_222, %mul3A_318 : i32
          %swap3A_320 = arith.constant 7 : i32
          %swap3A_321 = arith.index_cast %swap3A_320 : i32 to index
          %swap3A_322 = arith.index_cast %mul3A_319 : i32 to index
          %swap3A_323 = tpu.vector_load %arg8[%swap3A_321, %swap3A_322] {strides = array<i32>} : memref<32x512xf32, #tpu.memory_space<vmem>>, vector<16xf32>,
          tpu.vector_store %arg8[%swap3A_321, %swap3A_322], %gather3A_276 {strides = array<i32>} : memref<32x512xf32, #tpu.memory_space<vmem>>, vector<16xf32>,
          %scan3A_324 = arith.constant 1 : i32
          %scan3A_325 = arith.addi %scan3A_218, %scan3A_324 : i32
          %mul3A_326 = arith.constant 1 : i32
          %mul3A_327 = arith.muli %scan3A_325, %mul3A_326 : i32
          %add3A_328 = arith.constant 0 : i32
          %add3A_329 = arith.addi %add3A_328, %mul3A_327 : i32
          %jit3A_330 = arith.constant 2 : i32
          %eq3A_331 = arith.constant 0 : i32
          %eq3A_332 = arith.cmpi eq, %jit3A_330, %eq3A_331 : i32
          %jit3A_333 = arith.constant 1 : i32
          %select_n3A_334 = arith.select %eq3A_332, %jit3A_333, %jit3A_330 : i32
          %rem3A_335 = arith.remsi %add3A_154, %select_n3A_334 : i32
          %ne3A_336 = arith.constant 0 : i32
          %ne3A_337 = arith.cmpi ne, %rem3A_335, %ne3A_336 : i32
          %lt3A_338 = arith.constant 0 : i32
          %lt3A_339 = arith.cmpi slt, %rem3A_335, %lt3A_338 : i32
          %lt3A_340 = arith.constant 0 : i32
          %lt3A_341 = arith.cmpi slt, %select_n3A_334, %lt3A_340 : i32
          %ne3A_342 = arith.xori %lt3A_339, %lt3A_341 : i1
          %and3A_343 = arith.andi %ne3A_342, %ne3A_337 : i1
          %add3A_344 = arith.addi %rem3A_335, %select_n3A_334 : i32
          %select_n3A_345 = arith.select %and3A_343, %add3A_344, %rem3A_335 : i32
          %mul3A_346 = arith.constant 512 : i32
          %mul3A_347 = arith.muli %select_n3A_345, %mul3A_346 : i32
          %mul3A_348 = arith.constant 16 : i32
          %mul3A_349 = arith.muli %add3A_329, %mul3A_348 : i32
          %add3A_350 = arith.addi %mul3A_347, %mul3A_349 : i32
          %get3A_351 = arith.index_cast %select_n3A_178 : i32 to index
          %get3A_352 = arith.index_cast %add3A_350 : i32 to index
          %get3A_353 = tpu.vector_load %arg6[%get3A_351, %get3A_352] {strides = array<i32>} : memref<20x1024xi32, #tpu.memory_space<vmem>>, vector<16xi32>,
          %add3A_354 = arith.constant 0 : i32
          %add3A_355 = vector.broadcast %add3A_354 : i32 to vector<16xi32>
          %add3A_356 = arith.addi %get3A_353, %add3A_355 : vector<16xi32>
          %gather3A_357 = tpu.vector_load_idx %arg5[%add3A_356] : memref<32800xf32, #tpu.memory_space<vmem>>[vector<16xi32>], vector<16xf32>,
          %add3A_358 = arith.constant 1025 : i32
          %add3A_359 = vector.broadcast %add3A_358 : i32 to vector<16xi32>
          %add3A_360 = arith.addi %get3A_353, %add3A_359 : vector<16xi32>
          %gather3A_361 = tpu.vector_load_idx %arg5[%add3A_360] : memref<32800xf32, #tpu.memory_space<vmem>>[vector<16xi32>], vector<16xf32>,
          %add3A_362 = arith.constant 2050 : i32
          %add3A_363 = vector.broadcast %add3A_362 : i32 to vector<16xi32>
          %add3A_364 = arith.addi %get3A_353, %add3A_363 : vector<16xi32>
          %gather3A_365 = tpu.vector_load_idx %arg5[%add3A_364] : memref<32800xf32, #tpu.memory_space<vmem>>[vector<16xi32>], vector<16xf32>,
          %add3A_366 = arith.constant 3075 : i32
          %add3A_367 = vector.broadcast %add3A_366 : i32 to vector<16xi32>
          %add3A_368 = arith.addi %get3A_353, %add3A_367 : vector<16xi32>
          %gather3A_369 = tpu.vector_load_idx %arg5[%add3A_368] : memref<32800xf32, #tpu.memory_space<vmem>>[vector<16xi32>], vector<16xf32>,
          %add3A_370 = arith.constant 4100 : i32
          %add3A_371 = vector.broadcast %add3A_370 : i32 to vector<16xi32>
          %add3A_372 = arith.addi %get3A_353, %add3A_371 : vector<16xi32>
          %gather3A_373 = tpu.vector_load_idx %arg5[%add3A_372] : memref<32800xf32, #tpu.memory_space<vmem>>[vector<16xi32>], vector<16xf32>,
          %add3A_374 = arith.constant 5125 : i32
          %add3A_375 = vector.broadcast %add3A_374 : i32 to vector<16xi32>
          %add3A_376 = arith.addi %get3A_353, %add3A_375 : vector<16xi32>
          %gather3A_377 = tpu.vector_load_idx %arg5[%add3A_376] : memref<32800xf32, #tpu.memory_space<vmem>>[vector<16xi32>], vector<16xf32>,
          %add3A_378 = arith.constant 6150 : i32
          %add3A_379 = vector.broadcast %add3A_378 : i32 to vector<16xi32>
          %add3A_380 = arith.addi %get3A_353, %add3A_379 : vector<16xi32>
          %gather3A_381 = tpu.vector_load_idx %arg5[%add3A_380] : memref<32800xf32, #tpu.memory_space<vmem>>[vector<16xi32>], vector<16xf32>,
          %add3A_382 = arith.constant 7175 : i32
          %add3A_383 = vector.broadcast %add3A_382 : i32 to vector<16xi32>
          %add3A_384 = arith.addi %get3A_353, %add3A_383 : vector<16xi32>
          %gather3A_385 = tpu.vector_load_idx %arg5[%add3A_384] : memref<32800xf32, #tpu.memory_space<vmem>>[vector<16xi32>], vector<16xf32>,
          %mul3A_386 = arith.constant 16 : i32
          %mul3A_387 = arith.muli %add3A_329, %mul3A_386 : i32
          %swap3A_388 = arith.constant 0 : i32
          %swap3A_389 = arith.index_cast %swap3A_388 : i32 to index
          %swap3A_390 = arith.index_cast %mul3A_387 : i32 to index
          %swap3A_391 = tpu.vector_load %arg8[%swap3A_389, %swap3A_390] {strides = array<i32>} : memref<32x512xf32, #tpu.memory_space<vmem>>, vector<16xf32>,
          tpu.vector_store %arg8[%swap3A_389, %swap3A_390], %gather3A_357 {strides = array<i32>} : memref<32x512xf32, #tpu.memory_space<vmem>>, vector<16xf32>,
          %mul3A_392 = arith.constant 16 : i32
          %mul3A_393 = arith.muli %add3A_329, %mul3A_392 : i32
          %swap3A_394 = arith.constant 1 : i32
          %swap3A_395 = arith.index_cast %swap3A_394 : i32 to index
          %swap3A_396 = arith.index_cast %mul3A_393 : i32 to index
          %swap3A_397 = tpu.vector_load %arg8[%swap3A_395, %swap3A_396] {strides = array<i32>} : memref<32x512xf32, #tpu.memory_space<vmem>>, vector<16xf32>,
          tpu.vector_store %arg8[%swap3A_395, %swap3A_396], %gather3A_361 {strides = array<i32>} : memref<32x512xf32, #tpu.memory_space<vmem>>, vector<16xf32>,
          %mul3A_398 = arith.constant 16 : i32
          %mul3A_399 = arith.muli %add3A_329, %mul3A_398 : i32
          %swap3A_400 = arith.constant 2 : i32
          %swap3A_401 = arith.index_cast %swap3A_400 : i32 to index
          %swap3A_402 = arith.index_cast %mul3A_399 : i32 to index
          %swap3A_403 = tpu.vector_load %arg8[%swap3A_401, %swap3A_402] {strides = array<i32>} : memref<32x512xf32, #tpu.memory_space<vmem>>, vector<16xf32>,
          tpu.vector_store %arg8[%swap3A_401, %swap3A_402], %gather3A_365 {strides = array<i32>} : memref<32x512xf32, #tpu.memory_space<vmem>>, vector<16xf32>,
          %mul3A_404 = arith.constant 16 : i32
          %mul3A_405 = arith.muli %add3A_329, %mul3A_404 : i32
          %swap3A_406 = arith.constant 3 : i32
          %swap3A_407 = arith.index_cast %swap3A_406 : i32 to index
          %swap3A_408 = arith.index_cast %mul3A_405 : i32 to index
          %swap3A_409 = tpu.vector_load %arg8[%swap3A_407, %swap3A_408] {strides = array<i32>} : memref<32x512xf32, #tpu.memory_space<vmem>>, vector<16xf32>,
          tpu.vector_store %arg8[%swap3A_407, %swap3A_408], %gather3A_369 {strides = array<i32>} : memref<32x512xf32, #tpu.memory_space<vmem>>, vector<16xf32>,
          %mul3A_410 = arith.constant 16 : i32
          %mul3A_411 = arith.muli %add3A_329, %mul3A_410 : i32
          %swap3A_412 = arith.constant 4 : i32
          %swap3A_413 = arith.index_cast %swap3A_412 : i32 to index
          %swap3A_414 = arith.index_cast %mul3A_411 : i32 to index
          %swap3A_415 = tpu.vector_load %arg8[%swap3A_413, %swap3A_414] {strides = array<i32>} : memref<32x512xf32, #tpu.memory_space<vmem>>, vector<16xf32>,
          tpu.vector_store %arg8[%swap3A_413, %swap3A_414], %gather3A_373 {strides = array<i32>} : memref<32x512xf32, #tpu.memory_space<vmem>>, vector<16xf32>,
          %mul3A_416 = arith.constant 16 : i32
          %mul3A_417 = arith.muli %add3A_329, %mul3A_416 : i32
          %swap3A_418 = arith.constant 5 : i32
          %swap3A_419 = arith.index_cast %swap3A_418 : i32 to index
          %swap3A_420 = arith.index_cast %mul3A_417 : i32 to index
          %swap3A_421 = tpu.vector_load %arg8[%swap3A_419, %swap3A_420] {strides = array<i32>} : memref<32x512xf32, #tpu.memory_space<vmem>>, vector<16xf32>,
          tpu.vector_store %arg8[%swap3A_419, %swap3A_420], %gather3A_377 {strides = array<i32>} : memref<32x512xf32, #tpu.memory_space<vmem>>, vector<16xf32>,
          %mul3A_422 = arith.constant 16 : i32
          %mul3A_423 = arith.muli %add3A_329, %mul3A_422 : i32
          %swap3A_424 = arith.constant 6 : i32
          %swap3A_425 = arith.index_cast %swap3A_424 : i32 to index
          %swap3A_426 = arith.index_cast %mul3A_423 : i32 to index
          %swap3A_427 = tpu.vector_load %arg8[%swap3A_425, %swap3A_426] {strides = array<i32>} : memref<32x512xf32, #tpu.memory_space<vmem>>, vector<16xf32>,
          tpu.vector_store %arg8[%swap3A_425, %swap3A_426], %gather3A_381 {strides = array<i32>} : memref<32x512xf32, #tpu.memory_space<vmem>>, vector<16xf32>,
          %mul3A_428 = arith.constant 16 : i32
          %mul3A_429 = arith.muli %add3A_329, %mul3A_428 : i32
          %swap3A_430 = arith.constant 7 : i32
          %swap3A_431 = arith.index_cast %swap3A_430 : i32 to index
          %swap3A_432 = arith.index_cast %mul3A_429 : i32 to index
          %swap3A_433 = tpu.vector_load %arg8[%swap3A_431, %swap3A_432] {strides = array<i32>} : memref<32x512xf32, #tpu.memory_space<vmem>>, vector<16xf32>,
          tpu.vector_store %arg8[%swap3A_431, %swap3A_432], %gather3A_385 {strides = array<i32>} : memref<32x512xf32, #tpu.memory_space<vmem>>, vector<16xf32>,
        }
        %scan3A_207 = arith.constant 32 : i32
        %dma_start3A_208 = arith.constant 0 : i32
        %dma_start3A_209 = arith.constant 0 : i32
        %dma_start3A_210 = tpu.memref_slice %arg8[%dma_start3A_208, %dma_start3A_209] : memref<32x512xf32, #tpu.memory_space<vmem>> -> memref<8x512xf32, #tpu.memory_space<vmem>>
        %dma_start3A_211 = tpu.memref_slice %arg4[%select_n3A_178, %add3A_48, %add3A_197] : memref<20x1000x4096xf32, #tpu.memory_space<hbm>> -> memref<1x8x512xf32, #tpu.memory_space<hbm>>
        %dma_start3A_212 = tpu.memref_squeeze %dma_start3A_211 : memref<1x8x512xf32, #tpu.memory_space<hbm>> -> memref<8x512xf32, #tpu.memory_space<hbm>>
        %dma_start3A_213 = tpu.memref_slice %arg4[%select_n3A_178, %add3A_48, %add3A_197] : memref<20x1000x4096xf32, #tpu.memory_space<hbm>> -> memref<1x8x512xf32, #tpu.memory_space<hbm>>
        %dma_start3A_214 = tpu.memref_squeeze %dma_start3A_213 : memref<1x8x512xf32, #tpu.memory_space<hbm>> -> memref<8x512xf32, #tpu.memory_space<hbm>>
        %dma_start3A_215 = arith.constant 0 : i32
        %dma_start3A_216 = arith.constant 0 : i32
        %dma_start3A_217 = tpu.memref_slice %arg8[%dma_start3A_215, %dma_start3A_216] : memref<32x512xf32, #tpu.memory_space<vmem>> -> memref<8x512xf32, #tpu.memory_space<vmem>>
        tpu.enqueue_dma source(%dma_start3A_217 : memref<8x512xf32, #tpu.memory_space<vmem>>) target(%dma_start3A_214 : memref<8x512xf32, #tpu.memory_space<hbm>>) target_semaphore(%arg10 : memref<!tpu.dma_semaphore, #tpu.memory_space<semaphore_mem>>)
      }
      %scan3A_55 = arith.constant 20 : i32
      %dma_wait3A = arith.constant 0 : i32
      %dma_wait3A_56 = arith.constant 0 : i32
      %dma_wait3A_57 = arith.constant 0 : i32
      %dma_wait3A_58 = tpu.memref_slice %arg7[%dma_wait3A_56, %dma_wait3A_57] : memref<32x512xf32, #tpu.memory_space<vmem>> -> memref<8x512xf32, #tpu.memory_space<vmem>>
      %dma_wait3A_59 = arith.constant 0 : i32
      %dma_wait3A_60 = arith.constant 0 : i32
      %dma_wait3A_61 = tpu.memref_slice %arg4[%dma_wait3A, %dma_wait3A_59, %dma_wait3A_60] : memref<20x1000x4096xf32, #tpu.memory_space<hbm>> -> memref<1x8x512xf32, #tpu.memory_space<hbm>>
      %dma_wait3A_62 = tpu.memref_squeeze %dma_wait3A_61 : memref<1x8x512xf32, #tpu.memory_space<hbm>> -> memref<8x512xf32, #tpu.memory_space<hbm>>
      %dma_wait3A_63 = arith.constant 0 : i32
      %dma_wait3A_64 = arith.constant 0 : i32
      %dma_wait3A_65 = tpu.memref_slice %arg4[%dma_wait3A, %dma_wait3A_63, %dma_wait3A_64] : memref<20x1000x4096xf32, #tpu.memory_space<hbm>> -> memref<1x8x512xf32, #tpu.memory_space<hbm>>
      %dma_wait3A_66 = tpu.memref_squeeze %dma_wait3A_65 : memref<1x8x512xf32, #tpu.memory_space<hbm>> -> memref<8x512xf32, #tpu.memory_space<hbm>>
      %dma_wait3A_67 = arith.constant 0 : i32
      %dma_wait3A_68 = arith.constant 0 : i32
      %dma_wait3A_69 = tpu.memref_slice %arg7[%dma_wait3A_67, %dma_wait3A_68] : memref<32x512xf32, #tpu.memory_space<vmem>> -> memref<8x512xf32, #tpu.memory_space<vmem>>
      tpu.wait_dma2 semaphore(%arg9 : memref<!tpu.dma_semaphore, #tpu.memory_space<semaphore_mem>>) src(%dma_wait3A_69 : memref<8x512xf32, #tpu.memory_space<vmem>>) dst(%dma_wait3A_66 : memref<8x512xf32, #tpu.memory_space<hbm>>)
      %dma_wait3A_70 = arith.constant 0 : i32
      %dma_wait3A_71 = arith.constant 0 : i32
      %dma_wait3A_72 = arith.constant 0 : i32
      %dma_wait3A_73 = tpu.memref_slice %arg8[%dma_wait3A_71, %dma_wait3A_72] : memref<32x512xf32, #tpu.memory_space<vmem>> -> memref<8x512xf32, #tpu.memory_space<vmem>>
      %dma_wait3A_74 = arith.constant 0 : i32
      %dma_wait3A_75 = arith.constant 0 : i32
      %dma_wait3A_76 = tpu.memref_slice %arg4[%dma_wait3A_70, %dma_wait3A_74, %dma_wait3A_75] : memref<20x1000x4096xf32, #tpu.memory_space<hbm>> -> memref<1x8x512xf32, #tpu.memory_space<hbm>>
      %dma_wait3A_77 = tpu.memref_squeeze %dma_wait3A_76 : memref<1x8x512xf32, #tpu.memory_space<hbm>> -> memref<8x512xf32, #tpu.memory_space<hbm>>
      %dma_wait3A_78 = arith.constant 0 : i32
      %dma_wait3A_79 = arith.constant 0 : i32
      %dma_wait3A_80 = tpu.memref_slice %arg4[%dma_wait3A_70, %dma_wait3A_78, %dma_wait3A_79] : memref<20x1000x4096xf32, #tpu.memory_space<hbm>> -> memref<1x8x512xf32, #tpu.memory_space<hbm>>
      %dma_wait3A_81 = tpu.memref_squeeze %dma_wait3A_80 : memref<1x8x512xf32, #tpu.memory_space<hbm>> -> memref<8x512xf32, #tpu.memory_space<hbm>>
      %dma_wait3A_82 = arith.constant 0 : i32
      %dma_wait3A_83 = arith.constant 0 : i32
      %dma_wait3A_84 = tpu.memref_slice %arg8[%dma_wait3A_82, %dma_wait3A_83] : memref<32x512xf32, #tpu.memory_space<vmem>> -> memref<8x512xf32, #tpu.memory_space<vmem>>
      tpu.wait_dma2 semaphore(%arg10 : memref<!tpu.dma_semaphore, #tpu.memory_space<semaphore_mem>>) src(%dma_wait3A_84 : memref<8x512xf32, #tpu.memory_space<vmem>>) dst(%dma_wait3A_81 : memref<8x512xf32, #tpu.memory_space<hbm>>)
    } else {
    }
    return
  }
}

module attributes {stable_mosaic.version = 14 : i64} {
  func.func @_sigmoid_body(%arg0: memref<1000x1000xf32, #tpu.memory_space<vmem>>, %arg1: memref<1000x1000xf32, #tpu.memory_space<vmem>>) attributes {dimension_semantics = [], scalar_prefetch = 0 : i64, scratch_operands = 0 : i64, tpu.core_type = #tpu.core_type<tc>} {
    %get3A = arith.constant 0 : index
    %get3A_0 = arith.constant 0 : index
    %get3A_1 = vector.load %arg0[%get3A, %get3A_0] : memref<1000x1000xf32, #tpu.memory_space<vmem>>, vector<1000x1000xf32>
    %neg3A = arith.constant 0.000000e+00 : f32
    %neg3A_2 = vector.broadcast %neg3A : f32 to vector<1000x1000xf32>
    %neg3A_3 = arith.subf %neg3A_2, %get3A_1 : vector<1000x1000xf32>
    %exp3A = math.exp %neg3A_3 : vector<1000x1000xf32>
    %add3A = arith.constant 1.000000e+00 : f32
    %add3A_4 = vector.broadcast %add3A : f32 to vector<1000x1000xf32>
    %add3A_5 = arith.addf %add3A_4, %exp3A : vector<1000x1000xf32>
    %div3A = arith.constant 1.000000e+00 : f32
    %div3A_6 = vector.broadcast %div3A : f32 to vector<1000x1000xf32>
    %div3A_7 = arith.divf %div3A_6, %add3A_5 : vector<1000x1000xf32>
    %swap3A = arith.constant 0 : index
    %swap3A_8 = arith.constant 0 : index
    %swap3A_9 = vector.load %arg1[%swap3A, %swap3A_8] : memref<1000x1000xf32, #tpu.memory_space<vmem>>, vector<1000x1000xf32>
    tpu.vector_store %arg1[%swap3A, %swap3A_8], %div3A_7 {strides = array<i32>} : memref<1000x1000xf32, #tpu.memory_space<vmem>>, vector<1000x1000xf32>,
    return
  }
}

</mosaic_0001>

<sc_bundles>
// kernel: kernel.4.cloned.1.call-start
scs
__scs_entry_jumppad:
0x0: {  	(pc) =	sbr.rel $0x88, $3  }
0x1: {  	(tag) =	ssettag $0x0;
	lr =	simm.s32 $0x1  }
0x2: {  	[smem:$0x3F9F] =	sst lr;
	_ =	strace $0xD0000000  }
0x3: {  	_ = 	snop  }
0x4: {  	_ = 	snop  }
0x5: {  	_ = 	snop  }
0x6: {  	_ = 	snop  }
0x7: {  	_ = 	snop  }
__scs_overlays_trampoline_lowered:
0x8: {  	[smem:$0x3FAE] =	sst s0  }
0x9: {  	[smem:$0x3FAF] =	sst s1  }
0xa: {  	[smem:$0x3FB0] =	sst s2  }
0xb: {  	[smem:$0x3FB1] =	sst s3  }
0xc: {  	[smem:$0x3FB2] =	sst s4  }
0xd: {  	[smem:$0x3FB3] =	sst s5  }
0xe: {  	[smem:$0x3FB4] =	sst s6  }
0xf: {  	[smem:$0x3FB5] =	sst s7  }
0x10: {  	[smem:$0x3FB6] =	sst s8  }
0x11: {  	[smem:$0x3FB7] =	sst s9;
	s0 =	simm.s32 @!p0 $0x0  }
0x12: {  	s1 =	sld [smem:$0x3F9D];
	s0 =	simm.s32 @p0 $0x1  }
0x13: {  	[smem:$0x3FB8] =	sst s0;
	s0 =	simm.s32 @!p1 $0x0  }
0x14: {  	s2 =	sld [smem:$0x3F9C];
	s0 =	simm.s32 @p1 $0x1  }
0x15: {  	[smem:$0x3FB9] =	sst s0;
	s0 =	simm.s32 @!p2 $0x0  }
0x16: {  	s3 =	sld [smem:$0x3FDB];
	s0 =	simm.s32 @p2 $0x1  }
0x17: {  	s4 =	simm.s32 $0x1BF5;
	[smem:$0x3FBB] =	sst s0  }
0x18: {  	s0 =	sld [smem:$0x3F9E];
	_ =	swait.ge [sflag:s4], $0x0  }
0x19: {  	s7 =	sld [smem:$0x3F9F]  }
0x1a: {  	s8 =	sadd.s32 $0xFFFFE003, lr  }
0x1b: {  	s9 =	sadd.s32 $0xFFFFFEF7, lr;
	s5 =	simm.s32 $0xFFFFFFFF;
	p2 =	slt.u32 s8, $0xFFFFF086  }
0x1c: {  	p1 =	slt.u32 s9, $0xF7A;
	s5 =	simm.s32 @!p2 $0x0  }
0x1d: {  	s5 =	simm.s32 @p1 $0x1;
	p0 =	seq.s32 s7, s2  }
0x1e: {  	s7 =	smul.u32 @!p0 $0xF7A, s2;
	p2 =	seq.s32 @!p0 s5, $0x0  }
0x1f: {  	s9 =	smul.u32 $0xF7A, s1;
	s8 =	simm.s32 @!p0 $0x1BF5;
	p2 =	por !p2, p0  }
0x20: {  	[sflag:s8] =	ssyncset.s32 @!p0 $0xFFFFF086;
	s6 =	sadd.s32 @!p0 s3, s7;
	s7 =	simm.s32 @!p0 $0x108  }
0x21: {  	s3 =	sadd.s32 s3, s9;
	s6 =	sadd.s32 @!p0 $0x88, s6;
	s7 =	simm.s32 @p2 $0x1082  }
0x22: {  	[simem:s7], [sflag:s8] =	dma.local @!p0 [hbm:s6], $0xF7A  }
0x23: {  	s9 =	sor.u32 $0xD0000000, s2;
	s6 =	simm.s32 $0x108;
	_ =	swait.ge @!p0 [sflag:s8], $0x0  }
0x24: {  	s3 =	sadd.s32 $0x88, s3;
	s6 =	simm.s32 @!p1 $0x1082;
	[sflag:s4] =	ssyncset.s32 $0xFFFFF086  }
0x25: {  	[simem:s6], [sflag:s4] =	dma.local [hbm:s3], $0xF7A  }
0x26: {  	[smem:$0x3F9F] =	sst s1;
	(tag) =	ssettag s2;
	_ =	strace s9  }
0x27: {  	s1 =	sld [smem:$0x3FAF]  }
0x28: {  	s2 =	sld [smem:$0x3FB0]  }
0x29: {  	s4 =	sld [smem:$0x3FB2]  }
0x2a: {  	p0 =	seq.s32 s5, $0x0;
	s5 =	sld [smem:$0x3FB3]  }
0x2b: {  	s6 =	sld [smem:$0x3FB4]  }
0x2c: {  	s7 =	sld [smem:$0x3FB5]  }
0x2d: {  	s3 =	simm.s32 $0x108;
	s8 =	sld [smem:$0x3FB6]  }
0x2e: {  	s3 =	simm.s32 @!p0 $0x1082;
	s9 =	sld [smem:$0x3FB7]  }
0x2f: {  	lr =	sadd.s32 s0, s3;
	s0 =	sld [smem:$0x3FAE]  }
0x30: {  	s3 =	sld [smem:$0x3FB1]  }
0x31: {  	[smem:$0x3FBA] =	sst s10  }
0x32: {  	s10 =	sld [smem:$0x3FB8];
	_ =	sdelay $0x3  }
0x33: {  	p0 =	seq.s32 s10, $0x1;
	s10 =	sld [smem:$0x3FBA];
	_ =	sdelay $0x3  }
0x34: {  	[smem:$0x3FBA] =	sst s10  }
0x35: {  	s10 =	sld [smem:$0x3FB9];
	_ =	sdelay $0x3  }
0x36: {  	p1 =	seq.s32 s10, $0x1;
	s10 =	sld [smem:$0x3FBA];
	_ =	sdelay $0x3  }
0x37: {  	[smem:$0x3FBA] =	sst s10  }
0x38: {  	s10 =	sld [smem:$0x3FBB]  }
0x39: {  	_ = 	snop;
	(pc) =	sbr.ind lr, $3  }
0x3a: {  	_ = 	snop  }
0x3b: {  	_ = 	snop  }
0x3c: {  	p2 =	seq.s32 s10, $0x1;
	s10 =	sld [smem:$0x3FBA]  }
0x3d: {  	_ =	shalt  }
0x3e: {  	_ =	shalt  }
0x3f: {  	_ =	shalt  }
0x40: {  	_ =	shalt  }
0x41: {  	_ =	shalt  }
0x42: {  	_ =	shalt  }
0x43: {  	_ =	shalt  }
0x44: {  	_ =	shalt  }
0x45: {  	_ =	shalt  }
0x46: {  	_ =	shalt  }
0x47: {  	_ =	shalt  }
0x48: {  	_ =	shalt  }
0x49: {  	_ =	shalt  }
0x4a: {  	_ =	shalt  }
0x4b: {  	_ =	shalt  }
0x4c: {  	_ =	shalt  }
0x4d: {  	_ =	shalt  }
0x4e: {  	_ =	shalt  }
0x4f: {  	_ =	shalt  }
0x50: {  	_ =	shalt  }
0x51: {  	_ =	shalt  }
0x52: {  	_ =	shalt  }
0x53: {  	_ =	shalt  }
0x54: {  	_ =	shalt  }
0x55: {  	_ =	shalt  }
0x56: {  	_ =	shalt  }
0x57: {  	_ =	shalt  }
0x58: {  	_ =	shalt  }
0x59: {  	_ =	shalt  }
0x5a: {  	_ =	shalt  }
0x5b: {  	_ =	shalt  }
0x5c: {  	_ =	shalt  }
0x5d: {  	_ =	shalt  }
0x5e: {  	_ =	shalt  }
0x5f: {  	_ =	shalt  }
0x60: {  	_ =	shalt  }
0x61: {  	_ =	shalt  }
0x62: {  	_ =	shalt  }
0x63: {  	_ =	shalt  }
0x64: {  	_ =	shalt  }
0x65: {  	_ =	shalt  }
0x66: {  	_ =	shalt  }
0x67: {  	_ =	shalt  }
0x68: {  	_ =	shalt  }
0x69: {  	_ =	shalt  }
0x6a: {  	_ =	shalt  }
0x6b: {  	_ =	shalt  }
0x6c: {  	_ =	shalt  }
0x6d: {  	_ =	shalt  }
0x6e: {  	_ =	shalt  }
0x6f: {  	_ =	shalt  }
0x70: {  	_ =	shalt  }
0x71: {  	_ =	shalt  }
0x72: {  	_ =	shalt  }
0x73: {  	_ =	shalt  }
0x74: {  	_ =	shalt  }
0x75: {  	_ =	shalt  }
0x76: {  	_ =	shalt  }
0x77: {  	_ =	shalt  }
0x78: {  	_ =	shalt  }
0x79: {  	_ =	shalt  }
0x7a: {  	_ =	shalt  }
0x7b: {  	_ =	shalt  }
0x7c: {  	_ =	shalt  }
0x7d: {  	_ =	shalt  }
0x7e: {  	_ =	shalt  }
0x7f: {  	_ =	shalt  }
0x80: {  	_ =	shalt  }
0x81: {  	_ =	shalt  }
0x82: {  	_ =	shalt  }
0x83: {  	_ =	shalt  }
0x84: {  	_ =	shalt  }
0x85: {  	_ =	shalt  }
0x86: {  	_ =	shalt  }
0x87: {  	_ =	shalt  }
.Lfunc_end0:
.L_simem_size_0:
called_computation_lowered:
.L_overlay_start_0:
0x88: {  	s2 =	sld [smem:$0x3FD9]  }
0x89: {  	s3 =	sld [smem:$0x3FFE];
	_ =	sdelay $0x1  }
0x8a: {  	s1 =	srdreg.scid  }
0x8b: {  	s0 =	sand.u32 $0x1, s1  }
0x8c: {  	s17 =	sshll.u32 s0, $0xA;
	s2 =	sadd.s32 s3, s2  }
0x8d: {  	s2 =	sadd.s32 s2, s17  }
0x8e: {  	[smem:$0x3FC6] =	sst s2  }
0x8f: {  	_ = 	snop  }
0x90: {  	s2 =	sld [smem:$0x3FC9]  }
0x91: {  	s18 =	sld [smem:$0x3FD0];
	(tm) =	ssettm $0x1  }
0x92: {  	s4 =	sld [smem:$0x3FFB];
	_ =	sdelay $0x3  }
0x93: {  	_ =	strace s4  }
0x94: {  	s4 =	sld [smem:$0x3FFC];
	_ =	sdelay $0x3  }
0x95: {  	_ =	strace s4  }
0x96: {  	s4 =	sld [smem:$0x3FFD];
	_ =	sdelay $0x3  }
0x97: {  	_ =	strace s4  }
0x98: {  	_ =	strace $0x8FFFFFFF  }
0x99: {  	s19 =	sld [smem:$0x3FDB];
	_ =	sdelay $0x1  }
0x9a: {  	s5 =	simm.s32 $_scs_section_size  }
0x9b: {  	s6 =	simm.s32 $_size__tile_overlayer_lowered;
	s7 =	simm.s32 $_tile_overlayer_lowered  }
0x9c: {  	s22 =	simm.s32 $0x1BFF;
	s21 =	sshll.u32 s7, $0x1;
	s4 =	sadd.s32 s5, s19  }
0x9d: {  	s8 =	simm.s32 $0x0;
	s20 =	sshll.u32 s6, $0x1;
	s6 =	sadd.s32 s21, s4  }
0x9e: {  	[timem:s8], [sflag:s22] =	dma.local [hbm:s6], s20  }
0x9f: {  	_ =	swait.ge [sflag:s22], s20  }
0xa0: {  	s5 =	ssub.s32 $0x0, s20;
	[sflag:s22] =	ssyncset.done $0x0  }
0xa1: {  	[sflag:s22] =	ssyncadd.s32 s5;
	_ =	sdelay $0x1  }
0xa2: {  	s23 =	simm.s32 $0x1B8B  }
0xa3: {  	_ =	swait.ge [sflag:s23], $0x1  }
0xa4: {  	[sflag:s23] =	ssyncset.done $0x0  }
0xa5: {  	s25 =	simm.s32 $0x1B8E;
	s24 =	sld [smem:$0x3FFE];
	[sflag:s23] =	ssyncadd.s32 $0xFFFFFFFF  }
0xa6: {  	s26 =	simm.s32 $execute0_lowered;
	[smem:$0x3FD2] =	sst s25  }
0xa7: {  	s6 =	sshll.u32 s26, $0x1;
	_ =	strace $0x80000046;
	[dreg:$0x1] =	wrdreg $0xFFFFFFFF  }
0xa8: {  	s28 =	simm.s32 $_size_execute0_lowered;
	s4 =	sadd.s32 s4, s6;
	[dreg:$0x0] =	wrdreg $0x0  }
0xa9: {  	s6 =	sshll.u32 s28, $0x1;
	[dreg:$0x2] =	wrdreg s4  }
0xaa: {  	[dreg:$0x3] =	wrdreg s6  }
0xab: {  	[dreg:$0x4] =	wrdreg $0xC0  }
0xac: {  	_ =	task [dreg:s8], $0x5FFFF  }
0xad: {  	[dreg:$0x1] =	wrdreg $0xFFFFFFFF  }
0xae: {  	[dreg:$0x0] =	wrdreg $0x60  }
0xaf: {  	[dreg:$0x2] =	wrdreg s24  }
0xb0: {  	[dreg:$0x3] =	wrdreg s2  }
0xb1: {  	[dreg:$0x4] =	wrdreg s18  }
0xb2: {  	[dreg:$0x5] =	wrdreg $0x9  }
0xb3: {  	_ =	task.clear_ibuf [dreg:s8], $0x6FFFF;
	_ =	strace $0x90000046  }
0xb4: {  	s29 =	simm.s32 $0x9;
	_ =	strace $0x80000048  }
0xb5: {  	_ =	swait.ge [sflag:s29], $0x1  }
0xb6: {  	[sflag:s29] =	ssyncadd.s32 $0xFFFFFFFF  }
0xb7: {  	_ =	strace $0x90000048  }
0xb8: {  	_ =	sfence  }
0xb9: {  	s30 =	sld [smem:$0x0];
	_ =	sdelay $0x2  }
0xba: {  	s31 =	sshll.u32 s1, $0xD;
	s1 =	sshrl.u32 s1, $0x2  }
0xbb: {  	s3 =	sand.u32 $0x4000, s31;
	s1 =	sadd.s32 s1, s30  }
0xbc: {  	s0 =	sor.u32 s3, s0;
	s1 =	sshll.u32 s1, $0x11  }
0xbd: {  	s0 =	sor.u32 s1, s0  }
0xbe: {  	s0 =	sadd.s32 $0x8F2B, s0  }
0xbf: {  	[sflag:s0] =	ssyncadd.remote.s32 $0x1  }
0xc0: {  	_ =	sfence.sel $0xFFFF  }
0xc1: {  	[dreg:$0x0] =	wrdreg $0xFFFFFFFF;
	(pc) =	sbr.abs _section_cstart, $3  }
0xc2: {  	[dreg:$0x1] =	wrdreg $0xFFFFFFFF  }
0xc3: {  	_ =	task.clear_ibuf [dreg:s8], $0x2FFFF;
	_ =	strace $0x9FFFFFFF  }
0xc4: {  	(tm) =	ssettm $0x7FFFFFFF  }
0xc5: {  	_ =	shalt  }
tec
execute0_lowered:
.L_overlay_start_1:
0x0: {  	(tag) =	ssettag $0x1  }
0x1: {  	s0 =	rddreg [dreg:$0x0]  }
0x2: {  	s1 =	rddreg [dreg:$0x1]  }
0x3: {  	s10 =	rddreg [dreg:$0x2];
	s3 =	simm.s32 $0x0;
	s5 =	stileid.u32  }
0x4: {  	s2 =	srdreg.scid;
	[smem:$0x7FF] =	sst s3  }
0x5: {  	s11 =	sadd.s32 $0x600, s0;
	s4 =	sshll.u32 s5, $0x1;
	s5 =	sshrl.u32 s5, $0x1  }
0x6: {  	s2 =	sand.u32 $0x1, s2;
	s0 =	sadd.s32 $0x1F67C, s0;
	_ =	strace $0x80000047  }
0x7: {  	s4 =	sand.u32 $0x2, s4;
	s7 =	sshll.u32 s5, $0x7;
	[dreg:$0x4] =	wrdreg s11  }
0x8: {  	s6 =	ssub.s32 $0x2, s2;
	[dreg:$0xb] =	wrdreg s0;
	s2 =	sor.u32 s2, s4  }
0x9: {  	[dreg:$0x5] =	wrdreg s7;
	s24 =	sor.u32 $0x60, s7;
	s25 =	sshrl.u32 s6, $0x1  }
0xa: {  	s8 =	sshll.u32 s2, $0xA;
	s9 =	smul.u32 $0x401, s24;
	s30 =	sshll.u32 s24, $0xC  }
0xb: {  	s6 =	ssub.s32 s6, s25;
	s1 =	sadd.s32 s1, s8;
	[dreg:$0xa] =	wrdreg s30  }
.Ltmp0:
0xc: {  	s28 =	sadd.s32 s10, s8;
	[dreg:$0x6] =	wrdreg s1;
	(pc) =	sbr.rel .LBB2_1-.Ltmp0, $4  }
0xd: {  	s26 =	sshll.u32 s2, $0xD;
	s31 =	smax.u32 s6, $0x1;
	[dreg:$0x7] =	wrdreg s28  }
0xe: {  	s1 =	sor.u32 $0x1000, s26;
	s29 =	sshrl.u32 s9, $0x3;
	[dreg:$0xc] =	wrdreg s31  }
0xf: {  	[dreg:$0x8] =	wrdreg s1;
	s1 =	sadd.s32 s11, s29  }
0x10: {  	p0 =	seq.s32 s5, $0x7;
	[dreg:$0x9] =	wrdreg s1;
	s1 =	simm.s32 $0x0  }
.LBB2_24:
0x11: {  	s1 =	sadd.s32 $0x1, s1;
	s0 =	rddreg [dreg:$0xc]  }
0x12: {  	p1 =	sne.s32 s1, s0  }
.Ltmp1:
0x13: {  	_ = 	snop;
	(pc) =	sbr.rel @!p1 .LBB2_25-.Ltmp1, $1  }
0x14: {  	_ =	sdelay $0x3  }
.LBB2_1:
0x15: {  	[dreg:$0xd] =	wrdreg s1  }
0x16: {  	s0 =	rddreg [dreg:$0x6];
	s30 =	simm.s32 $0x2000  }
0x17: {  	s2 =	simm.s32 $0x8000;
	s4 =	simm.s32 $0x8080;
	s31 =	simm.s32 $0x3  }
0x18: {  	[tilespmem:s4], [sflag:$0x3] =	stream.strided.gather [hbm4b:s0+s30], $0x6000, s2, s30, $0x38;
	[tilespmem:$0x16080] =	vst v63  }
0x19: {  	_ =	swait.ge [sflag:s31], $0x6000  }
0x1a: {  	[sflag:s31] =	ssyncset.done $0x0  }
0x1b: {  	s1 =	simm.s32 $0x0;
	[sflag:s31] =	ssyncadd.s32 $0xFFFFA000  }
.LBB2_2:
0x1c: {  	s0 =	sshll.u32 s1, $0x5;
	s30 =	rddreg [dreg:$0x5]  }
0x1d: {  	s0 =	sadd.s32 s30, s0  }
0x1e: {  	[dreg:$0xe] =	wrdreg s1;
	s1 =	smul.u32 $0x401, s0  }
0x1f: {  	_ = 	snop  }
0x20: {  	s2 =	rddreg [dreg:$0x4];
	s1 =	sshrl.u32 s1, $0x3  }
0x21: {  	s31 =	simm.s32 $0x3;
	s1 =	sadd.s32 s2, s1;
	s2 =	simm.s32 $0x0  }
0x22: {  	[tilespmem:s2], [sflag:$0x3] =	stream.linear.gather [hbm4b:s1+s2], $0x8020, $0x38;
	[tilespmem:$0x16080] =	vst v63  }
0x23: {  	_ =	swait.ge [sflag:s31], $0x8020  }
0x24: {  	s0 =	sshll.u32 s0, $0xC;
	[sflag:s31] =	ssyncset.done $0x0  }
0x25: {  	[dreg:$0x11] =	wrdreg s0;
	[sflag:s31] =	ssyncadd.s32 $0xFFFF7FE0  }
.LBB2_3:
0x26: {  	p1 =	seq.s32 s2, $0x0;
	s1 =	sshll.u32 s2, $0xA  }
0x27: {  	s25 =	sshll.u32 s2, $0x7;
	s13 =	simm.s32 $0xFFFFFFFE;
	s29 =	simm.s32 $0x0  }
0x28: {  	s30 =	simm.s32 $0x0;
	s31 =	simm.s32 $0x0;
	s0 =	simm.s32 @!p1 $0x1  }
0x29: {  	s26 =	sand.u32 $0x6000, s1;
	s28 =	sand.u32 $0x380, s25;
	_ =	swait.ge @!p1 [sflag:s0], $0x4000  }
0x2a: {  	[dreg:$0xf] =	wrdreg s2;
	s5 =	sor.u32 $0x8080, s26;
	v0 =	vmov s28;
	[sflag:s0] =	ssyncset.done @!p1 $0x0  }
0x2b: {  	[dreg:$0x12] =	wrdreg s5;
	[sflag:s0] =	ssyncadd.s32 @!p1 $0xFFFFC000;
	s0 =	simm.s32 $0x0  }
.LBB2_4:
0x2c: {  	s4 =	sand.u32 $0xC00, s0  }
0x2d: {  	s11 =	sand.u32 $0x60, s29;
	s9 =	sadd.s32 s4, s5  }
0x2e: {  	s1 =	sadd.s32 s11, s9  }
0x2f: {  	v1 =	vld.idx.msk [tilespmem:v0+s1+$0x0 ss:$0x1], $0xffff;
	_ =	sdelay $0x4  }
0x30: {  	v2 =	vadd.s32 $0x401, v1  }
0x31: {  	v3 =	vadd.s32 $0x802, v1  }
0x32: {  	v4 =	vadd.s32 $0xC03, v1  }
0x33: {  	v5 =	vadd.s32 $0x1004, v1  }
0x34: {  	v7 =	vadd.s32 $0x1405, v1;
	v6 =	vld.idx.msk [tilespmem:v1+s3+$0x0], $0xffff  }
0x35: {  	v8 =	vadd.s32 $0x1806, v1;
	v2 =	vld.idx.msk [tilespmem:v2+s3+$0x0], $0xffff  }
0x36: {  	v9 =	vadd.s32 $0x1C07, v1;
	v3 =	vld.idx.msk [tilespmem:v3+s3+$0x0], $0xffff  }
0x37: {  	v10 =	vadd.s32 $0x2008, v1;
	v4 =	vld.idx.msk [tilespmem:v4+s3+$0x0], $0xffff  }
0x38: {  	v11 =	vadd.s32 $0x2409, v1;
	v5 =	vld.idx.msk [tilespmem:v5+s3+$0x0], $0xffff  }
0x39: {  	v12 =	vadd.s32 $0x280A, v1;
	v7 =	vld.idx.msk [tilespmem:v7+s3+$0x0], $0xffff  }
0x3a: {  	v13 =	vadd.s32 $0x2C0B, v1;
	v8 =	vld.idx.msk [tilespmem:v8+s3+$0x0], $0xffff  }
0x3b: {  	v14 =	vadd.s32 $0x300C, v1;
	v9 =	vld.idx.msk [tilespmem:v9+s3+$0x0], $0xffff  }
0x3c: {  	v15 =	vadd.s32 $0x340D, v1;
	v10 =	vld.idx.msk [tilespmem:v10+s3+$0x0], $0xffff  }
0x3d: {  	v16 =	vadd.s32 $0x380E, v1;
	v11 =	vld.idx.msk [tilespmem:v11+s3+$0x0], $0xffff  }
0x3e: {  	v17 =	vadd.s32 $0x3C0F, v1;
	v12 =	vld.idx.msk [tilespmem:v12+s3+$0x0], $0xffff  }
0x3f: {  	v13 =	vld.idx.msk [tilespmem:v13+s3+$0x0], $0xffff  }
0x40: {  	v14 =	vld.idx.msk [tilespmem:v14+s3+$0x0], $0xffff  }
0x41: {  	s14 =	sor.u32 $0xE080, s4;
	v15 =	vld.idx.msk [tilespmem:v15+s3+$0x0], $0xffff  }
0x42: {  	s1 =	sor.u32 s11, s14;
	v16 =	vld.idx.msk [tilespmem:v16+s3+$0x0], $0xffff  }
0x43: {  	v17 =	vld.idx.msk [tilespmem:v17+s3+$0x0], $0xffff;
	[tilespmem:s1+$0x0] =	vst v6  }
0x44: {  	[tilespmem:s1+$0x80] =	vst v2  }
0x45: {  	s2 =	sand.u32 $0x3, s30;
	[tilespmem:s1+$0x100] =	vst v3  }
0x46: {  	s2 =	sshll.u32 s2, $0x5;
	[tilespmem:s1+$0x180] =	vst v4  }
0x47: {  	s2 =	sadd.s32 s2, s0;
	[tilespmem:s1+$0x200] =	vst v5  }
0x48: {  	s16 =	sor.u32 s29, s0;
	s15 =	sor.u32 $0x300, s2;
	[tilespmem:s1+$0x280] =	vst v7  }
0x49: {  	s17 =	sor.u32 $0x380, s16;
	s18 =	sor.u32 $0xF080, s4;
	[tilespmem:s15+$0xE080] =	vst v8  }
0x4a: {  	s20 =	sor.u32 $0xF100, s4;
	s19 =	sor.u32 s11, s18;
	[tilespmem:s17+$0xE080] =	vst v9  }
0x4b: {  	s22 =	sor.u32 $0xF180, s4;
	s21 =	sor.u32 s11, s20;
	[tilespmem:s19+$0x0] =	vst v10  }
0x4c: {  	s12 =	sor.u32 $0xF200, s4;
	s23 =	sor.u32 s11, s22;
	[tilespmem:s21+$0x0] =	vst v11  }
0x4d: {  	[smem:$0x7FD] =	sst s22;
	s24 =	sor.u32 s11, s12;
	s22 =	sor.u32 $0xF280, s4;
	[tilespmem:s23+$0x0] =	vst v12  }
0x4e: {  	s10 =	sor.u32 $0xF300, s4;
	s25 =	sor.u32 s11, s22;
	v2 =	vadd.s32 $0x4010, v1;
	[tilespmem:s24+$0x0] =	vst v13  }
0x4f: {  	s6 =	sor.u32 $0xF380, s4;
	s26 =	sor.u32 s11, s10;
	v3 =	vadd.s32 $0x4411, v1;
	[tilespmem:s25+$0x0] =	vst v14  }
0x50: {  	[smem:$0x7FC] =	sst s20;
	s28 =	sor.u32 s11, s6;
	s20 =	sadd.s32 $0xF400, s4;
	v25 =	vadd.s32 $0x4812, v1;
	[tilespmem:s26+$0x0] =	vst v15  }
0x51: {  	s2 =	sor.u32 s11, s20;
	v26 =	vadd.s32 $0x4C13, v1;
	[tilespmem:s28+$0x0] =	vst v16  }
0x52: {  	v27 =	vadd.s32 $0x5014, v1;
	[tilespmem:s2+$0x0] =	vst v17  }
0x53: {  	v28 =	vadd.s32 $0x5415, v1;
	v2 =	vld.idx.msk [tilespmem:v2+s3+$0x0], $0xffff  }
0x54: {  	v29 =	vadd.s32 $0x5816, v1;
	v3 =	vld.idx.msk [tilespmem:v3+s3+$0x0], $0xffff  }
0x55: {  	v30 =	vadd.s32 $0x5C17, v1;
	v4 =	vld.idx.msk [tilespmem:v25+s3+$0x0], $0xffff  }
0x56: {  	v31 =	vadd.s32 $0x6018, v1;
	v5 =	vld.idx.msk [tilespmem:v26+s3+$0x0], $0xffff  }
0x57: {  	v32 =	vadd.s32 $0x6419, v1;
	v6 =	vld.idx.msk [tilespmem:v27+s3+$0x0], $0xffff  }
0x58: {  	v33 =	vadd.s32 $0x681A, v1;
	v7 =	vld.idx.msk [tilespmem:v28+s3+$0x0], $0xffff  }
0x59: {  	v34 =	vadd.s32 $0x6C1B, v1;
	v8 =	vld.idx.msk [tilespmem:v29+s3+$0x0], $0xffff  }
0x5a: {  	v35 =	vadd.s32 $0x701C, v1;
	v9 =	vld.idx.msk [tilespmem:v30+s3+$0x0], $0xffff  }
0x5b: {  	v36 =	vadd.s32 $0x741D, v1;
	v10 =	vld.idx.msk [tilespmem:v31+s3+$0x0], $0xffff  }
0x5c: {  	v37 =	vadd.s32 $0x781E, v1;
	v11 =	vld.idx.msk [tilespmem:v32+s3+$0x0], $0xffff  }
0x5d: {  	v1 =	vadd.s32 $0x7C1F, v1;
	v12 =	vld.idx.msk [tilespmem:v33+s3+$0x0], $0xffff  }
0x5e: {  	v13 =	vld.idx.msk [tilespmem:v34+s3+$0x0], $0xffff  }
0x5f: {  	v14 =	vld.idx.msk [tilespmem:v35+s3+$0x0], $0xffff  }
0x60: {  	s21 =	sor.u32 $0x10080, s4;
	v15 =	vld.idx.msk [tilespmem:v36+s3+$0x0], $0xffff  }
0x61: {  	s16 =	sor.u32 $0x10100, s4;
	s5 =	sor.u32 s11, s21;
	v16 =	vld.idx.msk [tilespmem:v37+s3+$0x0], $0xffff  }
0x62: {  	s7 =	sor.u32 s11, s16;
	v1 =	vld.idx.msk [tilespmem:v1+s3+$0x0], $0xffff;
	[tilespmem:s5+$0x0] =	vst v2;
	s5 =	sor.u32 $0x10180, s4  }
0x63: {  	[dreg:$0x19] =	wrdreg s18;
	s18 =	sor.u32 $0x10200, s4;
	[tilespmem:s7+$0x0] =	vst v3;
	s8 =	sor.u32 s11, s5  }
0x64: {  	[dreg:$0x18] =	wrdreg s14;
	s14 =	sor.u32 s11, s18;
	s19 =	sor.u32 $0x10280, s4;
	[tilespmem:s8+$0x0] =	vst v4  }
0x65: {  	s15 =	sor.u32 s11, s19;
	s23 =	sor.u32 $0x10300, s4;
	[tilespmem:s14+$0x0] =	vst v5  }
0x66: {  	s17 =	sor.u32 s11, s23;
	s14 =	sor.u32 $0x10380, s4;
	[tilespmem:s15+$0x0] =	vst v6  }
0x67: {  	s24 =	sor.u32 s11, s14;
	[tilespmem:s17+$0x0] =	vst v7;
	s17 =	sadd.s32 $0x10400, s4  }
0x68: {  	s7 =	sor.u32 $0x11080, s4;
	[tilespmem:s24+$0x0] =	vst v8;
	s25 =	sor.u32 s11, s17  }
0x69: {  	s26 =	sor.u32 s11, s7;
	s8 =	sor.u32 $0x11100, s4;
	[tilespmem:s25+$0x0] =	vst v9  }
0x6a: {  	s28 =	sor.u32 s11, s8;
	s25 =	sor.u32 $0x11180, s4;
	[tilespmem:s26+$0x0] =	vst v10  }
0x6b: {  	s24 =	sor.u32 $0x11200, s4;
	s2 =	sor.u32 s11, s25;
	[tilespmem:s28+$0x0] =	vst v11  }
0x6c: {  	s15 =	sor.u32 s11, s24;
	s26 =	sor.u32 $0x11280, s4;
	[tilespmem:s2+$0x0] =	vst v12  }
0x6d: {  	s28 =	sor.u32 s11, s26;
	s2 =	sor.u32 $0x11300, s4;
	[tilespmem:s15+$0x0] =	vst v13  }
0x6e: {  	s1 =	sor.u32 $0x11380, s4;
	[tilespmem:s28+$0x0] =	vst v14;
	s28 =	sor.u32 s11, s2  }
0x6f: {  	s4 =	sadd.s32 $0x11400, s4;
	s15 =	sadd.s32 $0x10, s29;
	[tilespmem:s28+$0x0] =	vst v15;
	s28 =	sor.u32 s11, s1  }
0x70: {  	[tilespmem:s28+$0x0] =	vst v16;
	s28 =	sor.u32 s11, s4;
	s11 =	sand.u32 $0x70, s15  }
0x71: {  	[tilespmem:s28+$0x0] =	vst v1;
	s9 =	sadd.s32 s11, s9  }
0x72: {  	v1 =	vld.idx.msk [tilespmem:v0+s9+$0x0 ss:$0x1], $0xffff;
	_ =	sdelay $0x4  }
0x73: {  	v2 =	vadd.s32 $0x401, v1  }
0x74: {  	v3 =	vadd.s32 $0x802, v1  }
0x75: {  	v38 =	vadd.s32 $0xC03, v1  }
0x76: {  	v39 =	vadd.s32 $0x1004, v1  }
0x77: {  	v40 =	vadd.s32 $0x1405, v1;
	v6 =	vld.idx.msk [tilespmem:v1+s3+$0x0], $0xffff  }
0x78: {  	v41 =	vadd.s32 $0x1806, v1;
	v2 =	vld.idx.msk [tilespmem:v2+s3+$0x0], $0xffff  }
0x79: {  	v42 =	vadd.s32 $0x1C07, v1;
	v3 =	vld.idx.msk [tilespmem:v3+s3+$0x0], $0xffff  }
0x7a: {  	v43 =	vadd.s32 $0x2008, v1;
	v4 =	vld.idx.msk [tilespmem:v38+s3+$0x0], $0xffff  }
0x7b: {  	v44 =	vadd.s32 $0x2409, v1;
	v5 =	vld.idx.msk [tilespmem:v39+s3+$0x0], $0xffff  }
0x7c: {  	v45 =	vadd.s32 $0x280A, v1;
	v7 =	vld.idx.msk [tilespmem:v40+s3+$0x0], $0xffff  }
0x7d: {  	v46 =	vadd.s32 $0x2C0B, v1;
	v8 =	vld.idx.msk [tilespmem:v41+s3+$0x0], $0xffff  }
0x7e: {  	v47 =	vadd.s32 $0x300C, v1;
	v9 =	vld.idx.msk [tilespmem:v42+s3+$0x0], $0xffff  }
0x7f: {  	v48 =	vadd.s32 $0x340D, v1;
	v10 =	vld.idx.msk [tilespmem:v43+s3+$0x0], $0xffff  }
0x80: {  	v49 =	vadd.s32 $0x380E, v1;
	v11 =	vld.idx.msk [tilespmem:v44+s3+$0x0], $0xffff  }
0x81: {  	v50 =	vadd.s32 $0x3C0F, v1;
	v12 =	vld.idx.msk [tilespmem:v45+s3+$0x0], $0xffff  }
0x82: {  	v13 =	vld.idx.msk [tilespmem:v46+s3+$0x0], $0xffff  }
0x83: {  	v14 =	vld.idx.msk [tilespmem:v47+s3+$0x0], $0xffff  }
0x84: {  	s28 =	rddreg [dreg:$0x18];
	v15 =	vld.idx.msk [tilespmem:v48+s3+$0x0], $0xffff  }
0x85: {  	s28 =	sor.u32 s11, s28;
	v16 =	vld.idx.msk [tilespmem:v49+s3+$0x0], $0xffff  }
0x86: {  	v17 =	vld.idx.msk [tilespmem:v50+s3+$0x0], $0xffff;
	[tilespmem:s28+$0x0] =	vst v6  }
0x87: {  	s9 =	sand.u32 $0x7, s31;
	[tilespmem:s28+$0x80] =	vst v2  }
0x88: {  	s9 =	sshll.u32 s9, $0x4;
	[tilespmem:s28+$0x100] =	vst v3  }
0x89: {  	s9 =	sadd.s32 s0, s9;
	[tilespmem:s28+$0x180] =	vst v4  }
0x8a: {  	s9 =	sadd.s32 $0x10, s9;
	[tilespmem:s28+$0x200] =	vst v5  }
0x8b: {  	s15 =	sor.u32 s15, s0;
	s9 =	sor.u32 $0x300, s9;
	[tilespmem:s28+$0x280] =	vst v7  }
0x8c: {  	s15 =	sor.u32 $0x380, s15;
	s28 =	rddreg [dreg:$0x19];
	[tilespmem:s9+$0xE080] =	vst v8  }
0x8d: {  	[tilespmem:s15+$0xE080] =	vst v9;
	s15 =	sld [smem:$0x7FC]  }
0x8e: {  	s9 =	sor.u32 s11, s28;
	s28 =	sld [smem:$0x7FD];
	_ =	sdelay $0x1  }
0x8f: {  	[tilespmem:s9+$0x0] =	vst v10;
	s9 =	sor.u32 s11, s15  }
0x90: {  	[tilespmem:s9+$0x0] =	vst v11;
	s9 =	sor.u32 s11, s28  }
0x91: {  	s15 =	sor.u32 s11, s12;
	[tilespmem:s9+$0x0] =	vst v12  }
0x92: {  	s22 =	sor.u32 s11, s22;
	v2 =	vadd.s32 $0x4010, v1;
	[tilespmem:s15+$0x0] =	vst v13  }
0x93: {  	v3 =	vadd.s32 $0x4411, v1;
	s28 =	sor.u32 s11, s10;
	[tilespmem:s22+$0x0] =	vst v14  }
0x94: {  	s6 =	sor.u32 s11, s6;
	v51 =	vadd.s32 $0x4812, v1;
	[tilespmem:s28+$0x0] =	vst v15  }
0x95: {  	v52 =	vadd.s32 $0x4C13, v1;
	s9 =	sor.u32 s11, s20;
	[tilespmem:s6+$0x0] =	vst v16  }
0x96: {  	v53 =	vadd.s32 $0x5014, v1;
	[tilespmem:s9+$0x0] =	vst v17  }
0x97: {  	v54 =	vadd.s32 $0x5415, v1;
	v2 =	vld.idx.msk [tilespmem:v2+s3+$0x0], $0xffff  }
0x98: {  	v55 =	vadd.s32 $0x5816, v1;
	v3 =	vld.idx.msk [tilespmem:v3+s3+$0x0], $0xffff  }
0x99: {  	v56 =	vadd.s32 $0x5C17, v1;
	v4 =	vld.idx.msk [tilespmem:v51+s3+$0x0], $0xffff  }
0x9a: {  	v57 =	vadd.s32 $0x6018, v1;
	v5 =	vld.idx.msk [tilespmem:v52+s3+$0x0], $0xffff  }
0x9b: {  	v58 =	vadd.s32 $0x6419, v1;
	v6 =	vld.idx.msk [tilespmem:v53+s3+$0x0], $0xffff  }
0x9c: {  	v59 =	vadd.s32 $0x681A, v1;
	v7 =	vld.idx.msk [tilespmem:v54+s3+$0x0], $0xffff  }
0x9d: {  	v60 =	vadd.s32 $0x6C1B, v1;
	v8 =	vld.idx.msk [tilespmem:v55+s3+$0x0], $0xffff  }
0x9e: {  	v61 =	vadd.s32 $0x701C, v1;
	v9 =	vld.idx.msk [tilespmem:v56+s3+$0x0], $0xffff  }
0x9f: {  	v62 =	vadd.s32 $0x741D, v1;
	v10 =	vld.idx.msk [tilespmem:v57+s3+$0x0], $0xffff  }
0xa0: {  	v63 =	vadd.s32 $0x781E, v1;
	v11 =	vld.idx.msk [tilespmem:v58+s3+$0x0], $0xffff  }
0xa1: {  	v1 =	vadd.s32 $0x7C1F, v1;
	v12 =	vld.idx.msk [tilespmem:v59+s3+$0x0], $0xffff  }
0xa2: {  	v13 =	vld.idx.msk [tilespmem:v60+s3+$0x0], $0xffff  }
0xa3: {  	v14 =	vld.idx.msk [tilespmem:v61+s3+$0x0], $0xffff  }
0xa4: {  	v15 =	vld.idx.msk [tilespmem:v62+s3+$0x0], $0xffff  }
0xa5: {  	s10 =	sor.u32 s11, s21;
	v16 =	vld.idx.msk [tilespmem:v63+s3+$0x0], $0xffff  }
0xa6: {  	s12 =	sor.u32 s11, s16;
	v1 =	vld.idx.msk [tilespmem:v1+s3+$0x0], $0xffff;
	[tilespmem:s10+$0x0] =	vst v2  }
0xa7: {  	s5 =	sor.u32 s11, s5;
	[tilespmem:s12+$0x0] =	vst v3  }
0xa8: {  	s15 =	sor.u32 s11, s18;
	[tilespmem:s5+$0x0] =	vst v4  }
0xa9: {  	s16 =	sor.u32 s11, s19;
	[tilespmem:s15+$0x0] =	vst v5  }
0xaa: {  	s18 =	sor.u32 s11, s23;
	[tilespmem:s16+$0x0] =	vst v6  }
0xab: {  	s19 =	sor.u32 s11, s14;
	[tilespmem:s18+$0x0] =	vst v7  }
0xac: {  	s20 =	sor.u32 s11, s17;
	[tilespmem:s19+$0x0] =	vst v8  }
0xad: {  	s21 =	sor.u32 s11, s7;
	[tilespmem:s20+$0x0] =	vst v9  }
0xae: {  	s22 =	sor.u32 s11, s8;
	[tilespmem:s21+$0x0] =	vst v10  }
0xaf: {  	s13 =	sadd.s32 $0x2, s13;
	s23 =	sor.u32 s11, s25;
	[tilespmem:s22+$0x0] =	vst v11  }
0xb0: {  	p2 =	slt.u32 s13, $0x1E;
	s25 =	sor.u32 s11, s24;
	[tilespmem:s23+$0x0] =	vst v12  }
.Ltmp2:
0xb1: {  	s26 =	sor.u32 s11, s26;
	[tilespmem:s25+$0x0] =	vst v13;
	(pc) =	sbr.rel @p2 .LBB2_4-.Ltmp2, $4  }
0xb2: {  	s2 =	sor.u32 s11, s2;
	[tilespmem:s26+$0x0] =	vst v14  }
0xb3: {  	s1 =	sor.u32 s11, s1;
	[tilespmem:s2+$0x0] =	vst v15  }
0xb4: {  	s30 =	sadd.s32 $0x1, s30;
	s29 =	sadd.s32 $0x20, s29;
	s28 =	sor.u32 s11, s4;
	[tilespmem:s1+$0x0] =	vst v16  }
0xb5: {  	s31 =	sadd.s32 $0x2, s31;
	s0 =	sadd.s32 $0x100, s0;
	s5 =	rddreg [dreg:$0x12];
	[tilespmem:s28+$0x0] =	vst v1  }
0xb6: {  	s0 =	rddreg [dreg:$0xf]  }
0xb7: {  	s0 =	smul.u32 $0x3E8000, s0  }
0xb8: {  	s1 =	rddreg [dreg:$0x11]  }
0xb9: {  	s28 =	rddreg [dreg:$0x7];
	s0 =	sadd.s32 s1, s0  }
0xba: {  	s29 =	simm.s32 $0x8000;
	[dreg:$0x14] =	wrdreg s0;
	s0 =	sshrl.u32 s0, $0x3  }
0xbb: {  	s2 =	simm.s32 $0x1000;
	s4 =	simm.s32 $0xE080;
	s0 =	sadd.s32 s0, s28  }
0xbc: {  	[hbm4b:s0+s2] =	stream.strided.scatter [tilespmem:s4], [sflag:$0x1], $0x4000, s29, s2, $0x38;
	[tilespmem:$0x16080] =	vst v63  }
0xbd: {  	s0 =	simm.s32 @!p1 $0x2  }
0xbe: {  	_ =	swait.ge @!p1 [sflag:s0], $0x4000  }
0xbf: {  	s11 =	simm.s32 $0xFFFFFFFE;
	s30 =	simm.s32 $0x0;
	[sflag:s0] =	ssyncset.done @!p1 $0x0  }
0xc0: {  	s31 =	simm.s32 $0x0;
	[sflag:s0] =	ssyncadd.s32 @!p1 $0xFFFFC000;
	s0 =	simm.s32 $0x0  }
.LBB2_6:
0xc1: {  	s20 =	sand.u32 $0xC00, s31  }
0xc2: {  	s2 =	sand.u32 $0x60, s30;
	s1 =	sadd.s32 s20, s5  }
0xc3: {  	s1 =	sadd.s32 s2, s1  }
0xc4: {  	v1 =	vld.idx.msk [tilespmem:v0+s1+$0x1000 ss:$0x1], $0xffff;
	_ =	sdelay $0x4  }
0xc5: {  	v2 =	vadd.s32 $0x401, v1  }
0xc6: {  	v3 =	vadd.s32 $0x802, v1  }
0xc7: {  	v4 =	vadd.s32 $0xC03, v1  }
0xc8: {  	v5 =	vadd.s32 $0x1004, v1  }
0xc9: {  	v7 =	vadd.s32 $0x1405, v1;
	v6 =	vld.idx.msk [tilespmem:v1+s3+$0x0], $0xffff  }
0xca: {  	v8 =	vadd.s32 $0x1806, v1;
	v2 =	vld.idx.msk [tilespmem:v2+s3+$0x0], $0xffff  }
0xcb: {  	v9 =	vadd.s32 $0x1C07, v1;
	v3 =	vld.idx.msk [tilespmem:v3+s3+$0x0], $0xffff  }
0xcc: {  	v10 =	vadd.s32 $0x2008, v1;
	v4 =	vld.idx.msk [tilespmem:v4+s3+$0x0], $0xffff  }
0xcd: {  	v11 =	vadd.s32 $0x2409, v1;
	v5 =	vld.idx.msk [tilespmem:v5+s3+$0x0], $0xffff  }
0xce: {  	v12 =	vadd.s32 $0x280A, v1;
	v7 =	vld.idx.msk [tilespmem:v7+s3+$0x0], $0xffff  }
0xcf: {  	v13 =	vadd.s32 $0x2C0B, v1;
	v8 =	vld.idx.msk [tilespmem:v8+s3+$0x0], $0xffff  }
0xd0: {  	v14 =	vadd.s32 $0x300C, v1;
	v9 =	vld.idx.msk [tilespmem:v9+s3+$0x0], $0xffff  }
0xd1: {  	v15 =	vadd.s32 $0x340D, v1;
	v10 =	vld.idx.msk [tilespmem:v10+s3+$0x0], $0xffff  }
0xd2: {  	v16 =	vadd.s32 $0x380E, v1;
	v11 =	vld.idx.msk [tilespmem:v11+s3+$0x0], $0xffff  }
0xd3: {  	v17 =	vadd.s32 $0x3C0F, v1;
	v12 =	vld.idx.msk [tilespmem:v12+s3+$0x0], $0xffff  }
0xd4: {  	v13 =	vld.idx.msk [tilespmem:v13+s3+$0x0], $0xffff  }
0xd5: {  	v14 =	vld.idx.msk [tilespmem:v14+s3+$0x0], $0xffff  }
0xd6: {  	s15 =	sor.u32 $0x12080, s20;
	v15 =	vld.idx.msk [tilespmem:v15+s3+$0x0], $0xffff  }
0xd7: {  	s1 =	sor.u32 s2, s15;
	v16 =	vld.idx.msk [tilespmem:v16+s3+$0x0], $0xffff  }
0xd8: {  	v17 =	vld.idx.msk [tilespmem:v17+s3+$0x0], $0xffff;
	[tilespmem:s1+$0x0] =	vst v6  }
0xd9: {  	[tilespmem:s1+$0x80] =	vst v2  }
0xda: {  	s4 =	sand.u32 $0x3, s0;
	[tilespmem:s1+$0x100] =	vst v3  }
0xdb: {  	s4 =	sshll.u32 s4, $0x5;
	[tilespmem:s1+$0x180] =	vst v4  }
0xdc: {  	s4 =	sadd.s32 s31, s4;
	[tilespmem:s1+$0x200] =	vst v5  }
0xdd: {  	s17 =	sor.u32 s31, s30;
	s16 =	sor.u32 $0x300, s4;
	[tilespmem:s1+$0x280] =	vst v7  }
0xde: {  	s18 =	sor.u32 $0x380, s17;
	s19 =	sor.u32 $0x13080, s20;
	[tilespmem:s16+$0x12080] =	vst v8  }
0xdf: {  	s22 =	sor.u32 $0x13100, s20;
	s21 =	sor.u32 s2, s19;
	[tilespmem:s18+$0x12080] =	vst v9  }
0xe0: {  	s9 =	sor.u32 $0x13180, s20;
	s23 =	sor.u32 s2, s22;
	[tilespmem:s21+$0x0] =	vst v10  }
0xe1: {  	s12 =	sor.u32 $0x13200, s20;
	s24 =	sor.u32 s2, s9;
	[tilespmem:s23+$0x0] =	vst v11  }
0xe2: {  	s10 =	sor.u32 $0x13280, s20;
	s25 =	sor.u32 s2, s12;
	[tilespmem:s24+$0x0] =	vst v12  }
0xe3: {  	[smem:$0x7FB] =	sst s22;
	s26 =	sor.u32 s2, s10;
	s22 =	sor.u32 $0x13300, s20;
	v2 =	vadd.s32 $0x4010, v1;
	[tilespmem:s25+$0x0] =	vst v13  }
0xe4: {  	s6 =	sor.u32 $0x13380, s20;
	s28 =	sor.u32 s2, s22;
	v3 =	vadd.s32 $0x4411, v1;
	[tilespmem:s26+$0x0] =	vst v14  }
0xe5: {  	s5 =	sadd.s32 $0x13400, s20;
	s29 =	sor.u32 s2, s6;
	v25 =	vadd.s32 $0x4812, v1;
	[tilespmem:s28+$0x0] =	vst v15  }
0xe6: {  	[dreg:$0x1e] =	wrdreg s4;
	s4 =	sor.u32 s2, s5;
	v26 =	vadd.s32 $0x4C13, v1;
	[tilespmem:s29+$0x0] =	vst v16  }
0xe7: {  	v27 =	vadd.s32 $0x5014, v1;
	[tilespmem:s4+$0x0] =	vst v17  }
0xe8: {  	v28 =	vadd.s32 $0x5415, v1;
	v2 =	vld.idx.msk [tilespmem:v2+s3+$0x0], $0xffff  }
0xe9: {  	v29 =	vadd.s32 $0x5816, v1;
	v3 =	vld.idx.msk [tilespmem:v3+s3+$0x0], $0xffff  }
0xea: {  	v30 =	vadd.s32 $0x5C17, v1;
	v4 =	vld.idx.msk [tilespmem:v25+s3+$0x0], $0xffff  }
0xeb: {  	v31 =	vadd.s32 $0x6018, v1;
	v5 =	vld.idx.msk [tilespmem:v26+s3+$0x0], $0xffff  }
0xec: {  	v32 =	vadd.s32 $0x6419, v1;
	v6 =	vld.idx.msk [tilespmem:v27+s3+$0x0], $0xffff  }
0xed: {  	v33 =	vadd.s32 $0x681A, v1;
	v7 =	vld.idx.msk [tilespmem:v28+s3+$0x0], $0xffff  }
0xee: {  	v34 =	vadd.s32 $0x6C1B, v1;
	v8 =	vld.idx.msk [tilespmem:v29+s3+$0x0], $0xffff  }
0xef: {  	v35 =	vadd.s32 $0x701C, v1;
	v9 =	vld.idx.msk [tilespmem:v30+s3+$0x0], $0xffff  }
0xf0: {  	v36 =	vadd.s32 $0x741D, v1;
	v10 =	vld.idx.msk [tilespmem:v31+s3+$0x0], $0xffff  }
0xf1: {  	v37 =	vadd.s32 $0x781E, v1;
	v11 =	vld.idx.msk [tilespmem:v32+s3+$0x0], $0xffff  }
0xf2: {  	v1 =	vadd.s32 $0x7C1F, v1;
	v12 =	vld.idx.msk [tilespmem:v33+s3+$0x0], $0xffff  }
0xf3: {  	v13 =	vld.idx.msk [tilespmem:v34+s3+$0x0], $0xffff  }
0xf4: {  	v14 =	vld.idx.msk [tilespmem:v35+s3+$0x0], $0xffff  }
0xf5: {  	s21 =	sor.u32 $0x14080, s20;
	v15 =	vld.idx.msk [tilespmem:v36+s3+$0x0], $0xffff  }
0xf6: {  	s16 =	sor.u32 $0x14100, s20;
	s7 =	sor.u32 s2, s21;
	v16 =	vld.idx.msk [tilespmem:v37+s3+$0x0], $0xffff  }
0xf7: {  	s8 =	sor.u32 s2, s16;
	s4 =	sor.u32 $0x14180, s20;
	v1 =	vld.idx.msk [tilespmem:v1+s3+$0x0], $0xffff;
	[tilespmem:s7+$0x0] =	vst v2  }
0xf8: {  	s18 =	sor.u32 $0x14200, s20;
	s13 =	sor.u32 s2, s4;
	[tilespmem:s8+$0x0] =	vst v3  }
0xf9: {  	[dreg:$0x1a] =	wrdreg s19;
	s19 =	sor.u32 $0x14280, s20;
	s14 =	sor.u32 s2, s18;
	[tilespmem:s13+$0x0] =	vst v4  }
0xfa: {  	[dreg:$0x16] =	wrdreg s15;
	s15 =	sor.u32 s2, s19;
	s23 =	sor.u32 $0x14300, s20;
	[tilespmem:s14+$0x0] =	vst v5  }
0xfb: {  	s17 =	sor.u32 s2, s23;
	s14 =	sor.u32 $0x14380, s20;
	[tilespmem:s15+$0x0] =	vst v6  }
0xfc: {  	s24 =	sor.u32 s2, s14;
	[tilespmem:s17+$0x0] =	vst v7;
	s17 =	sadd.s32 $0x14400, s20  }
0xfd: {  	s7 =	sor.u32 $0x15080, s20;
	[tilespmem:s24+$0x0] =	vst v8;
	s25 =	sor.u32 s2, s17  }
0xfe: {  	s26 =	sor.u32 s2, s7;
	s8 =	sor.u32 $0x15100, s20;
	[tilespmem:s25+$0x0] =	vst v9  }
0xff: {  	s28 =	sor.u32 s2, s8;
	s25 =	sor.u32 $0x15180, s20;
	[tilespmem:s26+$0x0] =	vst v10  }
0x100: {  	s24 =	sor.u32 $0x15200, s20;
	s29 =	sor.u32 s2, s25;
	[tilespmem:s28+$0x0] =	vst v11  }
0x101: {  	s13 =	sor.u32 s2, s24;
	s26 =	sor.u32 $0x15280, s20;
	[tilespmem:s29+$0x0] =	vst v12  }
0x102: {  	s1 =	sor.u32 $0x15300, s20;
	s29 =	sor.u32 s2, s26;
	[tilespmem:s13+$0x0] =	vst v13  }
0x103: {  	s15 =	sor.u32 s2, s1;
	s28 =	sor.u32 $0x15380, s20;
	[tilespmem:s29+$0x0] =	vst v14  }
0x104: {  	s20 =	sadd.s32 $0x15400, s20;
	s13 =	sadd.s32 $0x1080, s31;
	s29 =	sor.u32 s2, s28;
	[tilespmem:s15+$0x0] =	vst v15  }
0x105: {  	s13 =	sand.u32 $0x1C00, s13;
	s15 =	sadd.s32 $0x210, s30;
	[tilespmem:s29+$0x0] =	vst v16;
	s29 =	rddreg [dreg:$0x12]  }
0x106: {  	s15 =	sand.u32 $0x70, s15;
	s13 =	sadd.s32 s13, s29;
	s29 =	sor.u32 s2, s20  }
0x107: {  	[tilespmem:s29+$0x0] =	vst v1;
	s13 =	sadd.s32 s15, s13  }
0x108: {  	v1 =	vld.idx.msk [tilespmem:v0+s13+$0x0 ss:$0x1], $0xffff;
	_ =	sdelay $0x4  }
0x109: {  	v2 =	vadd.s32 $0x401, v1  }
0x10a: {  	v3 =	vadd.s32 $0x802, v1  }
0x10b: {  	v38 =	vadd.s32 $0xC03, v1  }
0x10c: {  	v39 =	vadd.s32 $0x1004, v1  }
0x10d: {  	v40 =	vadd.s32 $0x1405, v1;
	v6 =	vld.idx.msk [tilespmem:v1+s3+$0x0], $0xffff  }
0x10e: {  	v41 =	vadd.s32 $0x1806, v1;
	v2 =	vld.idx.msk [tilespmem:v2+s3+$0x0], $0xffff  }
0x10f: {  	v42 =	vadd.s32 $0x1C07, v1;
	v3 =	vld.idx.msk [tilespmem:v3+s3+$0x0], $0xffff  }
0x110: {  	v43 =	vadd.s32 $0x2008, v1;
	v4 =	vld.idx.msk [tilespmem:v38+s3+$0x0], $0xffff  }
0x111: {  	v44 =	vadd.s32 $0x2409, v1;
	v5 =	vld.idx.msk [tilespmem:v39+s3+$0x0], $0xffff  }
0x112: {  	v45 =	vadd.s32 $0x280A, v1;
	v7 =	vld.idx.msk [tilespmem:v40+s3+$0x0], $0xffff  }
0x113: {  	v46 =	vadd.s32 $0x2C0B, v1;
	v8 =	vld.idx.msk [tilespmem:v41+s3+$0x0], $0xffff  }
0x114: {  	v47 =	vadd.s32 $0x300C, v1;
	v9 =	vld.idx.msk [tilespmem:v42+s3+$0x0], $0xffff  }
0x115: {  	v48 =	vadd.s32 $0x340D, v1;
	v10 =	vld.idx.msk [tilespmem:v43+s3+$0x0], $0xffff  }
0x116: {  	v49 =	vadd.s32 $0x380E, v1;
	v11 =	vld.idx.msk [tilespmem:v44+s3+$0x0], $0xffff  }
0x117: {  	v50 =	vadd.s32 $0x3C0F, v1;
	v12 =	vld.idx.msk [tilespmem:v45+s3+$0x0], $0xffff  }
0x118: {  	v13 =	vld.idx.msk [tilespmem:v46+s3+$0x0], $0xffff  }
0x119: {  	v14 =	vld.idx.msk [tilespmem:v47+s3+$0x0], $0xffff  }
0x11a: {  	s2 =	sor.u32 $0x10, s2;
	s15 =	rddreg [dreg:$0x16];
	v15 =	vld.idx.msk [tilespmem:v48+s3+$0x0], $0xffff  }
0x11b: {  	s13 =	sor.u32 s2, s15;
	v16 =	vld.idx.msk [tilespmem:v49+s3+$0x0], $0xffff  }
0x11c: {  	v17 =	vld.idx.msk [tilespmem:v50+s3+$0x0], $0xffff;
	[tilespmem:s13+$0x0] =	vst v6  }
0x11d: {  	[tilespmem:s13+$0x80] =	vst v2  }
0x11e: {  	[tilespmem:s13+$0x100] =	vst v3  }
0x11f: {  	s29 =	rddreg [dreg:$0x1e];
	[tilespmem:s13+$0x180] =	vst v4  }
0x120: {  	s15 =	sadd.s32 $0x10, s29;
	[tilespmem:s13+$0x200] =	vst v5  }
0x121: {  	s29 =	sor.u32 $0x300, s15;
	[tilespmem:s13+$0x280] =	vst v7  }
0x122: {  	[tilespmem:s29+$0x12080] =	vst v8;
	s29 =	sor.u32 $0x380, s15  }
0x123: {  	[tilespmem:s29+$0x12080] =	vst v9;
	s29 =	sld [smem:$0x7FB]  }
0x124: {  	s15 =	rddreg [dreg:$0x1a]  }
0x125: {  	s13 =	sor.u32 s2, s15  }
0x126: {  	[tilespmem:s13+$0x0] =	vst v10;
	s13 =	sor.u32 s2, s29  }
0x127: {  	s9 =	sor.u32 s2, s9;
	[tilespmem:s13+$0x0] =	vst v11  }
0x128: {  	s13 =	sor.u32 s2, s12;
	[tilespmem:s9+$0x0] =	vst v12  }
0x129: {  	v2 =	vadd.s32 $0x4010, v1;
	s15 =	sor.u32 s2, s10;
	[tilespmem:s13+$0x0] =	vst v13  }
0x12a: {  	v3 =	vadd.s32 $0x4411, v1;
	s29 =	sor.u32 s2, s22;
	[tilespmem:s15+$0x0] =	vst v14  }
0x12b: {  	s6 =	sor.u32 s2, s6;
	v51 =	vadd.s32 $0x4812, v1;
	[tilespmem:s29+$0x0] =	vst v15  }
0x12c: {  	s5 =	sor.u32 s2, s5;
	v52 =	vadd.s32 $0x4C13, v1;
	[tilespmem:s6+$0x0] =	vst v16  }
0x12d: {  	v53 =	vadd.s32 $0x5014, v1;
	[tilespmem:s5+$0x0] =	vst v17  }
0x12e: {  	v54 =	vadd.s32 $0x5415, v1;
	v2 =	vld.idx.msk [tilespmem:v2+s3+$0x0], $0xffff  }
0x12f: {  	v55 =	vadd.s32 $0x5816, v1;
	v3 =	vld.idx.msk [tilespmem:v3+s3+$0x0], $0xffff  }
0x130: {  	v56 =	vadd.s32 $0x5C17, v1;
	v4 =	vld.idx.msk [tilespmem:v51+s3+$0x0], $0xffff  }
0x131: {  	v57 =	vadd.s32 $0x6018, v1;
	v5 =	vld.idx.msk [tilespmem:v52+s3+$0x0], $0xffff  }
0x132: {  	v58 =	vadd.s32 $0x6419, v1;
	v6 =	vld.idx.msk [tilespmem:v53+s3+$0x0], $0xffff  }
0x133: {  	v59 =	vadd.s32 $0x681A, v1;
	v7 =	vld.idx.msk [tilespmem:v54+s3+$0x0], $0xffff  }
0x134: {  	v60 =	vadd.s32 $0x6C1B, v1;
	v8 =	vld.idx.msk [tilespmem:v55+s3+$0x0], $0xffff  }
0x135: {  	v61 =	vadd.s32 $0x701C, v1;
	v9 =	vld.idx.msk [tilespmem:v56+s3+$0x0], $0xffff  }
0x136: {  	v62 =	vadd.s32 $0x741D, v1;
	v10 =	vld.idx.msk [tilespmem:v57+s3+$0x0], $0xffff  }
0x137: {  	v63 =	vadd.s32 $0x781E, v1;
	v11 =	vld.idx.msk [tilespmem:v58+s3+$0x0], $0xffff  }
0x138: {  	v1 =	vadd.s32 $0x7C1F, v1;
	v12 =	vld.idx.msk [tilespmem:v59+s3+$0x0], $0xffff  }
0x139: {  	v13 =	vld.idx.msk [tilespmem:v60+s3+$0x0], $0xffff  }
0x13a: {  	v14 =	vld.idx.msk [tilespmem:v61+s3+$0x0], $0xffff  }
0x13b: {  	v15 =	vld.idx.msk [tilespmem:v62+s3+$0x0], $0xffff  }
0x13c: {  	s10 =	sor.u32 s2, s21;
	v16 =	vld.idx.msk [tilespmem:v63+s3+$0x0], $0xffff  }
0x13d: {  	s12 =	sor.u32 s2, s16;
	v1 =	vld.idx.msk [tilespmem:v1+s3+$0x0], $0xffff;
	[tilespmem:s10+$0x0] =	vst v2  }
0x13e: {  	s4 =	sor.u32 s2, s4;
	[tilespmem:s12+$0x0] =	vst v3  }
0x13f: {  	s13 =	sor.u32 s2, s18;
	[tilespmem:s4+$0x0] =	vst v4  }
0x140: {  	s15 =	sor.u32 s2, s19;
	[tilespmem:s13+$0x0] =	vst v5  }
0x141: {  	s16 =	sor.u32 s2, s23;
	[tilespmem:s15+$0x0] =	vst v6  }
0x142: {  	s18 =	sor.u32 s2, s14;
	[tilespmem:s16+$0x0] =	vst v7  }
0x143: {  	s19 =	sor.u32 s2, s17;
	[tilespmem:s18+$0x0] =	vst v8  }
0x144: {  	s21 =	sor.u32 s2, s7;
	[tilespmem:s19+$0x0] =	vst v9  }
0x145: {  	s22 =	sor.u32 s2, s8;
	[tilespmem:s21+$0x0] =	vst v10  }
0x146: {  	s11 =	sadd.s32 $0x2, s11;
	s23 =	sor.u32 s2, s25;
	[tilespmem:s22+$0x0] =	vst v11  }
0x147: {  	p1 =	slt.u32 s11, $0x1E;
	s25 =	sor.u32 s2, s24;
	[tilespmem:s23+$0x0] =	vst v12  }
.Ltmp3:
0x148: {  	s26 =	sor.u32 s2, s26;
	[tilespmem:s25+$0x0] =	vst v13;
	(pc) =	sbr.rel @p1 .LBB2_6-.Ltmp3, $4  }
0x149: {  	s1 =	sor.u32 s2, s1;
	[tilespmem:s26+$0x0] =	vst v14  }
0x14a: {  	s28 =	sor.u32 s2, s28;
	[tilespmem:s1+$0x0] =	vst v15  }
0x14b: {  	s0 =	sadd.s32 $0x1, s0;
	s29 =	sor.u32 s2, s20;
	[tilespmem:s28+$0x0] =	vst v16  }
0x14c: {  	s31 =	sadd.s32 $0x100, s31;
	s30 =	sadd.s32 $0x20, s30;
	s5 =	rddreg [dreg:$0x12];
	[tilespmem:s29+$0x0] =	vst v1  }
0x14d: {  	s0 =	rddreg [dreg:$0x8]  }
0x14e: {  	s1 =	rddreg [dreg:$0x14]  }
0x14f: {  	s29 =	rddreg [dreg:$0x2];
	s0 =	sor.u32 s0, s1  }
0x150: {  	s30 =	simm.s32 $0x8000;
	s2 =	simm.s32 $0x1000;
	s0 =	sshrl.u32 s0, $0x3  }
0x151: {  	s4 =	simm.s32 $0x12080;
	s31 =	rddreg [dreg:$0xf];
	s0 =	sadd.s32 s29, s0  }
0x152: {  	[hbm4b:s0+s2] =	stream.strided.scatter [tilespmem:s4], [sflag:$0x2], $0x4000, s30, s2, $0x38;
	[tilespmem:$0x16080] =	vst v63  }
0x153: {  	s2 =	sadd.s32 $0x1, s31  }
0x154: {  	p1 =	sne.s32 s2, $0x14  }
.Ltmp4:
0x155: {  	_ = 	snop;
	(pc) =	sbr.rel @p1 .LBB2_3-.Ltmp4, $1  }
0x156: {  	_ =	sdelay $0x3  }
0x157: {  	s0 =	simm.s32 $0x1  }
0x158: {  	_ =	swait.ge [sflag:s0], $0x4000  }
0x159: {  	[sflag:s0] =	ssyncset.done $0x0  }
0x15a: {  	s31 =	simm.s32 $0x2;
	[sflag:s0] =	ssyncadd.s32 $0xFFFFC000  }
0x15b: {  	_ =	swait.ge [sflag:s31], $0x4000  }
0x15c: {  	s1 =	rddreg [dreg:$0xe]  }
0x15d: {  	s1 =	sadd.s32 $0x1, s1  }
0x15e: {  	p1 =	sne.s32 s1, $0x3  }
.Ltmp5:
0x15f: {  	_ = 	snop;
	(pc) =	sbr.rel @p1 .LBB2_2-.Ltmp5, $3  }
0x160: {  	_ =	sdelay $0x1  }
0x161: {  	[sflag:s31] =	ssyncset.done $0x0  }
0x162: {  	[sflag:s31] =	ssyncadd.s32 $0xFFFFC000  }
.Ltmp6:
0x163: {  	(pc) =	sbr.rel @!p0 .LBB2_10-.Ltmp6, $1  }
0x164: {  	_ =	sdelay $0x3  }
0x165: {  	s0 =	simm.s32 $0x0;
	s1 =	rddreg [dreg:$0xb];
	s31 =	simm.s32 $0x3  }
0x166: {  	[tilespmem:s0], [sflag:$0x3] =	stream.linear.gather [hbm4b:s1+s0], $0x2008, $0x38;
	[tilespmem:$0x16080] =	vst v63  }
0x167: {  	_ =	swait.ge [sflag:s31], $0x2008  }
0x168: {  	[sflag:s31] =	ssyncset.done $0x0  }
0x169: {  	[sflag:s31] =	ssyncadd.s32 $0xFFFFDFF8  }
.LBB2_18:
0x16a: {  	p1 =	seq.s32 s0, $0x0;
	s2 =	sshll.u32 s0, $0xA;
	s4 =	sshll.u32 s0, $0x7  }
0x16b: {  	s6 =	simm.s32 $0x0;
	s7 =	simm.s32 $0x0;
	s1 =	simm.s32 @!p1 $0x1  }
0x16c: {  	s31 =	sand.u32 $0x6000, s2;
	s5 =	sand.u32 $0x380, s4;
	_ =	swait.ge @!p1 [sflag:s1], $0x1000  }
0x16d: {  	s4 =	simm.s32 $0x0;
	s2 =	sor.u32 $0x8080, s31;
	v0 =	vmov s5;
	[sflag:s1] =	ssyncset.done @!p1 $0x0  }
0x16e: {  	s5 =	simm.s32 $0x0;
	[sflag:s1] =	ssyncadd.s32 @!p1 $0xFFFFF000;
	s1 =	simm.s32 $0xFFFFFFFE  }
.LBB2_19:
0x16f: {  	s8 =	sand.u32 $0xC00, s7  }
0x170: {  	s9 =	sand.u32 $0x60, s4;
	s10 =	sadd.s32 s8, s2  }
0x171: {  	s11 =	sadd.s32 s9, s10  }
0x172: {  	v1 =	vld.idx.msk [tilespmem:v0+s11+$0x0 ss:$0x1], $0xffff;
	_ =	sdelay $0x4  }
0x173: {  	v2 =	vadd.s32 $0x401, v1  }
0x174: {  	v3 =	vadd.s32 $0x802, v1  }
0x175: {  	v4 =	vadd.s32 $0xC03, v1  }
0x176: {  	v5 =	vadd.s32 $0x1004, v1  }
0x177: {  	v7 =	vadd.s32 $0x1405, v1;
	v6 =	vld.idx.msk [tilespmem:v1+s3+$0x0], $0xffff  }
0x178: {  	v8 =	vadd.s32 $0x1806, v1;
	v2 =	vld.idx.msk [tilespmem:v2+s3+$0x0], $0xffff  }
0x179: {  	v1 =	vadd.s32 $0x1C07, v1;
	v3 =	vld.idx.msk [tilespmem:v3+s3+$0x0], $0xffff  }
0x17a: {  	v4 =	vld.idx.msk [tilespmem:v4+s3+$0x0], $0xffff  }
0x17b: {  	v5 =	vld.idx.msk [tilespmem:v5+s3+$0x0], $0xffff  }
0x17c: {  	s8 =	sor.u32 $0xE080, s8;
	v7 =	vld.idx.msk [tilespmem:v7+s3+$0x0], $0xffff  }
0x17d: {  	s9 =	sor.u32 s9, s8;
	v8 =	vld.idx.msk [tilespmem:v8+s3+$0x0], $0xffff  }
0x17e: {  	v1 =	vld.idx.msk [tilespmem:v1+s3+$0x0], $0xffff;
	[tilespmem:s9+$0x0] =	vst v6  }
0x17f: {  	[tilespmem:s9+$0x80] =	vst v2  }
0x180: {  	s21 =	sand.u32 $0x3, s5;
	[tilespmem:s9+$0x100] =	vst v3  }
0x181: {  	s11 =	sshll.u32 s21, $0x5;
	[tilespmem:s9+$0x180] =	vst v4  }
0x182: {  	s11 =	sadd.s32 s11, s7;
	[tilespmem:s9+$0x200] =	vst v5  }
0x183: {  	s23 =	sor.u32 s4, s7;
	s12 =	sadd.s32 $0x10, s4;
	s22 =	sor.u32 $0x300, s11;
	[tilespmem:s9+$0x280] =	vst v7  }
0x184: {  	s24 =	sor.u32 $0x380, s23;
	s25 =	sand.u32 $0x70, s12;
	[tilespmem:s22+$0xE080] =	vst v8  }
0x185: {  	s26 =	sadd.s32 s25, s10;
	[tilespmem:s24+$0xE080] =	vst v1  }
0x186: {  	v1 =	vld.idx.msk [tilespmem:v0+s26+$0x0 ss:$0x1], $0xffff;
	_ =	sdelay $0x4  }
0x187: {  	v2 =	vadd.s32 $0x401, v1  }
0x188: {  	v3 =	vadd.s32 $0x802, v1  }
0x189: {  	v60 =	vadd.s32 $0xC03, v1  }
0x18a: {  	v61 =	vadd.s32 $0x1004, v1  }
0x18b: {  	v62 =	vadd.s32 $0x1405, v1;
	v6 =	vld.idx.msk [tilespmem:v1+s3+$0x0], $0xffff  }
0x18c: {  	v63 =	vadd.s32 $0x1806, v1;
	v2 =	vld.idx.msk [tilespmem:v2+s3+$0x0], $0xffff  }
0x18d: {  	v1 =	vadd.s32 $0x1C07, v1;
	v3 =	vld.idx.msk [tilespmem:v3+s3+$0x0], $0xffff  }
0x18e: {  	v4 =	vld.idx.msk [tilespmem:v60+s3+$0x0], $0xffff  }
0x18f: {  	v5 =	vld.idx.msk [tilespmem:v61+s3+$0x0], $0xffff  }
0x190: {  	v7 =	vld.idx.msk [tilespmem:v62+s3+$0x0], $0xffff  }
0x191: {  	s8 =	sor.u32 s25, s8;
	v8 =	vld.idx.msk [tilespmem:v63+s3+$0x0], $0xffff  }
0x192: {  	v1 =	vld.idx.msk [tilespmem:v1+s3+$0x0], $0xffff;
	[tilespmem:s8+$0x0] =	vst v6  }
0x193: {  	s28 =	sand.u32 $0x7, s6;
	s1 =	sadd.s32 $0x2, s1;
	[tilespmem:s8+$0x80] =	vst v2  }
0x194: {  	p2 =	slt.u32 s1, $0x1E;
	s9 =	sshll.u32 s28, $0x4;
	[tilespmem:s8+$0x100] =	vst v3  }
.Ltmp7:
0x195: {  	s9 =	sadd.s32 s7, s9;
	[tilespmem:s8+$0x180] =	vst v4;
	(pc) =	sbr.rel @p2 .LBB2_19-.Ltmp7, $4  }
0x196: {  	s9 =	sadd.s32 $0x10, s9;
	[tilespmem:s8+$0x200] =	vst v5  }
0x197: {  	s30 =	sor.u32 s12, s7;
	s29 =	sor.u32 $0x300, s9;
	[tilespmem:s8+$0x280] =	vst v7  }
0x198: {  	s6 =	sadd.s32 $0x2, s6;
	s31 =	sor.u32 $0x380, s30;
	[tilespmem:s29+$0xE080] =	vst v8  }
0x199: {  	s5 =	sadd.s32 $0x1, s5;
	s4 =	sadd.s32 $0x20, s4;
	s7 =	sadd.s32 $0x100, s7;
	[tilespmem:s31+$0xE080] =	vst v1  }
0x19a: {  	s1 =	smul.u32 $0x3E8000, s0;
	_ =	sdelay $0x1  }
0x19b: {  	s1 =	sadd.s32 $0x3E0000, s1  }
0x19c: {  	s5 =	rddreg [dreg:$0x7];
	s4 =	sshrl.u32 s1, $0x3  }
0x19d: {  	s31 =	simm.s32 $0xE080;
	s4 =	sadd.s32 s4, s5  }
0x19e: {  	[hbm4b:s4+s3] =	stream.linear.scatter [tilespmem:s31], [sflag:$0x1], $0x1000, $0x38;
	[tilespmem:$0x16080] =	vst v63  }
0x19f: {  	s4 =	simm.s32 @!p1 $0x2  }
0x1a0: {  	_ =	swait.ge @!p1 [sflag:s4], $0x1000  }
0x1a1: {  	s6 =	simm.s32 $0x0;
	s7 =	simm.s32 $0x0;
	[sflag:s4] =	ssyncset.done @!p1 $0x0  }
0x1a2: {  	s5 =	simm.s32 $0x0;
	[sflag:s4] =	ssyncadd.s32 @!p1 $0xFFFFF000;
	s4 =	simm.s32 $0xFFFFFFFE  }
.LBB2_21:
0x1a3: {  	s8 =	sand.u32 $0xC00, s7  }
0x1a4: {  	s9 =	sand.u32 $0x60, s5;
	s10 =	sadd.s32 s8, s2  }
0x1a5: {  	s10 =	sadd.s32 s9, s10  }
0x1a6: {  	v1 =	vld.idx.msk [tilespmem:v0+s10+$0x1000 ss:$0x1], $0xffff;
	_ =	sdelay $0x4  }
0x1a7: {  	v2 =	vadd.s32 $0x401, v1  }
0x1a8: {  	v3 =	vadd.s32 $0x802, v1  }
0x1a9: {  	v4 =	vadd.s32 $0xC03, v1  }
0x1aa: {  	v5 =	vadd.s32 $0x1004, v1  }
0x1ab: {  	v7 =	vadd.s32 $0x1405, v1;
	v6 =	vld.idx.msk [tilespmem:v1+s3+$0x0], $0xffff  }
0x1ac: {  	v8 =	vadd.s32 $0x1806, v1;
	v2 =	vld.idx.msk [tilespmem:v2+s3+$0x0], $0xffff  }
0x1ad: {  	v1 =	vadd.s32 $0x1C07, v1;
	v3 =	vld.idx.msk [tilespmem:v3+s3+$0x0], $0xffff  }
0x1ae: {  	v4 =	vld.idx.msk [tilespmem:v4+s3+$0x0], $0xffff  }
0x1af: {  	v5 =	vld.idx.msk [tilespmem:v5+s3+$0x0], $0xffff  }
0x1b0: {  	v7 =	vld.idx.msk [tilespmem:v7+s3+$0x0], $0xffff  }
0x1b1: {  	s8 =	sor.u32 s9, s8;
	v8 =	vld.idx.msk [tilespmem:v8+s3+$0x0], $0xffff  }
0x1b2: {  	v1 =	vld.idx.msk [tilespmem:v1+s3+$0x0], $0xffff;
	[tilespmem:s8+$0x12080] =	vst v6  }
0x1b3: {  	[tilespmem:s8+$0x12100] =	vst v2  }
0x1b4: {  	s24 =	sand.u32 $0x3, s6;
	[tilespmem:s8+$0x12180] =	vst v3  }
0x1b5: {  	s9 =	sshll.u32 s24, $0x5;
	[tilespmem:s8+$0x12200] =	vst v4  }
0x1b6: {  	s11 =	sadd.s32 $0x1080, s7;
	s12 =	sor.u32 s7, s5;
	s9 =	sadd.s32 s7, s9;
	[tilespmem:s8+$0x12280] =	vst v5  }
0x1b7: {  	s13 =	sadd.s32 $0x210, s5;
	s11 =	sand.u32 $0x1C00, s11;
	s25 =	sor.u32 $0x300, s9;
	[tilespmem:s8+$0x12300] =	vst v7  }
0x1b8: {  	s26 =	sor.u32 $0x380, s12;
	s28 =	sand.u32 $0x70, s13;
	s11 =	sadd.s32 s11, s2;
	[tilespmem:s25+$0x12080] =	vst v8  }
0x1b9: {  	s29 =	sadd.s32 s28, s11;
	[tilespmem:s26+$0x12080] =	vst v1  }
0x1ba: {  	v1 =	vld.idx.msk [tilespmem:v0+s29+$0x0 ss:$0x1], $0xffff;
	_ =	sdelay $0x4  }
0x1bb: {  	v2 =	vadd.s32 $0x401, v1  }
0x1bc: {  	v3 =	vadd.s32 $0x802, v1  }
0x1bd: {  	v60 =	vadd.s32 $0xC03, v1  }
0x1be: {  	v61 =	vadd.s32 $0x1004, v1  }
0x1bf: {  	v62 =	vadd.s32 $0x1405, v1;
	v6 =	vld.idx.msk [tilespmem:v1+s3+$0x0], $0xffff  }
0x1c0: {  	v63 =	vadd.s32 $0x1806, v1;
	v2 =	vld.idx.msk [tilespmem:v2+s3+$0x0], $0xffff  }
0x1c1: {  	v1 =	vadd.s32 $0x1C07, v1;
	v3 =	vld.idx.msk [tilespmem:v3+s3+$0x0], $0xffff  }
0x1c2: {  	v4 =	vld.idx.msk [tilespmem:v60+s3+$0x0], $0xffff  }
0x1c3: {  	v5 =	vld.idx.msk [tilespmem:v61+s3+$0x0], $0xffff  }
0x1c4: {  	v7 =	vld.idx.msk [tilespmem:v62+s3+$0x0], $0xffff  }
0x1c5: {  	v8 =	vld.idx.msk [tilespmem:v63+s3+$0x0], $0xffff  }
0x1c6: {  	v1 =	vld.idx.msk [tilespmem:v1+s3+$0x0], $0xffff;
	[tilespmem:s8+$0x12090] =	vst v6  }
0x1c7: {  	s4 =	sadd.s32 $0x2, s4;
	[tilespmem:s8+$0x12110] =	vst v2  }
0x1c8: {  	p1 =	slt.u32 s4, $0x1E;
	[tilespmem:s8+$0x12190] =	vst v3  }
.Ltmp8:
0x1c9: {  	[tilespmem:s8+$0x12210] =	vst v4;
	(pc) =	sbr.rel @p1 .LBB2_21-.Ltmp8, $4  }
0x1ca: {  	s9 =	sadd.s32 $0x10, s9;
	[tilespmem:s8+$0x12290] =	vst v5  }
0x1cb: {  	s30 =	sor.u32 $0x300, s9;
	[tilespmem:s8+$0x12310] =	vst v7  }
0x1cc: {  	s31 =	sor.u32 $0x380, s9;
	[tilespmem:s30+$0x12080] =	vst v8  }
0x1cd: {  	s6 =	sadd.s32 $0x1, s6;
	s5 =	sadd.s32 $0x20, s5;
	s7 =	sadd.s32 $0x100, s7;
	[tilespmem:s31+$0x12080] =	vst v1  }
0x1ce: {  	s0 =	sadd.s32 $0x1, s0  }
0x1cf: {  	p1 =	sne.s32 s0, $0x14  }
.Ltmp9:
0x1d0: {  	s2 =	rddreg [dreg:$0x8];
	(pc) =	sbr.rel @p1 .LBB2_18-.Ltmp9, $4  }
0x1d1: {  	s1 =	sor.u32 s2, s1  }
0x1d2: {  	s30 =	rddreg [dreg:$0x2];
	s1 =	sshrl.u32 s1, $0x3  }
0x1d3: {  	s31 =	simm.s32 $0x12080;
	s1 =	sadd.s32 s30, s1  }
0x1d4: {  	[hbm4b:s1+s3] =	stream.linear.scatter [tilespmem:s31], [sflag:$0x2], $0x1000, $0x38;
	[tilespmem:$0x16080] =	vst v63  }
0x1d5: {  	s0 =	simm.s32 $0x1  }
0x1d6: {  	_ =	swait.ge [sflag:s0], $0x1000  }
.Ltmp10:
0x1d7: {  	[sflag:s0] =	ssyncset.done $0x0;
	(pc) =	sbr.rel .LBB2_24-.Ltmp10, $4  }
0x1d8: {  	s31 =	simm.s32 $0x2;
	[sflag:s0] =	ssyncadd.s32 $0xFFFFF000  }
0x1d9: {  	_ =	swait.ge [sflag:s31], $0x1000  }
0x1da: {  	[sflag:s31] =	ssyncset.done $0x0  }
0x1db: {  	s1 =	rddreg [dreg:$0xd];
	[sflag:s31] =	ssyncadd.s32 $0xFFFFF000  }
.LBB2_10:
0x1dc: {  	s2 =	simm.s32 $0x0;
	s0 =	rddreg [dreg:$0x9];
	s31 =	simm.s32 $0x3  }
0x1dd: {  	[tilespmem:s2], [sflag:$0x3] =	stream.linear.gather [hbm4b:s0+s2], $0x8020, $0x38;
	[tilespmem:$0x16080] =	vst v63  }
0x1de: {  	_ =	swait.ge [sflag:s31], $0x8020  }
0x1df: {  	[sflag:s31] =	ssyncset.done $0x0  }
0x1e0: {  	[sflag:s31] =	ssyncadd.s32 $0xFFFF7FE0  }
.LBB2_11:
0x1e1: {  	p1 =	seq.s32 s2, $0x0;
	s1 =	sshll.u32 s2, $0xA  }
0x1e2: {  	s26 =	sshll.u32 s2, $0x7;
	s11 =	simm.s32 $0xFFFFFFFE;
	s28 =	simm.s32 $0x0  }
0x1e3: {  	s29 =	simm.s32 $0x0;
	s0 =	simm.s32 @!p1 $0x1;
	s30 =	sand.u32 $0x6000, s1  }
0x1e4: {  	s31 =	sand.u32 $0x380, s26;
	s26 =	simm.s32 $0x0;
	_ =	swait.ge @!p1 [sflag:s0], $0x4000  }
0x1e5: {  	[dreg:$0x10] =	wrdreg s2;
	s5 =	sor.u32 $0x8080, s30;
	v0 =	vmov s31;
	[sflag:s0] =	ssyncset.done @!p1 $0x0  }
0x1e6: {  	[dreg:$0x13] =	wrdreg s5;
	[sflag:s0] =	ssyncadd.s32 @!p1 $0xFFFFC000;
	s0 =	simm.s32 $0x0  }
.LBB2_12:
0x1e7: {  	s4 =	sand.u32 $0xC00, s0  }
0x1e8: {  	s6 =	sand.u32 $0x60, s26;
	s15 =	sadd.s32 s4, s5  }
0x1e9: {  	s1 =	sadd.s32 s6, s15  }
0x1ea: {  	v1 =	vld.idx.msk [tilespmem:v0+s1+$0x0 ss:$0x1], $0xffff;
	_ =	sdelay $0x4  }
0x1eb: {  	v2 =	vadd.s32 $0x401, v1  }
0x1ec: {  	v3 =	vadd.s32 $0x802, v1  }
0x1ed: {  	v4 =	vadd.s32 $0xC03, v1  }
0x1ee: {  	v5 =	vadd.s32 $0x1004, v1  }
0x1ef: {  	v7 =	vadd.s32 $0x1405, v1;
	v6 =	vld.idx.msk [tilespmem:v1+s3+$0x0], $0xffff  }
0x1f0: {  	v8 =	vadd.s32 $0x1806, v1;
	v2 =	vld.idx.msk [tilespmem:v2+s3+$0x0], $0xffff  }
0x1f1: {  	v9 =	vadd.s32 $0x1C07, v1;
	v3 =	vld.idx.msk [tilespmem:v3+s3+$0x0], $0xffff  }
0x1f2: {  	v10 =	vadd.s32 $0x2008, v1;
	v4 =	vld.idx.msk [tilespmem:v4+s3+$0x0], $0xffff  }
0x1f3: {  	v11 =	vadd.s32 $0x2409, v1;
	v5 =	vld.idx.msk [tilespmem:v5+s3+$0x0], $0xffff  }
0x1f4: {  	v12 =	vadd.s32 $0x280A, v1;
	v7 =	vld.idx.msk [tilespmem:v7+s3+$0x0], $0xffff  }
0x1f5: {  	v13 =	vadd.s32 $0x2C0B, v1;
	v8 =	vld.idx.msk [tilespmem:v8+s3+$0x0], $0xffff  }
0x1f6: {  	v14 =	vadd.s32 $0x300C, v1;
	v9 =	vld.idx.msk [tilespmem:v9+s3+$0x0], $0xffff  }
0x1f7: {  	v15 =	vadd.s32 $0x340D, v1;
	v10 =	vld.idx.msk [tilespmem:v10+s3+$0x0], $0xffff  }
0x1f8: {  	v16 =	vadd.s32 $0x380E, v1;
	v11 =	vld.idx.msk [tilespmem:v11+s3+$0x0], $0xffff  }
0x1f9: {  	v17 =	vadd.s32 $0x3C0F, v1;
	v12 =	vld.idx.msk [tilespmem:v12+s3+$0x0], $0xffff  }
0x1fa: {  	v13 =	vld.idx.msk [tilespmem:v13+s3+$0x0], $0xffff  }
0x1fb: {  	v14 =	vld.idx.msk [tilespmem:v14+s3+$0x0], $0xffff  }
0x1fc: {  	s5 =	sor.u32 $0xE080, s4;
	v15 =	vld.idx.msk [tilespmem:v15+s3+$0x0], $0xffff  }
0x1fd: {  	s1 =	sor.u32 s6, s5;
	v16 =	vld.idx.msk [tilespmem:v16+s3+$0x0], $0xffff  }
0x1fe: {  	v17 =	vld.idx.msk [tilespmem:v17+s3+$0x0], $0xffff;
	[tilespmem:s1+$0x0] =	vst v6  }
0x1ff: {  	[tilespmem:s1+$0x80] =	vst v2  }
0x200: {  	s2 =	sand.u32 $0x3, s28;
	[tilespmem:s1+$0x100] =	vst v3  }
0x201: {  	s2 =	sshll.u32 s2, $0x5;
	[tilespmem:s1+$0x180] =	vst v4  }
0x202: {  	s2 =	sadd.s32 s2, s0;
	[tilespmem:s1+$0x200] =	vst v5  }
0x203: {  	s8 =	sor.u32 s26, s0;
	s7 =	sor.u32 $0x300, s2;
	[tilespmem:s1+$0x280] =	vst v7  }
0x204: {  	s9 =	sor.u32 $0x380, s8;
	s10 =	sor.u32 $0xF080, s4;
	[tilespmem:s7+$0xE080] =	vst v8  }
0x205: {  	s13 =	sor.u32 $0xF100, s4;
	s12 =	sor.u32 s6, s10;
	[tilespmem:s9+$0xE080] =	vst v9  }
0x206: {  	s16 =	sor.u32 $0xF180, s4;
	s14 =	sor.u32 s6, s13;
	[tilespmem:s12+$0x0] =	vst v10  }
0x207: {  	s17 =	sor.u32 s6, s16;
	s12 =	sor.u32 $0xF200, s4;
	[tilespmem:s14+$0x0] =	vst v11  }
0x208: {  	[dreg:$0x1c] =	wrdreg s10;
	s10 =	sor.u32 $0xF280, s4;
	s18 =	sor.u32 s6, s12;
	[tilespmem:s17+$0x0] =	vst v12  }
0x209: {  	s22 =	sor.u32 $0xF300, s4;
	s19 =	sor.u32 s6, s10;
	v2 =	vadd.s32 $0x4010, v1;
	[tilespmem:s18+$0x0] =	vst v13  }
0x20a: {  	s20 =	sor.u32 s6, s22;
	v3 =	vadd.s32 $0x4411, v1;
	s9 =	sor.u32 $0xF380, s4;
	[tilespmem:s19+$0x0] =	vst v14  }
0x20b: {  	v25 =	vadd.s32 $0x4812, v1;
	s21 =	sor.u32 s6, s9;
	[tilespmem:s20+$0x0] =	vst v15;
	s20 =	sadd.s32 $0xF400, s4  }
0x20c: {  	v26 =	vadd.s32 $0x4C13, v1;
	[tilespmem:s21+$0x0] =	vst v16;
	s23 =	sor.u32 s6, s20  }
0x20d: {  	v27 =	vadd.s32 $0x5014, v1;
	[tilespmem:s23+$0x0] =	vst v17  }
0x20e: {  	v28 =	vadd.s32 $0x5415, v1;
	v2 =	vld.idx.msk [tilespmem:v2+s3+$0x0], $0xffff  }
0x20f: {  	v29 =	vadd.s32 $0x5816, v1;
	v3 =	vld.idx.msk [tilespmem:v3+s3+$0x0], $0xffff  }
0x210: {  	v30 =	vadd.s32 $0x5C17, v1;
	v4 =	vld.idx.msk [tilespmem:v25+s3+$0x0], $0xffff  }
0x211: {  	v31 =	vadd.s32 $0x6018, v1;
	v5 =	vld.idx.msk [tilespmem:v26+s3+$0x0], $0xffff  }
0x212: {  	v32 =	vadd.s32 $0x6419, v1;
	v6 =	vld.idx.msk [tilespmem:v27+s3+$0x0], $0xffff  }
0x213: {  	v33 =	vadd.s32 $0x681A, v1;
	v7 =	vld.idx.msk [tilespmem:v28+s3+$0x0], $0xffff  }
0x214: {  	v34 =	vadd.s32 $0x6C1B, v1;
	v8 =	vld.idx.msk [tilespmem:v29+s3+$0x0], $0xffff  }
0x215: {  	v35 =	vadd.s32 $0x701C, v1;
	v9 =	vld.idx.msk [tilespmem:v30+s3+$0x0], $0xffff  }
0x216: {  	v36 =	vadd.s32 $0x741D, v1;
	v10 =	vld.idx.msk [tilespmem:v31+s3+$0x0], $0xffff  }
0x217: {  	v37 =	vadd.s32 $0x781E, v1;
	v11 =	vld.idx.msk [tilespmem:v32+s3+$0x0], $0xffff  }
0x218: {  	v1 =	vadd.s32 $0x7C1F, v1;
	v12 =	vld.idx.msk [tilespmem:v33+s3+$0x0], $0xffff  }
0x219: {  	v13 =	vld.idx.msk [tilespmem:v34+s3+$0x0], $0xffff  }
0x21a: {  	v14 =	vld.idx.msk [tilespmem:v35+s3+$0x0], $0xffff  }
0x21b: {  	s21 =	sor.u32 $0x10080, s4;
	v15 =	vld.idx.msk [tilespmem:v36+s3+$0x0], $0xffff  }
0x21c: {  	[smem:$0x7FA] =	sst s16;
	s16 =	sor.u32 $0x10100, s4;
	s24 =	sor.u32 s6, s21;
	v16 =	vld.idx.msk [tilespmem:v37+s3+$0x0], $0xffff  }
0x21d: {  	[dreg:$0x1b] =	wrdreg s5;
	s25 =	sor.u32 s6, s16;
	s5 =	sor.u32 $0x10180, s4;
	v1 =	vld.idx.msk [tilespmem:v1+s3+$0x0], $0xffff;
	[tilespmem:s24+$0x0] =	vst v2  }
0x21e: {  	s30 =	sor.u32 s6, s5;
	s18 =	sor.u32 $0x10200, s4;
	[tilespmem:s25+$0x0] =	vst v3  }
0x21f: {  	s31 =	sor.u32 s6, s18;
	s19 =	sor.u32 $0x10280, s4;
	[tilespmem:s30+$0x0] =	vst v4  }
0x220: {  	s2 =	sor.u32 s6, s19;
	s30 =	sor.u32 $0x10300, s4;
	[tilespmem:s31+$0x0] =	vst v5  }
0x221: {  	s14 =	sor.u32 $0x10380, s4;
	s7 =	sor.u32 s6, s30;
	[tilespmem:s2+$0x0] =	vst v6  }
0x222: {  	s8 =	sor.u32 s6, s14;
	s17 =	sadd.s32 $0x10400, s4;
	[tilespmem:s7+$0x0] =	vst v7  }
0x223: {  	[smem:$0x7F9] =	sst s13;
	s13 =	sor.u32 s6, s17;
	s7 =	sor.u32 $0x11080, s4;
	[tilespmem:s8+$0x0] =	vst v8  }
0x224: {  	s23 =	sor.u32 s6, s7;
	s8 =	sor.u32 $0x11100, s4;
	[tilespmem:s13+$0x0] =	vst v9  }
0x225: {  	s31 =	sor.u32 $0x11180, s4;
	s24 =	sor.u32 s6, s8;
	[tilespmem:s23+$0x0] =	vst v10  }
0x226: {  	s25 =	sor.u32 s6, s31;
	s23 =	sor.u32 $0x11200, s4;
	[tilespmem:s24+$0x0] =	vst v11  }
0x227: {  	s2 =	sor.u32 s6, s23;
	s24 =	sor.u32 $0x11280, s4;
	[tilespmem:s25+$0x0] =	vst v12  }
0x228: {  	s13 =	sor.u32 s6, s24;
	[tilespmem:s2+$0x0] =	vst v13;
	s2 =	sor.u32 $0x11300, s4  }
0x229: {  	s1 =	sor.u32 $0x11380, s4;
	[tilespmem:s13+$0x0] =	vst v14;
	s25 =	sor.u32 s6, s2  }
0x22a: {  	s4 =	sadd.s32 $0x11400, s4;
	s13 =	sadd.s32 $0x10, s26;
	[tilespmem:s25+$0x0] =	vst v15;
	s25 =	sor.u32 s6, s1  }
0x22b: {  	[tilespmem:s25+$0x0] =	vst v16;
	s25 =	sor.u32 s6, s4;
	s6 =	sand.u32 $0x70, s13  }
0x22c: {  	[tilespmem:s25+$0x0] =	vst v1;
	s15 =	sadd.s32 s6, s15  }
0x22d: {  	v1 =	vld.idx.msk [tilespmem:v0+s15+$0x0 ss:$0x1], $0xffff;
	_ =	sdelay $0x4  }
0x22e: {  	v2 =	vadd.s32 $0x401, v1  }
0x22f: {  	v3 =	vadd.s32 $0x802, v1  }
0x230: {  	v38 =	vadd.s32 $0xC03, v1  }
0x231: {  	v39 =	vadd.s32 $0x1004, v1  }
0x232: {  	v40 =	vadd.s32 $0x1405, v1;
	v6 =	vld.idx.msk [tilespmem:v1+s3+$0x0], $0xffff  }
0x233: {  	v41 =	vadd.s32 $0x1806, v1;
	v2 =	vld.idx.msk [tilespmem:v2+s3+$0x0], $0xffff  }
0x234: {  	v42 =	vadd.s32 $0x1C07, v1;
	v3 =	vld.idx.msk [tilespmem:v3+s3+$0x0], $0xffff  }
0x235: {  	v43 =	vadd.s32 $0x2008, v1;
	v4 =	vld.idx.msk [tilespmem:v38+s3+$0x0], $0xffff  }
0x236: {  	v44 =	vadd.s32 $0x2409, v1;
	v5 =	vld.idx.msk [tilespmem:v39+s3+$0x0], $0xffff  }
0x237: {  	v45 =	vadd.s32 $0x280A, v1;
	v7 =	vld.idx.msk [tilespmem:v40+s3+$0x0], $0xffff  }
0x238: {  	v46 =	vadd.s32 $0x2C0B, v1;
	v8 =	vld.idx.msk [tilespmem:v41+s3+$0x0], $0xffff  }
0x239: {  	v47 =	vadd.s32 $0x300C, v1;
	v9 =	vld.idx.msk [tilespmem:v42+s3+$0x0], $0xffff  }
0x23a: {  	v48 =	vadd.s32 $0x340D, v1;
	v10 =	vld.idx.msk [tilespmem:v43+s3+$0x0], $0xffff  }
0x23b: {  	v49 =	vadd.s32 $0x380E, v1;
	v11 =	vld.idx.msk [tilespmem:v44+s3+$0x0], $0xffff  }
0x23c: {  	v50 =	vadd.s32 $0x3C0F, v1;
	v12 =	vld.idx.msk [tilespmem:v45+s3+$0x0], $0xffff  }
0x23d: {  	v13 =	vld.idx.msk [tilespmem:v46+s3+$0x0], $0xffff  }
0x23e: {  	v14 =	vld.idx.msk [tilespmem:v47+s3+$0x0], $0xffff  }
0x23f: {  	s25 =	rddreg [dreg:$0x1b];
	v15 =	vld.idx.msk [tilespmem:v48+s3+$0x0], $0xffff  }
0x240: {  	s25 =	sor.u32 s6, s25;
	v16 =	vld.idx.msk [tilespmem:v49+s3+$0x0], $0xffff  }
0x241: {  	v17 =	vld.idx.msk [tilespmem:v50+s3+$0x0], $0xffff;
	[tilespmem:s25+$0x0] =	vst v6  }
0x242: {  	s15 =	sand.u32 $0x7, s29;
	[tilespmem:s25+$0x80] =	vst v2  }
0x243: {  	s15 =	sshll.u32 s15, $0x4;
	[tilespmem:s25+$0x100] =	vst v3  }
0x244: {  	s15 =	sadd.s32 s0, s15;
	[tilespmem:s25+$0x180] =	vst v4  }
0x245: {  	s15 =	sadd.s32 $0x10, s15;
	[tilespmem:s25+$0x200] =	vst v5  }
0x246: {  	s13 =	sor.u32 s13, s0;
	s15 =	sor.u32 $0x300, s15;
	[tilespmem:s25+$0x280] =	vst v7;
	s25 =	sld [smem:$0x7F9]  }
0x247: {  	s13 =	sor.u32 $0x380, s13;
	[tilespmem:s15+$0xE080] =	vst v8;
	s15 =	rddreg [dreg:$0x1c]  }
0x248: {  	[tilespmem:s13+$0xE080] =	vst v9;
	s13 =	sor.u32 s6, s15;
	s15 =	sld [smem:$0x7FA];
	_ =	sdelay $0x1  }
0x249: {  	[tilespmem:s13+$0x0] =	vst v10;
	s13 =	sor.u32 s6, s25  }
0x24a: {  	[tilespmem:s13+$0x0] =	vst v11;
	s13 =	sor.u32 s6, s15  }
0x24b: {  	s12 =	sor.u32 s6, s12;
	[tilespmem:s13+$0x0] =	vst v12  }
0x24c: {  	s10 =	sor.u32 s6, s10;
	v2 =	vadd.s32 $0x4010, v1;
	[tilespmem:s12+$0x0] =	vst v13  }
0x24d: {  	s22 =	sor.u32 s6, s22;
	v3 =	vadd.s32 $0x4411, v1;
	[tilespmem:s10+$0x0] =	vst v14  }
0x24e: {  	s9 =	sor.u32 s6, s9;
	v51 =	vadd.s32 $0x4812, v1;
	[tilespmem:s22+$0x0] =	vst v15  }
0x24f: {  	v52 =	vadd.s32 $0x4C13, v1;
	s25 =	sor.u32 s6, s20;
	[tilespmem:s9+$0x0] =	vst v16  }
0x250: {  	v53 =	vadd.s32 $0x5014, v1;
	[tilespmem:s25+$0x0] =	vst v17  }
0x251: {  	v54 =	vadd.s32 $0x5415, v1;
	v2 =	vld.idx.msk [tilespmem:v2+s3+$0x0], $0xffff  }
0x252: {  	v55 =	vadd.s32 $0x5816, v1;
	v3 =	vld.idx.msk [tilespmem:v3+s3+$0x0], $0xffff  }
0x253: {  	v56 =	vadd.s32 $0x5C17, v1;
	v4 =	vld.idx.msk [tilespmem:v51+s3+$0x0], $0xffff  }
0x254: {  	v57 =	vadd.s32 $0x6018, v1;
	v5 =	vld.idx.msk [tilespmem:v52+s3+$0x0], $0xffff  }
0x255: {  	v58 =	vadd.s32 $0x6419, v1;
	v6 =	vld.idx.msk [tilespmem:v53+s3+$0x0], $0xffff  }
0x256: {  	v59 =	vadd.s32 $0x681A, v1;
	v7 =	vld.idx.msk [tilespmem:v54+s3+$0x0], $0xffff  }
0x257: {  	v60 =	vadd.s32 $0x6C1B, v1;
	v8 =	vld.idx.msk [tilespmem:v55+s3+$0x0], $0xffff  }
0x258: {  	v61 =	vadd.s32 $0x701C, v1;
	v9 =	vld.idx.msk [tilespmem:v56+s3+$0x0], $0xffff  }
0x259: {  	v62 =	vadd.s32 $0x741D, v1;
	v10 =	vld.idx.msk [tilespmem:v57+s3+$0x0], $0xffff  }
0x25a: {  	v63 =	vadd.s32 $0x781E, v1;
	v11 =	vld.idx.msk [tilespmem:v58+s3+$0x0], $0xffff  }
0x25b: {  	v1 =	vadd.s32 $0x7C1F, v1;
	v12 =	vld.idx.msk [tilespmem:v59+s3+$0x0], $0xffff  }
0x25c: {  	v13 =	vld.idx.msk [tilespmem:v60+s3+$0x0], $0xffff  }
0x25d: {  	v14 =	vld.idx.msk [tilespmem:v61+s3+$0x0], $0xffff  }
0x25e: {  	v15 =	vld.idx.msk [tilespmem:v62+s3+$0x0], $0xffff  }
0x25f: {  	s10 =	sor.u32 s6, s21;
	v16 =	vld.idx.msk [tilespmem:v63+s3+$0x0], $0xffff  }
0x260: {  	s12 =	sor.u32 s6, s16;
	v1 =	vld.idx.msk [tilespmem:v1+s3+$0x0], $0xffff;
	[tilespmem:s10+$0x0] =	vst v2  }
0x261: {  	s5 =	sor.u32 s6, s5;
	[tilespmem:s12+$0x0] =	vst v3  }
0x262: {  	s13 =	sor.u32 s6, s18;
	[tilespmem:s5+$0x0] =	vst v4  }
0x263: {  	s15 =	sor.u32 s6, s19;
	[tilespmem:s13+$0x0] =	vst v5  }
0x264: {  	s16 =	sor.u32 s6, s30;
	[tilespmem:s15+$0x0] =	vst v6  }
0x265: {  	s18 =	sor.u32 s6, s14;
	[tilespmem:s16+$0x0] =	vst v7  }
0x266: {  	s19 =	sor.u32 s6, s17;
	[tilespmem:s18+$0x0] =	vst v8  }
0x267: {  	s20 =	sor.u32 s6, s7;
	[tilespmem:s19+$0x0] =	vst v9  }
0x268: {  	s21 =	sor.u32 s6, s8;
	[tilespmem:s20+$0x0] =	vst v10  }
0x269: {  	s11 =	sadd.s32 $0x2, s11;
	s22 =	sor.u32 s6, s31;
	[tilespmem:s21+$0x0] =	vst v11  }
0x26a: {  	p2 =	slt.u32 s11, $0x1E;
	s25 =	sor.u32 s6, s23;
	[tilespmem:s22+$0x0] =	vst v12  }
.Ltmp11:
0x26b: {  	s30 =	sor.u32 s6, s24;
	[tilespmem:s25+$0x0] =	vst v13;
	(pc) =	sbr.rel @p2 .LBB2_12-.Ltmp11, $4  }
0x26c: {  	s2 =	sor.u32 s6, s2;
	[tilespmem:s30+$0x0] =	vst v14  }
0x26d: {  	s1 =	sor.u32 s6, s1;
	[tilespmem:s2+$0x0] =	vst v15  }
0x26e: {  	s28 =	sadd.s32 $0x1, s28;
	s26 =	sadd.s32 $0x20, s26;
	s31 =	sor.u32 s6, s4;
	[tilespmem:s1+$0x0] =	vst v16  }
0x26f: {  	s29 =	sadd.s32 $0x2, s29;
	s0 =	sadd.s32 $0x100, s0;
	s5 =	rddreg [dreg:$0x13];
	[tilespmem:s31+$0x0] =	vst v1  }
0x270: {  	s0 =	rddreg [dreg:$0x10]  }
0x271: {  	s0 =	smul.u32 $0x3E8000, s0  }
0x272: {  	s1 =	rddreg [dreg:$0xa]  }
0x273: {  	s30 =	rddreg [dreg:$0x7];
	s0 =	sadd.s32 s1, s0  }
0x274: {  	s31 =	simm.s32 $0x8000;
	[dreg:$0x15] =	wrdreg s0;
	s0 =	sshrl.u32 s0, $0x3  }
0x275: {  	s2 =	simm.s32 $0x1000;
	s4 =	simm.s32 $0xE080;
	s0 =	sadd.s32 s0, s30  }
0x276: {  	[hbm4b:s0+s2] =	stream.strided.scatter [tilespmem:s4], [sflag:$0x1], $0x4000, s31, s2, $0x38;
	[tilespmem:$0x16080] =	vst v63  }
0x277: {  	s0 =	simm.s32 @!p1 $0x2  }
0x278: {  	_ =	swait.ge @!p1 [sflag:s0], $0x4000  }
0x279: {  	s11 =	simm.s32 $0xFFFFFFFE;
	s28 =	simm.s32 $0x0;
	[sflag:s0] =	ssyncset.done @!p1 $0x0  }
0x27a: {  	s29 =	simm.s32 $0x0;
	[sflag:s0] =	ssyncadd.s32 @!p1 $0xFFFFC000;
	s0 =	simm.s32 $0x0  }
.LBB2_14:
0x27b: {  	s20 =	sand.u32 $0xC00, s29  }
0x27c: {  	s2 =	sand.u32 $0x60, s28;
	s1 =	sadd.s32 s20, s5  }
0x27d: {  	s1 =	sadd.s32 s2, s1  }
0x27e: {  	v1 =	vld.idx.msk [tilespmem:v0+s1+$0x1000 ss:$0x1], $0xffff;
	_ =	sdelay $0x4  }
0x27f: {  	v2 =	vadd.s32 $0x401, v1  }
0x280: {  	v3 =	vadd.s32 $0x802, v1  }
0x281: {  	v4 =	vadd.s32 $0xC03, v1  }
0x282: {  	v5 =	vadd.s32 $0x1004, v1  }
0x283: {  	v7 =	vadd.s32 $0x1405, v1;
	v6 =	vld.idx.msk [tilespmem:v1+s3+$0x0], $0xffff  }
0x284: {  	v8 =	vadd.s32 $0x1806, v1;
	v2 =	vld.idx.msk [tilespmem:v2+s3+$0x0], $0xffff  }
0x285: {  	v9 =	vadd.s32 $0x1C07, v1;
	v3 =	vld.idx.msk [tilespmem:v3+s3+$0x0], $0xffff  }
0x286: {  	v10 =	vadd.s32 $0x2008, v1;
	v4 =	vld.idx.msk [tilespmem:v4+s3+$0x0], $0xffff  }
0x287: {  	v11 =	vadd.s32 $0x2409, v1;
	v5 =	vld.idx.msk [tilespmem:v5+s3+$0x0], $0xffff  }
0x288: {  	v12 =	vadd.s32 $0x280A, v1;
	v7 =	vld.idx.msk [tilespmem:v7+s3+$0x0], $0xffff  }
0x289: {  	v13 =	vadd.s32 $0x2C0B, v1;
	v8 =	vld.idx.msk [tilespmem:v8+s3+$0x0], $0xffff  }
0x28a: {  	v14 =	vadd.s32 $0x300C, v1;
	v9 =	vld.idx.msk [tilespmem:v9+s3+$0x0], $0xffff  }
0x28b: {  	v15 =	vadd.s32 $0x340D, v1;
	v10 =	vld.idx.msk [tilespmem:v10+s3+$0x0], $0xffff  }
0x28c: {  	v16 =	vadd.s32 $0x380E, v1;
	v11 =	vld.idx.msk [tilespmem:v11+s3+$0x0], $0xffff  }
0x28d: {  	v17 =	vadd.s32 $0x3C0F, v1;
	v12 =	vld.idx.msk [tilespmem:v12+s3+$0x0], $0xffff  }
0x28e: {  	v13 =	vld.idx.msk [tilespmem:v13+s3+$0x0], $0xffff  }
0x28f: {  	v14 =	vld.idx.msk [tilespmem:v14+s3+$0x0], $0xffff  }
0x290: {  	s9 =	sor.u32 $0x12080, s20;
	v15 =	vld.idx.msk [tilespmem:v15+s3+$0x0], $0xffff  }
0x291: {  	s1 =	sor.u32 s2, s9;
	v16 =	vld.idx.msk [tilespmem:v16+s3+$0x0], $0xffff  }
0x292: {  	v17 =	vld.idx.msk [tilespmem:v17+s3+$0x0], $0xffff;
	[tilespmem:s1+$0x0] =	vst v6  }
0x293: {  	[tilespmem:s1+$0x80] =	vst v2  }
0x294: {  	s4 =	sand.u32 $0x3, s0;
	[tilespmem:s1+$0x100] =	vst v3  }
0x295: {  	s4 =	sshll.u32 s4, $0x5;
	[tilespmem:s1+$0x180] =	vst v4  }
0x296: {  	s4 =	sadd.s32 s29, s4;
	[tilespmem:s1+$0x200] =	vst v5  }
0x297: {  	s12 =	sor.u32 s29, s28;
	s10 =	sor.u32 $0x300, s4;
	[tilespmem:s1+$0x280] =	vst v7  }
0x298: {  	s13 =	sor.u32 $0x380, s12;
	s14 =	sor.u32 $0x13080, s20;
	[tilespmem:s10+$0x12080] =	vst v8  }
0x299: {  	s16 =	sor.u32 $0x13100, s20;
	s15 =	sor.u32 s2, s14;
	[tilespmem:s13+$0x12080] =	vst v9  }
0x29a: {  	[dreg:$0x17] =	wrdreg s9;
	s17 =	sor.u32 s2, s16;
	s9 =	sor.u32 $0x13180, s20;
	[tilespmem:s15+$0x0] =	vst v10  }
0x29b: {  	s12 =	sor.u32 $0x13200, s20;
	s18 =	sor.u32 s2, s9;
	[tilespmem:s17+$0x0] =	vst v11  }
0x29c: {  	s19 =	sor.u32 s2, s12;
	s10 =	sor.u32 $0x13280, s20;
	[tilespmem:s18+$0x0] =	vst v12  }
0x29d: {  	s22 =	sor.u32 $0x13300, s20;
	v2 =	vadd.s32 $0x4010, v1;
	s21 =	sor.u32 s2, s10;
	[tilespmem:s19+$0x0] =	vst v13  }
0x29e: {  	s6 =	sor.u32 $0x13380, s20;
	s23 =	sor.u32 s2, s22;
	v3 =	vadd.s32 $0x4411, v1;
	[tilespmem:s21+$0x0] =	vst v14  }
0x29f: {  	s5 =	sadd.s32 $0x13400, s20;
	s24 =	sor.u32 s2, s6;
	v25 =	vadd.s32 $0x4812, v1;
	[tilespmem:s23+$0x0] =	vst v15  }
0x2a0: {  	s25 =	sor.u32 s2, s5;
	v26 =	vadd.s32 $0x4C13, v1;
	[tilespmem:s24+$0x0] =	vst v16  }
0x2a1: {  	v27 =	vadd.s32 $0x5014, v1;
	[tilespmem:s25+$0x0] =	vst v17  }
0x2a2: {  	v28 =	vadd.s32 $0x5415, v1;
	v2 =	vld.idx.msk [tilespmem:v2+s3+$0x0], $0xffff  }
0x2a3: {  	v29 =	vadd.s32 $0x5816, v1;
	v3 =	vld.idx.msk [tilespmem:v3+s3+$0x0], $0xffff  }
0x2a4: {  	v30 =	vadd.s32 $0x5C17, v1;
	v4 =	vld.idx.msk [tilespmem:v25+s3+$0x0], $0xffff  }
0x2a5: {  	v31 =	vadd.s32 $0x6018, v1;
	v5 =	vld.idx.msk [tilespmem:v26+s3+$0x0], $0xffff  }
0x2a6: {  	v32 =	vadd.s32 $0x6419, v1;
	v6 =	vld.idx.msk [tilespmem:v27+s3+$0x0], $0xffff  }
0x2a7: {  	v33 =	vadd.s32 $0x681A, v1;
	v7 =	vld.idx.msk [tilespmem:v28+s3+$0x0], $0xffff  }
0x2a8: {  	v34 =	vadd.s32 $0x6C1B, v1;
	v8 =	vld.idx.msk [tilespmem:v29+s3+$0x0], $0xffff  }
0x2a9: {  	v35 =	vadd.s32 $0x701C, v1;
	v9 =	vld.idx.msk [tilespmem:v30+s3+$0x0], $0xffff  }
0x2aa: {  	v36 =	vadd.s32 $0x741D, v1;
	v10 =	vld.idx.msk [tilespmem:v31+s3+$0x0], $0xffff  }
0x2ab: {  	v37 =	vadd.s32 $0x781E, v1;
	v11 =	vld.idx.msk [tilespmem:v32+s3+$0x0], $0xffff  }
0x2ac: {  	v1 =	vadd.s32 $0x7C1F, v1;
	v12 =	vld.idx.msk [tilespmem:v33+s3+$0x0], $0xffff  }
0x2ad: {  	v13 =	vld.idx.msk [tilespmem:v34+s3+$0x0], $0xffff  }
0x2ae: {  	v14 =	vld.idx.msk [tilespmem:v35+s3+$0x0], $0xffff  }
0x2af: {  	s21 =	sor.u32 $0x14080, s20;
	v15 =	vld.idx.msk [tilespmem:v36+s3+$0x0], $0xffff  }
0x2b0: {  	[smem:$0x7F8] =	sst s16;
	s16 =	sor.u32 $0x14100, s20;
	s26 =	sor.u32 s2, s21;
	v16 =	vld.idx.msk [tilespmem:v37+s3+$0x0], $0xffff  }
0x2b1: {  	[dreg:$0x1f] =	wrdreg s4;
	s30 =	sor.u32 s2, s16;
	s4 =	sor.u32 $0x14180, s20;
	v1 =	vld.idx.msk [tilespmem:v1+s3+$0x0], $0xffff;
	[tilespmem:s26+$0x0] =	vst v2  }
0x2b2: {  	s31 =	sor.u32 s2, s4;
	s18 =	sor.u32 $0x14200, s20;
	[tilespmem:s30+$0x0] =	vst v3  }
0x2b3: {  	s7 =	sor.u32 s2, s18;
	s19 =	sor.u32 $0x14280, s20;
	[tilespmem:s31+$0x0] =	vst v4  }
0x2b4: {  	s8 =	sor.u32 s2, s19;
	s30 =	sor.u32 $0x14300, s20;
	[tilespmem:s7+$0x0] =	vst v5  }
0x2b5: {  	[dreg:$0x1d] =	wrdreg s14;
	s14 =	sor.u32 $0x14380, s20;
	s13 =	sor.u32 s2, s30;
	[tilespmem:s8+$0x0] =	vst v6  }
0x2b6: {  	s15 =	sor.u32 s2, s14;
	s17 =	sadd.s32 $0x14400, s20;
	[tilespmem:s13+$0x0] =	vst v7  }
0x2b7: {  	s23 =	sor.u32 s2, s17;
	s7 =	sor.u32 $0x15080, s20;
	[tilespmem:s15+$0x0] =	vst v8  }
0x2b8: {  	s24 =	sor.u32 s2, s7;
	s8 =	sor.u32 $0x15100, s20;
	[tilespmem:s23+$0x0] =	vst v9  }
0x2b9: {  	s31 =	sor.u32 $0x15180, s20;
	s25 =	sor.u32 s2, s8;
	[tilespmem:s24+$0x0] =	vst v10  }
0x2ba: {  	s26 =	sor.u32 s2, s31;
	s23 =	sor.u32 $0x15200, s20;
	[tilespmem:s25+$0x0] =	vst v11  }
0x2bb: {  	s13 =	sor.u32 s2, s23;
	s24 =	sor.u32 $0x15280, s20;
	[tilespmem:s26+$0x0] =	vst v12  }
0x2bc: {  	s1 =	sor.u32 $0x15300, s20;
	s26 =	sor.u32 s2, s24;
	[tilespmem:s13+$0x0] =	vst v13  }
0x2bd: {  	s15 =	sor.u32 s2, s1;
	s25 =	sor.u32 $0x15380, s20;
	[tilespmem:s26+$0x0] =	vst v14  }
0x2be: {  	s20 =	sadd.s32 $0x15400, s20;
	s13 =	sadd.s32 $0x1080, s29;
	s26 =	sor.u32 s2, s25;
	[tilespmem:s15+$0x0] =	vst v15  }
0x2bf: {  	s13 =	sand.u32 $0x1C00, s13;
	s15 =	sadd.s32 $0x210, s28;
	[tilespmem:s26+$0x0] =	vst v16;
	s26 =	rddreg [dreg:$0x13]  }
0x2c0: {  	s15 =	sand.u32 $0x70, s15;
	s13 =	sadd.s32 s13, s26;
	s26 =	sor.u32 s2, s20  }
0x2c1: {  	[tilespmem:s26+$0x0] =	vst v1;
	s13 =	sadd.s32 s15, s13  }
0x2c2: {  	v1 =	vld.idx.msk [tilespmem:v0+s13+$0x0 ss:$0x1], $0xffff;
	_ =	sdelay $0x4  }
0x2c3: {  	v2 =	vadd.s32 $0x401, v1  }
0x2c4: {  	v3 =	vadd.s32 $0x802, v1  }
0x2c5: {  	v38 =	vadd.s32 $0xC03, v1  }
0x2c6: {  	v39 =	vadd.s32 $0x1004, v1  }
0x2c7: {  	v40 =	vadd.s32 $0x1405, v1;
	v6 =	vld.idx.msk [tilespmem:v1+s3+$0x0], $0xffff  }
0x2c8: {  	v41 =	vadd.s32 $0x1806, v1;
	v2 =	vld.idx.msk [tilespmem:v2+s3+$0x0], $0xffff  }
0x2c9: {  	v42 =	vadd.s32 $0x1C07, v1;
	v3 =	vld.idx.msk [tilespmem:v3+s3+$0x0], $0xffff  }
0x2ca: {  	v43 =	vadd.s32 $0x2008, v1;
	v4 =	vld.idx.msk [tilespmem:v38+s3+$0x0], $0xffff  }
0x2cb: {  	v44 =	vadd.s32 $0x2409, v1;
	v5 =	vld.idx.msk [tilespmem:v39+s3+$0x0], $0xffff  }
0x2cc: {  	v45 =	vadd.s32 $0x280A, v1;
	v7 =	vld.idx.msk [tilespmem:v40+s3+$0x0], $0xffff  }
0x2cd: {  	v46 =	vadd.s32 $0x2C0B, v1;
	v8 =	vld.idx.msk [tilespmem:v41+s3+$0x0], $0xffff  }
0x2ce: {  	v47 =	vadd.s32 $0x300C, v1;
	v9 =	vld.idx.msk [tilespmem:v42+s3+$0x0], $0xffff  }
0x2cf: {  	v48 =	vadd.s32 $0x340D, v1;
	v10 =	vld.idx.msk [tilespmem:v43+s3+$0x0], $0xffff  }
0x2d0: {  	v49 =	vadd.s32 $0x380E, v1;
	v11 =	vld.idx.msk [tilespmem:v44+s3+$0x0], $0xffff  }
0x2d1: {  	v50 =	vadd.s32 $0x3C0F, v1;
	v12 =	vld.idx.msk [tilespmem:v45+s3+$0x0], $0xffff  }
0x2d2: {  	v13 =	vld.idx.msk [tilespmem:v46+s3+$0x0], $0xffff  }
0x2d3: {  	v14 =	vld.idx.msk [tilespmem:v47+s3+$0x0], $0xffff  }
0x2d4: {  	s2 =	sor.u32 $0x10, s2;
	s15 =	rddreg [dreg:$0x17];
	v15 =	vld.idx.msk [tilespmem:v48+s3+$0x0], $0xffff  }
0x2d5: {  	s13 =	sor.u32 s2, s15;
	v16 =	vld.idx.msk [tilespmem:v49+s3+$0x0], $0xffff  }
0x2d6: {  	v17 =	vld.idx.msk [tilespmem:v50+s3+$0x0], $0xffff;
	[tilespmem:s13+$0x0] =	vst v6  }
0x2d7: {  	[tilespmem:s13+$0x80] =	vst v2  }
0x2d8: {  	[tilespmem:s13+$0x100] =	vst v3  }
0x2d9: {  	s26 =	rddreg [dreg:$0x1f];
	[tilespmem:s13+$0x180] =	vst v4  }
0x2da: {  	s15 =	sadd.s32 $0x10, s26;
	[tilespmem:s13+$0x200] =	vst v5  }
0x2db: {  	s26 =	sor.u32 $0x300, s15;
	[tilespmem:s13+$0x280] =	vst v7  }
0x2dc: {  	[tilespmem:s26+$0x12080] =	vst v8;
	s26 =	sor.u32 $0x380, s15  }
0x2dd: {  	[tilespmem:s26+$0x12080] =	vst v9;
	s26 =	sld [smem:$0x7F8]  }
0x2de: {  	s15 =	rddreg [dreg:$0x1d]  }
0x2df: {  	s13 =	sor.u32 s2, s15  }
0x2e0: {  	[tilespmem:s13+$0x0] =	vst v10;
	s13 =	sor.u32 s2, s26  }
0x2e1: {  	s9 =	sor.u32 s2, s9;
	[tilespmem:s13+$0x0] =	vst v11  }
0x2e2: {  	s13 =	sor.u32 s2, s12;
	[tilespmem:s9+$0x0] =	vst v12  }
0x2e3: {  	v2 =	vadd.s32 $0x4010, v1;
	s15 =	sor.u32 s2, s10;
	[tilespmem:s13+$0x0] =	vst v13  }
0x2e4: {  	v3 =	vadd.s32 $0x4411, v1;
	s26 =	sor.u32 s2, s22;
	[tilespmem:s15+$0x0] =	vst v14  }
0x2e5: {  	s6 =	sor.u32 s2, s6;
	v51 =	vadd.s32 $0x4812, v1;
	[tilespmem:s26+$0x0] =	vst v15  }
0x2e6: {  	s5 =	sor.u32 s2, s5;
	v52 =	vadd.s32 $0x4C13, v1;
	[tilespmem:s6+$0x0] =	vst v16  }
0x2e7: {  	v53 =	vadd.s32 $0x5014, v1;
	[tilespmem:s5+$0x0] =	vst v17  }
0x2e8: {  	v54 =	vadd.s32 $0x5415, v1;
	v2 =	vld.idx.msk [tilespmem:v2+s3+$0x0], $0xffff  }
0x2e9: {  	v55 =	vadd.s32 $0x5816, v1;
	v3 =	vld.idx.msk [tilespmem:v3+s3+$0x0], $0xffff  }
0x2ea: {  	v56 =	vadd.s32 $0x5C17, v1;
	v4 =	vld.idx.msk [tilespmem:v51+s3+$0x0], $0xffff  }
0x2eb: {  	v57 =	vadd.s32 $0x6018, v1;
	v5 =	vld.idx.msk [tilespmem:v52+s3+$0x0], $0xffff  }
0x2ec: {  	v58 =	vadd.s32 $0x6419, v1;
	v6 =	vld.idx.msk [tilespmem:v53+s3+$0x0], $0xffff  }
0x2ed: {  	v59 =	vadd.s32 $0x681A, v1;
	v7 =	vld.idx.msk [tilespmem:v54+s3+$0x0], $0xffff  }
0x2ee: {  	v60 =	vadd.s32 $0x6C1B, v1;
	v8 =	vld.idx.msk [tilespmem:v55+s3+$0x0], $0xffff  }
0x2ef: {  	v61 =	vadd.s32 $0x701C, v1;
	v9 =	vld.idx.msk [tilespmem:v56+s3+$0x0], $0xffff  }
0x2f0: {  	v62 =	vadd.s32 $0x741D, v1;
	v10 =	vld.idx.msk [tilespmem:v57+s3+$0x0], $0xffff  }
0x2f1: {  	v63 =	vadd.s32 $0x781E, v1;
	v11 =	vld.idx.msk [tilespmem:v58+s3+$0x0], $0xffff  }
0x2f2: {  	v1 =	vadd.s32 $0x7C1F, v1;
	v12 =	vld.idx.msk [tilespmem:v59+s3+$0x0], $0xffff  }
0x2f3: {  	v13 =	vld.idx.msk [tilespmem:v60+s3+$0x0], $0xffff  }
0x2f4: {  	v14 =	vld.idx.msk [tilespmem:v61+s3+$0x0], $0xffff  }
0x2f5: {  	v15 =	vld.idx.msk [tilespmem:v62+s3+$0x0], $0xffff  }
0x2f6: {  	s9 =	sor.u32 s2, s21;
	v16 =	vld.idx.msk [tilespmem:v63+s3+$0x0], $0xffff  }
0x2f7: {  	s10 =	sor.u32 s2, s16;
	v1 =	vld.idx.msk [tilespmem:v1+s3+$0x0], $0xffff;
	[tilespmem:s9+$0x0] =	vst v2  }
0x2f8: {  	s4 =	sor.u32 s2, s4;
	[tilespmem:s10+$0x0] =	vst v3  }
0x2f9: {  	s12 =	sor.u32 s2, s18;
	[tilespmem:s4+$0x0] =	vst v4  }
0x2fa: {  	s13 =	sor.u32 s2, s19;
	[tilespmem:s12+$0x0] =	vst v5  }
0x2fb: {  	s15 =	sor.u32 s2, s30;
	[tilespmem:s13+$0x0] =	vst v6  }
0x2fc: {  	s16 =	sor.u32 s2, s14;
	[tilespmem:s15+$0x0] =	vst v7  }
0x2fd: {  	s18 =	sor.u32 s2, s17;
	[tilespmem:s16+$0x0] =	vst v8  }
0x2fe: {  	s19 =	sor.u32 s2, s7;
	[tilespmem:s18+$0x0] =	vst v9  }
0x2ff: {  	s21 =	sor.u32 s2, s8;
	[tilespmem:s19+$0x0] =	vst v10  }
0x300: {  	s11 =	sadd.s32 $0x2, s11;
	s22 =	sor.u32 s2, s31;
	[tilespmem:s21+$0x0] =	vst v11  }
0x301: {  	p1 =	slt.u32 s11, $0x1E;
	s23 =	sor.u32 s2, s23;
	[tilespmem:s22+$0x0] =	vst v12  }
.Ltmp12:
0x302: {  	s26 =	sor.u32 s2, s24;
	[tilespmem:s23+$0x0] =	vst v13;
	(pc) =	sbr.rel @p1 .LBB2_14-.Ltmp12, $4  }
0x303: {  	s1 =	sor.u32 s2, s1;
	[tilespmem:s26+$0x0] =	vst v14  }
0x304: {  	s30 =	sor.u32 s2, s25;
	[tilespmem:s1+$0x0] =	vst v15  }
0x305: {  	s0 =	sadd.s32 $0x1, s0;
	s31 =	sor.u32 s2, s20;
	[tilespmem:s30+$0x0] =	vst v16  }
0x306: {  	s29 =	sadd.s32 $0x100, s29;
	s28 =	sadd.s32 $0x20, s28;
	s5 =	rddreg [dreg:$0x13];
	[tilespmem:s31+$0x0] =	vst v1  }
0x307: {  	s0 =	rddreg [dreg:$0x8]  }
0x308: {  	s1 =	rddreg [dreg:$0x15]  }
0x309: {  	s29 =	rddreg [dreg:$0x2];
	s0 =	sor.u32 s0, s1  }
0x30a: {  	s30 =	simm.s32 $0x8000;
	s2 =	simm.s32 $0x1000;
	s0 =	sshrl.u32 s0, $0x3  }
0x30b: {  	s4 =	simm.s32 $0x12080;
	s31 =	rddreg [dreg:$0x10];
	s0 =	sadd.s32 s29, s0  }
0x30c: {  	[hbm4b:s0+s2] =	stream.strided.scatter [tilespmem:s4], [sflag:$0x2], $0x4000, s30, s2, $0x38;
	[tilespmem:$0x16080] =	vst v63  }
0x30d: {  	s2 =	sadd.s32 $0x1, s31  }
0x30e: {  	p1 =	sne.s32 s2, $0x14  }
.Ltmp13:
0x30f: {  	_ = 	snop;
	(pc) =	sbr.rel @p1 .LBB2_11-.Ltmp13, $1  }
0x310: {  	_ =	sdelay $0x3  }
0x311: {  	s0 =	simm.s32 $0x1  }
0x312: {  	_ =	swait.ge [sflag:s0], $0x4000  }
.Ltmp14:
0x313: {  	[sflag:s0] =	ssyncset.done $0x0;
	(pc) =	sbr.rel .LBB2_24-.Ltmp14, $4  }
0x314: {  	s31 =	simm.s32 $0x2;
	[sflag:s0] =	ssyncadd.s32 $0xFFFFC000  }
0x315: {  	_ =	swait.ge [sflag:s31], $0x4000  }
0x316: {  	[sflag:s31] =	ssyncset.done $0x0  }
0x317: {  	s1 =	rddreg [dreg:$0xd];
	[sflag:s31] =	ssyncadd.s32 $0xFFFFC000  }
.LBB2_25:
0x318: {  	_ =	sfence.sel $0x180000  }
0x319: {  	[bflag:$0x0] =	sbarrier.arrive $0xFFFF  }
0x31a: {  	_ =	strace $0x90000047  }
0x31b: {  	s0 =	stileid.u32;
	[bflag:$0x2] =	sbarrier.arrive $0xFFFF  }
0x31c: {  	p0 =	sne.s32 s0, $0x0;
	s0 =	rddreg [dreg:$0x3]  }
0x31d: {  	s0 =	sadd.s32 @!p0 $0x100000, s0  }
0x31e: {  	[sflag:s0] =	ssyncadd.tile.s32 @!p0 $0x1;
	_ =	shalt  }
.Lfunc_end2:
_tile_overlayer_lowered:
.L_overlay_start_2:
0x31f: {  	(tag) =	ssettag $0x2  }
0x320: {  	s0 =	rddreg [dreg:$0x0];
	s2 =	stileid.u32  }
0x321: {  	s1 =	rddreg [dreg:$0x1];
	p0 =	sne.s32 s2, $0x0  }
0x322: {  	s3 =	rddreg [dreg:$0x2];
	[bflag:$0x3] =	sbarrier.arrive $0xFFFF;
	s2 =	simm.s32 @!p0 $0x1C03  }
0x323: {  	[timem:s3], [sflag:s2] =	dma.local @!p0 [hbm:s0], s1  }
0x324: {  	s0 =	simm.s32 @!p0 $0x3  }
0x325: {  	_ =	swait.ge @!p0 [sflag:s0], s1  }
0x326: {  	s1 =	ssub.s32 @!p0 $0x0, s1;
	[sflag:s0] =	ssyncset.done @!p0 $0x0  }
0x327: {  	[sflag:s0] =	ssyncadd.s32 @!p0 s1  }
0x328: {  	[bflag:$0x3] =	sbarrier.arrive $0xFFFF  }
0x329: {  	_ =	shalt  }

</sc_bundles>
